<compile_context>
chip_gen: v7x
topology: tpu7x:2x2x1
jax: 0.10.2.dev20260603
libtpu: 0.0.44.dev20260713+nightly
codegen_flags: <defaults>
</compile_context>

<pallas_src>
import functools

import jax
import jax.numpy as jnp
from jax import lax
from jax.experimental import pallas as pl
from jax.experimental.pallas import tpu as pltpu
from jax.experimental.pallas import tpu_sc as plsc

N = 10000
E = 320000
IN_CH = 128
HID = 64
G = 64

NC, NS = 2, 16
NW = NC * NS
CH = 128
NPAD = 10240
EROWS = 2560
ROWS_PER_W = EROWS // NW
STRIPE = NPAD // NS

def _worker_id():
    return lax.axis_index("s") * NC + lax.axis_index("c")


def _mesh():
    return plsc.VectorSubcoreMesh(
        core_axis_name="c", subcore_axis_name="s",
        num_cores=NC, num_subcores=NS)


DGRP = 4
DNGRP = ROWS_PER_W // DGRP


@functools.cache
def _make_deg_kernel():
    return pl.kernel(
        _deg_body,
        out_type=jax.ShapeDtypeStruct((NC, NPAD), jnp.float32),
        mesh=_mesh(),
        scratch_types=[
            pltpu.VMEM_SHARED((NPAD,), jnp.float32),
            pltpu.VMEM((3, DGRP, CH), jnp.int32),
            pltpu.VMEM((CH,), jnp.float32),
            pltpu.VMEM((STRIPE,), jnp.float32),
            pltpu.SemaphoreType.DMA,
            pltpu.SemaphoreType.DMA,
        ],
    )


def _deg_body(dst_hbm, out_hbm, deg_sh, dst_v, ones_v, zb_v, sem_i, sem_s):
    c = lax.axis_index("c")
    s = lax.axis_index("s")
    w = _worker_id()
    base = w * ROWS_PER_W

    def drain(sem, n, idx_shape=False):
        for _ in range(n):
            if idx_shape:
                pltpu.make_async_copy(
                    dst_hbm.at[pl.ds(0, DGRP)], dst_v.at[0], sem).wait()
            else:
                pltpu.make_async_copy(
                    out_hbm.at[0, pl.ds(0, CH)], ones_v, sem).wait()

    def load_idx(g, slot):
        pltpu.async_copy(dst_hbm.at[pl.ds(base + g * DGRP, DGRP)],
                         dst_v.at[slot], sem_i)

    load_idx(0, 0)

    def fill(i, _):
        zb_v[pl.ds(i * 16, 16)] = jnp.zeros((16,), jnp.float32)
        return 0
    lax.fori_loop(0, STRIPE // 16, fill, 0)
    for j in range(CH // 16):
        ones_v[pl.ds(j * 16, 16)] = jnp.ones((16,), jnp.float32)
    pltpu.sync_copy(zb_v, deg_sh.at[pl.ds(s * STRIPE, STRIPE)])
    plsc.subcore_barrier()
    load_idx(1, 1)

    def grp_step(g, _):
        @pl.when(g >= 1)
        def _():
            drain(sem_s, DGRP)
        drain(sem_i, 1, idx_shape=True)

        @pl.when(g <= DNGRP - 3)
        def _():
            load_idx(g + 2, lax.rem(g + 2, 3))
        slot = lax.rem(g, 3)
        for j in range(DGRP):
            pltpu.async_copy(ones_v, deg_sh.at[dst_v.at[slot, j]], sem_s,
                             add=True)
        return 0
    lax.fori_loop(0, DNGRP, grp_step, 0)
    drain(sem_s, DGRP)

    plsc.subcore_barrier()
    @pl.when(s == 0)
    def _():
        pltpu.sync_copy(deg_sh, out_hbm.at[c])


HHID = HID // NC
GRP = 8
ROWS_PER_T = EROWS // NS
NGRP = ROWS_PER_T // GRP


@functools.cache
def _make_agg_kernel():
    return pl.kernel(
        _agg_body,
        out_type=jax.ShapeDtypeStruct((NPAD, HID), jnp.float32),
        mesh=_mesh(),
        compiler_params=pltpu.CompilerParams(use_tc_tiling_on_sc=False),
        scratch_types=[
            pltpu.VMEM_SHARED((NPAD, HHID), jnp.float32),
            pltpu.VMEM_SHARED((NPAD, HHID), jnp.float32),
            pltpu.VMEM((3, GRP, CH), jnp.int32),
            pltpu.VMEM((3, GRP, CH), jnp.int32),
            pltpu.VMEM((2 * GRP, CH, HHID), jnp.float32),
            pltpu.SemaphoreType.DMA,
            pltpu.SemaphoreType.DMA,
            pltpu.SemaphoreType.DMA,
        ],
    )


def _agg_body(hp_hbm, src_hbm, dst_hbm, out_hbm,
              acc_sh, hp_sh, src_v, dst_v, rows_v, sem_i, sem_g, sem_s):
    c = lax.axis_index("c")
    s = lax.axis_index("s")
    base = s * ROWS_PER_T

    def drain(sem, n, idx_shape=False):
        for _ in range(n):
            if idx_shape:
                pltpu.make_async_copy(
                    src_hbm.at[pl.ds(0, GRP)], src_v.at[0], sem).wait()
            else:
                pltpu.make_async_copy(
                    hp_hbm.at[pl.ds(0, CH), pl.ds(0, HHID)],
                    rows_v.at[0], sem).wait()

    def load_idx(g, slot):
        pltpu.async_copy(src_hbm.at[pl.ds(base + g * GRP, GRP)],
                         src_v.at[slot], sem_i)
        pltpu.async_copy(dst_hbm.at[pl.ds(base + g * GRP, GRP)],
                         dst_v.at[slot], sem_i)

    def fire_gathers(g, rowset):
        slot = lax.rem(g, 3)
        for j in range(GRP):
            pltpu.async_copy(hp_sh.at[src_v.at[slot, j]],
                             rows_v.at[rowset * GRP + j], sem_g)

    load_idx(0, 0)

    def zfill(i, _):
        rows_v[0, pl.ds(i * 16, 16), 0:HHID] = jnp.zeros((16, HHID), jnp.float32)
        return 0
    lax.fori_loop(0, CH // 16, zfill, 0)
    for k in range(STRIPE // CH):
        pltpu.sync_copy(rows_v.at[0], acc_sh.at[pl.ds(s * STRIPE + k * CH, CH)])
    pltpu.sync_copy(hp_hbm.at[pl.ds(s * STRIPE, STRIPE), pl.ds(c * HHID, HHID)],
                    hp_sh.at[pl.ds(s * STRIPE, STRIPE)])
    plsc.subcore_barrier()

    drain(sem_i, 2, idx_shape=True)
    fire_gathers(0, 0)
    load_idx(1, 1)

    def grp_step(g, _):
        nxt = (g + 1) % 2
        @pl.when(g >= 1)
        def _():
            drain(sem_s, GRP)

        @pl.when(g <= NGRP - 2)
        def _():
            drain(sem_i, 2, idx_shape=True)
            fire_gathers(g + 1, nxt)

        @pl.when(g <= NGRP - 3)
        def _():
            load_idx(g + 2, lax.rem(g + 2, 3))

        drain(sem_g, GRP)
        cur = g % 2
        slot = lax.rem(g, 3)
        for j in range(GRP):
            pltpu.async_copy(rows_v.at[cur * GRP + j],
                             acc_sh.at[dst_v.at[slot, j]], sem_s,
                             add=True)
        return 0
    lax.fori_loop(0, NGRP, grp_step, 0)
    drain(sem_s, GRP)

    plsc.subcore_barrier()
    pltpu.sync_copy(acc_sh.at[pl.ds(s * STRIPE, STRIPE)],
                    out_hbm.at[pl.ds(s * STRIPE, STRIPE), pl.ds(c * HHID, HHID)])


NP2 = NPAD // 2
N2 = N // 2


def _dis128(degp_ref):
    dsum = lax.dot_general(degp_ref[...], jnp.ones((2, 1), jnp.float32),
                           (((0,), (0,)), ((), ())),
                           preferred_element_type=jnp.float32)
    dis = lax.rsqrt(dsum + 1.0)
    d2 = dis.reshape(NP2, 2)
    lane = lax.broadcasted_iota(jnp.int32, (2, 2 * HID), 1)
    rowi = lax.broadcasted_iota(jnp.int32, (2, 2 * HID), 0)
    sel = jnp.where((lane // HID) == rowi, 1.0, 0.0)
    return lax.dot_general(d2, sel, (((1,), (0,)), ((), ())),
                           preferred_element_type=jnp.float32)


def _blockdiag(w_ref):
    w = w_ref[...]
    kin = w.shape[0]
    z = jnp.zeros_like(w)
    top = jnp.concatenate([w, z], axis=1)
    bot = jnp.concatenate([z, w], axis=1)
    return jnp.concatenate([top, bot], axis=0)


def _prep_body(x2_ref, w1_ref, degp_ref, hp_ref):
    dis = _dis128(degp_ref)
    mm = jnp.dot(x2_ref[...], _blockdiag(w1_ref),
                 preferred_element_type=jnp.float32)
    hp_ref[0:N2, :] = mm * dis[0:N2]
    hp_ref[N2:NP2, :] = jnp.zeros((NP2 - N2, 2 * HID), jnp.float32)


def _mid_body(a_ref, hp_ref, degp_ref, b1_ref, w2_ref, hp2_ref):
    dis = _dis128(degp_ref)
    tot = a_ref[...] + hp_ref[...]
    h1 = jnp.maximum(tot * dis + b1_ref[...], 0.0)
    hp2_ref[...] = jnp.dot(h1, _blockdiag(w2_ref),
                           preferred_element_type=jnp.float32) * dis


def _head_body(a_ref, hp_ref, degp_ref, b2_ref, be_ref, bo_ref,
               wl1_ref, bl1_ref, wl2_ref, bl2_ref, out_ref):
    dis = _dis128(degp_ref)
    tot = a_ref[0:N2, :] + hp_ref[0:N2, :]
    h2 = jnp.maximum(tot * dis[0:N2] + b2_ref[...], 0.0)
    gid = lax.broadcasted_iota(jnp.int32, (N2, G), 1)
    ohe = (be_ref[...] == gid).astype(jnp.float32)
    oho = (bo_ref[...] == gid).astype(jnp.float32)
    dn = (((0,), (0,)), ((), ()))
    sums = (lax.dot_general(ohe, h2[:, 0:HID], dn,
                            preferred_element_type=jnp.float32)
            + lax.dot_general(oho, h2[:, HID:2 * HID], dn,
                              preferred_element_type=jnp.float32))
    counts = lax.dot_general(ohe + oho, jnp.ones((N2, 1), jnp.float32), dn,
                             preferred_element_type=jnp.float32)
    pooled = sums / jnp.maximum(counts, 1.0)
    h = jnp.maximum(jnp.dot(pooled, wl1_ref[...],
                            preferred_element_type=jnp.float32) + bl1_ref[...], 0.0)
    logits = jnp.dot(h, wl2_ref[...],
                     preferred_element_type=jnp.float32) + bl2_ref[...]
    out_ref[...] = 1.0 / (1.0 + jnp.exp(-logits))


def kernel(x, edge_index, batch, W1, b1, W2, b2, Wl1, bl1, Wl2, bl2):
    pad = EROWS * CH - E
    ei_pad = jnp.pad(edge_index, ((0, 0), (0, pad)), constant_values=N)
    ei_pad = ei_pad.reshape(2, EROWS, CH)
    src2d = ei_pad[0]
    dst2d = ei_pad[1]
    x2 = x.reshape(N2, 2 * IN_CH)
    b2d = batch.reshape(N2, 2)
    be = b2d[:, 0:1]
    bo = b2d[:, 1:2]
    b1p = jnp.concatenate([b1, b1]).reshape(1, 2 * HID)
    b2p = jnp.concatenate([b2, b2]).reshape(1, 2 * HID)

    degp = _make_deg_kernel()(dst2d)

    hp1 = pl.pallas_call(
        _prep_body,
        out_shape=jax.ShapeDtypeStruct((NP2, 2 * HID), jnp.float32),
    )(x2, W1, degp)

    a1 = _make_agg_kernel()(hp1.reshape(NPAD, HID), src2d, dst2d)

    hp2 = pl.pallas_call(
        _mid_body,
        out_shape=jax.ShapeDtypeStruct((NP2, 2 * HID), jnp.float32),
    )(a1.reshape(NP2, 2 * HID), hp1, degp, b1p, W2)

    a2 = _make_agg_kernel()(hp2.reshape(NPAD, HID), src2d, dst2d)

    out = pl.pallas_call(
        _head_body,
        out_shape=jax.ShapeDtypeStruct((G, 1), jnp.float32),
    )(a2.reshape(NP2, 2 * HID), hp2, degp, b2p, be, bo,
      Wl1, bl1.reshape(1, HID), Wl2, bl2.reshape(1, 1))
    return out.reshape(-1)

# --- scband reference (transcript-rebuilt; emitter-appended) ---
"""Pipeline reference for scband-ddichem-gnn-53687091200235 (READ-ONLY COPY).

The authoritative reference and input builder live on the scoring server;
editing this copy changes nothing except your own understanding.
"""

import jax, jax.numpy as jnp
import numpy as np

NUM_NODES = 10000
NUM_EDGES = 320000
NUM_GRAPHS = 64
IN_CH = 128
HID = 64


def setup_inputs(seed: int = 0) -> dict:
    key = jax.random.key(seed)
    ks = jax.random.split(key, 12)
    x = jax.random.normal(ks[0], (NUM_NODES, IN_CH), dtype=jnp.float32)
    edge_index = jax.random.randint(ks[1], (2, NUM_EDGES), 0, NUM_NODES, dtype=jnp.int32)
    batch = jnp.sort(jax.random.randint(ks[2], (NUM_NODES,), 0, NUM_GRAPHS, dtype=jnp.int32))
    W1 = jax.random.normal(ks[3], (IN_CH, HID), dtype=jnp.float32) / np.sqrt(IN_CH)
    b1 = jnp.zeros((HID,), dtype=jnp.float32)
    W2 = jax.random.normal(ks[4], (HID, HID), dtype=jnp.float32) / np.sqrt(HID)
    b2 = jnp.zeros((HID,), dtype=jnp.float32)
    Wl1 = jax.random.normal(ks[5], (HID, HID), dtype=jnp.float32) / np.sqrt(HID)
    bl1 = jnp.zeros((HID,), dtype=jnp.float32)
    Wl2 = jax.random.normal(ks[6], (HID, 1), dtype=jnp.float32) / np.sqrt(HID)
    bl2 = jnp.zeros((1,), dtype=jnp.float32)
    return {"x": x, "edge_index": edge_index, "batch": batch,
            "W1": W1, "b1": b1, "W2": W2, "b2": b2,
            "Wl1": Wl1, "bl1": bl1, "Wl2": Wl2, "bl2": bl2}


def _gcn_conv(x, src, dst, W, b):
    # GCNConv: add self-loops (done by caller), symmetric deg^{-1/2} normalization,
    # linear transform, then scatter-add aggregation.
    n = x.shape[0]
    deg = jnp.zeros((n,), x.dtype).at[dst].add(1.0)
    dis = jnp.where(deg > 0, 1.0 / jnp.sqrt(deg), 0.0)
    norm = dis[src] * dis[dst]
    h = x @ W
    msg = h[src] * norm[:, None]
    out = jnp.zeros_like(h).at[dst].add(msg)
    return out + b


def reference(x, edge_index, batch, W1, b1, W2, b2, Wl1, bl1, Wl2, bl2):
    n = x.shape[0]
    loop = jnp.arange(n, dtype=edge_index.dtype)
    src = jnp.concatenate([edge_index[0], loop])
    dst = jnp.concatenate([edge_index[1], loop])
    h = jax.nn.relu(_gcn_conv(x, src, dst, W1, b1))
    h = jax.nn.relu(_gcn_conv(h, src, dst, W2, b2))
    sums = jax.ops.segment_sum(h, batch, num_segments=NUM_GRAPHS)
    counts = jax.ops.segment_sum(jnp.ones((n,), h.dtype), batch, num_segments=NUM_GRAPHS)
    pooled = sums / jnp.maximum(counts, 1.0)[:, None]
    h = jax.nn.relu(pooled @ Wl1 + bl1)
    out = jax.nn.sigmoid(h @ Wl2 + bl2)
    return out.reshape(-1)

if __name__ == "__main__":
    import jax
    _d = setup_inputs()
    print(jax.jit(kernel)(*tuple(_d.values())))

</pallas_src>

<mosaic_0001>
#map = affine_map<(d0, d1) -> (0, 0)>
module attributes {stable_mosaic.version = 14 : i64} {
  func.func @_agg_body(%arg0: i32, %arg1: i32, %arg2: memref<10240x64xf32, #tpu.memory_space<hbm>>, %arg3: memref<2560x128xi32, #tpu.memory_space<hbm>>, %arg4: memref<2560x128xi32, #tpu.memory_space<hbm>>, %arg5: memref<10240x64xf32, #tpu.memory_space<hbm>>, %arg6: memref<10240x32xf32, #tpu.memory_space<vmem_shared>>, %arg7: memref<10240x32xf32, #tpu.memory_space<vmem_shared>>, %arg8: memref<3x8x128xi32, #tpu.memory_space<vmem>>, %arg9: memref<3x8x128xi32, #tpu.memory_space<vmem>>, %arg10: memref<16x128x32xf32, #tpu.memory_space<vmem>>, %arg11: memref<!tpu.dma_semaphore, #tpu.memory_space<semaphore_mem>>, %arg12: memref<!tpu.dma_semaphore, #tpu.memory_space<semaphore_mem>>, %arg13: memref<!tpu.dma_semaphore, #tpu.memory_space<semaphore_mem>>) attributes {dimension_semantics = [#tpu.dimension_semantics<core_parallel>, #tpu.dimension_semantics<subcore_parallel>], iteration_bounds = array<i64: 2, 16>, scalar_prefetch = 0 : i64, scratch_operands = 8 : i64, tpu.core_type = #tpu.core_type<sc_vector_subcore>, window_params = [{transform_indices = #map}, {transform_indices = #map}, {transform_indices = #map}, {transform_indices = #map}]} {
    %mul3A = arith.constant 160 : i32
    %mul3A_0 = arith.muli %arg1, %mul3A : i32
    %add3A = arith.constant 0 : i32
    %add3A_1 = arith.addi %mul3A_0, %add3A : i32
    %dma_start3A = arith.constant 0 : i32
    %dma_start3A_2 = arith.constant 0 : i32
    %dma_start3A_3 = arith.constant 0 : i32
    %dma_start3A_4 = tpu.memref_slice %arg8[%dma_start3A, %dma_start3A_2, %dma_start3A_3] : memref<3x8x128xi32, #tpu.memory_space<vmem>> -> memref<1x8x128xi32, #tpu.memory_space<vmem>>
    %dma_start3A_5 = tpu.memref_squeeze %dma_start3A_4 : memref<1x8x128xi32, #tpu.memory_space<vmem>> -> memref<8x128xi32, #tpu.memory_space<vmem>>
    %dma_start3A_6 = arith.constant 0 : i32
    %dma_start3A_7 = tpu.memref_slice %arg3[%add3A_1, %dma_start3A_6] : memref<2560x128xi32, #tpu.memory_space<hbm>> -> memref<8x128xi32, #tpu.memory_space<hbm>>
    %dma_start3A_8 = arith.constant 0 : i32
    %dma_start3A_9 = arith.constant 0 : i32
    %dma_start3A_10 = tpu.memref_slice %arg8[%dma_start3A, %dma_start3A_8, %dma_start3A_9] : memref<3x8x128xi32, #tpu.memory_space<vmem>> -> memref<1x8x128xi32, #tpu.memory_space<vmem>>
    %dma_start3A_11 = tpu.memref_squeeze %dma_start3A_10 : memref<1x8x128xi32, #tpu.memory_space<vmem>> -> memref<8x128xi32, #tpu.memory_space<vmem>>
    %dma_start3A_12 = arith.constant 0 : i32
    %dma_start3A_13 = tpu.memref_slice %arg3[%add3A_1, %dma_start3A_12] : memref<2560x128xi32, #tpu.memory_space<hbm>> -> memref<8x128xi32, #tpu.memory_space<hbm>>
    tpu.enqueue_dma source(%dma_start3A_13 : memref<8x128xi32, #tpu.memory_space<hbm>>) target(%dma_start3A_11 : memref<8x128xi32, #tpu.memory_space<vmem>>) target_semaphore(%arg11 : memref<!tpu.dma_semaphore, #tpu.memory_space<semaphore_mem>>)
    %add3A_14 = arith.constant 0 : i32
    %add3A_15 = arith.addi %mul3A_0, %add3A_14 : i32
    %dma_start3A_16 = arith.constant 0 : i32
    %dma_start3A_17 = arith.constant 0 : i32
    %dma_start3A_18 = arith.constant 0 : i32
    %dma_start3A_19 = tpu.memref_slice %arg9[%dma_start3A_16, %dma_start3A_17, %dma_start3A_18] : memref<3x8x128xi32, #tpu.memory_space<vmem>> -> memref<1x8x128xi32, #tpu.memory_space<vmem>>
    %dma_start3A_20 = tpu.memref_squeeze %dma_start3A_19 : memref<1x8x128xi32, #tpu.memory_space<vmem>> -> memref<8x128xi32, #tpu.memory_space<vmem>>
    %dma_start3A_21 = arith.constant 0 : i32
    %dma_start3A_22 = tpu.memref_slice %arg4[%add3A_15, %dma_start3A_21] : memref<2560x128xi32, #tpu.memory_space<hbm>> -> memref<8x128xi32, #tpu.memory_space<hbm>>
    %dma_start3A_23 = arith.constant 0 : i32
    %dma_start3A_24 = arith.constant 0 : i32
    %dma_start3A_25 = tpu.memref_slice %arg9[%dma_start3A_16, %dma_start3A_23, %dma_start3A_24] : memref<3x8x128xi32, #tpu.memory_space<vmem>> -> memref<1x8x128xi32, #tpu.memory_space<vmem>>
    %dma_start3A_26 = tpu.memref_squeeze %dma_start3A_25 : memref<1x8x128xi32, #tpu.memory_space<vmem>> -> memref<8x128xi32, #tpu.memory_space<vmem>>
    %dma_start3A_27 = arith.constant 0 : i32
    %dma_start3A_28 = tpu.memref_slice %arg4[%add3A_15, %dma_start3A_27] : memref<2560x128xi32, #tpu.memory_space<hbm>> -> memref<8x128xi32, #tpu.memory_space<hbm>>
    tpu.enqueue_dma source(%dma_start3A_28 : memref<8x128xi32, #tpu.memory_space<hbm>>) target(%dma_start3A_26 : memref<8x128xi32, #tpu.memory_space<vmem>>) target_semaphore(%arg11 : memref<!tpu.dma_semaphore, #tpu.memory_space<semaphore_mem>>)
    %scan3A = arith.constant 0 : i32
    %scan3A_29 = arith.constant 0 : i32
    %scan3A_30 = arith.constant 8 : i32
    %scan3A_31 = arith.addi %scan3A_29, %scan3A_30 : i32
    %scan3A_32 = arith.constant 1 : i32
    %scan3A_33 = scf.for %scan3A_356 = %scan3A_29 to %scan3A_31 step %scan3A_32 iter_args(%scan3A_357 = %scan3A) -> (i32)  : i32 {
      %broadcast_in_dim3A = arith.constant 0.000000e+00 : f32
      %broadcast_in_dim3A_358 = vector.broadcast %broadcast_in_dim3A : f32 to vector<16x32xf32>
      %mul3A_359 = arith.constant 16 : i32
      %mul3A_360 = arith.muli %scan3A_356, %mul3A_359 : i32
      %swap3A = arith.constant 0 : i32
      %swap3A_361 = arith.index_cast %swap3A : i32 to index
      %swap3A_362 = arith.index_cast %mul3A_360 : i32 to index
      %swap3A_363 = arith.constant 0 : index
      %swap3A_364 = tpu.vector_load %arg10[%swap3A_361, %swap3A_362, %swap3A_363] {strides = array<i32>} : memref<16x128x32xf32, #tpu.memory_space<vmem>>, vector<1x16x32xf32>,
      %swap3A_365 = vector.shape_cast %swap3A_364 : vector<1x16x32xf32> to vector<16x32xf32>
      %swap3A_366 = vector.shape_cast %broadcast_in_dim3A_358 : vector<16x32xf32> to vector<1x16x32xf32>
      tpu.vector_store %arg10[%swap3A_361, %swap3A_362, %swap3A_363], %swap3A_366 {strides = array<i32>} : memref<16x128x32xf32, #tpu.memory_space<vmem>>, vector<1x16x32xf32>,
      %scan3A_367 = arith.constant 0 : i32
      scf.yield %scan3A_367 : i32
    }
    %scan3A_34 = arith.constant 8 : i32
    %mul3A_35 = arith.constant 640 : i32
    %mul3A_36 = arith.muli %arg1, %mul3A_35 : i32
    %add3A_37 = arith.constant 0 : i32
    %add3A_38 = arith.addi %mul3A_36, %add3A_37 : i32
    %run_scoped3A = arith.constant 0 : i32
    "tpu.region"() ({
      %run_scoped3A_356 = tpu.sem_alloc : memref<!tpu.dma_semaphore, #tpu.memory_space<semaphore_mem>>
      %dma_start3A_357 = arith.constant 0 : i32
      %dma_start3A_358 = arith.constant 0 : i32
      %dma_start3A_359 = tpu.memref_slice %arg10[%run_scoped3A, %dma_start3A_357, %dma_start3A_358] : memref<16x128x32xf32, #tpu.memory_space<vmem>> -> memref<1x128x32xf32, #tpu.memory_space<vmem>>
      %dma_start3A_360 = tpu.memref_squeeze %dma_start3A_359 : memref<1x128x32xf32, #tpu.memory_space<vmem>> -> memref<128x32xf32, #tpu.memory_space<vmem>>
      %dma_start3A_361 = arith.constant 0 : i32
      %dma_start3A_362 = tpu.memref_slice %arg6[%add3A_38, %dma_start3A_361] : memref<10240x32xf32, #tpu.memory_space<vmem_shared>> -> memref<128x32xf32, #tpu.memory_space<vmem_shared>>
      %dma_start3A_363 = arith.constant 0 : i32
      %dma_start3A_364 = tpu.memref_slice %arg6[%add3A_38, %dma_start3A_363] : memref<10240x32xf32, #tpu.memory_space<vmem_shared>> -> memref<128x32xf32, #tpu.memory_space<vmem_shared>>
      %dma_start3A_365 = arith.constant 0 : i32
      %dma_start3A_366 = arith.constant 0 : i32
      %dma_start3A_367 = tpu.memref_slice %arg10[%run_scoped3A, %dma_start3A_365, %dma_start3A_366] : memref<16x128x32xf32, #tpu.memory_space<vmem>> -> memref<1x128x32xf32, #tpu.memory_space<vmem>>
      %dma_start3A_368 = tpu.memref_squeeze %dma_start3A_367 : memref<1x128x32xf32, #tpu.memory_space<vmem>> -> memref<128x32xf32, #tpu.memory_space<vmem>>
      tpu.enqueue_dma source(%dma_start3A_368 : memref<128x32xf32, #tpu.memory_space<vmem>>) target(%dma_start3A_364 : memref<128x32xf32, #tpu.memory_space<vmem_shared>>) target_semaphore(%run_scoped3A_356 : memref<!tpu.dma_semaphore, #tpu.memory_space<semaphore_mem>>)
      %dma_wait3A_369 = arith.constant 0 : i32
      %dma_wait3A_370 = arith.constant 0 : i32
      %dma_wait3A_371 = tpu.memref_slice %arg10[%run_scoped3A, %dma_wait3A_369, %dma_wait3A_370] : memref<16x128x32xf32, #tpu.memory_space<vmem>> -> memref<1x128x32xf32, #tpu.memory_space<vmem>>
      %dma_wait3A_372 = tpu.memref_squeeze %dma_wait3A_371 : memref<1x128x32xf32, #tpu.memory_space<vmem>> -> memref<128x32xf32, #tpu.memory_space<vmem>>
      %dma_wait3A_373 = arith.constant 0 : i32
      %dma_wait3A_374 = tpu.memref_slice %arg6[%add3A_38, %dma_wait3A_373] : memref<10240x32xf32, #tpu.memory_space<vmem_shared>> -> memref<128x32xf32, #tpu.memory_space<vmem_shared>>
      %dma_wait3A_375 = arith.constant 0 : i32
      %dma_wait3A_376 = tpu.memref_slice %arg6[%add3A_38, %dma_wait3A_375] : memref<10240x32xf32, #tpu.memory_space<vmem_shared>> -> memref<128x32xf32, #tpu.memory_space<vmem_shared>>
      %dma_wait3A_377 = arith.constant 0 : i32
      %dma_wait3A_378 = arith.constant 0 : i32
      %dma_wait3A_379 = tpu.memref_slice %arg10[%run_scoped3A, %dma_wait3A_377, %dma_wait3A_378] : memref<16x128x32xf32, #tpu.memory_space<vmem>> -> memref<1x128x32xf32, #tpu.memory_space<vmem>>
      %dma_wait3A_380 = tpu.memref_squeeze %dma_wait3A_379 : memref<1x128x32xf32, #tpu.memory_space<vmem>> -> memref<128x32xf32, #tpu.memory_space<vmem>>
      tpu.wait_dma2 semaphore(%run_scoped3A_356 : memref<!tpu.dma_semaphore, #tpu.memory_space<semaphore_mem>>) src(%dma_wait3A_380 : memref<128x32xf32, #tpu.memory_space<vmem>>) dst(%dma_wait3A_376 : memref<128x32xf32, #tpu.memory_space<vmem_shared>>)
      tpu.yield
    }) : () -> ()
    %mul3A_39 = arith.constant 640 : i32
    %mul3A_40 = arith.muli %arg1, %mul3A_39 : i32
    %add3A_41 = arith.constant 128 : i32
    %add3A_42 = arith.addi %mul3A_40, %add3A_41 : i32
    %run_scoped3A_43 = arith.constant 0 : i32
    "tpu.region"() ({
      %run_scoped3A_356 = tpu.sem_alloc : memref<!tpu.dma_semaphore, #tpu.memory_space<semaphore_mem>>
      %dma_start3A_357 = arith.constant 0 : i32
      %dma_start3A_358 = arith.constant 0 : i32
      %dma_start3A_359 = tpu.memref_slice %arg10[%run_scoped3A_43, %dma_start3A_357, %dma_start3A_358] : memref<16x128x32xf32, #tpu.memory_space<vmem>> -> memref<1x128x32xf32, #tpu.memory_space<vmem>>
      %dma_start3A_360 = tpu.memref_squeeze %dma_start3A_359 : memref<1x128x32xf32, #tpu.memory_space<vmem>> -> memref<128x32xf32, #tpu.memory_space<vmem>>
      %dma_start3A_361 = arith.constant 0 : i32
      %dma_start3A_362 = tpu.memref_slice %arg6[%add3A_42, %dma_start3A_361] : memref<10240x32xf32, #tpu.memory_space<vmem_shared>> -> memref<128x32xf32, #tpu.memory_space<vmem_shared>>
      %dma_start3A_363 = arith.constant 0 : i32
      %dma_start3A_364 = tpu.memref_slice %arg6[%add3A_42, %dma_start3A_363] : memref<10240x32xf32, #tpu.memory_space<vmem_shared>> -> memref<128x32xf32, #tpu.memory_space<vmem_shared>>
      %dma_start3A_365 = arith.constant 0 : i32
      %dma_start3A_366 = arith.constant 0 : i32
      %dma_start3A_367 = tpu.memref_slice %arg10[%run_scoped3A_43, %dma_start3A_365, %dma_start3A_366] : memref<16x128x32xf32, #tpu.memory_space<vmem>> -> memref<1x128x32xf32, #tpu.memory_space<vmem>>
      %dma_start3A_368 = tpu.memref_squeeze %dma_start3A_367 : memref<1x128x32xf32, #tpu.memory_space<vmem>> -> memref<128x32xf32, #tpu.memory_space<vmem>>
      tpu.enqueue_dma source(%dma_start3A_368 : memref<128x32xf32, #tpu.memory_space<vmem>>) target(%dma_start3A_364 : memref<128x32xf32, #tpu.memory_space<vmem_shared>>) target_semaphore(%run_scoped3A_356 : memref<!tpu.dma_semaphore, #tpu.memory_space<semaphore_mem>>)
      %dma_wait3A_369 = arith.constant 0 : i32
      %dma_wait3A_370 = arith.constant 0 : i32
      %dma_wait3A_371 = tpu.memref_slice %arg10[%run_scoped3A_43, %dma_wait3A_369, %dma_wait3A_370] : memref<16x128x32xf32, #tpu.memory_space<vmem>> -> memref<1x128x32xf32, #tpu.memory_space<vmem>>
      %dma_wait3A_372 = tpu.memref_squeeze %dma_wait3A_371 : memref<1x128x32xf32, #tpu.memory_space<vmem>> -> memref<128x32xf32, #tpu.memory_space<vmem>>
      %dma_wait3A_373 = arith.constant 0 : i32
      %dma_wait3A_374 = tpu.memref_slice %arg6[%add3A_42, %dma_wait3A_373] : memref<10240x32xf32, #tpu.memory_space<vmem_shared>> -> memref<128x32xf32, #tpu.memory_space<vmem_shared>>
      %dma_wait3A_375 = arith.constant 0 : i32
      %dma_wait3A_376 = tpu.memref_slice %arg6[%add3A_42, %dma_wait3A_375] : memref<10240x32xf32, #tpu.memory_space<vmem_shared>> -> memref<128x32xf32, #tpu.memory_space<vmem_shared>>
      %dma_wait3A_377 = arith.constant 0 : i32
      %dma_wait3A_378 = arith.constant 0 : i32
      %dma_wait3A_379 = tpu.memref_slice %arg10[%run_scoped3A_43, %dma_wait3A_377, %dma_wait3A_378] : memref<16x128x32xf32, #tpu.memory_space<vmem>> -> memref<1x128x32xf32, #tpu.memory_space<vmem>>
      %dma_wait3A_380 = tpu.memref_squeeze %dma_wait3A_379 : memref<1x128x32xf32, #tpu.memory_space<vmem>> -> memref<128x32xf32, #tpu.memory_space<vmem>>
      tpu.wait_dma2 semaphore(%run_scoped3A_356 : memref<!tpu.dma_semaphore, #tpu.memory_space<semaphore_mem>>) src(%dma_wait3A_380 : memref<128x32xf32, #tpu.memory_space<vmem>>) dst(%dma_wait3A_376 : memref<128x32xf32, #tpu.memory_space<vmem_shared>>)
      tpu.yield
    }) : () -> ()
    %mul3A_44 = arith.constant 640 : i32
    %mul3A_45 = arith.muli %arg1, %mul3A_44 : i32
    %add3A_46 = arith.constant 256 : i32
    %add3A_47 = arith.addi %mul3A_45, %add3A_46 : i32
    %run_scoped3A_48 = arith.constant 0 : i32
    "tpu.region"() ({
      %run_scoped3A_356 = tpu.sem_alloc : memref<!tpu.dma_semaphore, #tpu.memory_space<semaphore_mem>>
      %dma_start3A_357 = arith.constant 0 : i32
      %dma_start3A_358 = arith.constant 0 : i32
      %dma_start3A_359 = tpu.memref_slice %arg10[%run_scoped3A_48, %dma_start3A_357, %dma_start3A_358] : memref<16x128x32xf32, #tpu.memory_space<vmem>> -> memref<1x128x32xf32, #tpu.memory_space<vmem>>
      %dma_start3A_360 = tpu.memref_squeeze %dma_start3A_359 : memref<1x128x32xf32, #tpu.memory_space<vmem>> -> memref<128x32xf32, #tpu.memory_space<vmem>>
      %dma_start3A_361 = arith.constant 0 : i32
      %dma_start3A_362 = tpu.memref_slice %arg6[%add3A_47, %dma_start3A_361] : memref<10240x32xf32, #tpu.memory_space<vmem_shared>> -> memref<128x32xf32, #tpu.memory_space<vmem_shared>>
      %dma_start3A_363 = arith.constant 0 : i32
      %dma_start3A_364 = tpu.memref_slice %arg6[%add3A_47, %dma_start3A_363] : memref<10240x32xf32, #tpu.memory_space<vmem_shared>> -> memref<128x32xf32, #tpu.memory_space<vmem_shared>>
      %dma_start3A_365 = arith.constant 0 : i32
      %dma_start3A_366 = arith.constant 0 : i32
      %dma_start3A_367 = tpu.memref_slice %arg10[%run_scoped3A_48, %dma_start3A_365, %dma_start3A_366] : memref<16x128x32xf32, #tpu.memory_space<vmem>> -> memref<1x128x32xf32, #tpu.memory_space<vmem>>
      %dma_start3A_368 = tpu.memref_squeeze %dma_start3A_367 : memref<1x128x32xf32, #tpu.memory_space<vmem>> -> memref<128x32xf32, #tpu.memory_space<vmem>>
      tpu.enqueue_dma source(%dma_start3A_368 : memref<128x32xf32, #tpu.memory_space<vmem>>) target(%dma_start3A_364 : memref<128x32xf32, #tpu.memory_space<vmem_shared>>) target_semaphore(%run_scoped3A_356 : memref<!tpu.dma_semaphore, #tpu.memory_space<semaphore_mem>>)
      %dma_wait3A_369 = arith.constant 0 : i32
      %dma_wait3A_370 = arith.constant 0 : i32
      %dma_wait3A_371 = tpu.memref_slice %arg10[%run_scoped3A_48, %dma_wait3A_369, %dma_wait3A_370] : memref<16x128x32xf32, #tpu.memory_space<vmem>> -> memref<1x128x32xf32, #tpu.memory_space<vmem>>
      %dma_wait3A_372 = tpu.memref_squeeze %dma_wait3A_371 : memref<1x128x32xf32, #tpu.memory_space<vmem>> -> memref<128x32xf32, #tpu.memory_space<vmem>>
      %dma_wait3A_373 = arith.constant 0 : i32
      %dma_wait3A_374 = tpu.memref_slice %arg6[%add3A_47, %dma_wait3A_373] : memref<10240x32xf32, #tpu.memory_space<vmem_shared>> -> memref<128x32xf32, #tpu.memory_space<vmem_shared>>
      %dma_wait3A_375 = arith.constant 0 : i32
      %dma_wait3A_376 = tpu.memref_slice %arg6[%add3A_47, %dma_wait3A_375] : memref<10240x32xf32, #tpu.memory_space<vmem_shared>> -> memref<128x32xf32, #tpu.memory_space<vmem_shared>>
      %dma_wait3A_377 = arith.constant 0 : i32
      %dma_wait3A_378 = arith.constant 0 : i32
      %dma_wait3A_379 = tpu.memref_slice %arg10[%run_scoped3A_48, %dma_wait3A_377, %dma_wait3A_378] : memref<16x128x32xf32, #tpu.memory_space<vmem>> -> memref<1x128x32xf32, #tpu.memory_space<vmem>>
      %dma_wait3A_380 = tpu.memref_squeeze %dma_wait3A_379 : memref<1x128x32xf32, #tpu.memory_space<vmem>> -> memref<128x32xf32, #tpu.memory_space<vmem>>
      tpu.wait_dma2 semaphore(%run_scoped3A_356 : memref<!tpu.dma_semaphore, #tpu.memory_space<semaphore_mem>>) src(%dma_wait3A_380 : memref<128x32xf32, #tpu.memory_space<vmem>>) dst(%dma_wait3A_376 : memref<128x32xf32, #tpu.memory_space<vmem_shared>>)
      tpu.yield
    }) : () -> ()
    %mul3A_49 = arith.constant 640 : i32
    %mul3A_50 = arith.muli %arg1, %mul3A_49 : i32
    %add3A_51 = arith.constant 384 : i32
    %add3A_52 = arith.addi %mul3A_50, %add3A_51 : i32
    %run_scoped3A_53 = arith.constant 0 : i32
    "tpu.region"() ({
      %run_scoped3A_356 = tpu.sem_alloc : memref<!tpu.dma_semaphore, #tpu.memory_space<semaphore_mem>>
      %dma_start3A_357 = arith.constant 0 : i32
      %dma_start3A_358 = arith.constant 0 : i32
      %dma_start3A_359 = tpu.memref_slice %arg10[%run_scoped3A_53, %dma_start3A_357, %dma_start3A_358] : memref<16x128x32xf32, #tpu.memory_space<vmem>> -> memref<1x128x32xf32, #tpu.memory_space<vmem>>
      %dma_start3A_360 = tpu.memref_squeeze %dma_start3A_359 : memref<1x128x32xf32, #tpu.memory_space<vmem>> -> memref<128x32xf32, #tpu.memory_space<vmem>>
      %dma_start3A_361 = arith.constant 0 : i32
      %dma_start3A_362 = tpu.memref_slice %arg6[%add3A_52, %dma_start3A_361] : memref<10240x32xf32, #tpu.memory_space<vmem_shared>> -> memref<128x32xf32, #tpu.memory_space<vmem_shared>>
      %dma_start3A_363 = arith.constant 0 : i32
      %dma_start3A_364 = tpu.memref_slice %arg6[%add3A_52, %dma_start3A_363] : memref<10240x32xf32, #tpu.memory_space<vmem_shared>> -> memref<128x32xf32, #tpu.memory_space<vmem_shared>>
      %dma_start3A_365 = arith.constant 0 : i32
      %dma_start3A_366 = arith.constant 0 : i32
      %dma_start3A_367 = tpu.memref_slice %arg10[%run_scoped3A_53, %dma_start3A_365, %dma_start3A_366] : memref<16x128x32xf32, #tpu.memory_space<vmem>> -> memref<1x128x32xf32, #tpu.memory_space<vmem>>
      %dma_start3A_368 = tpu.memref_squeeze %dma_start3A_367 : memref<1x128x32xf32, #tpu.memory_space<vmem>> -> memref<128x32xf32, #tpu.memory_space<vmem>>
      tpu.enqueue_dma source(%dma_start3A_368 : memref<128x32xf32, #tpu.memory_space<vmem>>) target(%dma_start3A_364 : memref<128x32xf32, #tpu.memory_space<vmem_shared>>) target_semaphore(%run_scoped3A_356 : memref<!tpu.dma_semaphore, #tpu.memory_space<semaphore_mem>>)
      %dma_wait3A_369 = arith.constant 0 : i32
      %dma_wait3A_370 = arith.constant 0 : i32
      %dma_wait3A_371 = tpu.memref_slice %arg10[%run_scoped3A_53, %dma_wait3A_369, %dma_wait3A_370] : memref<16x128x32xf32, #tpu.memory_space<vmem>> -> memref<1x128x32xf32, #tpu.memory_space<vmem>>
      %dma_wait3A_372 = tpu.memref_squeeze %dma_wait3A_371 : memref<1x128x32xf32, #tpu.memory_space<vmem>> -> memref<128x32xf32, #tpu.memory_space<vmem>>
      %dma_wait3A_373 = arith.constant 0 : i32
      %dma_wait3A_374 = tpu.memref_slice %arg6[%add3A_52, %dma_wait3A_373] : memref<10240x32xf32, #tpu.memory_space<vmem_shared>> -> memref<128x32xf32, #tpu.memory_space<vmem_shared>>
      %dma_wait3A_375 = arith.constant 0 : i32
      %dma_wait3A_376 = tpu.memref_slice %arg6[%add3A_52, %dma_wait3A_375] : memref<10240x32xf32, #tpu.memory_space<vmem_shared>> -> memref<128x32xf32, #tpu.memory_space<vmem_shared>>
      %dma_wait3A_377 = arith.constant 0 : i32
      %dma_wait3A_378 = arith.constant 0 : i32
      %dma_wait3A_379 = tpu.memref_slice %arg10[%run_scoped3A_53, %dma_wait3A_377, %dma_wait3A_378] : memref<16x128x32xf32, #tpu.memory_space<vmem>> -> memref<1x128x32xf32, #tpu.memory_space<vmem>>
      %dma_wait3A_380 = tpu.memref_squeeze %dma_wait3A_379 : memref<1x128x32xf32, #tpu.memory_space<vmem>> -> memref<128x32xf32, #tpu.memory_space<vmem>>
      tpu.wait_dma2 semaphore(%run_scoped3A_356 : memref<!tpu.dma_semaphore, #tpu.memory_space<semaphore_mem>>) src(%dma_wait3A_380 : memref<128x32xf32, #tpu.memory_space<vmem>>) dst(%dma_wait3A_376 : memref<128x32xf32, #tpu.memory_space<vmem_shared>>)
      tpu.yield
    }) : () -> ()
    %mul3A_54 = arith.constant 640 : i32
    %mul3A_55 = arith.muli %arg1, %mul3A_54 : i32
    %add3A_56 = arith.constant 512 : i32
    %add3A_57 = arith.addi %mul3A_55, %add3A_56 : i32
    %run_scoped3A_58 = arith.constant 0 : i32
    "tpu.region"() ({
      %run_scoped3A_356 = tpu.sem_alloc : memref<!tpu.dma_semaphore, #tpu.memory_space<semaphore_mem>>
      %dma_start3A_357 = arith.constant 0 : i32
      %dma_start3A_358 = arith.constant 0 : i32
      %dma_start3A_359 = tpu.memref_slice %arg10[%run_scoped3A_58, %dma_start3A_357, %dma_start3A_358] : memref<16x128x32xf32, #tpu.memory_space<vmem>> -> memref<1x128x32xf32, #tpu.memory_space<vmem>>
      %dma_start3A_360 = tpu.memref_squeeze %dma_start3A_359 : memref<1x128x32xf32, #tpu.memory_space<vmem>> -> memref<128x32xf32, #tpu.memory_space<vmem>>
      %dma_start3A_361 = arith.constant 0 : i32
      %dma_start3A_362 = tpu.memref_slice %arg6[%add3A_57, %dma_start3A_361] : memref<10240x32xf32, #tpu.memory_space<vmem_shared>> -> memref<128x32xf32, #tpu.memory_space<vmem_shared>>
      %dma_start3A_363 = arith.constant 0 : i32
      %dma_start3A_364 = tpu.memref_slice %arg6[%add3A_57, %dma_start3A_363] : memref<10240x32xf32, #tpu.memory_space<vmem_shared>> -> memref<128x32xf32, #tpu.memory_space<vmem_shared>>
      %dma_start3A_365 = arith.constant 0 : i32
      %dma_start3A_366 = arith.constant 0 : i32
      %dma_start3A_367 = tpu.memref_slice %arg10[%run_scoped3A_58, %dma_start3A_365, %dma_start3A_366] : memref<16x128x32xf32, #tpu.memory_space<vmem>> -> memref<1x128x32xf32, #tpu.memory_space<vmem>>
      %dma_start3A_368 = tpu.memref_squeeze %dma_start3A_367 : memref<1x128x32xf32, #tpu.memory_space<vmem>> -> memref<128x32xf32, #tpu.memory_space<vmem>>
      tpu.enqueue_dma source(%dma_start3A_368 : memref<128x32xf32, #tpu.memory_space<vmem>>) target(%dma_start3A_364 : memref<128x32xf32, #tpu.memory_space<vmem_shared>>) target_semaphore(%run_scoped3A_356 : memref<!tpu.dma_semaphore, #tpu.memory_space<semaphore_mem>>)
      %dma_wait3A_369 = arith.constant 0 : i32
      %dma_wait3A_370 = arith.constant 0 : i32
      %dma_wait3A_371 = tpu.memref_slice %arg10[%run_scoped3A_58, %dma_wait3A_369, %dma_wait3A_370] : memref<16x128x32xf32, #tpu.memory_space<vmem>> -> memref<1x128x32xf32, #tpu.memory_space<vmem>>
      %dma_wait3A_372 = tpu.memref_squeeze %dma_wait3A_371 : memref<1x128x32xf32, #tpu.memory_space<vmem>> -> memref<128x32xf32, #tpu.memory_space<vmem>>
      %dma_wait3A_373 = arith.constant 0 : i32
      %dma_wait3A_374 = tpu.memref_slice %arg6[%add3A_57, %dma_wait3A_373] : memref<10240x32xf32, #tpu.memory_space<vmem_shared>> -> memref<128x32xf32, #tpu.memory_space<vmem_shared>>
      %dma_wait3A_375 = arith.constant 0 : i32
      %dma_wait3A_376 = tpu.memref_slice %arg6[%add3A_57, %dma_wait3A_375] : memref<10240x32xf32, #tpu.memory_space<vmem_shared>> -> memref<128x32xf32, #tpu.memory_space<vmem_shared>>
      %dma_wait3A_377 = arith.constant 0 : i32
      %dma_wait3A_378 = arith.constant 0 : i32
      %dma_wait3A_379 = tpu.memref_slice %arg10[%run_scoped3A_58, %dma_wait3A_377, %dma_wait3A_378] : memref<16x128x32xf32, #tpu.memory_space<vmem>> -> memref<1x128x32xf32, #tpu.memory_space<vmem>>
      %dma_wait3A_380 = tpu.memref_squeeze %dma_wait3A_379 : memref<1x128x32xf32, #tpu.memory_space<vmem>> -> memref<128x32xf32, #tpu.memory_space<vmem>>
      tpu.wait_dma2 semaphore(%run_scoped3A_356 : memref<!tpu.dma_semaphore, #tpu.memory_space<semaphore_mem>>) src(%dma_wait3A_380 : memref<128x32xf32, #tpu.memory_space<vmem>>) dst(%dma_wait3A_376 : memref<128x32xf32, #tpu.memory_space<vmem_shared>>)
      tpu.yield
    }) : () -> ()
    %mul3A_59 = arith.constant 640 : i32
    %mul3A_60 = arith.muli %arg1, %mul3A_59 : i32
    %mul3A_61 = arith.constant 32 : i32
    %mul3A_62 = arith.muli %arg0, %mul3A_61 : i32
    %mul3A_63 = arith.constant 640 : i32
    %mul3A_64 = arith.muli %arg1, %mul3A_63 : i32
    "tpu.region"() ({
      %run_scoped3A_356 = tpu.sem_alloc : memref<!tpu.dma_semaphore, #tpu.memory_space<semaphore_mem>>
      %dma_start3A_357 = arith.constant 0 : i32
      %dma_start3A_358 = tpu.memref_slice %arg7[%mul3A_64, %dma_start3A_357] : memref<10240x32xf32, #tpu.memory_space<vmem_shared>> -> memref<640x32xf32, #tpu.memory_space<vmem_shared>>
      %dma_start3A_359 = tpu.memref_slice %arg2[%mul3A_60, %mul3A_62] : memref<10240x64xf32, #tpu.memory_space<hbm>> -> memref<640x32xf32, #tpu.memory_space<hbm>>
      tpu.enqueue_dma source(%dma_start3A_359 : memref<640x32xf32, #tpu.memory_space<hbm>>) target(%dma_start3A_358 : memref<640x32xf32, #tpu.memory_space<vmem_shared>>) target_semaphore(%run_scoped3A_356 : memref<!tpu.dma_semaphore, #tpu.memory_space<semaphore_mem>>)
      %dma_wait3A_360 = arith.constant 0 : i32
      %dma_wait3A_361 = tpu.memref_slice %arg7[%mul3A_64, %dma_wait3A_360] : memref<10240x32xf32, #tpu.memory_space<vmem_shared>> -> memref<640x32xf32, #tpu.memory_space<vmem_shared>>
      %dma_wait3A_362 = tpu.memref_slice %arg2[%mul3A_60, %mul3A_62] : memref<10240x64xf32, #tpu.memory_space<hbm>> -> memref<640x32xf32, #tpu.memory_space<hbm>>
      tpu.wait_dma2 semaphore(%run_scoped3A_356 : memref<!tpu.dma_semaphore, #tpu.memory_space<semaphore_mem>>) src(%dma_wait3A_362 : memref<640x32xf32, #tpu.memory_space<hbm>>) dst(%dma_wait3A_361 : memref<640x32xf32, #tpu.memory_space<vmem_shared>>)
      tpu.yield
    }) : () -> ()
    %barrier3A = arith.constant 0 : index
    tpu.barrier barrier_id(%barrier3A)
    %dma_wait3A = arith.constant 0 : i32
    %dma_wait3A_65 = arith.constant 0 : i32
    %dma_wait3A_66 = arith.constant 0 : i32
    %dma_wait3A_67 = tpu.memref_slice %arg8[%dma_wait3A, %dma_wait3A_65, %dma_wait3A_66] : memref<3x8x128xi32, #tpu.memory_space<vmem>> -> memref<1x8x128xi32, #tpu.memory_space<vmem>>
    %dma_wait3A_68 = tpu.memref_squeeze %dma_wait3A_67 : memref<1x8x128xi32, #tpu.memory_space<vmem>> -> memref<8x128xi32, #tpu.memory_space<vmem>>
    %dma_wait3A_69 = arith.constant 0 : i32
    %dma_wait3A_70 = arith.constant 0 : i32
    %dma_wait3A_71 = tpu.memref_slice %arg3[%dma_wait3A_69, %dma_wait3A_70] : memref<2560x128xi32, #tpu.memory_space<hbm>> -> memref<8x128xi32, #tpu.memory_space<hbm>>
    %dma_wait3A_72 = arith.constant 0 : i32
    %dma_wait3A_73 = arith.constant 0 : i32
    %dma_wait3A_74 = tpu.memref_slice %arg8[%dma_wait3A, %dma_wait3A_72, %dma_wait3A_73] : memref<3x8x128xi32, #tpu.memory_space<vmem>> -> memref<1x8x128xi32, #tpu.memory_space<vmem>>
    %dma_wait3A_75 = tpu.memref_squeeze %dma_wait3A_74 : memref<1x8x128xi32, #tpu.memory_space<vmem>> -> memref<8x128xi32, #tpu.memory_space<vmem>>
    %dma_wait3A_76 = arith.constant 0 : i32
    %dma_wait3A_77 = arith.constant 0 : i32
    %dma_wait3A_78 = tpu.memref_slice %arg3[%dma_wait3A_76, %dma_wait3A_77] : memref<2560x128xi32, #tpu.memory_space<hbm>> -> memref<8x128xi32, #tpu.memory_space<hbm>>
    tpu.wait_dma2 semaphore(%arg11 : memref<!tpu.dma_semaphore, #tpu.memory_space<semaphore_mem>>) src(%dma_wait3A_78 : memref<8x128xi32, #tpu.memory_space<hbm>>) dst(%dma_wait3A_75 : memref<8x128xi32, #tpu.memory_space<vmem>>)
    %dma_wait3A_79 = arith.constant 0 : i32
    %dma_wait3A_80 = arith.constant 0 : i32
    %dma_wait3A_81 = arith.constant 0 : i32
    %dma_wait3A_82 = tpu.memref_slice %arg8[%dma_wait3A_79, %dma_wait3A_80, %dma_wait3A_81] : memref<3x8x128xi32, #tpu.memory_space<vmem>> -> memref<1x8x128xi32, #tpu.memory_space<vmem>>
    %dma_wait3A_83 = tpu.memref_squeeze %dma_wait3A_82 : memref<1x8x128xi32, #tpu.memory_space<vmem>> -> memref<8x128xi32, #tpu.memory_space<vmem>>
    %dma_wait3A_84 = arith.constant 0 : i32
    %dma_wait3A_85 = arith.constant 0 : i32
    %dma_wait3A_86 = tpu.memref_slice %arg3[%dma_wait3A_84, %dma_wait3A_85] : memref<2560x128xi32, #tpu.memory_space<hbm>> -> memref<8x128xi32, #tpu.memory_space<hbm>>
    %dma_wait3A_87 = arith.constant 0 : i32
    %dma_wait3A_88 = arith.constant 0 : i32
    %dma_wait3A_89 = tpu.memref_slice %arg8[%dma_wait3A_79, %dma_wait3A_87, %dma_wait3A_88] : memref<3x8x128xi32, #tpu.memory_space<vmem>> -> memref<1x8x128xi32, #tpu.memory_space<vmem>>
    %dma_wait3A_90 = tpu.memref_squeeze %dma_wait3A_89 : memref<1x8x128xi32, #tpu.memory_space<vmem>> -> memref<8x128xi32, #tpu.memory_space<vmem>>
    %dma_wait3A_91 = arith.constant 0 : i32
    %dma_wait3A_92 = arith.constant 0 : i32
    %dma_wait3A_93 = tpu.memref_slice %arg3[%dma_wait3A_91, %dma_wait3A_92] : memref<2560x128xi32, #tpu.memory_space<hbm>> -> memref<8x128xi32, #tpu.memory_space<hbm>>
    tpu.wait_dma2 semaphore(%arg11 : memref<!tpu.dma_semaphore, #tpu.memory_space<semaphore_mem>>) src(%dma_wait3A_93 : memref<8x128xi32, #tpu.memory_space<hbm>>) dst(%dma_wait3A_90 : memref<8x128xi32, #tpu.memory_space<vmem>>)
    %rem3A = arith.constant 0 : i32
    %rem3A_94 = arith.constant 3 : i32
    %rem3A_95 = arith.remsi %rem3A, %rem3A_94 : i32
    %dma_start3A_96 = arith.constant 0 : i32
    %dma_start3A_97 = arith.constant 0 : i32
    %dma_start3A_98 = arith.constant 0 : i32
    %dma_start3A_99 = arith.constant 0 : i32
    %dma_start3A_100 = tpu.memref_slice %arg10[%dma_start3A_97, %dma_start3A_98, %dma_start3A_99] : memref<16x128x32xf32, #tpu.memory_space<vmem>> -> memref<1x128x32xf32, #tpu.memory_space<vmem>>
    %dma_start3A_101 = tpu.memref_squeeze %dma_start3A_100 : memref<1x128x32xf32, #tpu.memory_space<vmem>> -> memref<128x32xf32, #tpu.memory_space<vmem>>
    %dma_start3A_102 = arith.constant 0 : i32
    %dma_start3A_103 = tpu.memref_slice %arg8[%rem3A_95, %dma_start3A_96, %dma_start3A_102] : memref<3x8x128xi32, #tpu.memory_space<vmem>> -> memref<1x1x128xi32, #tpu.memory_space<vmem>>
    %dma_start3A_104 = tpu.memref_squeeze %dma_start3A_103 : memref<1x1x128xi32, #tpu.memory_space<vmem>> -> memref<128xi32, #tpu.memory_space<vmem>>
    %dma_start3A_105 = arith.constant 0 : i32
    %dma_start3A_106 = arith.constant 0 : i32
    %dma_start3A_107 = tpu.memref_slice %arg7[%dma_start3A_105, %dma_start3A_106] : memref<10240x32xf32, #tpu.memory_space<vmem_shared>> -> memref<10240x32xf32, #tpu.memory_space<vmem_shared>>
    tpu.enqueue_indirect_dma source(%dma_start3A_107 : memref<10240x32xf32, #tpu.memory_space<vmem_shared>>) target(%dma_start3A_101 : memref<128x32xf32, #tpu.memory_space<vmem>>) offsets(%dma_start3A_104 : memref<128xi32, #tpu.memory_space<vmem>>) semaphore(%arg12 : memref<!tpu.dma_semaphore, #tpu.memory_space<semaphore_mem>>)
    %dma_start3A_108 = arith.constant 1 : i32
    %dma_start3A_109 = arith.constant 1 : i32
    %dma_start3A_110 = arith.constant 0 : i32
    %dma_start3A_111 = arith.constant 0 : i32
    %dma_start3A_112 = tpu.memref_slice %arg10[%dma_start3A_109, %dma_start3A_110, %dma_start3A_111] : memref<16x128x32xf32, #tpu.memory_space<vmem>> -> memref<1x128x32xf32, #tpu.memory_space<vmem>>
    %dma_start3A_113 = tpu.memref_squeeze %dma_start3A_112 : memref<1x128x32xf32, #tpu.memory_space<vmem>> -> memref<128x32xf32, #tpu.memory_space<vmem>>
    %dma_start3A_114 = arith.constant 0 : i32
    %dma_start3A_115 = tpu.memref_slice %arg8[%rem3A_95, %dma_start3A_108, %dma_start3A_114] : memref<3x8x128xi32, #tpu.memory_space<vmem>> -> memref<1x1x128xi32, #tpu.memory_space<vmem>>
    %dma_start3A_116 = tpu.memref_squeeze %dma_start3A_115 : memref<1x1x128xi32, #tpu.memory_space<vmem>> -> memref<128xi32, #tpu.memory_space<vmem>>
    %dma_start3A_117 = arith.constant 0 : i32
    %dma_start3A_118 = arith.constant 0 : i32
    %dma_start3A_119 = tpu.memref_slice %arg7[%dma_start3A_117, %dma_start3A_118] : memref<10240x32xf32, #tpu.memory_space<vmem_shared>> -> memref<10240x32xf32, #tpu.memory_space<vmem_shared>>
    tpu.enqueue_indirect_dma source(%dma_start3A_119 : memref<10240x32xf32, #tpu.memory_space<vmem_shared>>) target(%dma_start3A_113 : memref<128x32xf32, #tpu.memory_space<vmem>>) offsets(%dma_start3A_116 : memref<128xi32, #tpu.memory_space<vmem>>) semaphore(%arg12 : memref<!tpu.dma_semaphore, #tpu.memory_space<semaphore_mem>>)
    %dma_start3A_120 = arith.constant 2 : i32
    %dma_start3A_121 = arith.constant 2 : i32
    %dma_start3A_122 = arith.constant 0 : i32
    %dma_start3A_123 = arith.constant 0 : i32
    %dma_start3A_124 = tpu.memref_slice %arg10[%dma_start3A_121, %dma_start3A_122, %dma_start3A_123] : memref<16x128x32xf32, #tpu.memory_space<vmem>> -> memref<1x128x32xf32, #tpu.memory_space<vmem>>
    %dma_start3A_125 = tpu.memref_squeeze %dma_start3A_124 : memref<1x128x32xf32, #tpu.memory_space<vmem>> -> memref<128x32xf32, #tpu.memory_space<vmem>>
    %dma_start3A_126 = arith.constant 0 : i32
    %dma_start3A_127 = tpu.memref_slice %arg8[%rem3A_95, %dma_start3A_120, %dma_start3A_126] : memref<3x8x128xi32, #tpu.memory_space<vmem>> -> memref<1x1x128xi32, #tpu.memory_space<vmem>>
    %dma_start3A_128 = tpu.memref_squeeze %dma_start3A_127 : memref<1x1x128xi32, #tpu.memory_space<vmem>> -> memref<128xi32, #tpu.memory_space<vmem>>
    %dma_start3A_129 = arith.constant 0 : i32
    %dma_start3A_130 = arith.constant 0 : i32
    %dma_start3A_131 = tpu.memref_slice %arg7[%dma_start3A_129, %dma_start3A_130] : memref<10240x32xf32, #tpu.memory_space<vmem_shared>> -> memref<10240x32xf32, #tpu.memory_space<vmem_shared>>
    tpu.enqueue_indirect_dma source(%dma_start3A_131 : memref<10240x32xf32, #tpu.memory_space<vmem_shared>>) target(%dma_start3A_125 : memref<128x32xf32, #tpu.memory_space<vmem>>) offsets(%dma_start3A_128 : memref<128xi32, #tpu.memory_space<vmem>>) semaphore(%arg12 : memref<!tpu.dma_semaphore, #tpu.memory_space<semaphore_mem>>)
    %dma_start3A_132 = arith.constant 3 : i32
    %dma_start3A_133 = arith.constant 3 : i32
    %dma_start3A_134 = arith.constant 0 : i32
    %dma_start3A_135 = arith.constant 0 : i32
    %dma_start3A_136 = tpu.memref_slice %arg10[%dma_start3A_133, %dma_start3A_134, %dma_start3A_135] : memref<16x128x32xf32, #tpu.memory_space<vmem>> -> memref<1x128x32xf32, #tpu.memory_space<vmem>>
    %dma_start3A_137 = tpu.memref_squeeze %dma_start3A_136 : memref<1x128x32xf32, #tpu.memory_space<vmem>> -> memref<128x32xf32, #tpu.memory_space<vmem>>
    %dma_start3A_138 = arith.constant 0 : i32
    %dma_start3A_139 = tpu.memref_slice %arg8[%rem3A_95, %dma_start3A_132, %dma_start3A_138] : memref<3x8x128xi32, #tpu.memory_space<vmem>> -> memref<1x1x128xi32, #tpu.memory_space<vmem>>
    %dma_start3A_140 = tpu.memref_squeeze %dma_start3A_139 : memref<1x1x128xi32, #tpu.memory_space<vmem>> -> memref<128xi32, #tpu.memory_space<vmem>>
    %dma_start3A_141 = arith.constant 0 : i32
    %dma_start3A_142 = arith.constant 0 : i32
    %dma_start3A_143 = tpu.memref_slice %arg7[%dma_start3A_141, %dma_start3A_142] : memref<10240x32xf32, #tpu.memory_space<vmem_shared>> -> memref<10240x32xf32, #tpu.memory_space<vmem_shared>>
    tpu.enqueue_indirect_dma source(%dma_start3A_143 : memref<10240x32xf32, #tpu.memory_space<vmem_shared>>) target(%dma_start3A_137 : memref<128x32xf32, #tpu.memory_space<vmem>>) offsets(%dma_start3A_140 : memref<128xi32, #tpu.memory_space<vmem>>) semaphore(%arg12 : memref<!tpu.dma_semaphore, #tpu.memory_space<semaphore_mem>>)
    %dma_start3A_144 = arith.constant 4 : i32
    %dma_start3A_145 = arith.constant 4 : i32
    %dma_start3A_146 = arith.constant 0 : i32
    %dma_start3A_147 = arith.constant 0 : i32
    %dma_start3A_148 = tpu.memref_slice %arg10[%dma_start3A_145, %dma_start3A_146, %dma_start3A_147] : memref<16x128x32xf32, #tpu.memory_space<vmem>> -> memref<1x128x32xf32, #tpu.memory_space<vmem>>
    %dma_start3A_149 = tpu.memref_squeeze %dma_start3A_148 : memref<1x128x32xf32, #tpu.memory_space<vmem>> -> memref<128x32xf32, #tpu.memory_space<vmem>>
    %dma_start3A_150 = arith.constant 0 : i32
    %dma_start3A_151 = tpu.memref_slice %arg8[%rem3A_95, %dma_start3A_144, %dma_start3A_150] : memref<3x8x128xi32, #tpu.memory_space<vmem>> -> memref<1x1x128xi32, #tpu.memory_space<vmem>>
    %dma_start3A_152 = tpu.memref_squeeze %dma_start3A_151 : memref<1x1x128xi32, #tpu.memory_space<vmem>> -> memref<128xi32, #tpu.memory_space<vmem>>
    %dma_start3A_153 = arith.constant 0 : i32
    %dma_start3A_154 = arith.constant 0 : i32
    %dma_start3A_155 = tpu.memref_slice %arg7[%dma_start3A_153, %dma_start3A_154] : memref<10240x32xf32, #tpu.memory_space<vmem_shared>> -> memref<10240x32xf32, #tpu.memory_space<vmem_shared>>
    tpu.enqueue_indirect_dma source(%dma_start3A_155 : memref<10240x32xf32, #tpu.memory_space<vmem_shared>>) target(%dma_start3A_149 : memref<128x32xf32, #tpu.memory_space<vmem>>) offsets(%dma_start3A_152 : memref<128xi32, #tpu.memory_space<vmem>>) semaphore(%arg12 : memref<!tpu.dma_semaphore, #tpu.memory_space<semaphore_mem>>)
    %dma_start3A_156 = arith.constant 5 : i32
    %dma_start3A_157 = arith.constant 5 : i32
    %dma_start3A_158 = arith.constant 0 : i32
    %dma_start3A_159 = arith.constant 0 : i32
    %dma_start3A_160 = tpu.memref_slice %arg10[%dma_start3A_157, %dma_start3A_158, %dma_start3A_159] : memref<16x128x32xf32, #tpu.memory_space<vmem>> -> memref<1x128x32xf32, #tpu.memory_space<vmem>>
    %dma_start3A_161 = tpu.memref_squeeze %dma_start3A_160 : memref<1x128x32xf32, #tpu.memory_space<vmem>> -> memref<128x32xf32, #tpu.memory_space<vmem>>
    %dma_start3A_162 = arith.constant 0 : i32
    %dma_start3A_163 = tpu.memref_slice %arg8[%rem3A_95, %dma_start3A_156, %dma_start3A_162] : memref<3x8x128xi32, #tpu.memory_space<vmem>> -> memref<1x1x128xi32, #tpu.memory_space<vmem>>
    %dma_start3A_164 = tpu.memref_squeeze %dma_start3A_163 : memref<1x1x128xi32, #tpu.memory_space<vmem>> -> memref<128xi32, #tpu.memory_space<vmem>>
    %dma_start3A_165 = arith.constant 0 : i32
    %dma_start3A_166 = arith.constant 0 : i32
    %dma_start3A_167 = tpu.memref_slice %arg7[%dma_start3A_165, %dma_start3A_166] : memref<10240x32xf32, #tpu.memory_space<vmem_shared>> -> memref<10240x32xf32, #tpu.memory_space<vmem_shared>>
    tpu.enqueue_indirect_dma source(%dma_start3A_167 : memref<10240x32xf32, #tpu.memory_space<vmem_shared>>) target(%dma_start3A_161 : memref<128x32xf32, #tpu.memory_space<vmem>>) offsets(%dma_start3A_164 : memref<128xi32, #tpu.memory_space<vmem>>) semaphore(%arg12 : memref<!tpu.dma_semaphore, #tpu.memory_space<semaphore_mem>>)
    %dma_start3A_168 = arith.constant 6 : i32
    %dma_start3A_169 = arith.constant 6 : i32
    %dma_start3A_170 = arith.constant 0 : i32
    %dma_start3A_171 = arith.constant 0 : i32
    %dma_start3A_172 = tpu.memref_slice %arg10[%dma_start3A_169, %dma_start3A_170, %dma_start3A_171] : memref<16x128x32xf32, #tpu.memory_space<vmem>> -> memref<1x128x32xf32, #tpu.memory_space<vmem>>
    %dma_start3A_173 = tpu.memref_squeeze %dma_start3A_172 : memref<1x128x32xf32, #tpu.memory_space<vmem>> -> memref<128x32xf32, #tpu.memory_space<vmem>>
    %dma_start3A_174 = arith.constant 0 : i32
    %dma_start3A_175 = tpu.memref_slice %arg8[%rem3A_95, %dma_start3A_168, %dma_start3A_174] : memref<3x8x128xi32, #tpu.memory_space<vmem>> -> memref<1x1x128xi32, #tpu.memory_space<vmem>>
    %dma_start3A_176 = tpu.memref_squeeze %dma_start3A_175 : memref<1x1x128xi32, #tpu.memory_space<vmem>> -> memref<128xi32, #tpu.memory_space<vmem>>
    %dma_start3A_177 = arith.constant 0 : i32
    %dma_start3A_178 = arith.constant 0 : i32
    %dma_start3A_179 = tpu.memref_slice %arg7[%dma_start3A_177, %dma_start3A_178] : memref<10240x32xf32, #tpu.memory_space<vmem_shared>> -> memref<10240x32xf32, #tpu.memory_space<vmem_shared>>
    tpu.enqueue_indirect_dma source(%dma_start3A_179 : memref<10240x32xf32, #tpu.memory_space<vmem_shared>>) target(%dma_start3A_173 : memref<128x32xf32, #tpu.memory_space<vmem>>) offsets(%dma_start3A_176 : memref<128xi32, #tpu.memory_space<vmem>>) semaphore(%arg12 : memref<!tpu.dma_semaphore, #tpu.memory_space<semaphore_mem>>)
    %dma_start3A_180 = arith.constant 7 : i32
    %dma_start3A_181 = arith.constant 7 : i32
    %dma_start3A_182 = arith.constant 0 : i32
    %dma_start3A_183 = arith.constant 0 : i32
    %dma_start3A_184 = tpu.memref_slice %arg10[%dma_start3A_181, %dma_start3A_182, %dma_start3A_183] : memref<16x128x32xf32, #tpu.memory_space<vmem>> -> memref<1x128x32xf32, #tpu.memory_space<vmem>>
    %dma_start3A_185 = tpu.memref_squeeze %dma_start3A_184 : memref<1x128x32xf32, #tpu.memory_space<vmem>> -> memref<128x32xf32, #tpu.memory_space<vmem>>
    %dma_start3A_186 = arith.constant 0 : i32
    %dma_start3A_187 = tpu.memref_slice %arg8[%rem3A_95, %dma_start3A_180, %dma_start3A_186] : memref<3x8x128xi32, #tpu.memory_space<vmem>> -> memref<1x1x128xi32, #tpu.memory_space<vmem>>
    %dma_start3A_188 = tpu.memref_squeeze %dma_start3A_187 : memref<1x1x128xi32, #tpu.memory_space<vmem>> -> memref<128xi32, #tpu.memory_space<vmem>>
    %dma_start3A_189 = arith.constant 0 : i32
    %dma_start3A_190 = arith.constant 0 : i32
    %dma_start3A_191 = tpu.memref_slice %arg7[%dma_start3A_189, %dma_start3A_190] : memref<10240x32xf32, #tpu.memory_space<vmem_shared>> -> memref<10240x32xf32, #tpu.memory_space<vmem_shared>>
    tpu.enqueue_indirect_dma source(%dma_start3A_191 : memref<10240x32xf32, #tpu.memory_space<vmem_shared>>) target(%dma_start3A_185 : memref<128x32xf32, #tpu.memory_space<vmem>>) offsets(%dma_start3A_188 : memref<128xi32, #tpu.memory_space<vmem>>) semaphore(%arg12 : memref<!tpu.dma_semaphore, #tpu.memory_space<semaphore_mem>>)
    %add3A_192 = arith.constant 8 : i32
    %add3A_193 = arith.addi %mul3A_0, %add3A_192 : i32
    %dma_start3A_194 = arith.constant 1 : i32
    %dma_start3A_195 = arith.constant 0 : i32
    %dma_start3A_196 = arith.constant 0 : i32
    %dma_start3A_197 = tpu.memref_slice %arg8[%dma_start3A_194, %dma_start3A_195, %dma_start3A_196] : memref<3x8x128xi32, #tpu.memory_space<vmem>> -> memref<1x8x128xi32, #tpu.memory_space<vmem>>
    %dma_start3A_198 = tpu.memref_squeeze %dma_start3A_197 : memref<1x8x128xi32, #tpu.memory_space<vmem>> -> memref<8x128xi32, #tpu.memory_space<vmem>>
    %dma_start3A_199 = arith.constant 0 : i32
    %dma_start3A_200 = tpu.memref_slice %arg3[%add3A_193, %dma_start3A_199] : memref<2560x128xi32, #tpu.memory_space<hbm>> -> memref<8x128xi32, #tpu.memory_space<hbm>>
    %dma_start3A_201 = arith.constant 0 : i32
    %dma_start3A_202 = arith.constant 0 : i32
    %dma_start3A_203 = tpu.memref_slice %arg8[%dma_start3A_194, %dma_start3A_201, %dma_start3A_202] : memref<3x8x128xi32, #tpu.memory_space<vmem>> -> memref<1x8x128xi32, #tpu.memory_space<vmem>>
    %dma_start3A_204 = tpu.memref_squeeze %dma_start3A_203 : memref<1x8x128xi32, #tpu.memory_space<vmem>> -> memref<8x128xi32, #tpu.memory_space<vmem>>
    %dma_start3A_205 = arith.constant 0 : i32
    %dma_start3A_206 = tpu.memref_slice %arg3[%add3A_193, %dma_start3A_205] : memref<2560x128xi32, #tpu.memory_space<hbm>> -> memref<8x128xi32, #tpu.memory_space<hbm>>
    tpu.enqueue_dma source(%dma_start3A_206 : memref<8x128xi32, #tpu.memory_space<hbm>>) target(%dma_start3A_204 : memref<8x128xi32, #tpu.memory_space<vmem>>) target_semaphore(%arg11 : memref<!tpu.dma_semaphore, #tpu.memory_space<semaphore_mem>>)
    %add3A_207 = arith.constant 8 : i32
    %add3A_208 = arith.addi %mul3A_0, %add3A_207 : i32
    %dma_start3A_209 = arith.constant 1 : i32
    %dma_start3A_210 = arith.constant 0 : i32
    %dma_start3A_211 = arith.constant 0 : i32
    %dma_start3A_212 = tpu.memref_slice %arg9[%dma_start3A_209, %dma_start3A_210, %dma_start3A_211] : memref<3x8x128xi32, #tpu.memory_space<vmem>> -> memref<1x8x128xi32, #tpu.memory_space<vmem>>
    %dma_start3A_213 = tpu.memref_squeeze %dma_start3A_212 : memref<1x8x128xi32, #tpu.memory_space<vmem>> -> memref<8x128xi32, #tpu.memory_space<vmem>>
    %dma_start3A_214 = arith.constant 0 : i32
    %dma_start3A_215 = tpu.memref_slice %arg4[%add3A_208, %dma_start3A_214] : memref<2560x128xi32, #tpu.memory_space<hbm>> -> memref<8x128xi32, #tpu.memory_space<hbm>>
    %dma_start3A_216 = arith.constant 0 : i32
    %dma_start3A_217 = arith.constant 0 : i32
    %dma_start3A_218 = tpu.memref_slice %arg9[%dma_start3A_209, %dma_start3A_216, %dma_start3A_217] : memref<3x8x128xi32, #tpu.memory_space<vmem>> -> memref<1x8x128xi32, #tpu.memory_space<vmem>>
    %dma_start3A_219 = tpu.memref_squeeze %dma_start3A_218 : memref<1x8x128xi32, #tpu.memory_space<vmem>> -> memref<8x128xi32, #tpu.memory_space<vmem>>
    %dma_start3A_220 = arith.constant 0 : i32
    %dma_start3A_221 = tpu.memref_slice %arg4[%add3A_208, %dma_start3A_220] : memref<2560x128xi32, #tpu.memory_space<hbm>> -> memref<8x128xi32, #tpu.memory_space<hbm>>
    tpu.enqueue_dma source(%dma_start3A_221 : memref<8x128xi32, #tpu.memory_space<hbm>>) target(%dma_start3A_219 : memref<8x128xi32, #tpu.memory_space<vmem>>) target_semaphore(%arg11 : memref<!tpu.dma_semaphore, #tpu.memory_space<semaphore_mem>>)
    %scan3A_222 = arith.constant 0 : i32
    %scan3A_223 = arith.constant 0 : i32
    %scan3A_224 = arith.constant 20 : i32
    %scan3A_225 = arith.addi %scan3A_223, %scan3A_224 : i32
    %scan3A_226 = arith.constant 1 : i32
    %scan3A_227 = scf.for %scan3A_356 = %scan3A_223 to %scan3A_225 step %scan3A_226 iter_args(%scan3A_357 = %scan3A_222) -> (i32)  : i32 {
      %add3A_358 = arith.constant 1 : i32
      %add3A_359 = arith.addi %scan3A_356, %add3A_358 : i32
      %jit3A = arith.constant 2 : i32
      %eq3A = arith.constant 0 : i32
      %eq3A_360 = arith.cmpi eq, %jit3A, %eq3A : i32
      %jit3A_361 = arith.constant 1 : i32
      %select_n3A = arith.select %eq3A_360, %jit3A_361, %jit3A : i32
      %rem3A_362 = arith.remsi %add3A_359, %select_n3A : i32
      %ne3A = arith.constant 0 : i32
      %ne3A_363 = arith.cmpi ne, %rem3A_362, %ne3A : i32
      %lt3A = arith.constant 0 : i32
      %lt3A_364 = arith.cmpi slt, %rem3A_362, %lt3A : i32
      %lt3A_365 = arith.constant 0 : i32
      %lt3A_366 = arith.cmpi slt, %select_n3A, %lt3A_365 : i32
      %ne3A_367 = arith.xori %lt3A_364, %lt3A_366 : i1
      %and3A = arith.andi %ne3A_367, %ne3A_363 : i1
      %add3A_368 = arith.addi %rem3A_362, %select_n3A : i32
      %select_n3A_369 = arith.select %and3A, %add3A_368, %rem3A_362 : i32
      %ge3A = arith.constant 1 : i32
      %ge3A_370 = arith.cmpi sge, %scan3A_356, %ge3A : i32
      %convert_element_type3A = arith.extui %ge3A_370 : i1 to i32
      %cond3A = arith.constant 0 : i32
      %cond3A_371 = arith.cmpi ne, %convert_element_type3A, %cond3A : i32
      scf.if %cond3A_371 {
        %dma_wait3A_640 = arith.constant 0 : i32
        %dma_wait3A_641 = arith.constant 0 : i32
        %dma_wait3A_642 = arith.constant 0 : i32
        %dma_wait3A_643 = tpu.memref_slice %arg10[%dma_wait3A_640, %dma_wait3A_641, %dma_wait3A_642] : memref<16x128x32xf32, #tpu.memory_space<vmem>> -> memref<1x128x32xf32, #tpu.memory_space<vmem>>
        %dma_wait3A_644 = tpu.memref_squeeze %dma_wait3A_643 : memref<1x128x32xf32, #tpu.memory_space<vmem>> -> memref<128x32xf32, #tpu.memory_space<vmem>>
        %dma_wait3A_645 = arith.constant 0 : i32
        %dma_wait3A_646 = arith.constant 0 : i32
        %dma_wait3A_647 = tpu.memref_slice %arg2[%dma_wait3A_645, %dma_wait3A_646] : memref<10240x64xf32, #tpu.memory_space<hbm>> -> memref<128x32xf32, #tpu.memory_space<hbm>>
        %dma_wait3A_648 = arith.constant 0 : i32
        %dma_wait3A_649 = arith.constant 0 : i32
        %dma_wait3A_650 = tpu.memref_slice %arg10[%dma_wait3A_640, %dma_wait3A_648, %dma_wait3A_649] : memref<16x128x32xf32, #tpu.memory_space<vmem>> -> memref<1x128x32xf32, #tpu.memory_space<vmem>>
        %dma_wait3A_651 = tpu.memref_squeeze %dma_wait3A_650 : memref<1x128x32xf32, #tpu.memory_space<vmem>> -> memref<128x32xf32, #tpu.memory_space<vmem>>
        %dma_wait3A_652 = arith.constant 0 : i32
        %dma_wait3A_653 = arith.constant 0 : i32
        %dma_wait3A_654 = tpu.memref_slice %arg2[%dma_wait3A_652, %dma_wait3A_653] : memref<10240x64xf32, #tpu.memory_space<hbm>> -> memref<128x32xf32, #tpu.memory_space<hbm>>
        tpu.wait_dma2 semaphore(%arg13 : memref<!tpu.dma_semaphore, #tpu.memory_space<semaphore_mem>>) src(%dma_wait3A_654 : memref<128x32xf32, #tpu.memory_space<hbm>>) dst(%dma_wait3A_651 : memref<128x32xf32, #tpu.memory_space<vmem>>)
        %dma_wait3A_655 = arith.constant 0 : i32
        %dma_wait3A_656 = arith.constant 0 : i32
        %dma_wait3A_657 = arith.constant 0 : i32
        %dma_wait3A_658 = tpu.memref_slice %arg10[%dma_wait3A_655, %dma_wait3A_656, %dma_wait3A_657] : memref<16x128x32xf32, #tpu.memory_space<vmem>> -> memref<1x128x32xf32, #tpu.memory_space<vmem>>
        %dma_wait3A_659 = tpu.memref_squeeze %dma_wait3A_658 : memref<1x128x32xf32, #tpu.memory_space<vmem>> -> memref<128x32xf32, #tpu.memory_space<vmem>>
        %dma_wait3A_660 = arith.constant 0 : i32
        %dma_wait3A_661 = arith.constant 0 : i32
        %dma_wait3A_662 = tpu.memref_slice %arg2[%dma_wait3A_660, %dma_wait3A_661] : memref<10240x64xf32, #tpu.memory_space<hbm>> -> memref<128x32xf32, #tpu.memory_space<hbm>>
        %dma_wait3A_663 = arith.constant 0 : i32
        %dma_wait3A_664 = arith.constant 0 : i32
        %dma_wait3A_665 = tpu.memref_slice %arg10[%dma_wait3A_655, %dma_wait3A_663, %dma_wait3A_664] : memref<16x128x32xf32, #tpu.memory_space<vmem>> -> memref<1x128x32xf32, #tpu.memory_space<vmem>>
        %dma_wait3A_666 = tpu.memref_squeeze %dma_wait3A_665 : memref<1x128x32xf32, #tpu.memory_space<vmem>> -> memref<128x32xf32, #tpu.memory_space<vmem>>
        %dma_wait3A_667 = arith.constant 0 : i32
        %dma_wait3A_668 = arith.constant 0 : i32
        %dma_wait3A_669 = tpu.memref_slice %arg2[%dma_wait3A_667, %dma_wait3A_668] : memref<10240x64xf32, #tpu.memory_space<hbm>> -> memref<128x32xf32, #tpu.memory_space<hbm>>
        tpu.wait_dma2 semaphore(%arg13 : memref<!tpu.dma_semaphore, #tpu.memory_space<semaphore_mem>>) src(%dma_wait3A_669 : memref<128x32xf32, #tpu.memory_space<hbm>>) dst(%dma_wait3A_666 : memref<128x32xf32, #tpu.memory_space<vmem>>)
        %dma_wait3A_670 = arith.constant 0 : i32
        %dma_wait3A_671 = arith.constant 0 : i32
        %dma_wait3A_672 = arith.constant 0 : i32
        %dma_wait3A_673 = tpu.memref_slice %arg10[%dma_wait3A_670, %dma_wait3A_671, %dma_wait3A_672] : memref<16x128x32xf32, #tpu.memory_space<vmem>> -> memref<1x128x32xf32, #tpu.memory_space<vmem>>
        %dma_wait3A_674 = tpu.memref_squeeze %dma_wait3A_673 : memref<1x128x32xf32, #tpu.memory_space<vmem>> -> memref<128x32xf32, #tpu.memory_space<vmem>>
        %dma_wait3A_675 = arith.constant 0 : i32
        %dma_wait3A_676 = arith.constant 0 : i32
        %dma_wait3A_677 = tpu.memref_slice %arg2[%dma_wait3A_675, %dma_wait3A_676] : memref<10240x64xf32, #tpu.memory_space<hbm>> -> memref<128x32xf32, #tpu.memory_space<hbm>>
        %dma_wait3A_678 = arith.constant 0 : i32
        %dma_wait3A_679 = arith.constant 0 : i32
        %dma_wait3A_680 = tpu.memref_slice %arg10[%dma_wait3A_670, %dma_wait3A_678, %dma_wait3A_679] : memref<16x128x32xf32, #tpu.memory_space<vmem>> -> memref<1x128x32xf32, #tpu.memory_space<vmem>>
        %dma_wait3A_681 = tpu.memref_squeeze %dma_wait3A_680 : memref<1x128x32xf32, #tpu.memory_space<vmem>> -> memref<128x32xf32, #tpu.memory_space<vmem>>
        %dma_wait3A_682 = arith.constant 0 : i32
        %dma_wait3A_683 = arith.constant 0 : i32
        %dma_wait3A_684 = tpu.memref_slice %arg2[%dma_wait3A_682, %dma_wait3A_683] : memref<10240x64xf32, #tpu.memory_space<hbm>> -> memref<128x32xf32, #tpu.memory_space<hbm>>
        tpu.wait_dma2 semaphore(%arg13 : memref<!tpu.dma_semaphore, #tpu.memory_space<semaphore_mem>>) src(%dma_wait3A_684 : memref<128x32xf32, #tpu.memory_space<hbm>>) dst(%dma_wait3A_681 : memref<128x32xf32, #tpu.memory_space<vmem>>)
        %dma_wait3A_685 = arith.constant 0 : i32
        %dma_wait3A_686 = arith.constant 0 : i32
        %dma_wait3A_687 = arith.constant 0 : i32
        %dma_wait3A_688 = tpu.memref_slice %arg10[%dma_wait3A_685, %dma_wait3A_686, %dma_wait3A_687] : memref<16x128x32xf32, #tpu.memory_space<vmem>> -> memref<1x128x32xf32, #tpu.memory_space<vmem>>
        %dma_wait3A_689 = tpu.memref_squeeze %dma_wait3A_688 : memref<1x128x32xf32, #tpu.memory_space<vmem>> -> memref<128x32xf32, #tpu.memory_space<vmem>>
        %dma_wait3A_690 = arith.constant 0 : i32
        %dma_wait3A_691 = arith.constant 0 : i32
        %dma_wait3A_692 = tpu.memref_slice %arg2[%dma_wait3A_690, %dma_wait3A_691] : memref<10240x64xf32, #tpu.memory_space<hbm>> -> memref<128x32xf32, #tpu.memory_space<hbm>>
        %dma_wait3A_693 = arith.constant 0 : i32
        %dma_wait3A_694 = arith.constant 0 : i32
        %dma_wait3A_695 = tpu.memref_slice %arg10[%dma_wait3A_685, %dma_wait3A_693, %dma_wait3A_694] : memref<16x128x32xf32, #tpu.memory_space<vmem>> -> memref<1x128x32xf32, #tpu.memory_space<vmem>>
        %dma_wait3A_696 = tpu.memref_squeeze %dma_wait3A_695 : memref<1x128x32xf32, #tpu.memory_space<vmem>> -> memref<128x32xf32, #tpu.memory_space<vmem>>
        %dma_wait3A_697 = arith.constant 0 : i32
        %dma_wait3A_698 = arith.constant 0 : i32
        %dma_wait3A_699 = tpu.memref_slice %arg2[%dma_wait3A_697, %dma_wait3A_698] : memref<10240x64xf32, #tpu.memory_space<hbm>> -> memref<128x32xf32, #tpu.memory_space<hbm>>
        tpu.wait_dma2 semaphore(%arg13 : memref<!tpu.dma_semaphore, #tpu.memory_space<semaphore_mem>>) src(%dma_wait3A_699 : memref<128x32xf32, #tpu.memory_space<hbm>>) dst(%dma_wait3A_696 : memref<128x32xf32, #tpu.memory_space<vmem>>)
        %dma_wait3A_700 = arith.constant 0 : i32
        %dma_wait3A_701 = arith.constant 0 : i32
        %dma_wait3A_702 = arith.constant 0 : i32
        %dma_wait3A_703 = tpu.memref_slice %arg10[%dma_wait3A_700, %dma_wait3A_701, %dma_wait3A_702] : memref<16x128x32xf32, #tpu.memory_space<vmem>> -> memref<1x128x32xf32, #tpu.memory_space<vmem>>
        %dma_wait3A_704 = tpu.memref_squeeze %dma_wait3A_703 : memref<1x128x32xf32, #tpu.memory_space<vmem>> -> memref<128x32xf32, #tpu.memory_space<vmem>>
        %dma_wait3A_705 = arith.constant 0 : i32
        %dma_wait3A_706 = arith.constant 0 : i32
        %dma_wait3A_707 = tpu.memref_slice %arg2[%dma_wait3A_705, %dma_wait3A_706] : memref<10240x64xf32, #tpu.memory_space<hbm>> -> memref<128x32xf32, #tpu.memory_space<hbm>>
        %dma_wait3A_708 = arith.constant 0 : i32
        %dma_wait3A_709 = arith.constant 0 : i32
        %dma_wait3A_710 = tpu.memref_slice %arg10[%dma_wait3A_700, %dma_wait3A_708, %dma_wait3A_709] : memref<16x128x32xf32, #tpu.memory_space<vmem>> -> memref<1x128x32xf32, #tpu.memory_space<vmem>>
        %dma_wait3A_711 = tpu.memref_squeeze %dma_wait3A_710 : memref<1x128x32xf32, #tpu.memory_space<vmem>> -> memref<128x32xf32, #tpu.memory_space<vmem>>
        %dma_wait3A_712 = arith.constant 0 : i32
        %dma_wait3A_713 = arith.constant 0 : i32
        %dma_wait3A_714 = tpu.memref_slice %arg2[%dma_wait3A_712, %dma_wait3A_713] : memref<10240x64xf32, #tpu.memory_space<hbm>> -> memref<128x32xf32, #tpu.memory_space<hbm>>
        tpu.wait_dma2 semaphore(%arg13 : memref<!tpu.dma_semaphore, #tpu.memory_space<semaphore_mem>>) src(%dma_wait3A_714 : memref<128x32xf32, #tpu.memory_space<hbm>>) dst(%dma_wait3A_711 : memref<128x32xf32, #tpu.memory_space<vmem>>)
        %dma_wait3A_715 = arith.constant 0 : i32
        %dma_wait3A_716 = arith.constant 0 : i32
        %dma_wait3A_717 = arith.constant 0 : i32
        %dma_wait3A_718 = tpu.memref_slice %arg10[%dma_wait3A_715, %dma_wait3A_716, %dma_wait3A_717] : memref<16x128x32xf32, #tpu.memory_space<vmem>> -> memref<1x128x32xf32, #tpu.memory_space<vmem>>
        %dma_wait3A_719 = tpu.memref_squeeze %dma_wait3A_718 : memref<1x128x32xf32, #tpu.memory_space<vmem>> -> memref<128x32xf32, #tpu.memory_space<vmem>>
        %dma_wait3A_720 = arith.constant 0 : i32
        %dma_wait3A_721 = arith.constant 0 : i32
        %dma_wait3A_722 = tpu.memref_slice %arg2[%dma_wait3A_720, %dma_wait3A_721] : memref<10240x64xf32, #tpu.memory_space<hbm>> -> memref<128x32xf32, #tpu.memory_space<hbm>>
        %dma_wait3A_723 = arith.constant 0 : i32
        %dma_wait3A_724 = arith.constant 0 : i32
        %dma_wait3A_725 = tpu.memref_slice %arg10[%dma_wait3A_715, %dma_wait3A_723, %dma_wait3A_724] : memref<16x128x32xf32, #tpu.memory_space<vmem>> -> memref<1x128x32xf32, #tpu.memory_space<vmem>>
        %dma_wait3A_726 = tpu.memref_squeeze %dma_wait3A_725 : memref<1x128x32xf32, #tpu.memory_space<vmem>> -> memref<128x32xf32, #tpu.memory_space<vmem>>
        %dma_wait3A_727 = arith.constant 0 : i32
        %dma_wait3A_728 = arith.constant 0 : i32
        %dma_wait3A_729 = tpu.memref_slice %arg2[%dma_wait3A_727, %dma_wait3A_728] : memref<10240x64xf32, #tpu.memory_space<hbm>> -> memref<128x32xf32, #tpu.memory_space<hbm>>
        tpu.wait_dma2 semaphore(%arg13 : memref<!tpu.dma_semaphore, #tpu.memory_space<semaphore_mem>>) src(%dma_wait3A_729 : memref<128x32xf32, #tpu.memory_space<hbm>>) dst(%dma_wait3A_726 : memref<128x32xf32, #tpu.memory_space<vmem>>)
        %dma_wait3A_730 = arith.constant 0 : i32
        %dma_wait3A_731 = arith.constant 0 : i32
        %dma_wait3A_732 = arith.constant 0 : i32
        %dma_wait3A_733 = tpu.memref_slice %arg10[%dma_wait3A_730, %dma_wait3A_731, %dma_wait3A_732] : memref<16x128x32xf32, #tpu.memory_space<vmem>> -> memref<1x128x32xf32, #tpu.memory_space<vmem>>
        %dma_wait3A_734 = tpu.memref_squeeze %dma_wait3A_733 : memref<1x128x32xf32, #tpu.memory_space<vmem>> -> memref<128x32xf32, #tpu.memory_space<vmem>>
        %dma_wait3A_735 = arith.constant 0 : i32
        %dma_wait3A_736 = arith.constant 0 : i32
        %dma_wait3A_737 = tpu.memref_slice %arg2[%dma_wait3A_735, %dma_wait3A_736] : memref<10240x64xf32, #tpu.memory_space<hbm>> -> memref<128x32xf32, #tpu.memory_space<hbm>>
        %dma_wait3A_738 = arith.constant 0 : i32
        %dma_wait3A_739 = arith.constant 0 : i32
        %dma_wait3A_740 = tpu.memref_slice %arg10[%dma_wait3A_730, %dma_wait3A_738, %dma_wait3A_739] : memref<16x128x32xf32, #tpu.memory_space<vmem>> -> memref<1x128x32xf32, #tpu.memory_space<vmem>>
        %dma_wait3A_741 = tpu.memref_squeeze %dma_wait3A_740 : memref<1x128x32xf32, #tpu.memory_space<vmem>> -> memref<128x32xf32, #tpu.memory_space<vmem>>
        %dma_wait3A_742 = arith.constant 0 : i32
        %dma_wait3A_743 = arith.constant 0 : i32
        %dma_wait3A_744 = tpu.memref_slice %arg2[%dma_wait3A_742, %dma_wait3A_743] : memref<10240x64xf32, #tpu.memory_space<hbm>> -> memref<128x32xf32, #tpu.memory_space<hbm>>
        tpu.wait_dma2 semaphore(%arg13 : memref<!tpu.dma_semaphore, #tpu.memory_space<semaphore_mem>>) src(%dma_wait3A_744 : memref<128x32xf32, #tpu.memory_space<hbm>>) dst(%dma_wait3A_741 : memref<128x32xf32, #tpu.memory_space<vmem>>)
        %dma_wait3A_745 = arith.constant 0 : i32
        %dma_wait3A_746 = arith.constant 0 : i32
        %dma_wait3A_747 = arith.constant 0 : i32
        %dma_wait3A_748 = tpu.memref_slice %arg10[%dma_wait3A_745, %dma_wait3A_746, %dma_wait3A_747] : memref<16x128x32xf32, #tpu.memory_space<vmem>> -> memref<1x128x32xf32, #tpu.memory_space<vmem>>
        %dma_wait3A_749 = tpu.memref_squeeze %dma_wait3A_748 : memref<1x128x32xf32, #tpu.memory_space<vmem>> -> memref<128x32xf32, #tpu.memory_space<vmem>>
        %dma_wait3A_750 = arith.constant 0 : i32
        %dma_wait3A_751 = arith.constant 0 : i32
        %dma_wait3A_752 = tpu.memref_slice %arg2[%dma_wait3A_750, %dma_wait3A_751] : memref<10240x64xf32, #tpu.memory_space<hbm>> -> memref<128x32xf32, #tpu.memory_space<hbm>>
        %dma_wait3A_753 = arith.constant 0 : i32
        %dma_wait3A_754 = arith.constant 0 : i32
        %dma_wait3A_755 = tpu.memref_slice %arg10[%dma_wait3A_745, %dma_wait3A_753, %dma_wait3A_754] : memref<16x128x32xf32, #tpu.memory_space<vmem>> -> memref<1x128x32xf32, #tpu.memory_space<vmem>>
        %dma_wait3A_756 = tpu.memref_squeeze %dma_wait3A_755 : memref<1x128x32xf32, #tpu.memory_space<vmem>> -> memref<128x32xf32, #tpu.memory_space<vmem>>
        %dma_wait3A_757 = arith.constant 0 : i32
        %dma_wait3A_758 = arith.constant 0 : i32
        %dma_wait3A_759 = tpu.memref_slice %arg2[%dma_wait3A_757, %dma_wait3A_758] : memref<10240x64xf32, #tpu.memory_space<hbm>> -> memref<128x32xf32, #tpu.memory_space<hbm>>
        tpu.wait_dma2 semaphore(%arg13 : memref<!tpu.dma_semaphore, #tpu.memory_space<semaphore_mem>>) src(%dma_wait3A_759 : memref<128x32xf32, #tpu.memory_space<hbm>>) dst(%dma_wait3A_756 : memref<128x32xf32, #tpu.memory_space<vmem>>)
      } else {
      }
      %le3A = arith.constant 18 : i32
      %le3A_372 = arith.cmpi sle, %scan3A_356, %le3A : i32
      %convert_element_type3A_373 = arith.extui %le3A_372 : i1 to i32
      %cond3A_374 = arith.constant 0 : i32
      %cond3A_375 = arith.cmpi ne, %convert_element_type3A_373, %cond3A_374 : i32
      scf.if %cond3A_375 {
        %dma_wait3A_640 = arith.constant 0 : i32
        %dma_wait3A_641 = arith.constant 0 : i32
        %dma_wait3A_642 = arith.constant 0 : i32
        %dma_wait3A_643 = tpu.memref_slice %arg8[%dma_wait3A_640, %dma_wait3A_641, %dma_wait3A_642] : memref<3x8x128xi32, #tpu.memory_space<vmem>> -> memref<1x8x128xi32, #tpu.memory_space<vmem>>
        %dma_wait3A_644 = tpu.memref_squeeze %dma_wait3A_643 : memref<1x8x128xi32, #tpu.memory_space<vmem>> -> memref<8x128xi32, #tpu.memory_space<vmem>>
        %dma_wait3A_645 = arith.constant 0 : i32
        %dma_wait3A_646 = arith.constant 0 : i32
        %dma_wait3A_647 = tpu.memref_slice %arg3[%dma_wait3A_645, %dma_wait3A_646] : memref<2560x128xi32, #tpu.memory_space<hbm>> -> memref<8x128xi32, #tpu.memory_space<hbm>>
        %dma_wait3A_648 = arith.constant 0 : i32
        %dma_wait3A_649 = arith.constant 0 : i32
        %dma_wait3A_650 = tpu.memref_slice %arg8[%dma_wait3A_640, %dma_wait3A_648, %dma_wait3A_649] : memref<3x8x128xi32, #tpu.memory_space<vmem>> -> memref<1x8x128xi32, #tpu.memory_space<vmem>>
        %dma_wait3A_651 = tpu.memref_squeeze %dma_wait3A_650 : memref<1x8x128xi32, #tpu.memory_space<vmem>> -> memref<8x128xi32, #tpu.memory_space<vmem>>
        %dma_wait3A_652 = arith.constant 0 : i32
        %dma_wait3A_653 = arith.constant 0 : i32
        %dma_wait3A_654 = tpu.memref_slice %arg3[%dma_wait3A_652, %dma_wait3A_653] : memref<2560x128xi32, #tpu.memory_space<hbm>> -> memref<8x128xi32, #tpu.memory_space<hbm>>
        tpu.wait_dma2 semaphore(%arg11 : memref<!tpu.dma_semaphore, #tpu.memory_space<semaphore_mem>>) src(%dma_wait3A_654 : memref<8x128xi32, #tpu.memory_space<hbm>>) dst(%dma_wait3A_651 : memref<8x128xi32, #tpu.memory_space<vmem>>)
        %dma_wait3A_655 = arith.constant 0 : i32
        %dma_wait3A_656 = arith.constant 0 : i32
        %dma_wait3A_657 = arith.constant 0 : i32
        %dma_wait3A_658 = tpu.memref_slice %arg8[%dma_wait3A_655, %dma_wait3A_656, %dma_wait3A_657] : memref<3x8x128xi32, #tpu.memory_space<vmem>> -> memref<1x8x128xi32, #tpu.memory_space<vmem>>
        %dma_wait3A_659 = tpu.memref_squeeze %dma_wait3A_658 : memref<1x8x128xi32, #tpu.memory_space<vmem>> -> memref<8x128xi32, #tpu.memory_space<vmem>>
        %dma_wait3A_660 = arith.constant 0 : i32
        %dma_wait3A_661 = arith.constant 0 : i32
        %dma_wait3A_662 = tpu.memref_slice %arg3[%dma_wait3A_660, %dma_wait3A_661] : memref<2560x128xi32, #tpu.memory_space<hbm>> -> memref<8x128xi32, #tpu.memory_space<hbm>>
        %dma_wait3A_663 = arith.constant 0 : i32
        %dma_wait3A_664 = arith.constant 0 : i32
        %dma_wait3A_665 = tpu.memref_slice %arg8[%dma_wait3A_655, %dma_wait3A_663, %dma_wait3A_664] : memref<3x8x128xi32, #tpu.memory_space<vmem>> -> memref<1x8x128xi32, #tpu.memory_space<vmem>>
        %dma_wait3A_666 = tpu.memref_squeeze %dma_wait3A_665 : memref<1x8x128xi32, #tpu.memory_space<vmem>> -> memref<8x128xi32, #tpu.memory_space<vmem>>
        %dma_wait3A_667 = arith.constant 0 : i32
        %dma_wait3A_668 = arith.constant 0 : i32
        %dma_wait3A_669 = tpu.memref_slice %arg3[%dma_wait3A_667, %dma_wait3A_668] : memref<2560x128xi32, #tpu.memory_space<hbm>> -> memref<8x128xi32, #tpu.memory_space<hbm>>
        tpu.wait_dma2 semaphore(%arg11 : memref<!tpu.dma_semaphore, #tpu.memory_space<semaphore_mem>>) src(%dma_wait3A_669 : memref<8x128xi32, #tpu.memory_space<hbm>>) dst(%dma_wait3A_666 : memref<8x128xi32, #tpu.memory_space<vmem>>)
        %add3A_670 = arith.constant 1 : i32
        %add3A_671 = arith.addi %scan3A_356, %add3A_670 : i32
        %rem3A_672 = arith.constant 3 : i32
        %rem3A_673 = arith.remsi %add3A_671, %rem3A_672 : i32
        %mul3A_674 = arith.constant 8 : i32
        %mul3A_675 = arith.muli %select_n3A_369, %mul3A_674 : i32
        %add3A_676 = arith.constant 0 : i32
        %add3A_677 = arith.addi %mul3A_675, %add3A_676 : i32
        %dma_start3A_678 = arith.constant 0 : i32
        %dma_start3A_679 = arith.constant 0 : i32
        %dma_start3A_680 = arith.constant 0 : i32
        %dma_start3A_681 = tpu.memref_slice %arg10[%add3A_677, %dma_start3A_679, %dma_start3A_680] : memref<16x128x32xf32, #tpu.memory_space<vmem>> -> memref<1x128x32xf32, #tpu.memory_space<vmem>>
        %dma_start3A_682 = tpu.memref_squeeze %dma_start3A_681 : memref<1x128x32xf32, #tpu.memory_space<vmem>> -> memref<128x32xf32, #tpu.memory_space<vmem>>
        %dma_start3A_683 = arith.constant 0 : i32
        %dma_start3A_684 = tpu.memref_slice %arg8[%rem3A_673, %dma_start3A_678, %dma_start3A_683] : memref<3x8x128xi32, #tpu.memory_space<vmem>> -> memref<1x1x128xi32, #tpu.memory_space<vmem>>
        %dma_start3A_685 = tpu.memref_squeeze %dma_start3A_684 : memref<1x1x128xi32, #tpu.memory_space<vmem>> -> memref<128xi32, #tpu.memory_space<vmem>>
        %dma_start3A_686 = arith.constant 0 : i32
        %dma_start3A_687 = arith.constant 0 : i32
        %dma_start3A_688 = tpu.memref_slice %arg7[%dma_start3A_686, %dma_start3A_687] : memref<10240x32xf32, #tpu.memory_space<vmem_shared>> -> memref<10240x32xf32, #tpu.memory_space<vmem_shared>>
        tpu.enqueue_indirect_dma source(%dma_start3A_688 : memref<10240x32xf32, #tpu.memory_space<vmem_shared>>) target(%dma_start3A_682 : memref<128x32xf32, #tpu.memory_space<vmem>>) offsets(%dma_start3A_685 : memref<128xi32, #tpu.memory_space<vmem>>) semaphore(%arg12 : memref<!tpu.dma_semaphore, #tpu.memory_space<semaphore_mem>>)
        %mul3A_689 = arith.constant 8 : i32
        %mul3A_690 = arith.muli %select_n3A_369, %mul3A_689 : i32
        %add3A_691 = arith.constant 1 : i32
        %add3A_692 = arith.addi %mul3A_690, %add3A_691 : i32
        %dma_start3A_693 = arith.constant 1 : i32
        %dma_start3A_694 = arith.constant 0 : i32
        %dma_start3A_695 = arith.constant 0 : i32
        %dma_start3A_696 = tpu.memref_slice %arg10[%add3A_692, %dma_start3A_694, %dma_start3A_695] : memref<16x128x32xf32, #tpu.memory_space<vmem>> -> memref<1x128x32xf32, #tpu.memory_space<vmem>>
        %dma_start3A_697 = tpu.memref_squeeze %dma_start3A_696 : memref<1x128x32xf32, #tpu.memory_space<vmem>> -> memref<128x32xf32, #tpu.memory_space<vmem>>
        %dma_start3A_698 = arith.constant 0 : i32
        %dma_start3A_699 = tpu.memref_slice %arg8[%rem3A_673, %dma_start3A_693, %dma_start3A_698] : memref<3x8x128xi32, #tpu.memory_space<vmem>> -> memref<1x1x128xi32, #tpu.memory_space<vmem>>
        %dma_start3A_700 = tpu.memref_squeeze %dma_start3A_699 : memref<1x1x128xi32, #tpu.memory_space<vmem>> -> memref<128xi32, #tpu.memory_space<vmem>>
        %dma_start3A_701 = arith.constant 0 : i32
        %dma_start3A_702 = arith.constant 0 : i32
        %dma_start3A_703 = tpu.memref_slice %arg7[%dma_start3A_701, %dma_start3A_702] : memref<10240x32xf32, #tpu.memory_space<vmem_shared>> -> memref<10240x32xf32, #tpu.memory_space<vmem_shared>>
        tpu.enqueue_indirect_dma source(%dma_start3A_703 : memref<10240x32xf32, #tpu.memory_space<vmem_shared>>) target(%dma_start3A_697 : memref<128x32xf32, #tpu.memory_space<vmem>>) offsets(%dma_start3A_700 : memref<128xi32, #tpu.memory_space<vmem>>) semaphore(%arg12 : memref<!tpu.dma_semaphore, #tpu.memory_space<semaphore_mem>>)
        %mul3A_704 = arith.constant 8 : i32
        %mul3A_705 = arith.muli %select_n3A_369, %mul3A_704 : i32
        %add3A_706 = arith.constant 2 : i32
        %add3A_707 = arith.addi %mul3A_705, %add3A_706 : i32
        %dma_start3A_708 = arith.constant 2 : i32
        %dma_start3A_709 = arith.constant 0 : i32
        %dma_start3A_710 = arith.constant 0 : i32
        %dma_start3A_711 = tpu.memref_slice %arg10[%add3A_707, %dma_start3A_709, %dma_start3A_710] : memref<16x128x32xf32, #tpu.memory_space<vmem>> -> memref<1x128x32xf32, #tpu.memory_space<vmem>>
        %dma_start3A_712 = tpu.memref_squeeze %dma_start3A_711 : memref<1x128x32xf32, #tpu.memory_space<vmem>> -> memref<128x32xf32, #tpu.memory_space<vmem>>
        %dma_start3A_713 = arith.constant 0 : i32
        %dma_start3A_714 = tpu.memref_slice %arg8[%rem3A_673, %dma_start3A_708, %dma_start3A_713] : memref<3x8x128xi32, #tpu.memory_space<vmem>> -> memref<1x1x128xi32, #tpu.memory_space<vmem>>
        %dma_start3A_715 = tpu.memref_squeeze %dma_start3A_714 : memref<1x1x128xi32, #tpu.memory_space<vmem>> -> memref<128xi32, #tpu.memory_space<vmem>>
        %dma_start3A_716 = arith.constant 0 : i32
        %dma_start3A_717 = arith.constant 0 : i32
        %dma_start3A_718 = tpu.memref_slice %arg7[%dma_start3A_716, %dma_start3A_717] : memref<10240x32xf32, #tpu.memory_space<vmem_shared>> -> memref<10240x32xf32, #tpu.memory_space<vmem_shared>>
        tpu.enqueue_indirect_dma source(%dma_start3A_718 : memref<10240x32xf32, #tpu.memory_space<vmem_shared>>) target(%dma_start3A_712 : memref<128x32xf32, #tpu.memory_space<vmem>>) offsets(%dma_start3A_715 : memref<128xi32, #tpu.memory_space<vmem>>) semaphore(%arg12 : memref<!tpu.dma_semaphore, #tpu.memory_space<semaphore_mem>>)
        %mul3A_719 = arith.constant 8 : i32
        %mul3A_720 = arith.muli %select_n3A_369, %mul3A_719 : i32
        %add3A_721 = arith.constant 3 : i32
        %add3A_722 = arith.addi %mul3A_720, %add3A_721 : i32
        %dma_start3A_723 = arith.constant 3 : i32
        %dma_start3A_724 = arith.constant 0 : i32
        %dma_start3A_725 = arith.constant 0 : i32
        %dma_start3A_726 = tpu.memref_slice %arg10[%add3A_722, %dma_start3A_724, %dma_start3A_725] : memref<16x128x32xf32, #tpu.memory_space<vmem>> -> memref<1x128x32xf32, #tpu.memory_space<vmem>>
        %dma_start3A_727 = tpu.memref_squeeze %dma_start3A_726 : memref<1x128x32xf32, #tpu.memory_space<vmem>> -> memref<128x32xf32, #tpu.memory_space<vmem>>
        %dma_start3A_728 = arith.constant 0 : i32
        %dma_start3A_729 = tpu.memref_slice %arg8[%rem3A_673, %dma_start3A_723, %dma_start3A_728] : memref<3x8x128xi32, #tpu.memory_space<vmem>> -> memref<1x1x128xi32, #tpu.memory_space<vmem>>
        %dma_start3A_730 = tpu.memref_squeeze %dma_start3A_729 : memref<1x1x128xi32, #tpu.memory_space<vmem>> -> memref<128xi32, #tpu.memory_space<vmem>>
        %dma_start3A_731 = arith.constant 0 : i32
        %dma_start3A_732 = arith.constant 0 : i32
        %dma_start3A_733 = tpu.memref_slice %arg7[%dma_start3A_731, %dma_start3A_732] : memref<10240x32xf32, #tpu.memory_space<vmem_shared>> -> memref<10240x32xf32, #tpu.memory_space<vmem_shared>>
        tpu.enqueue_indirect_dma source(%dma_start3A_733 : memref<10240x32xf32, #tpu.memory_space<vmem_shared>>) target(%dma_start3A_727 : memref<128x32xf32, #tpu.memory_space<vmem>>) offsets(%dma_start3A_730 : memref<128xi32, #tpu.memory_space<vmem>>) semaphore(%arg12 : memref<!tpu.dma_semaphore, #tpu.memory_space<semaphore_mem>>)
        %mul3A_734 = arith.constant 8 : i32
        %mul3A_735 = arith.muli %select_n3A_369, %mul3A_734 : i32
        %add3A_736 = arith.constant 4 : i32
        %add3A_737 = arith.addi %mul3A_735, %add3A_736 : i32
        %dma_start3A_738 = arith.constant 4 : i32
        %dma_start3A_739 = arith.constant 0 : i32
        %dma_start3A_740 = arith.constant 0 : i32
        %dma_start3A_741 = tpu.memref_slice %arg10[%add3A_737, %dma_start3A_739, %dma_start3A_740] : memref<16x128x32xf32, #tpu.memory_space<vmem>> -> memref<1x128x32xf32, #tpu.memory_space<vmem>>
        %dma_start3A_742 = tpu.memref_squeeze %dma_start3A_741 : memref<1x128x32xf32, #tpu.memory_space<vmem>> -> memref<128x32xf32, #tpu.memory_space<vmem>>
        %dma_start3A_743 = arith.constant 0 : i32
        %dma_start3A_744 = tpu.memref_slice %arg8[%rem3A_673, %dma_start3A_738, %dma_start3A_743] : memref<3x8x128xi32, #tpu.memory_space<vmem>> -> memref<1x1x128xi32, #tpu.memory_space<vmem>>
        %dma_start3A_745 = tpu.memref_squeeze %dma_start3A_744 : memref<1x1x128xi32, #tpu.memory_space<vmem>> -> memref<128xi32, #tpu.memory_space<vmem>>
        %dma_start3A_746 = arith.constant 0 : i32
        %dma_start3A_747 = arith.constant 0 : i32
        %dma_start3A_748 = tpu.memref_slice %arg7[%dma_start3A_746, %dma_start3A_747] : memref<10240x32xf32, #tpu.memory_space<vmem_shared>> -> memref<10240x32xf32, #tpu.memory_space<vmem_shared>>
        tpu.enqueue_indirect_dma source(%dma_start3A_748 : memref<10240x32xf32, #tpu.memory_space<vmem_shared>>) target(%dma_start3A_742 : memref<128x32xf32, #tpu.memory_space<vmem>>) offsets(%dma_start3A_745 : memref<128xi32, #tpu.memory_space<vmem>>) semaphore(%arg12 : memref<!tpu.dma_semaphore, #tpu.memory_space<semaphore_mem>>)
        %mul3A_749 = arith.constant 8 : i32
        %mul3A_750 = arith.muli %select_n3A_369, %mul3A_749 : i32
        %add3A_751 = arith.constant 5 : i32
        %add3A_752 = arith.addi %mul3A_750, %add3A_751 : i32
        %dma_start3A_753 = arith.constant 5 : i32
        %dma_start3A_754 = arith.constant 0 : i32
        %dma_start3A_755 = arith.constant 0 : i32
        %dma_start3A_756 = tpu.memref_slice %arg10[%add3A_752, %dma_start3A_754, %dma_start3A_755] : memref<16x128x32xf32, #tpu.memory_space<vmem>> -> memref<1x128x32xf32, #tpu.memory_space<vmem>>
        %dma_start3A_757 = tpu.memref_squeeze %dma_start3A_756 : memref<1x128x32xf32, #tpu.memory_space<vmem>> -> memref<128x32xf32, #tpu.memory_space<vmem>>
        %dma_start3A_758 = arith.constant 0 : i32
        %dma_start3A_759 = tpu.memref_slice %arg8[%rem3A_673, %dma_start3A_753, %dma_start3A_758] : memref<3x8x128xi32, #tpu.memory_space<vmem>> -> memref<1x1x128xi32, #tpu.memory_space<vmem>>
        %dma_start3A_760 = tpu.memref_squeeze %dma_start3A_759 : memref<1x1x128xi32, #tpu.memory_space<vmem>> -> memref<128xi32, #tpu.memory_space<vmem>>
        %dma_start3A_761 = arith.constant 0 : i32
        %dma_start3A_762 = arith.constant 0 : i32
        %dma_start3A_763 = tpu.memref_slice %arg7[%dma_start3A_761, %dma_start3A_762] : memref<10240x32xf32, #tpu.memory_space<vmem_shared>> -> memref<10240x32xf32, #tpu.memory_space<vmem_shared>>
        tpu.enqueue_indirect_dma source(%dma_start3A_763 : memref<10240x32xf32, #tpu.memory_space<vmem_shared>>) target(%dma_start3A_757 : memref<128x32xf32, #tpu.memory_space<vmem>>) offsets(%dma_start3A_760 : memref<128xi32, #tpu.memory_space<vmem>>) semaphore(%arg12 : memref<!tpu.dma_semaphore, #tpu.memory_space<semaphore_mem>>)
        %mul3A_764 = arith.constant 8 : i32
        %mul3A_765 = arith.muli %select_n3A_369, %mul3A_764 : i32
        %add3A_766 = arith.constant 6 : i32
        %add3A_767 = arith.addi %mul3A_765, %add3A_766 : i32
        %dma_start3A_768 = arith.constant 6 : i32
        %dma_start3A_769 = arith.constant 0 : i32
        %dma_start3A_770 = arith.constant 0 : i32
        %dma_start3A_771 = tpu.memref_slice %arg10[%add3A_767, %dma_start3A_769, %dma_start3A_770] : memref<16x128x32xf32, #tpu.memory_space<vmem>> -> memref<1x128x32xf32, #tpu.memory_space<vmem>>
        %dma_start3A_772 = tpu.memref_squeeze %dma_start3A_771 : memref<1x128x32xf32, #tpu.memory_space<vmem>> -> memref<128x32xf32, #tpu.memory_space<vmem>>
        %dma_start3A_773 = arith.constant 0 : i32
        %dma_start3A_774 = tpu.memref_slice %arg8[%rem3A_673, %dma_start3A_768, %dma_start3A_773] : memref<3x8x128xi32, #tpu.memory_space<vmem>> -> memref<1x1x128xi32, #tpu.memory_space<vmem>>
        %dma_start3A_775 = tpu.memref_squeeze %dma_start3A_774 : memref<1x1x128xi32, #tpu.memory_space<vmem>> -> memref<128xi32, #tpu.memory_space<vmem>>
        %dma_start3A_776 = arith.constant 0 : i32
        %dma_start3A_777 = arith.constant 0 : i32
        %dma_start3A_778 = tpu.memref_slice %arg7[%dma_start3A_776, %dma_start3A_777] : memref<10240x32xf32, #tpu.memory_space<vmem_shared>> -> memref<10240x32xf32, #tpu.memory_space<vmem_shared>>
        tpu.enqueue_indirect_dma source(%dma_start3A_778 : memref<10240x32xf32, #tpu.memory_space<vmem_shared>>) target(%dma_start3A_772 : memref<128x32xf32, #tpu.memory_space<vmem>>) offsets(%dma_start3A_775 : memref<128xi32, #tpu.memory_space<vmem>>) semaphore(%arg12 : memref<!tpu.dma_semaphore, #tpu.memory_space<semaphore_mem>>)
        %mul3A_779 = arith.constant 8 : i32
        %mul3A_780 = arith.muli %select_n3A_369, %mul3A_779 : i32
        %add3A_781 = arith.constant 7 : i32
        %add3A_782 = arith.addi %mul3A_780, %add3A_781 : i32
        %dma_start3A_783 = arith.constant 7 : i32
        %dma_start3A_784 = arith.constant 0 : i32
        %dma_start3A_785 = arith.constant 0 : i32
        %dma_start3A_786 = tpu.memref_slice %arg10[%add3A_782, %dma_start3A_784, %dma_start3A_785] : memref<16x128x32xf32, #tpu.memory_space<vmem>> -> memref<1x128x32xf32, #tpu.memory_space<vmem>>
        %dma_start3A_787 = tpu.memref_squeeze %dma_start3A_786 : memref<1x128x32xf32, #tpu.memory_space<vmem>> -> memref<128x32xf32, #tpu.memory_space<vmem>>
        %dma_start3A_788 = arith.constant 0 : i32
        %dma_start3A_789 = tpu.memref_slice %arg8[%rem3A_673, %dma_start3A_783, %dma_start3A_788] : memref<3x8x128xi32, #tpu.memory_space<vmem>> -> memref<1x1x128xi32, #tpu.memory_space<vmem>>
        %dma_start3A_790 = tpu.memref_squeeze %dma_start3A_789 : memref<1x1x128xi32, #tpu.memory_space<vmem>> -> memref<128xi32, #tpu.memory_space<vmem>>
        %dma_start3A_791 = arith.constant 0 : i32
        %dma_start3A_792 = arith.constant 0 : i32
        %dma_start3A_793 = tpu.memref_slice %arg7[%dma_start3A_791, %dma_start3A_792] : memref<10240x32xf32, #tpu.memory_space<vmem_shared>> -> memref<10240x32xf32, #tpu.memory_space<vmem_shared>>
        tpu.enqueue_indirect_dma source(%dma_start3A_793 : memref<10240x32xf32, #tpu.memory_space<vmem_shared>>) target(%dma_start3A_787 : memref<128x32xf32, #tpu.memory_space<vmem>>) offsets(%dma_start3A_790 : memref<128xi32, #tpu.memory_space<vmem>>) semaphore(%arg12 : memref<!tpu.dma_semaphore, #tpu.memory_space<semaphore_mem>>)
      } else {
      }
      %le3A_376 = arith.constant 17 : i32
      %le3A_377 = arith.cmpi sle, %scan3A_356, %le3A_376 : i32
      %convert_element_type3A_378 = arith.extui %le3A_377 : i1 to i32
      %cond3A_379 = arith.constant 0 : i32
      %cond3A_380 = arith.cmpi ne, %convert_element_type3A_378, %cond3A_379 : i32
      scf.if %cond3A_380 {
        %add3A_640 = arith.constant 2 : i32
        %add3A_641 = arith.addi %scan3A_356, %add3A_640 : i32
        %add3A_642 = arith.constant 2 : i32
        %add3A_643 = arith.addi %scan3A_356, %add3A_642 : i32
        %rem3A_644 = arith.constant 3 : i32
        %rem3A_645 = arith.remsi %add3A_643, %rem3A_644 : i32
        %mul3A_646 = arith.constant 8 : i32
        %mul3A_647 = arith.muli %add3A_641, %mul3A_646 : i32
        %add3A_648 = arith.addi %mul3A_0, %mul3A_647 : i32
        %dma_start3A_649 = arith.constant 0 : i32
        %dma_start3A_650 = arith.constant 0 : i32
        %dma_start3A_651 = tpu.memref_slice %arg8[%rem3A_645, %dma_start3A_649, %dma_start3A_650] : memref<3x8x128xi32, #tpu.memory_space<vmem>> -> memref<1x8x128xi32, #tpu.memory_space<vmem>>
        %dma_start3A_652 = tpu.memref_squeeze %dma_start3A_651 : memref<1x8x128xi32, #tpu.memory_space<vmem>> -> memref<8x128xi32, #tpu.memory_space<vmem>>
        %dma_start3A_653 = arith.constant 0 : i32
        %dma_start3A_654 = tpu.memref_slice %arg3[%add3A_648, %dma_start3A_653] : memref<2560x128xi32, #tpu.memory_space<hbm>> -> memref<8x128xi32, #tpu.memory_space<hbm>>
        %dma_start3A_655 = arith.constant 0 : i32
        %dma_start3A_656 = arith.constant 0 : i32
        %dma_start3A_657 = tpu.memref_slice %arg8[%rem3A_645, %dma_start3A_655, %dma_start3A_656] : memref<3x8x128xi32, #tpu.memory_space<vmem>> -> memref<1x8x128xi32, #tpu.memory_space<vmem>>
        %dma_start3A_658 = tpu.memref_squeeze %dma_start3A_657 : memref<1x8x128xi32, #tpu.memory_space<vmem>> -> memref<8x128xi32, #tpu.memory_space<vmem>>
        %dma_start3A_659 = arith.constant 0 : i32
        %dma_start3A_660 = tpu.memref_slice %arg3[%add3A_648, %dma_start3A_659] : memref<2560x128xi32, #tpu.memory_space<hbm>> -> memref<8x128xi32, #tpu.memory_space<hbm>>
        tpu.enqueue_dma source(%dma_start3A_660 : memref<8x128xi32, #tpu.memory_space<hbm>>) target(%dma_start3A_658 : memref<8x128xi32, #tpu.memory_space<vmem>>) target_semaphore(%arg11 : memref<!tpu.dma_semaphore, #tpu.memory_space<semaphore_mem>>)
        %mul3A_661 = arith.constant 8 : i32
        %mul3A_662 = arith.muli %add3A_641, %mul3A_661 : i32
        %add3A_663 = arith.addi %mul3A_0, %mul3A_662 : i32
        %dma_start3A_664 = arith.constant 0 : i32
        %dma_start3A_665 = arith.constant 0 : i32
        %dma_start3A_666 = tpu.memref_slice %arg9[%rem3A_645, %dma_start3A_664, %dma_start3A_665] : memref<3x8x128xi32, #tpu.memory_space<vmem>> -> memref<1x8x128xi32, #tpu.memory_space<vmem>>
        %dma_start3A_667 = tpu.memref_squeeze %dma_start3A_666 : memref<1x8x128xi32, #tpu.memory_space<vmem>> -> memref<8x128xi32, #tpu.memory_space<vmem>>
        %dma_start3A_668 = arith.constant 0 : i32
        %dma_start3A_669 = tpu.memref_slice %arg4[%add3A_663, %dma_start3A_668] : memref<2560x128xi32, #tpu.memory_space<hbm>> -> memref<8x128xi32, #tpu.memory_space<hbm>>
        %dma_start3A_670 = arith.constant 0 : i32
        %dma_start3A_671 = arith.constant 0 : i32
        %dma_start3A_672 = tpu.memref_slice %arg9[%rem3A_645, %dma_start3A_670, %dma_start3A_671] : memref<3x8x128xi32, #tpu.memory_space<vmem>> -> memref<1x8x128xi32, #tpu.memory_space<vmem>>
        %dma_start3A_673 = tpu.memref_squeeze %dma_start3A_672 : memref<1x8x128xi32, #tpu.memory_space<vmem>> -> memref<8x128xi32, #tpu.memory_space<vmem>>
        %dma_start3A_674 = arith.constant 0 : i32
        %dma_start3A_675 = tpu.memref_slice %arg4[%add3A_663, %dma_start3A_674] : memref<2560x128xi32, #tpu.memory_space<hbm>> -> memref<8x128xi32, #tpu.memory_space<hbm>>
        tpu.enqueue_dma source(%dma_start3A_675 : memref<8x128xi32, #tpu.memory_space<hbm>>) target(%dma_start3A_673 : memref<8x128xi32, #tpu.memory_space<vmem>>) target_semaphore(%arg11 : memref<!tpu.dma_semaphore, #tpu.memory_space<semaphore_mem>>)
      } else {
      }
      %dma_wait3A_381 = arith.constant 0 : i32
      %dma_wait3A_382 = arith.constant 0 : i32
      %dma_wait3A_383 = arith.constant 0 : i32
      %dma_wait3A_384 = tpu.memref_slice %arg10[%dma_wait3A_381, %dma_wait3A_382, %dma_wait3A_383] : memref<16x128x32xf32, #tpu.memory_space<vmem>> -> memref<1x128x32xf32, #tpu.memory_space<vmem>>
      %dma_wait3A_385 = tpu.memref_squeeze %dma_wait3A_384 : memref<1x128x32xf32, #tpu.memory_space<vmem>> -> memref<128x32xf32, #tpu.memory_space<vmem>>
      %dma_wait3A_386 = arith.constant 0 : i32
      %dma_wait3A_387 = arith.constant 0 : i32
      %dma_wait3A_388 = tpu.memref_slice %arg2[%dma_wait3A_386, %dma_wait3A_387] : memref<10240x64xf32, #tpu.memory_space<hbm>> -> memref<128x32xf32, #tpu.memory_space<hbm>>
      %dma_wait3A_389 = arith.constant 0 : i32
      %dma_wait3A_390 = arith.constant 0 : i32
      %dma_wait3A_391 = tpu.memref_slice %arg10[%dma_wait3A_381, %dma_wait3A_389, %dma_wait3A_390] : memref<16x128x32xf32, #tpu.memory_space<vmem>> -> memref<1x128x32xf32, #tpu.memory_space<vmem>>
      %dma_wait3A_392 = tpu.memref_squeeze %dma_wait3A_391 : memref<1x128x32xf32, #tpu.memory_space<vmem>> -> memref<128x32xf32, #tpu.memory_space<vmem>>
      %dma_wait3A_393 = arith.constant 0 : i32
      %dma_wait3A_394 = arith.constant 0 : i32
      %dma_wait3A_395 = tpu.memref_slice %arg2[%dma_wait3A_393, %dma_wait3A_394] : memref<10240x64xf32, #tpu.memory_space<hbm>> -> memref<128x32xf32, #tpu.memory_space<hbm>>
      tpu.wait_dma2 semaphore(%arg12 : memref<!tpu.dma_semaphore, #tpu.memory_space<semaphore_mem>>) src(%dma_wait3A_395 : memref<128x32xf32, #tpu.memory_space<hbm>>) dst(%dma_wait3A_392 : memref<128x32xf32, #tpu.memory_space<vmem>>)
      %dma_wait3A_396 = arith.constant 0 : i32
      %dma_wait3A_397 = arith.constant 0 : i32
      %dma_wait3A_398 = arith.constant 0 : i32
      %dma_wait3A_399 = tpu.memref_slice %arg10[%dma_wait3A_396, %dma_wait3A_397, %dma_wait3A_398] : memref<16x128x32xf32, #tpu.memory_space<vmem>> -> memref<1x128x32xf32, #tpu.memory_space<vmem>>
      %dma_wait3A_400 = tpu.memref_squeeze %dma_wait3A_399 : memref<1x128x32xf32, #tpu.memory_space<vmem>> -> memref<128x32xf32, #tpu.memory_space<vmem>>
      %dma_wait3A_401 = arith.constant 0 : i32
      %dma_wait3A_402 = arith.constant 0 : i32
      %dma_wait3A_403 = tpu.memref_slice %arg2[%dma_wait3A_401, %dma_wait3A_402] : memref<10240x64xf32, #tpu.memory_space<hbm>> -> memref<128x32xf32, #tpu.memory_space<hbm>>
      %dma_wait3A_404 = arith.constant 0 : i32
      %dma_wait3A_405 = arith.constant 0 : i32
      %dma_wait3A_406 = tpu.memref_slice %arg10[%dma_wait3A_396, %dma_wait3A_404, %dma_wait3A_405] : memref<16x128x32xf32, #tpu.memory_space<vmem>> -> memref<1x128x32xf32, #tpu.memory_space<vmem>>
      %dma_wait3A_407 = tpu.memref_squeeze %dma_wait3A_406 : memref<1x128x32xf32, #tpu.memory_space<vmem>> -> memref<128x32xf32, #tpu.memory_space<vmem>>
      %dma_wait3A_408 = arith.constant 0 : i32
      %dma_wait3A_409 = arith.constant 0 : i32
      %dma_wait3A_410 = tpu.memref_slice %arg2[%dma_wait3A_408, %dma_wait3A_409] : memref<10240x64xf32, #tpu.memory_space<hbm>> -> memref<128x32xf32, #tpu.memory_space<hbm>>
      tpu.wait_dma2 semaphore(%arg12 : memref<!tpu.dma_semaphore, #tpu.memory_space<semaphore_mem>>) src(%dma_wait3A_410 : memref<128x32xf32, #tpu.memory_space<hbm>>) dst(%dma_wait3A_407 : memref<128x32xf32, #tpu.memory_space<vmem>>)
      %dma_wait3A_411 = arith.constant 0 : i32
      %dma_wait3A_412 = arith.constant 0 : i32
      %dma_wait3A_413 = arith.constant 0 : i32
      %dma_wait3A_414 = tpu.memref_slice %arg10[%dma_wait3A_411, %dma_wait3A_412, %dma_wait3A_413] : memref<16x128x32xf32, #tpu.memory_space<vmem>> -> memref<1x128x32xf32, #tpu.memory_space<vmem>>
      %dma_wait3A_415 = tpu.memref_squeeze %dma_wait3A_414 : memref<1x128x32xf32, #tpu.memory_space<vmem>> -> memref<128x32xf32, #tpu.memory_space<vmem>>
      %dma_wait3A_416 = arith.constant 0 : i32
      %dma_wait3A_417 = arith.constant 0 : i32
      %dma_wait3A_418 = tpu.memref_slice %arg2[%dma_wait3A_416, %dma_wait3A_417] : memref<10240x64xf32, #tpu.memory_space<hbm>> -> memref<128x32xf32, #tpu.memory_space<hbm>>
      %dma_wait3A_419 = arith.constant 0 : i32
      %dma_wait3A_420 = arith.constant 0 : i32
      %dma_wait3A_421 = tpu.memref_slice %arg10[%dma_wait3A_411, %dma_wait3A_419, %dma_wait3A_420] : memref<16x128x32xf32, #tpu.memory_space<vmem>> -> memref<1x128x32xf32, #tpu.memory_space<vmem>>
      %dma_wait3A_422 = tpu.memref_squeeze %dma_wait3A_421 : memref<1x128x32xf32, #tpu.memory_space<vmem>> -> memref<128x32xf32, #tpu.memory_space<vmem>>
      %dma_wait3A_423 = arith.constant 0 : i32
      %dma_wait3A_424 = arith.constant 0 : i32
      %dma_wait3A_425 = tpu.memref_slice %arg2[%dma_wait3A_423, %dma_wait3A_424] : memref<10240x64xf32, #tpu.memory_space<hbm>> -> memref<128x32xf32, #tpu.memory_space<hbm>>
      tpu.wait_dma2 semaphore(%arg12 : memref<!tpu.dma_semaphore, #tpu.memory_space<semaphore_mem>>) src(%dma_wait3A_425 : memref<128x32xf32, #tpu.memory_space<hbm>>) dst(%dma_wait3A_422 : memref<128x32xf32, #tpu.memory_space<vmem>>)
      %dma_wait3A_426 = arith.constant 0 : i32
      %dma_wait3A_427 = arith.constant 0 : i32
      %dma_wait3A_428 = arith.constant 0 : i32
      %dma_wait3A_429 = tpu.memref_slice %arg10[%dma_wait3A_426, %dma_wait3A_427, %dma_wait3A_428] : memref<16x128x32xf32, #tpu.memory_space<vmem>> -> memref<1x128x32xf32, #tpu.memory_space<vmem>>
      %dma_wait3A_430 = tpu.memref_squeeze %dma_wait3A_429 : memref<1x128x32xf32, #tpu.memory_space<vmem>> -> memref<128x32xf32, #tpu.memory_space<vmem>>
      %dma_wait3A_431 = arith.constant 0 : i32
      %dma_wait3A_432 = arith.constant 0 : i32
      %dma_wait3A_433 = tpu.memref_slice %arg2[%dma_wait3A_431, %dma_wait3A_432] : memref<10240x64xf32, #tpu.memory_space<hbm>> -> memref<128x32xf32, #tpu.memory_space<hbm>>
      %dma_wait3A_434 = arith.constant 0 : i32
      %dma_wait3A_435 = arith.constant 0 : i32
      %dma_wait3A_436 = tpu.memref_slice %arg10[%dma_wait3A_426, %dma_wait3A_434, %dma_wait3A_435] : memref<16x128x32xf32, #tpu.memory_space<vmem>> -> memref<1x128x32xf32, #tpu.memory_space<vmem>>
      %dma_wait3A_437 = tpu.memref_squeeze %dma_wait3A_436 : memref<1x128x32xf32, #tpu.memory_space<vmem>> -> memref<128x32xf32, #tpu.memory_space<vmem>>
      %dma_wait3A_438 = arith.constant 0 : i32
      %dma_wait3A_439 = arith.constant 0 : i32
      %dma_wait3A_440 = tpu.memref_slice %arg2[%dma_wait3A_438, %dma_wait3A_439] : memref<10240x64xf32, #tpu.memory_space<hbm>> -> memref<128x32xf32, #tpu.memory_space<hbm>>
      tpu.wait_dma2 semaphore(%arg12 : memref<!tpu.dma_semaphore, #tpu.memory_space<semaphore_mem>>) src(%dma_wait3A_440 : memref<128x32xf32, #tpu.memory_space<hbm>>) dst(%dma_wait3A_437 : memref<128x32xf32, #tpu.memory_space<vmem>>)
      %dma_wait3A_441 = arith.constant 0 : i32
      %dma_wait3A_442 = arith.constant 0 : i32
      %dma_wait3A_443 = arith.constant 0 : i32
      %dma_wait3A_444 = tpu.memref_slice %arg10[%dma_wait3A_441, %dma_wait3A_442, %dma_wait3A_443] : memref<16x128x32xf32, #tpu.memory_space<vmem>> -> memref<1x128x32xf32, #tpu.memory_space<vmem>>
      %dma_wait3A_445 = tpu.memref_squeeze %dma_wait3A_444 : memref<1x128x32xf32, #tpu.memory_space<vmem>> -> memref<128x32xf32, #tpu.memory_space<vmem>>
      %dma_wait3A_446 = arith.constant 0 : i32
      %dma_wait3A_447 = arith.constant 0 : i32
      %dma_wait3A_448 = tpu.memref_slice %arg2[%dma_wait3A_446, %dma_wait3A_447] : memref<10240x64xf32, #tpu.memory_space<hbm>> -> memref<128x32xf32, #tpu.memory_space<hbm>>
      %dma_wait3A_449 = arith.constant 0 : i32
      %dma_wait3A_450 = arith.constant 0 : i32
      %dma_wait3A_451 = tpu.memref_slice %arg10[%dma_wait3A_441, %dma_wait3A_449, %dma_wait3A_450] : memref<16x128x32xf32, #tpu.memory_space<vmem>> -> memref<1x128x32xf32, #tpu.memory_space<vmem>>
      %dma_wait3A_452 = tpu.memref_squeeze %dma_wait3A_451 : memref<1x128x32xf32, #tpu.memory_space<vmem>> -> memref<128x32xf32, #tpu.memory_space<vmem>>
      %dma_wait3A_453 = arith.constant 0 : i32
      %dma_wait3A_454 = arith.constant 0 : i32
      %dma_wait3A_455 = tpu.memref_slice %arg2[%dma_wait3A_453, %dma_wait3A_454] : memref<10240x64xf32, #tpu.memory_space<hbm>> -> memref<128x32xf32, #tpu.memory_space<hbm>>
      tpu.wait_dma2 semaphore(%arg12 : memref<!tpu.dma_semaphore, #tpu.memory_space<semaphore_mem>>) src(%dma_wait3A_455 : memref<128x32xf32, #tpu.memory_space<hbm>>) dst(%dma_wait3A_452 : memref<128x32xf32, #tpu.memory_space<vmem>>)
      %dma_wait3A_456 = arith.constant 0 : i32
      %dma_wait3A_457 = arith.constant 0 : i32
      %dma_wait3A_458 = arith.constant 0 : i32
      %dma_wait3A_459 = tpu.memref_slice %arg10[%dma_wait3A_456, %dma_wait3A_457, %dma_wait3A_458] : memref<16x128x32xf32, #tpu.memory_space<vmem>> -> memref<1x128x32xf32, #tpu.memory_space<vmem>>
      %dma_wait3A_460 = tpu.memref_squeeze %dma_wait3A_459 : memref<1x128x32xf32, #tpu.memory_space<vmem>> -> memref<128x32xf32, #tpu.memory_space<vmem>>
      %dma_wait3A_461 = arith.constant 0 : i32
      %dma_wait3A_462 = arith.constant 0 : i32
      %dma_wait3A_463 = tpu.memref_slice %arg2[%dma_wait3A_461, %dma_wait3A_462] : memref<10240x64xf32, #tpu.memory_space<hbm>> -> memref<128x32xf32, #tpu.memory_space<hbm>>
      %dma_wait3A_464 = arith.constant 0 : i32
      %dma_wait3A_465 = arith.constant 0 : i32
      %dma_wait3A_466 = tpu.memref_slice %arg10[%dma_wait3A_456, %dma_wait3A_464, %dma_wait3A_465] : memref<16x128x32xf32, #tpu.memory_space<vmem>> -> memref<1x128x32xf32, #tpu.memory_space<vmem>>
      %dma_wait3A_467 = tpu.memref_squeeze %dma_wait3A_466 : memref<1x128x32xf32, #tpu.memory_space<vmem>> -> memref<128x32xf32, #tpu.memory_space<vmem>>
      %dma_wait3A_468 = arith.constant 0 : i32
      %dma_wait3A_469 = arith.constant 0 : i32
      %dma_wait3A_470 = tpu.memref_slice %arg2[%dma_wait3A_468, %dma_wait3A_469] : memref<10240x64xf32, #tpu.memory_space<hbm>> -> memref<128x32xf32, #tpu.memory_space<hbm>>
      tpu.wait_dma2 semaphore(%arg12 : memref<!tpu.dma_semaphore, #tpu.memory_space<semaphore_mem>>) src(%dma_wait3A_470 : memref<128x32xf32, #tpu.memory_space<hbm>>) dst(%dma_wait3A_467 : memref<128x32xf32, #tpu.memory_space<vmem>>)
      %dma_wait3A_471 = arith.constant 0 : i32
      %dma_wait3A_472 = arith.constant 0 : i32
      %dma_wait3A_473 = arith.constant 0 : i32
      %dma_wait3A_474 = tpu.memref_slice %arg10[%dma_wait3A_471, %dma_wait3A_472, %dma_wait3A_473] : memref<16x128x32xf32, #tpu.memory_space<vmem>> -> memref<1x128x32xf32, #tpu.memory_space<vmem>>
      %dma_wait3A_475 = tpu.memref_squeeze %dma_wait3A_474 : memref<1x128x32xf32, #tpu.memory_space<vmem>> -> memref<128x32xf32, #tpu.memory_space<vmem>>
      %dma_wait3A_476 = arith.constant 0 : i32
      %dma_wait3A_477 = arith.constant 0 : i32
      %dma_wait3A_478 = tpu.memref_slice %arg2[%dma_wait3A_476, %dma_wait3A_477] : memref<10240x64xf32, #tpu.memory_space<hbm>> -> memref<128x32xf32, #tpu.memory_space<hbm>>
      %dma_wait3A_479 = arith.constant 0 : i32
      %dma_wait3A_480 = arith.constant 0 : i32
      %dma_wait3A_481 = tpu.memref_slice %arg10[%dma_wait3A_471, %dma_wait3A_479, %dma_wait3A_480] : memref<16x128x32xf32, #tpu.memory_space<vmem>> -> memref<1x128x32xf32, #tpu.memory_space<vmem>>
      %dma_wait3A_482 = tpu.memref_squeeze %dma_wait3A_481 : memref<1x128x32xf32, #tpu.memory_space<vmem>> -> memref<128x32xf32, #tpu.memory_space<vmem>>
      %dma_wait3A_483 = arith.constant 0 : i32
      %dma_wait3A_484 = arith.constant 0 : i32
      %dma_wait3A_485 = tpu.memref_slice %arg2[%dma_wait3A_483, %dma_wait3A_484] : memref<10240x64xf32, #tpu.memory_space<hbm>> -> memref<128x32xf32, #tpu.memory_space<hbm>>
      tpu.wait_dma2 semaphore(%arg12 : memref<!tpu.dma_semaphore, #tpu.memory_space<semaphore_mem>>) src(%dma_wait3A_485 : memref<128x32xf32, #tpu.memory_space<hbm>>) dst(%dma_wait3A_482 : memref<128x32xf32, #tpu.memory_space<vmem>>)
      %dma_wait3A_486 = arith.constant 0 : i32
      %dma_wait3A_487 = arith.constant 0 : i32
      %dma_wait3A_488 = arith.constant 0 : i32
      %dma_wait3A_489 = tpu.memref_slice %arg10[%dma_wait3A_486, %dma_wait3A_487, %dma_wait3A_488] : memref<16x128x32xf32, #tpu.memory_space<vmem>> -> memref<1x128x32xf32, #tpu.memory_space<vmem>>
      %dma_wait3A_490 = tpu.memref_squeeze %dma_wait3A_489 : memref<1x128x32xf32, #tpu.memory_space<vmem>> -> memref<128x32xf32, #tpu.memory_space<vmem>>
      %dma_wait3A_491 = arith.constant 0 : i32
      %dma_wait3A_492 = arith.constant 0 : i32
      %dma_wait3A_493 = tpu.memref_slice %arg2[%dma_wait3A_491, %dma_wait3A_492] : memref<10240x64xf32, #tpu.memory_space<hbm>> -> memref<128x32xf32, #tpu.memory_space<hbm>>
      %dma_wait3A_494 = arith.constant 0 : i32
      %dma_wait3A_495 = arith.constant 0 : i32
      %dma_wait3A_496 = tpu.memref_slice %arg10[%dma_wait3A_486, %dma_wait3A_494, %dma_wait3A_495] : memref<16x128x32xf32, #tpu.memory_space<vmem>> -> memref<1x128x32xf32, #tpu.memory_space<vmem>>
      %dma_wait3A_497 = tpu.memref_squeeze %dma_wait3A_496 : memref<1x128x32xf32, #tpu.memory_space<vmem>> -> memref<128x32xf32, #tpu.memory_space<vmem>>
      %dma_wait3A_498 = arith.constant 0 : i32
      %dma_wait3A_499 = arith.constant 0 : i32
      %dma_wait3A_500 = tpu.memref_slice %arg2[%dma_wait3A_498, %dma_wait3A_499] : memref<10240x64xf32, #tpu.memory_space<hbm>> -> memref<128x32xf32, #tpu.memory_space<hbm>>
      tpu.wait_dma2 semaphore(%arg12 : memref<!tpu.dma_semaphore, #tpu.memory_space<semaphore_mem>>) src(%dma_wait3A_500 : memref<128x32xf32, #tpu.memory_space<hbm>>) dst(%dma_wait3A_497 : memref<128x32xf32, #tpu.memory_space<vmem>>)
      %jit3A_501 = arith.constant 2 : i32
      %eq3A_502 = arith.constant 0 : i32
      %eq3A_503 = arith.cmpi eq, %jit3A_501, %eq3A_502 : i32
      %jit3A_504 = arith.constant 1 : i32
      %select_n3A_505 = arith.select %eq3A_503, %jit3A_504, %jit3A_501 : i32
      %rem3A_506 = arith.remsi %scan3A_356, %select_n3A_505 : i32
      %ne3A_507 = arith.constant 0 : i32
      %ne3A_508 = arith.cmpi ne, %rem3A_506, %ne3A_507 : i32
      %lt3A_509 = arith.constant 0 : i32
      %lt3A_510 = arith.cmpi slt, %rem3A_506, %lt3A_509 : i32
      %lt3A_511 = arith.constant 0 : i32
      %lt3A_512 = arith.cmpi slt, %select_n3A_505, %lt3A_511 : i32
      %ne3A_513 = arith.xori %lt3A_510, %lt3A_512 : i1
      %and3A_514 = arith.andi %ne3A_513, %ne3A_508 : i1
      %add3A_515 = arith.addi %rem3A_506, %select_n3A_505 : i32
      %select_n3A_516 = arith.select %and3A_514, %add3A_515, %rem3A_506 : i32
      %rem3A_517 = arith.constant 3 : i32
      %rem3A_518 = arith.remsi %scan3A_356, %rem3A_517 : i32
      %mul3A_519 = arith.constant 8 : i32
      %mul3A_520 = arith.muli %select_n3A_516, %mul3A_519 : i32
      %add3A_521 = arith.constant 0 : i32
      %add3A_522 = arith.addi %mul3A_520, %add3A_521 : i32
      %dma_start3A_523 = arith.constant 0 : i32
      %dma_start3A_524 = arith.constant 0 : i32
      %dma_start3A_525 = arith.constant 0 : i32
      %dma_start3A_526 = tpu.memref_slice %arg10[%add3A_522, %dma_start3A_524, %dma_start3A_525] : memref<16x128x32xf32, #tpu.memory_space<vmem>> -> memref<1x128x32xf32, #tpu.memory_space<vmem>>
      %dma_start3A_527 = tpu.memref_squeeze %dma_start3A_526 : memref<1x128x32xf32, #tpu.memory_space<vmem>> -> memref<128x32xf32, #tpu.memory_space<vmem>>
      %dma_start3A_528 = arith.constant 0 : i32
      %dma_start3A_529 = tpu.memref_slice %arg9[%rem3A_518, %dma_start3A_523, %dma_start3A_528] : memref<3x8x128xi32, #tpu.memory_space<vmem>> -> memref<1x1x128xi32, #tpu.memory_space<vmem>>
      %dma_start3A_530 = tpu.memref_squeeze %dma_start3A_529 : memref<1x1x128xi32, #tpu.memory_space<vmem>> -> memref<128xi32, #tpu.memory_space<vmem>>
      %dma_start3A_531 = arith.constant 0 : i32
      %dma_start3A_532 = arith.constant 0 : i32
      %dma_start3A_533 = tpu.memref_slice %arg6[%dma_start3A_531, %dma_start3A_532] : memref<10240x32xf32, #tpu.memory_space<vmem_shared>> -> memref<10240x32xf32, #tpu.memory_space<vmem_shared>>
      tpu.enqueue_indirect_dma source(%dma_start3A_527 : memref<128x32xf32, #tpu.memory_space<vmem>>) target(%dma_start3A_533 : memref<10240x32xf32, #tpu.memory_space<vmem_shared>>) offsets(%dma_start3A_530 : memref<128xi32, #tpu.memory_space<vmem>>) semaphore(%arg13 : memref<!tpu.dma_semaphore, #tpu.memory_space<semaphore_mem>>) {add = true}
      %mul3A_534 = arith.constant 8 : i32
      %mul3A_535 = arith.muli %select_n3A_516, %mul3A_534 : i32
      %add3A_536 = arith.constant 1 : i32
      %add3A_537 = arith.addi %mul3A_535, %add3A_536 : i32
      %dma_start3A_538 = arith.constant 1 : i32
      %dma_start3A_539 = arith.constant 0 : i32
      %dma_start3A_540 = arith.constant 0 : i32
      %dma_start3A_541 = tpu.memref_slice %arg10[%add3A_537, %dma_start3A_539, %dma_start3A_540] : memref<16x128x32xf32, #tpu.memory_space<vmem>> -> memref<1x128x32xf32, #tpu.memory_space<vmem>>
      %dma_start3A_542 = tpu.memref_squeeze %dma_start3A_541 : memref<1x128x32xf32, #tpu.memory_space<vmem>> -> memref<128x32xf32, #tpu.memory_space<vmem>>
      %dma_start3A_543 = arith.constant 0 : i32
      %dma_start3A_544 = tpu.memref_slice %arg9[%rem3A_518, %dma_start3A_538, %dma_start3A_543] : memref<3x8x128xi32, #tpu.memory_space<vmem>> -> memref<1x1x128xi32, #tpu.memory_space<vmem>>
      %dma_start3A_545 = tpu.memref_squeeze %dma_start3A_544 : memref<1x1x128xi32, #tpu.memory_space<vmem>> -> memref<128xi32, #tpu.memory_space<vmem>>
      %dma_start3A_546 = arith.constant 0 : i32
      %dma_start3A_547 = arith.constant 0 : i32
      %dma_start3A_548 = tpu.memref_slice %arg6[%dma_start3A_546, %dma_start3A_547] : memref<10240x32xf32, #tpu.memory_space<vmem_shared>> -> memref<10240x32xf32, #tpu.memory_space<vmem_shared>>
      tpu.enqueue_indirect_dma source(%dma_start3A_542 : memref<128x32xf32, #tpu.memory_space<vmem>>) target(%dma_start3A_548 : memref<10240x32xf32, #tpu.memory_space<vmem_shared>>) offsets(%dma_start3A_545 : memref<128xi32, #tpu.memory_space<vmem>>) semaphore(%arg13 : memref<!tpu.dma_semaphore, #tpu.memory_space<semaphore_mem>>) {add = true}
      %mul3A_549 = arith.constant 8 : i32
      %mul3A_550 = arith.muli %select_n3A_516, %mul3A_549 : i32
      %add3A_551 = arith.constant 2 : i32
      %add3A_552 = arith.addi %mul3A_550, %add3A_551 : i32
      %dma_start3A_553 = arith.constant 2 : i32
      %dma_start3A_554 = arith.constant 0 : i32
      %dma_start3A_555 = arith.constant 0 : i32
      %dma_start3A_556 = tpu.memref_slice %arg10[%add3A_552, %dma_start3A_554, %dma_start3A_555] : memref<16x128x32xf32, #tpu.memory_space<vmem>> -> memref<1x128x32xf32, #tpu.memory_space<vmem>>
      %dma_start3A_557 = tpu.memref_squeeze %dma_start3A_556 : memref<1x128x32xf32, #tpu.memory_space<vmem>> -> memref<128x32xf32, #tpu.memory_space<vmem>>
      %dma_start3A_558 = arith.constant 0 : i32
      %dma_start3A_559 = tpu.memref_slice %arg9[%rem3A_518, %dma_start3A_553, %dma_start3A_558] : memref<3x8x128xi32, #tpu.memory_space<vmem>> -> memref<1x1x128xi32, #tpu.memory_space<vmem>>
      %dma_start3A_560 = tpu.memref_squeeze %dma_start3A_559 : memref<1x1x128xi32, #tpu.memory_space<vmem>> -> memref<128xi32, #tpu.memory_space<vmem>>
      %dma_start3A_561 = arith.constant 0 : i32
      %dma_start3A_562 = arith.constant 0 : i32
      %dma_start3A_563 = tpu.memref_slice %arg6[%dma_start3A_561, %dma_start3A_562] : memref<10240x32xf32, #tpu.memory_space<vmem_shared>> -> memref<10240x32xf32, #tpu.memory_space<vmem_shared>>
      tpu.enqueue_indirect_dma source(%dma_start3A_557 : memref<128x32xf32, #tpu.memory_space<vmem>>) target(%dma_start3A_563 : memref<10240x32xf32, #tpu.memory_space<vmem_shared>>) offsets(%dma_start3A_560 : memref<128xi32, #tpu.memory_space<vmem>>) semaphore(%arg13 : memref<!tpu.dma_semaphore, #tpu.memory_space<semaphore_mem>>) {add = true}
      %mul3A_564 = arith.constant 8 : i32
      %mul3A_565 = arith.muli %select_n3A_516, %mul3A_564 : i32
      %add3A_566 = arith.constant 3 : i32
      %add3A_567 = arith.addi %mul3A_565, %add3A_566 : i32
      %dma_start3A_568 = arith.constant 3 : i32
      %dma_start3A_569 = arith.constant 0 : i32
      %dma_start3A_570 = arith.constant 0 : i32
      %dma_start3A_571 = tpu.memref_slice %arg10[%add3A_567, %dma_start3A_569, %dma_start3A_570] : memref<16x128x32xf32, #tpu.memory_space<vmem>> -> memref<1x128x32xf32, #tpu.memory_space<vmem>>
      %dma_start3A_572 = tpu.memref_squeeze %dma_start3A_571 : memref<1x128x32xf32, #tpu.memory_space<vmem>> -> memref<128x32xf32, #tpu.memory_space<vmem>>
      %dma_start3A_573 = arith.constant 0 : i32
      %dma_start3A_574 = tpu.memref_slice %arg9[%rem3A_518, %dma_start3A_568, %dma_start3A_573] : memref<3x8x128xi32, #tpu.memory_space<vmem>> -> memref<1x1x128xi32, #tpu.memory_space<vmem>>
      %dma_start3A_575 = tpu.memref_squeeze %dma_start3A_574 : memref<1x1x128xi32, #tpu.memory_space<vmem>> -> memref<128xi32, #tpu.memory_space<vmem>>
      %dma_start3A_576 = arith.constant 0 : i32
      %dma_start3A_577 = arith.constant 0 : i32
      %dma_start3A_578 = tpu.memref_slice %arg6[%dma_start3A_576, %dma_start3A_577] : memref<10240x32xf32, #tpu.memory_space<vmem_shared>> -> memref<10240x32xf32, #tpu.memory_space<vmem_shared>>
      tpu.enqueue_indirect_dma source(%dma_start3A_572 : memref<128x32xf32, #tpu.memory_space<vmem>>) target(%dma_start3A_578 : memref<10240x32xf32, #tpu.memory_space<vmem_shared>>) offsets(%dma_start3A_575 : memref<128xi32, #tpu.memory_space<vmem>>) semaphore(%arg13 : memref<!tpu.dma_semaphore, #tpu.memory_space<semaphore_mem>>) {add = true}
      %mul3A_579 = arith.constant 8 : i32
      %mul3A_580 = arith.muli %select_n3A_516, %mul3A_579 : i32
      %add3A_581 = arith.constant 4 : i32
      %add3A_582 = arith.addi %mul3A_580, %add3A_581 : i32
      %dma_start3A_583 = arith.constant 4 : i32
      %dma_start3A_584 = arith.constant 0 : i32
      %dma_start3A_585 = arith.constant 0 : i32
      %dma_start3A_586 = tpu.memref_slice %arg10[%add3A_582, %dma_start3A_584, %dma_start3A_585] : memref<16x128x32xf32, #tpu.memory_space<vmem>> -> memref<1x128x32xf32, #tpu.memory_space<vmem>>
      %dma_start3A_587 = tpu.memref_squeeze %dma_start3A_586 : memref<1x128x32xf32, #tpu.memory_space<vmem>> -> memref<128x32xf32, #tpu.memory_space<vmem>>
      %dma_start3A_588 = arith.constant 0 : i32
      %dma_start3A_589 = tpu.memref_slice %arg9[%rem3A_518, %dma_start3A_583, %dma_start3A_588] : memref<3x8x128xi32, #tpu.memory_space<vmem>> -> memref<1x1x128xi32, #tpu.memory_space<vmem>>
      %dma_start3A_590 = tpu.memref_squeeze %dma_start3A_589 : memref<1x1x128xi32, #tpu.memory_space<vmem>> -> memref<128xi32, #tpu.memory_space<vmem>>
      %dma_start3A_591 = arith.constant 0 : i32
      %dma_start3A_592 = arith.constant 0 : i32
      %dma_start3A_593 = tpu.memref_slice %arg6[%dma_start3A_591, %dma_start3A_592] : memref<10240x32xf32, #tpu.memory_space<vmem_shared>> -> memref<10240x32xf32, #tpu.memory_space<vmem_shared>>
      tpu.enqueue_indirect_dma source(%dma_start3A_587 : memref<128x32xf32, #tpu.memory_space<vmem>>) target(%dma_start3A_593 : memref<10240x32xf32, #tpu.memory_space<vmem_shared>>) offsets(%dma_start3A_590 : memref<128xi32, #tpu.memory_space<vmem>>) semaphore(%arg13 : memref<!tpu.dma_semaphore, #tpu.memory_space<semaphore_mem>>) {add = true}
      %mul3A_594 = arith.constant 8 : i32
      %mul3A_595 = arith.muli %select_n3A_516, %mul3A_594 : i32
      %add3A_596 = arith.constant 5 : i32
      %add3A_597 = arith.addi %mul3A_595, %add3A_596 : i32
      %dma_start3A_598 = arith.constant 5 : i32
      %dma_start3A_599 = arith.constant 0 : i32
      %dma_start3A_600 = arith.constant 0 : i32
      %dma_start3A_601 = tpu.memref_slice %arg10[%add3A_597, %dma_start3A_599, %dma_start3A_600] : memref<16x128x32xf32, #tpu.memory_space<vmem>> -> memref<1x128x32xf32, #tpu.memory_space<vmem>>
      %dma_start3A_602 = tpu.memref_squeeze %dma_start3A_601 : memref<1x128x32xf32, #tpu.memory_space<vmem>> -> memref<128x32xf32, #tpu.memory_space<vmem>>
      %dma_start3A_603 = arith.constant 0 : i32
      %dma_start3A_604 = tpu.memref_slice %arg9[%rem3A_518, %dma_start3A_598, %dma_start3A_603] : memref<3x8x128xi32, #tpu.memory_space<vmem>> -> memref<1x1x128xi32, #tpu.memory_space<vmem>>
      %dma_start3A_605 = tpu.memref_squeeze %dma_start3A_604 : memref<1x1x128xi32, #tpu.memory_space<vmem>> -> memref<128xi32, #tpu.memory_space<vmem>>
      %dma_start3A_606 = arith.constant 0 : i32
      %dma_start3A_607 = arith.constant 0 : i32
      %dma_start3A_608 = tpu.memref_slice %arg6[%dma_start3A_606, %dma_start3A_607] : memref<10240x32xf32, #tpu.memory_space<vmem_shared>> -> memref<10240x32xf32, #tpu.memory_space<vmem_shared>>
      tpu.enqueue_indirect_dma source(%dma_start3A_602 : memref<128x32xf32, #tpu.memory_space<vmem>>) target(%dma_start3A_608 : memref<10240x32xf32, #tpu.memory_space<vmem_shared>>) offsets(%dma_start3A_605 : memref<128xi32, #tpu.memory_space<vmem>>) semaphore(%arg13 : memref<!tpu.dma_semaphore, #tpu.memory_space<semaphore_mem>>) {add = true}
      %mul3A_609 = arith.constant 8 : i32
      %mul3A_610 = arith.muli %select_n3A_516, %mul3A_609 : i32
      %add3A_611 = arith.constant 6 : i32
      %add3A_612 = arith.addi %mul3A_610, %add3A_611 : i32
      %dma_start3A_613 = arith.constant 6 : i32
      %dma_start3A_614 = arith.constant 0 : i32
      %dma_start3A_615 = arith.constant 0 : i32
      %dma_start3A_616 = tpu.memref_slice %arg10[%add3A_612, %dma_start3A_614, %dma_start3A_615] : memref<16x128x32xf32, #tpu.memory_space<vmem>> -> memref<1x128x32xf32, #tpu.memory_space<vmem>>
      %dma_start3A_617 = tpu.memref_squeeze %dma_start3A_616 : memref<1x128x32xf32, #tpu.memory_space<vmem>> -> memref<128x32xf32, #tpu.memory_space<vmem>>
      %dma_start3A_618 = arith.constant 0 : i32
      %dma_start3A_619 = tpu.memref_slice %arg9[%rem3A_518, %dma_start3A_613, %dma_start3A_618] : memref<3x8x128xi32, #tpu.memory_space<vmem>> -> memref<1x1x128xi32, #tpu.memory_space<vmem>>
      %dma_start3A_620 = tpu.memref_squeeze %dma_start3A_619 : memref<1x1x128xi32, #tpu.memory_space<vmem>> -> memref<128xi32, #tpu.memory_space<vmem>>
      %dma_start3A_621 = arith.constant 0 : i32
      %dma_start3A_622 = arith.constant 0 : i32
      %dma_start3A_623 = tpu.memref_slice %arg6[%dma_start3A_621, %dma_start3A_622] : memref<10240x32xf32, #tpu.memory_space<vmem_shared>> -> memref<10240x32xf32, #tpu.memory_space<vmem_shared>>
      tpu.enqueue_indirect_dma source(%dma_start3A_617 : memref<128x32xf32, #tpu.memory_space<vmem>>) target(%dma_start3A_623 : memref<10240x32xf32, #tpu.memory_space<vmem_shared>>) offsets(%dma_start3A_620 : memref<128xi32, #tpu.memory_space<vmem>>) semaphore(%arg13 : memref<!tpu.dma_semaphore, #tpu.memory_space<semaphore_mem>>) {add = true}
      %mul3A_624 = arith.constant 8 : i32
      %mul3A_625 = arith.muli %select_n3A_516, %mul3A_624 : i32
      %add3A_626 = arith.constant 7 : i32
      %add3A_627 = arith.addi %mul3A_625, %add3A_626 : i32
      %dma_start3A_628 = arith.constant 7 : i32
      %dma_start3A_629 = arith.constant 0 : i32
      %dma_start3A_630 = arith.constant 0 : i32
      %dma_start3A_631 = tpu.memref_slice %arg10[%add3A_627, %dma_start3A_629, %dma_start3A_630] : memref<16x128x32xf32, #tpu.memory_space<vmem>> -> memref<1x128x32xf32, #tpu.memory_space<vmem>>
      %dma_start3A_632 = tpu.memref_squeeze %dma_start3A_631 : memref<1x128x32xf32, #tpu.memory_space<vmem>> -> memref<128x32xf32, #tpu.memory_space<vmem>>
      %dma_start3A_633 = arith.constant 0 : i32
      %dma_start3A_634 = tpu.memref_slice %arg9[%rem3A_518, %dma_start3A_628, %dma_start3A_633] : memref<3x8x128xi32, #tpu.memory_space<vmem>> -> memref<1x1x128xi32, #tpu.memory_space<vmem>>
      %dma_start3A_635 = tpu.memref_squeeze %dma_start3A_634 : memref<1x1x128xi32, #tpu.memory_space<vmem>> -> memref<128xi32, #tpu.memory_space<vmem>>
      %dma_start3A_636 = arith.constant 0 : i32
      %dma_start3A_637 = arith.constant 0 : i32
      %dma_start3A_638 = tpu.memref_slice %arg6[%dma_start3A_636, %dma_start3A_637] : memref<10240x32xf32, #tpu.memory_space<vmem_shared>> -> memref<10240x32xf32, #tpu.memory_space<vmem_shared>>
      tpu.enqueue_indirect_dma source(%dma_start3A_632 : memref<128x32xf32, #tpu.memory_space<vmem>>) target(%dma_start3A_638 : memref<10240x32xf32, #tpu.memory_space<vmem_shared>>) offsets(%dma_start3A_635 : memref<128xi32, #tpu.memory_space<vmem>>) semaphore(%arg13 : memref<!tpu.dma_semaphore, #tpu.memory_space<semaphore_mem>>) {add = true}
      %scan3A_639 = arith.constant 0 : i32
      scf.yield %scan3A_639 : i32
    }
    %scan3A_228 = arith.constant 20 : i32
    %dma_wait3A_229 = arith.constant 0 : i32
    %dma_wait3A_230 = arith.constant 0 : i32
    %dma_wait3A_231 = arith.constant 0 : i32
    %dma_wait3A_232 = tpu.memref_slice %arg10[%dma_wait3A_229, %dma_wait3A_230, %dma_wait3A_231] : memref<16x128x32xf32, #tpu.memory_space<vmem>> -> memref<1x128x32xf32, #tpu.memory_space<vmem>>
    %dma_wait3A_233 = tpu.memref_squeeze %dma_wait3A_232 : memref<1x128x32xf32, #tpu.memory_space<vmem>> -> memref<128x32xf32, #tpu.memory_space<vmem>>
    %dma_wait3A_234 = arith.constant 0 : i32
    %dma_wait3A_235 = arith.constant 0 : i32
    %dma_wait3A_236 = tpu.memref_slice %arg2[%dma_wait3A_234, %dma_wait3A_235] : memref<10240x64xf32, #tpu.memory_space<hbm>> -> memref<128x32xf32, #tpu.memory_space<hbm>>
    %dma_wait3A_237 = arith.constant 0 : i32
    %dma_wait3A_238 = arith.constant 0 : i32
    %dma_wait3A_239 = tpu.memref_slice %arg10[%dma_wait3A_229, %dma_wait3A_237, %dma_wait3A_238] : memref<16x128x32xf32, #tpu.memory_space<vmem>> -> memref<1x128x32xf32, #tpu.memory_space<vmem>>
    %dma_wait3A_240 = tpu.memref_squeeze %dma_wait3A_239 : memref<1x128x32xf32, #tpu.memory_space<vmem>> -> memref<128x32xf32, #tpu.memory_space<vmem>>
    %dma_wait3A_241 = arith.constant 0 : i32
    %dma_wait3A_242 = arith.constant 0 : i32
    %dma_wait3A_243 = tpu.memref_slice %arg2[%dma_wait3A_241, %dma_wait3A_242] : memref<10240x64xf32, #tpu.memory_space<hbm>> -> memref<128x32xf32, #tpu.memory_space<hbm>>
    tpu.wait_dma2 semaphore(%arg13 : memref<!tpu.dma_semaphore, #tpu.memory_space<semaphore_mem>>) src(%dma_wait3A_243 : memref<128x32xf32, #tpu.memory_space<hbm>>) dst(%dma_wait3A_240 : memref<128x32xf32, #tpu.memory_space<vmem>>)
    %dma_wait3A_244 = arith.constant 0 : i32
    %dma_wait3A_245 = arith.constant 0 : i32
    %dma_wait3A_246 = arith.constant 0 : i32
    %dma_wait3A_247 = tpu.memref_slice %arg10[%dma_wait3A_244, %dma_wait3A_245, %dma_wait3A_246] : memref<16x128x32xf32, #tpu.memory_space<vmem>> -> memref<1x128x32xf32, #tpu.memory_space<vmem>>
    %dma_wait3A_248 = tpu.memref_squeeze %dma_wait3A_247 : memref<1x128x32xf32, #tpu.memory_space<vmem>> -> memref<128x32xf32, #tpu.memory_space<vmem>>
    %dma_wait3A_249 = arith.constant 0 : i32
    %dma_wait3A_250 = arith.constant 0 : i32
    %dma_wait3A_251 = tpu.memref_slice %arg2[%dma_wait3A_249, %dma_wait3A_250] : memref<10240x64xf32, #tpu.memory_space<hbm>> -> memref<128x32xf32, #tpu.memory_space<hbm>>
    %dma_wait3A_252 = arith.constant 0 : i32
    %dma_wait3A_253 = arith.constant 0 : i32
    %dma_wait3A_254 = tpu.memref_slice %arg10[%dma_wait3A_244, %dma_wait3A_252, %dma_wait3A_253] : memref<16x128x32xf32, #tpu.memory_space<vmem>> -> memref<1x128x32xf32, #tpu.memory_space<vmem>>
    %dma_wait3A_255 = tpu.memref_squeeze %dma_wait3A_254 : memref<1x128x32xf32, #tpu.memory_space<vmem>> -> memref<128x32xf32, #tpu.memory_space<vmem>>
    %dma_wait3A_256 = arith.constant 0 : i32
    %dma_wait3A_257 = arith.constant 0 : i32
    %dma_wait3A_258 = tpu.memref_slice %arg2[%dma_wait3A_256, %dma_wait3A_257] : memref<10240x64xf32, #tpu.memory_space<hbm>> -> memref<128x32xf32, #tpu.memory_space<hbm>>
    tpu.wait_dma2 semaphore(%arg13 : memref<!tpu.dma_semaphore, #tpu.memory_space<semaphore_mem>>) src(%dma_wait3A_258 : memref<128x32xf32, #tpu.memory_space<hbm>>) dst(%dma_wait3A_255 : memref<128x32xf32, #tpu.memory_space<vmem>>)
    %dma_wait3A_259 = arith.constant 0 : i32
    %dma_wait3A_260 = arith.constant 0 : i32
    %dma_wait3A_261 = arith.constant 0 : i32
    %dma_wait3A_262 = tpu.memref_slice %arg10[%dma_wait3A_259, %dma_wait3A_260, %dma_wait3A_261] : memref<16x128x32xf32, #tpu.memory_space<vmem>> -> memref<1x128x32xf32, #tpu.memory_space<vmem>>
    %dma_wait3A_263 = tpu.memref_squeeze %dma_wait3A_262 : memref<1x128x32xf32, #tpu.memory_space<vmem>> -> memref<128x32xf32, #tpu.memory_space<vmem>>
    %dma_wait3A_264 = arith.constant 0 : i32
    %dma_wait3A_265 = arith.constant 0 : i32
    %dma_wait3A_266 = tpu.memref_slice %arg2[%dma_wait3A_264, %dma_wait3A_265] : memref<10240x64xf32, #tpu.memory_space<hbm>> -> memref<128x32xf32, #tpu.memory_space<hbm>>
    %dma_wait3A_267 = arith.constant 0 : i32
    %dma_wait3A_268 = arith.constant 0 : i32
    %dma_wait3A_269 = tpu.memref_slice %arg10[%dma_wait3A_259, %dma_wait3A_267, %dma_wait3A_268] : memref<16x128x32xf32, #tpu.memory_space<vmem>> -> memref<1x128x32xf32, #tpu.memory_space<vmem>>
    %dma_wait3A_270 = tpu.memref_squeeze %dma_wait3A_269 : memref<1x128x32xf32, #tpu.memory_space<vmem>> -> memref<128x32xf32, #tpu.memory_space<vmem>>
    %dma_wait3A_271 = arith.constant 0 : i32
    %dma_wait3A_272 = arith.constant 0 : i32
    %dma_wait3A_273 = tpu.memref_slice %arg2[%dma_wait3A_271, %dma_wait3A_272] : memref<10240x64xf32, #tpu.memory_space<hbm>> -> memref<128x32xf32, #tpu.memory_space<hbm>>
    tpu.wait_dma2 semaphore(%arg13 : memref<!tpu.dma_semaphore, #tpu.memory_space<semaphore_mem>>) src(%dma_wait3A_273 : memref<128x32xf32, #tpu.memory_space<hbm>>) dst(%dma_wait3A_270 : memref<128x32xf32, #tpu.memory_space<vmem>>)
    %dma_wait3A_274 = arith.constant 0 : i32
    %dma_wait3A_275 = arith.constant 0 : i32
    %dma_wait3A_276 = arith.constant 0 : i32
    %dma_wait3A_277 = tpu.memref_slice %arg10[%dma_wait3A_274, %dma_wait3A_275, %dma_wait3A_276] : memref<16x128x32xf32, #tpu.memory_space<vmem>> -> memref<1x128x32xf32, #tpu.memory_space<vmem>>
    %dma_wait3A_278 = tpu.memref_squeeze %dma_wait3A_277 : memref<1x128x32xf32, #tpu.memory_space<vmem>> -> memref<128x32xf32, #tpu.memory_space<vmem>>
    %dma_wait3A_279 = arith.constant 0 : i32
    %dma_wait3A_280 = arith.constant 0 : i32
    %dma_wait3A_281 = tpu.memref_slice %arg2[%dma_wait3A_279, %dma_wait3A_280] : memref<10240x64xf32, #tpu.memory_space<hbm>> -> memref<128x32xf32, #tpu.memory_space<hbm>>
    %dma_wait3A_282 = arith.constant 0 : i32
    %dma_wait3A_283 = arith.constant 0 : i32
    %dma_wait3A_284 = tpu.memref_slice %arg10[%dma_wait3A_274, %dma_wait3A_282, %dma_wait3A_283] : memref<16x128x32xf32, #tpu.memory_space<vmem>> -> memref<1x128x32xf32, #tpu.memory_space<vmem>>
    %dma_wait3A_285 = tpu.memref_squeeze %dma_wait3A_284 : memref<1x128x32xf32, #tpu.memory_space<vmem>> -> memref<128x32xf32, #tpu.memory_space<vmem>>
    %dma_wait3A_286 = arith.constant 0 : i32
    %dma_wait3A_287 = arith.constant 0 : i32
    %dma_wait3A_288 = tpu.memref_slice %arg2[%dma_wait3A_286, %dma_wait3A_287] : memref<10240x64xf32, #tpu.memory_space<hbm>> -> memref<128x32xf32, #tpu.memory_space<hbm>>
    tpu.wait_dma2 semaphore(%arg13 : memref<!tpu.dma_semaphore, #tpu.memory_space<semaphore_mem>>) src(%dma_wait3A_288 : memref<128x32xf32, #tpu.memory_space<hbm>>) dst(%dma_wait3A_285 : memref<128x32xf32, #tpu.memory_space<vmem>>)
    %dma_wait3A_289 = arith.constant 0 : i32
    %dma_wait3A_290 = arith.constant 0 : i32
    %dma_wait3A_291 = arith.constant 0 : i32
    %dma_wait3A_292 = tpu.memref_slice %arg10[%dma_wait3A_289, %dma_wait3A_290, %dma_wait3A_291] : memref<16x128x32xf32, #tpu.memory_space<vmem>> -> memref<1x128x32xf32, #tpu.memory_space<vmem>>
    %dma_wait3A_293 = tpu.memref_squeeze %dma_wait3A_292 : memref<1x128x32xf32, #tpu.memory_space<vmem>> -> memref<128x32xf32, #tpu.memory_space<vmem>>
    %dma_wait3A_294 = arith.constant 0 : i32
    %dma_wait3A_295 = arith.constant 0 : i32
    %dma_wait3A_296 = tpu.memref_slice %arg2[%dma_wait3A_294, %dma_wait3A_295] : memref<10240x64xf32, #tpu.memory_space<hbm>> -> memref<128x32xf32, #tpu.memory_space<hbm>>
    %dma_wait3A_297 = arith.constant 0 : i32
    %dma_wait3A_298 = arith.constant 0 : i32
    %dma_wait3A_299 = tpu.memref_slice %arg10[%dma_wait3A_289, %dma_wait3A_297, %dma_wait3A_298] : memref<16x128x32xf32, #tpu.memory_space<vmem>> -> memref<1x128x32xf32, #tpu.memory_space<vmem>>
    %dma_wait3A_300 = tpu.memref_squeeze %dma_wait3A_299 : memref<1x128x32xf32, #tpu.memory_space<vmem>> -> memref<128x32xf32, #tpu.memory_space<vmem>>
    %dma_wait3A_301 = arith.constant 0 : i32
    %dma_wait3A_302 = arith.constant 0 : i32
    %dma_wait3A_303 = tpu.memref_slice %arg2[%dma_wait3A_301, %dma_wait3A_302] : memref<10240x64xf32, #tpu.memory_space<hbm>> -> memref<128x32xf32, #tpu.memory_space<hbm>>
    tpu.wait_dma2 semaphore(%arg13 : memref<!tpu.dma_semaphore, #tpu.memory_space<semaphore_mem>>) src(%dma_wait3A_303 : memref<128x32xf32, #tpu.memory_space<hbm>>) dst(%dma_wait3A_300 : memref<128x32xf32, #tpu.memory_space<vmem>>)
    %dma_wait3A_304 = arith.constant 0 : i32
    %dma_wait3A_305 = arith.constant 0 : i32
    %dma_wait3A_306 = arith.constant 0 : i32
    %dma_wait3A_307 = tpu.memref_slice %arg10[%dma_wait3A_304, %dma_wait3A_305, %dma_wait3A_306] : memref<16x128x32xf32, #tpu.memory_space<vmem>> -> memref<1x128x32xf32, #tpu.memory_space<vmem>>
    %dma_wait3A_308 = tpu.memref_squeeze %dma_wait3A_307 : memref<1x128x32xf32, #tpu.memory_space<vmem>> -> memref<128x32xf32, #tpu.memory_space<vmem>>
    %dma_wait3A_309 = arith.constant 0 : i32
    %dma_wait3A_310 = arith.constant 0 : i32
    %dma_wait3A_311 = tpu.memref_slice %arg2[%dma_wait3A_309, %dma_wait3A_310] : memref<10240x64xf32, #tpu.memory_space<hbm>> -> memref<128x32xf32, #tpu.memory_space<hbm>>
    %dma_wait3A_312 = arith.constant 0 : i32
    %dma_wait3A_313 = arith.constant 0 : i32
    %dma_wait3A_314 = tpu.memref_slice %arg10[%dma_wait3A_304, %dma_wait3A_312, %dma_wait3A_313] : memref<16x128x32xf32, #tpu.memory_space<vmem>> -> memref<1x128x32xf32, #tpu.memory_space<vmem>>
    %dma_wait3A_315 = tpu.memref_squeeze %dma_wait3A_314 : memref<1x128x32xf32, #tpu.memory_space<vmem>> -> memref<128x32xf32, #tpu.memory_space<vmem>>
    %dma_wait3A_316 = arith.constant 0 : i32
    %dma_wait3A_317 = arith.constant 0 : i32
    %dma_wait3A_318 = tpu.memref_slice %arg2[%dma_wait3A_316, %dma_wait3A_317] : memref<10240x64xf32, #tpu.memory_space<hbm>> -> memref<128x32xf32, #tpu.memory_space<hbm>>
    tpu.wait_dma2 semaphore(%arg13 : memref<!tpu.dma_semaphore, #tpu.memory_space<semaphore_mem>>) src(%dma_wait3A_318 : memref<128x32xf32, #tpu.memory_space<hbm>>) dst(%dma_wait3A_315 : memref<128x32xf32, #tpu.memory_space<vmem>>)
    %dma_wait3A_319 = arith.constant 0 : i32
    %dma_wait3A_320 = arith.constant 0 : i32
    %dma_wait3A_321 = arith.constant 0 : i32
    %dma_wait3A_322 = tpu.memref_slice %arg10[%dma_wait3A_319, %dma_wait3A_320, %dma_wait3A_321] : memref<16x128x32xf32, #tpu.memory_space<vmem>> -> memref<1x128x32xf32, #tpu.memory_space<vmem>>
    %dma_wait3A_323 = tpu.memref_squeeze %dma_wait3A_322 : memref<1x128x32xf32, #tpu.memory_space<vmem>> -> memref<128x32xf32, #tpu.memory_space<vmem>>
    %dma_wait3A_324 = arith.constant 0 : i32
    %dma_wait3A_325 = arith.constant 0 : i32
    %dma_wait3A_326 = tpu.memref_slice %arg2[%dma_wait3A_324, %dma_wait3A_325] : memref<10240x64xf32, #tpu.memory_space<hbm>> -> memref<128x32xf32, #tpu.memory_space<hbm>>
    %dma_wait3A_327 = arith.constant 0 : i32
    %dma_wait3A_328 = arith.constant 0 : i32
    %dma_wait3A_329 = tpu.memref_slice %arg10[%dma_wait3A_319, %dma_wait3A_327, %dma_wait3A_328] : memref<16x128x32xf32, #tpu.memory_space<vmem>> -> memref<1x128x32xf32, #tpu.memory_space<vmem>>
    %dma_wait3A_330 = tpu.memref_squeeze %dma_wait3A_329 : memref<1x128x32xf32, #tpu.memory_space<vmem>> -> memref<128x32xf32, #tpu.memory_space<vmem>>
    %dma_wait3A_331 = arith.constant 0 : i32
    %dma_wait3A_332 = arith.constant 0 : i32
    %dma_wait3A_333 = tpu.memref_slice %arg2[%dma_wait3A_331, %dma_wait3A_332] : memref<10240x64xf32, #tpu.memory_space<hbm>> -> memref<128x32xf32, #tpu.memory_space<hbm>>
    tpu.wait_dma2 semaphore(%arg13 : memref<!tpu.dma_semaphore, #tpu.memory_space<semaphore_mem>>) src(%dma_wait3A_333 : memref<128x32xf32, #tpu.memory_space<hbm>>) dst(%dma_wait3A_330 : memref<128x32xf32, #tpu.memory_space<vmem>>)
    %dma_wait3A_334 = arith.constant 0 : i32
    %dma_wait3A_335 = arith.constant 0 : i32
    %dma_wait3A_336 = arith.constant 0 : i32
    %dma_wait3A_337 = tpu.memref_slice %arg10[%dma_wait3A_334, %dma_wait3A_335, %dma_wait3A_336] : memref<16x128x32xf32, #tpu.memory_space<vmem>> -> memref<1x128x32xf32, #tpu.memory_space<vmem>>
    %dma_wait3A_338 = tpu.memref_squeeze %dma_wait3A_337 : memref<1x128x32xf32, #tpu.memory_space<vmem>> -> memref<128x32xf32, #tpu.memory_space<vmem>>
    %dma_wait3A_339 = arith.constant 0 : i32
    %dma_wait3A_340 = arith.constant 0 : i32
    %dma_wait3A_341 = tpu.memref_slice %arg2[%dma_wait3A_339, %dma_wait3A_340] : memref<10240x64xf32, #tpu.memory_space<hbm>> -> memref<128x32xf32, #tpu.memory_space<hbm>>
    %dma_wait3A_342 = arith.constant 0 : i32
    %dma_wait3A_343 = arith.constant 0 : i32
    %dma_wait3A_344 = tpu.memref_slice %arg10[%dma_wait3A_334, %dma_wait3A_342, %dma_wait3A_343] : memref<16x128x32xf32, #tpu.memory_space<vmem>> -> memref<1x128x32xf32, #tpu.memory_space<vmem>>
    %dma_wait3A_345 = tpu.memref_squeeze %dma_wait3A_344 : memref<1x128x32xf32, #tpu.memory_space<vmem>> -> memref<128x32xf32, #tpu.memory_space<vmem>>
    %dma_wait3A_346 = arith.constant 0 : i32
    %dma_wait3A_347 = arith.constant 0 : i32
    %dma_wait3A_348 = tpu.memref_slice %arg2[%dma_wait3A_346, %dma_wait3A_347] : memref<10240x64xf32, #tpu.memory_space<hbm>> -> memref<128x32xf32, #tpu.memory_space<hbm>>
    tpu.wait_dma2 semaphore(%arg13 : memref<!tpu.dma_semaphore, #tpu.memory_space<semaphore_mem>>) src(%dma_wait3A_348 : memref<128x32xf32, #tpu.memory_space<hbm>>) dst(%dma_wait3A_345 : memref<128x32xf32, #tpu.memory_space<vmem>>)
    %barrier3A_349 = arith.constant 0 : index
    tpu.barrier barrier_id(%barrier3A_349)
    %mul3A_350 = arith.constant 640 : i32
    %mul3A_351 = arith.muli %arg1, %mul3A_350 : i32
    %mul3A_352 = arith.constant 640 : i32
    %mul3A_353 = arith.muli %arg1, %mul3A_352 : i32
    %mul3A_354 = arith.constant 32 : i32
    %mul3A_355 = arith.muli %arg0, %mul3A_354 : i32
    "tpu.region"() ({
      %run_scoped3A_356 = tpu.sem_alloc : memref<!tpu.dma_semaphore, #tpu.memory_space<semaphore_mem>>
      %dma_start3A_357 = tpu.memref_slice %arg5[%mul3A_353, %mul3A_355] : memref<10240x64xf32, #tpu.memory_space<hbm>> -> memref<640x32xf32, #tpu.memory_space<hbm>>
      %dma_start3A_358 = arith.constant 0 : i32
      %dma_start3A_359 = tpu.memref_slice %arg6[%mul3A_351, %dma_start3A_358] : memref<10240x32xf32, #tpu.memory_space<vmem_shared>> -> memref<640x32xf32, #tpu.memory_space<vmem_shared>>
      tpu.enqueue_dma source(%dma_start3A_359 : memref<640x32xf32, #tpu.memory_space<vmem_shared>>) target(%dma_start3A_357 : memref<640x32xf32, #tpu.memory_space<hbm>>) target_semaphore(%run_scoped3A_356 : memref<!tpu.dma_semaphore, #tpu.memory_space<semaphore_mem>>)
      %dma_wait3A_360 = tpu.memref_slice %arg5[%mul3A_353, %mul3A_355] : memref<10240x64xf32, #tpu.memory_space<hbm>> -> memref<640x32xf32, #tpu.memory_space<hbm>>
      %dma_wait3A_361 = arith.constant 0 : i32
      %dma_wait3A_362 = tpu.memref_slice %arg6[%mul3A_351, %dma_wait3A_361] : memref<10240x32xf32, #tpu.memory_space<vmem_shared>> -> memref<640x32xf32, #tpu.memory_space<vmem_shared>>
      tpu.wait_dma2 semaphore(%run_scoped3A_356 : memref<!tpu.dma_semaphore, #tpu.memory_space<semaphore_mem>>) src(%dma_wait3A_362 : memref<640x32xf32, #tpu.memory_space<vmem_shared>>) dst(%dma_wait3A_360 : memref<640x32xf32, #tpu.memory_space<hbm>>)
      tpu.yield
    }) : () -> ()
    return
  }
}

#map = affine_map<(d0, d1) -> (0, 0)>
module attributes {stable_mosaic.version = 14 : i64} {
  func.func @_deg_body(%arg0: i32, %arg1: i32, %arg2: memref<2560x128xi32, #tpu.memory_space<hbm>>, %arg3: memref<2x10240xf32, #tpu.memory_space<hbm>>, %arg4: memref<10240xf32, #tpu.memory_space<vmem_shared>>, %arg5: memref<3x4x128xi32, #tpu.memory_space<vmem>>, %arg6: memref<128xf32, #tpu.memory_space<vmem>>, %arg7: memref<640xf32, #tpu.memory_space<vmem>>, %arg8: memref<!tpu.dma_semaphore, #tpu.memory_space<semaphore_mem>>, %arg9: memref<!tpu.dma_semaphore, #tpu.memory_space<semaphore_mem>>) attributes {dimension_semantics = [#tpu.dimension_semantics<core_parallel>, #tpu.dimension_semantics<subcore_parallel>], iteration_bounds = array<i64: 2, 16>, scalar_prefetch = 0 : i64, scratch_operands = 6 : i64, tpu.core_type = #tpu.core_type<sc_vector_subcore>, window_params = [{transform_indices = #map}, {transform_indices = #map}]} {
    %mul3A = arith.constant 2 : i32
    %mul3A_0 = arith.muli %arg1, %mul3A : i32
    %add3A = arith.addi %mul3A_0, %arg0 : i32
    %mul3A_1 = arith.constant 80 : i32
    %mul3A_2 = arith.muli %add3A, %mul3A_1 : i32
    %add3A_3 = arith.constant 0 : i32
    %add3A_4 = arith.addi %mul3A_2, %add3A_3 : i32
    %dma_start3A = arith.constant 0 : i32
    %dma_start3A_5 = arith.constant 0 : i32
    %dma_start3A_6 = arith.constant 0 : i32
    %dma_start3A_7 = tpu.memref_slice %arg5[%dma_start3A, %dma_start3A_5, %dma_start3A_6] : memref<3x4x128xi32, #tpu.memory_space<vmem>> -> memref<1x4x128xi32, #tpu.memory_space<vmem>>
    %dma_start3A_8 = tpu.memref_squeeze %dma_start3A_7 : memref<1x4x128xi32, #tpu.memory_space<vmem>> -> memref<4x128xi32, #tpu.memory_space<vmem>>
    %dma_start3A_9 = arith.constant 0 : i32
    %dma_start3A_10 = tpu.memref_slice %arg2[%add3A_4, %dma_start3A_9] : memref<2560x128xi32, #tpu.memory_space<hbm>> -> memref<4x128xi32, #tpu.memory_space<hbm>>
    %dma_start3A_11 = arith.constant 0 : i32
    %dma_start3A_12 = arith.constant 0 : i32
    %dma_start3A_13 = tpu.memref_slice %arg5[%dma_start3A, %dma_start3A_11, %dma_start3A_12] : memref<3x4x128xi32, #tpu.memory_space<vmem>> -> memref<1x4x128xi32, #tpu.memory_space<vmem>>
    %dma_start3A_14 = tpu.memref_squeeze %dma_start3A_13 : memref<1x4x128xi32, #tpu.memory_space<vmem>> -> memref<4x128xi32, #tpu.memory_space<vmem>>
    %dma_start3A_15 = arith.constant 0 : i32
    %dma_start3A_16 = tpu.memref_slice %arg2[%add3A_4, %dma_start3A_15] : memref<2560x128xi32, #tpu.memory_space<hbm>> -> memref<4x128xi32, #tpu.memory_space<hbm>>
    tpu.enqueue_dma source(%dma_start3A_16 : memref<4x128xi32, #tpu.memory_space<hbm>>) target(%dma_start3A_14 : memref<4x128xi32, #tpu.memory_space<vmem>>) target_semaphore(%arg8 : memref<!tpu.dma_semaphore, #tpu.memory_space<semaphore_mem>>)
    %scan3A = arith.constant 0 : i32
    %scan3A_17 = arith.constant 0 : i32
    %scan3A_18 = arith.constant 40 : i32
    %scan3A_19 = arith.addi %scan3A_17, %scan3A_18 : i32
    %scan3A_20 = arith.constant 1 : i32
    %scan3A_21 = scf.for %scan3A_123 = %scan3A_17 to %scan3A_19 step %scan3A_20 iter_args(%scan3A_124 = %scan3A) -> (i32)  : i32 {
      %broadcast_in_dim3A_125 = arith.constant 0.000000e+00 : f32
      %broadcast_in_dim3A_126 = vector.broadcast %broadcast_in_dim3A_125 : f32 to vector<16xf32>
      %mul3A_127 = arith.constant 16 : i32
      %mul3A_128 = arith.muli %scan3A_123, %mul3A_127 : i32
      %swap3A_129 = arith.index_cast %mul3A_128 : i32 to index
      %swap3A_130 = tpu.vector_load %arg7[%swap3A_129] {strides = array<i32>} : memref<640xf32, #tpu.memory_space<vmem>>, vector<16xf32>,
      %swap3A_131 = vector.shape_cast %swap3A_130 : vector<16xf32> to vector<16xf32>
      %swap3A_132 = vector.shape_cast %broadcast_in_dim3A_126 : vector<16xf32> to vector<16xf32>
      tpu.vector_store %arg7[%swap3A_129], %swap3A_132 {strides = array<i32>} : memref<640xf32, #tpu.memory_space<vmem>>, vector<16xf32>,
      %scan3A_133 = arith.constant 0 : i32
      scf.yield %scan3A_133 : i32
    }
    %scan3A_22 = arith.constant 40 : i32
    %broadcast_in_dim3A = arith.constant 1.000000e+00 : f32
    %broadcast_in_dim3A_23 = vector.broadcast %broadcast_in_dim3A : f32 to vector<16xf32>
    %swap3A = arith.constant 0 : index
    %swap3A_24 = tpu.vector_load %arg6[%swap3A] {strides = array<i32>} : memref<128xf32, #tpu.memory_space<vmem>>, vector<16xf32>,
    %swap3A_25 = vector.shape_cast %swap3A_24 : vector<16xf32> to vector<16xf32>
    %swap3A_26 = vector.shape_cast %broadcast_in_dim3A_23 : vector<16xf32> to vector<16xf32>
    tpu.vector_store %arg6[%swap3A], %swap3A_26 {strides = array<i32>} : memref<128xf32, #tpu.memory_space<vmem>>, vector<16xf32>,
    %broadcast_in_dim3A_27 = arith.constant 1.000000e+00 : f32
    %broadcast_in_dim3A_28 = vector.broadcast %broadcast_in_dim3A_27 : f32 to vector<16xf32>
    %swap3A_29 = arith.constant 16 : index
    %swap3A_30 = tpu.vector_load %arg6[%swap3A_29] {strides = array<i32>} : memref<128xf32, #tpu.memory_space<vmem>>, vector<16xf32>,
    %swap3A_31 = vector.shape_cast %swap3A_30 : vector<16xf32> to vector<16xf32>
    %swap3A_32 = vector.shape_cast %broadcast_in_dim3A_28 : vector<16xf32> to vector<16xf32>
    tpu.vector_store %arg6[%swap3A_29], %swap3A_32 {strides = array<i32>} : memref<128xf32, #tpu.memory_space<vmem>>, vector<16xf32>,
    %broadcast_in_dim3A_33 = arith.constant 1.000000e+00 : f32
    %broadcast_in_dim3A_34 = vector.broadcast %broadcast_in_dim3A_33 : f32 to vector<16xf32>
    %swap3A_35 = arith.constant 32 : index
    %swap3A_36 = tpu.vector_load %arg6[%swap3A_35] {strides = array<i32>} : memref<128xf32, #tpu.memory_space<vmem>>, vector<16xf32>,
    %swap3A_37 = vector.shape_cast %swap3A_36 : vector<16xf32> to vector<16xf32>
    %swap3A_38 = vector.shape_cast %broadcast_in_dim3A_34 : vector<16xf32> to vector<16xf32>
    tpu.vector_store %arg6[%swap3A_35], %swap3A_38 {strides = array<i32>} : memref<128xf32, #tpu.memory_space<vmem>>, vector<16xf32>,
    %broadcast_in_dim3A_39 = arith.constant 1.000000e+00 : f32
    %broadcast_in_dim3A_40 = vector.broadcast %broadcast_in_dim3A_39 : f32 to vector<16xf32>
    %swap3A_41 = arith.constant 48 : index
    %swap3A_42 = tpu.vector_load %arg6[%swap3A_41] {strides = array<i32>} : memref<128xf32, #tpu.memory_space<vmem>>, vector<16xf32>,
    %swap3A_43 = vector.shape_cast %swap3A_42 : vector<16xf32> to vector<16xf32>
    %swap3A_44 = vector.shape_cast %broadcast_in_dim3A_40 : vector<16xf32> to vector<16xf32>
    tpu.vector_store %arg6[%swap3A_41], %swap3A_44 {strides = array<i32>} : memref<128xf32, #tpu.memory_space<vmem>>, vector<16xf32>,
    %broadcast_in_dim3A_45 = arith.constant 1.000000e+00 : f32
    %broadcast_in_dim3A_46 = vector.broadcast %broadcast_in_dim3A_45 : f32 to vector<16xf32>
    %swap3A_47 = arith.constant 64 : index
    %swap3A_48 = tpu.vector_load %arg6[%swap3A_47] {strides = array<i32>} : memref<128xf32, #tpu.memory_space<vmem>>, vector<16xf32>,
    %swap3A_49 = vector.shape_cast %swap3A_48 : vector<16xf32> to vector<16xf32>
    %swap3A_50 = vector.shape_cast %broadcast_in_dim3A_46 : vector<16xf32> to vector<16xf32>
    tpu.vector_store %arg6[%swap3A_47], %swap3A_50 {strides = array<i32>} : memref<128xf32, #tpu.memory_space<vmem>>, vector<16xf32>,
    %broadcast_in_dim3A_51 = arith.constant 1.000000e+00 : f32
    %broadcast_in_dim3A_52 = vector.broadcast %broadcast_in_dim3A_51 : f32 to vector<16xf32>
    %swap3A_53 = arith.constant 80 : index
    %swap3A_54 = tpu.vector_load %arg6[%swap3A_53] {strides = array<i32>} : memref<128xf32, #tpu.memory_space<vmem>>, vector<16xf32>,
    %swap3A_55 = vector.shape_cast %swap3A_54 : vector<16xf32> to vector<16xf32>
    %swap3A_56 = vector.shape_cast %broadcast_in_dim3A_52 : vector<16xf32> to vector<16xf32>
    tpu.vector_store %arg6[%swap3A_53], %swap3A_56 {strides = array<i32>} : memref<128xf32, #tpu.memory_space<vmem>>, vector<16xf32>,
    %broadcast_in_dim3A_57 = arith.constant 1.000000e+00 : f32
    %broadcast_in_dim3A_58 = vector.broadcast %broadcast_in_dim3A_57 : f32 to vector<16xf32>
    %swap3A_59 = arith.constant 96 : index
    %swap3A_60 = tpu.vector_load %arg6[%swap3A_59] {strides = array<i32>} : memref<128xf32, #tpu.memory_space<vmem>>, vector<16xf32>,
    %swap3A_61 = vector.shape_cast %swap3A_60 : vector<16xf32> to vector<16xf32>
    %swap3A_62 = vector.shape_cast %broadcast_in_dim3A_58 : vector<16xf32> to vector<16xf32>
    tpu.vector_store %arg6[%swap3A_59], %swap3A_62 {strides = array<i32>} : memref<128xf32, #tpu.memory_space<vmem>>, vector<16xf32>,
    %broadcast_in_dim3A_63 = arith.constant 1.000000e+00 : f32
    %broadcast_in_dim3A_64 = vector.broadcast %broadcast_in_dim3A_63 : f32 to vector<16xf32>
    %swap3A_65 = arith.constant 112 : index
    %swap3A_66 = tpu.vector_load %arg6[%swap3A_65] {strides = array<i32>} : memref<128xf32, #tpu.memory_space<vmem>>, vector<16xf32>,
    %swap3A_67 = vector.shape_cast %swap3A_66 : vector<16xf32> to vector<16xf32>
    %swap3A_68 = vector.shape_cast %broadcast_in_dim3A_64 : vector<16xf32> to vector<16xf32>
    tpu.vector_store %arg6[%swap3A_65], %swap3A_68 {strides = array<i32>} : memref<128xf32, #tpu.memory_space<vmem>>, vector<16xf32>,
    %mul3A_69 = arith.constant 640 : i32
    %mul3A_70 = arith.muli %arg1, %mul3A_69 : i32
    "tpu.region"() ({
      %run_scoped3A = tpu.sem_alloc : memref<!tpu.dma_semaphore, #tpu.memory_space<semaphore_mem>>
      %dma_start3A_123 = tpu.memref_slice %arg4[%mul3A_70] : memref<10240xf32, #tpu.memory_space<vmem_shared>> -> memref<640xf32, #tpu.memory_space<vmem_shared>>
      %dma_start3A_124 = tpu.memref_slice %arg4[%mul3A_70] : memref<10240xf32, #tpu.memory_space<vmem_shared>> -> memref<640xf32, #tpu.memory_space<vmem_shared>>
      tpu.enqueue_dma source(%arg7 : memref<640xf32, #tpu.memory_space<vmem>>) target(%dma_start3A_124 : memref<640xf32, #tpu.memory_space<vmem_shared>>) target_semaphore(%run_scoped3A : memref<!tpu.dma_semaphore, #tpu.memory_space<semaphore_mem>>)
      %dma_wait3A_125 = tpu.memref_slice %arg4[%mul3A_70] : memref<10240xf32, #tpu.memory_space<vmem_shared>> -> memref<640xf32, #tpu.memory_space<vmem_shared>>
      %dma_wait3A_126 = tpu.memref_slice %arg4[%mul3A_70] : memref<10240xf32, #tpu.memory_space<vmem_shared>> -> memref<640xf32, #tpu.memory_space<vmem_shared>>
      tpu.wait_dma2 semaphore(%run_scoped3A : memref<!tpu.dma_semaphore, #tpu.memory_space<semaphore_mem>>) src(%arg7 : memref<640xf32, #tpu.memory_space<vmem>>) dst(%dma_wait3A_126 : memref<640xf32, #tpu.memory_space<vmem_shared>>)
      tpu.yield
    }) : () -> ()
    %barrier3A = arith.constant 0 : index
    tpu.barrier barrier_id(%barrier3A)
    %add3A_71 = arith.constant 4 : i32
    %add3A_72 = arith.addi %mul3A_2, %add3A_71 : i32
    %dma_start3A_73 = arith.constant 1 : i32
    %dma_start3A_74 = arith.constant 0 : i32
    %dma_start3A_75 = arith.constant 0 : i32
    %dma_start3A_76 = tpu.memref_slice %arg5[%dma_start3A_73, %dma_start3A_74, %dma_start3A_75] : memref<3x4x128xi32, #tpu.memory_space<vmem>> -> memref<1x4x128xi32, #tpu.memory_space<vmem>>
    %dma_start3A_77 = tpu.memref_squeeze %dma_start3A_76 : memref<1x4x128xi32, #tpu.memory_space<vmem>> -> memref<4x128xi32, #tpu.memory_space<vmem>>
    %dma_start3A_78 = arith.constant 0 : i32
    %dma_start3A_79 = tpu.memref_slice %arg2[%add3A_72, %dma_start3A_78] : memref<2560x128xi32, #tpu.memory_space<hbm>> -> memref<4x128xi32, #tpu.memory_space<hbm>>
    %dma_start3A_80 = arith.constant 0 : i32
    %dma_start3A_81 = arith.constant 0 : i32
    %dma_start3A_82 = tpu.memref_slice %arg5[%dma_start3A_73, %dma_start3A_80, %dma_start3A_81] : memref<3x4x128xi32, #tpu.memory_space<vmem>> -> memref<1x4x128xi32, #tpu.memory_space<vmem>>
    %dma_start3A_83 = tpu.memref_squeeze %dma_start3A_82 : memref<1x4x128xi32, #tpu.memory_space<vmem>> -> memref<4x128xi32, #tpu.memory_space<vmem>>
    %dma_start3A_84 = arith.constant 0 : i32
    %dma_start3A_85 = tpu.memref_slice %arg2[%add3A_72, %dma_start3A_84] : memref<2560x128xi32, #tpu.memory_space<hbm>> -> memref<4x128xi32, #tpu.memory_space<hbm>>
    tpu.enqueue_dma source(%dma_start3A_85 : memref<4x128xi32, #tpu.memory_space<hbm>>) target(%dma_start3A_83 : memref<4x128xi32, #tpu.memory_space<vmem>>) target_semaphore(%arg8 : memref<!tpu.dma_semaphore, #tpu.memory_space<semaphore_mem>>)
    %scan3A_86 = arith.constant 0 : i32
    %scan3A_87 = arith.constant 0 : i32
    %scan3A_88 = arith.constant 20 : i32
    %scan3A_89 = arith.addi %scan3A_87, %scan3A_88 : i32
    %scan3A_90 = arith.constant 1 : i32
    %scan3A_91 = scf.for %scan3A_123 = %scan3A_87 to %scan3A_89 step %scan3A_90 iter_args(%scan3A_124 = %scan3A_86) -> (i32)  : i32 {
      %ge3A = arith.constant 1 : i32
      %ge3A_125 = arith.cmpi sge, %scan3A_123, %ge3A : i32
      %convert_element_type3A_126 = arith.extui %ge3A_125 : i1 to i32
      %cond3A_127 = arith.constant 0 : i32
      %cond3A_128 = arith.cmpi ne, %convert_element_type3A_126, %cond3A_127 : i32
      scf.if %cond3A_128 {
        %dma_wait3A_174 = arith.constant 0 : i32
        %dma_wait3A_175 = arith.constant 0 : i32
        %dma_wait3A_176 = tpu.memref_slice %arg3[%dma_wait3A_174, %dma_wait3A_175] : memref<2x10240xf32, #tpu.memory_space<hbm>> -> memref<1x128xf32, #tpu.memory_space<hbm>>
        %dma_wait3A_177 = tpu.memref_squeeze %dma_wait3A_176 : memref<1x128xf32, #tpu.memory_space<hbm>> -> memref<128xf32, #tpu.memory_space<hbm>>
        %dma_wait3A_178 = arith.constant 0 : i32
        %dma_wait3A_179 = tpu.memref_slice %arg3[%dma_wait3A_174, %dma_wait3A_178] : memref<2x10240xf32, #tpu.memory_space<hbm>> -> memref<1x128xf32, #tpu.memory_space<hbm>>
        %dma_wait3A_180 = tpu.memref_squeeze %dma_wait3A_179 : memref<1x128xf32, #tpu.memory_space<hbm>> -> memref<128xf32, #tpu.memory_space<hbm>>
        tpu.wait_dma2 semaphore(%arg9 : memref<!tpu.dma_semaphore, #tpu.memory_space<semaphore_mem>>) src(%dma_wait3A_180 : memref<128xf32, #tpu.memory_space<hbm>>) dst(%arg6 : memref<128xf32, #tpu.memory_space<vmem>>)
        %dma_wait3A_181 = arith.constant 0 : i32
        %dma_wait3A_182 = arith.constant 0 : i32
        %dma_wait3A_183 = tpu.memref_slice %arg3[%dma_wait3A_181, %dma_wait3A_182] : memref<2x10240xf32, #tpu.memory_space<hbm>> -> memref<1x128xf32, #tpu.memory_space<hbm>>
        %dma_wait3A_184 = tpu.memref_squeeze %dma_wait3A_183 : memref<1x128xf32, #tpu.memory_space<hbm>> -> memref<128xf32, #tpu.memory_space<hbm>>
        %dma_wait3A_185 = arith.constant 0 : i32
        %dma_wait3A_186 = tpu.memref_slice %arg3[%dma_wait3A_181, %dma_wait3A_185] : memref<2x10240xf32, #tpu.memory_space<hbm>> -> memref<1x128xf32, #tpu.memory_space<hbm>>
        %dma_wait3A_187 = tpu.memref_squeeze %dma_wait3A_186 : memref<1x128xf32, #tpu.memory_space<hbm>> -> memref<128xf32, #tpu.memory_space<hbm>>
        tpu.wait_dma2 semaphore(%arg9 : memref<!tpu.dma_semaphore, #tpu.memory_space<semaphore_mem>>) src(%dma_wait3A_187 : memref<128xf32, #tpu.memory_space<hbm>>) dst(%arg6 : memref<128xf32, #tpu.memory_space<vmem>>)
        %dma_wait3A_188 = arith.constant 0 : i32
        %dma_wait3A_189 = arith.constant 0 : i32
        %dma_wait3A_190 = tpu.memref_slice %arg3[%dma_wait3A_188, %dma_wait3A_189] : memref<2x10240xf32, #tpu.memory_space<hbm>> -> memref<1x128xf32, #tpu.memory_space<hbm>>
        %dma_wait3A_191 = tpu.memref_squeeze %dma_wait3A_190 : memref<1x128xf32, #tpu.memory_space<hbm>> -> memref<128xf32, #tpu.memory_space<hbm>>
        %dma_wait3A_192 = arith.constant 0 : i32
        %dma_wait3A_193 = tpu.memref_slice %arg3[%dma_wait3A_188, %dma_wait3A_192] : memref<2x10240xf32, #tpu.memory_space<hbm>> -> memref<1x128xf32, #tpu.memory_space<hbm>>
        %dma_wait3A_194 = tpu.memref_squeeze %dma_wait3A_193 : memref<1x128xf32, #tpu.memory_space<hbm>> -> memref<128xf32, #tpu.memory_space<hbm>>
        tpu.wait_dma2 semaphore(%arg9 : memref<!tpu.dma_semaphore, #tpu.memory_space<semaphore_mem>>) src(%dma_wait3A_194 : memref<128xf32, #tpu.memory_space<hbm>>) dst(%arg6 : memref<128xf32, #tpu.memory_space<vmem>>)
        %dma_wait3A_195 = arith.constant 0 : i32
        %dma_wait3A_196 = arith.constant 0 : i32
        %dma_wait3A_197 = tpu.memref_slice %arg3[%dma_wait3A_195, %dma_wait3A_196] : memref<2x10240xf32, #tpu.memory_space<hbm>> -> memref<1x128xf32, #tpu.memory_space<hbm>>
        %dma_wait3A_198 = tpu.memref_squeeze %dma_wait3A_197 : memref<1x128xf32, #tpu.memory_space<hbm>> -> memref<128xf32, #tpu.memory_space<hbm>>
        %dma_wait3A_199 = arith.constant 0 : i32
        %dma_wait3A_200 = tpu.memref_slice %arg3[%dma_wait3A_195, %dma_wait3A_199] : memref<2x10240xf32, #tpu.memory_space<hbm>> -> memref<1x128xf32, #tpu.memory_space<hbm>>
        %dma_wait3A_201 = tpu.memref_squeeze %dma_wait3A_200 : memref<1x128xf32, #tpu.memory_space<hbm>> -> memref<128xf32, #tpu.memory_space<hbm>>
        tpu.wait_dma2 semaphore(%arg9 : memref<!tpu.dma_semaphore, #tpu.memory_space<semaphore_mem>>) src(%dma_wait3A_201 : memref<128xf32, #tpu.memory_space<hbm>>) dst(%arg6 : memref<128xf32, #tpu.memory_space<vmem>>)
      } else {
      }
      %dma_wait3A_129 = arith.constant 0 : i32
      %dma_wait3A_130 = arith.constant 0 : i32
      %dma_wait3A_131 = arith.constant 0 : i32
      %dma_wait3A_132 = tpu.memref_slice %arg5[%dma_wait3A_129, %dma_wait3A_130, %dma_wait3A_131] : memref<3x4x128xi32, #tpu.memory_space<vmem>> -> memref<1x4x128xi32, #tpu.memory_space<vmem>>
      %dma_wait3A_133 = tpu.memref_squeeze %dma_wait3A_132 : memref<1x4x128xi32, #tpu.memory_space<vmem>> -> memref<4x128xi32, #tpu.memory_space<vmem>>
      %dma_wait3A_134 = arith.constant 0 : i32
      %dma_wait3A_135 = arith.constant 0 : i32
      %dma_wait3A_136 = tpu.memref_slice %arg2[%dma_wait3A_134, %dma_wait3A_135] : memref<2560x128xi32, #tpu.memory_space<hbm>> -> memref<4x128xi32, #tpu.memory_space<hbm>>
      %dma_wait3A_137 = arith.constant 0 : i32
      %dma_wait3A_138 = arith.constant 0 : i32
      %dma_wait3A_139 = tpu.memref_slice %arg5[%dma_wait3A_129, %dma_wait3A_137, %dma_wait3A_138] : memref<3x4x128xi32, #tpu.memory_space<vmem>> -> memref<1x4x128xi32, #tpu.memory_space<vmem>>
      %dma_wait3A_140 = tpu.memref_squeeze %dma_wait3A_139 : memref<1x4x128xi32, #tpu.memory_space<vmem>> -> memref<4x128xi32, #tpu.memory_space<vmem>>
      %dma_wait3A_141 = arith.constant 0 : i32
      %dma_wait3A_142 = arith.constant 0 : i32
      %dma_wait3A_143 = tpu.memref_slice %arg2[%dma_wait3A_141, %dma_wait3A_142] : memref<2560x128xi32, #tpu.memory_space<hbm>> -> memref<4x128xi32, #tpu.memory_space<hbm>>
      tpu.wait_dma2 semaphore(%arg8 : memref<!tpu.dma_semaphore, #tpu.memory_space<semaphore_mem>>) src(%dma_wait3A_143 : memref<4x128xi32, #tpu.memory_space<hbm>>) dst(%dma_wait3A_140 : memref<4x128xi32, #tpu.memory_space<vmem>>)
      %le3A = arith.constant 17 : i32
      %le3A_144 = arith.cmpi sle, %scan3A_123, %le3A : i32
      %convert_element_type3A_145 = arith.extui %le3A_144 : i1 to i32
      %cond3A_146 = arith.constant 0 : i32
      %cond3A_147 = arith.cmpi ne, %convert_element_type3A_145, %cond3A_146 : i32
      scf.if %cond3A_147 {
        %add3A_174 = arith.constant 2 : i32
        %add3A_175 = arith.addi %scan3A_123, %add3A_174 : i32
        %add3A_176 = arith.constant 2 : i32
        %add3A_177 = arith.addi %scan3A_123, %add3A_176 : i32
        %rem3A_178 = arith.constant 3 : i32
        %rem3A_179 = arith.remsi %add3A_177, %rem3A_178 : i32
        %mul3A_180 = arith.constant 4 : i32
        %mul3A_181 = arith.muli %add3A_175, %mul3A_180 : i32
        %add3A_182 = arith.addi %mul3A_2, %mul3A_181 : i32
        %dma_start3A_183 = arith.constant 0 : i32
        %dma_start3A_184 = arith.constant 0 : i32
        %dma_start3A_185 = tpu.memref_slice %arg5[%rem3A_179, %dma_start3A_183, %dma_start3A_184] : memref<3x4x128xi32, #tpu.memory_space<vmem>> -> memref<1x4x128xi32, #tpu.memory_space<vmem>>
        %dma_start3A_186 = tpu.memref_squeeze %dma_start3A_185 : memref<1x4x128xi32, #tpu.memory_space<vmem>> -> memref<4x128xi32, #tpu.memory_space<vmem>>
        %dma_start3A_187 = arith.constant 0 : i32
        %dma_start3A_188 = tpu.memref_slice %arg2[%add3A_182, %dma_start3A_187] : memref<2560x128xi32, #tpu.memory_space<hbm>> -> memref<4x128xi32, #tpu.memory_space<hbm>>
        %dma_start3A_189 = arith.constant 0 : i32
        %dma_start3A_190 = arith.constant 0 : i32
        %dma_start3A_191 = tpu.memref_slice %arg5[%rem3A_179, %dma_start3A_189, %dma_start3A_190] : memref<3x4x128xi32, #tpu.memory_space<vmem>> -> memref<1x4x128xi32, #tpu.memory_space<vmem>>
        %dma_start3A_192 = tpu.memref_squeeze %dma_start3A_191 : memref<1x4x128xi32, #tpu.memory_space<vmem>> -> memref<4x128xi32, #tpu.memory_space<vmem>>
        %dma_start3A_193 = arith.constant 0 : i32
        %dma_start3A_194 = tpu.memref_slice %arg2[%add3A_182, %dma_start3A_193] : memref<2560x128xi32, #tpu.memory_space<hbm>> -> memref<4x128xi32, #tpu.memory_space<hbm>>
        tpu.enqueue_dma source(%dma_start3A_194 : memref<4x128xi32, #tpu.memory_space<hbm>>) target(%dma_start3A_192 : memref<4x128xi32, #tpu.memory_space<vmem>>) target_semaphore(%arg8 : memref<!tpu.dma_semaphore, #tpu.memory_space<semaphore_mem>>)
      } else {
      }
      %rem3A = arith.constant 3 : i32
      %rem3A_148 = arith.remsi %scan3A_123, %rem3A : i32
      %dma_start3A_149 = arith.constant 0 : i32
      %dma_start3A_150 = arith.constant 0 : i32
      %dma_start3A_151 = tpu.memref_slice %arg5[%rem3A_148, %dma_start3A_149, %dma_start3A_150] : memref<3x4x128xi32, #tpu.memory_space<vmem>> -> memref<1x1x128xi32, #tpu.memory_space<vmem>>
      %dma_start3A_152 = tpu.memref_squeeze %dma_start3A_151 : memref<1x1x128xi32, #tpu.memory_space<vmem>> -> memref<128xi32, #tpu.memory_space<vmem>>
      %dma_start3A_153 = arith.constant 0 : i32
      %dma_start3A_154 = tpu.memref_slice %arg4[%dma_start3A_153] : memref<10240xf32, #tpu.memory_space<vmem_shared>> -> memref<10240xf32, #tpu.memory_space<vmem_shared>>
      tpu.enqueue_indirect_dma source(%arg6 : memref<128xf32, #tpu.memory_space<vmem>>) target(%dma_start3A_154 : memref<10240xf32, #tpu.memory_space<vmem_shared>>) offsets(%dma_start3A_152 : memref<128xi32, #tpu.memory_space<vmem>>) semaphore(%arg9 : memref<!tpu.dma_semaphore, #tpu.memory_space<semaphore_mem>>) {add = true}
      %dma_start3A_155 = arith.constant 1 : i32
      %dma_start3A_156 = arith.constant 0 : i32
      %dma_start3A_157 = tpu.memref_slice %arg5[%rem3A_148, %dma_start3A_155, %dma_start3A_156] : memref<3x4x128xi32, #tpu.memory_space<vmem>> -> memref<1x1x128xi32, #tpu.memory_space<vmem>>
      %dma_start3A_158 = tpu.memref_squeeze %dma_start3A_157 : memref<1x1x128xi32, #tpu.memory_space<vmem>> -> memref<128xi32, #tpu.memory_space<vmem>>
      %dma_start3A_159 = arith.constant 0 : i32
      %dma_start3A_160 = tpu.memref_slice %arg4[%dma_start3A_159] : memref<10240xf32, #tpu.memory_space<vmem_shared>> -> memref<10240xf32, #tpu.memory_space<vmem_shared>>
      tpu.enqueue_indirect_dma source(%arg6 : memref<128xf32, #tpu.memory_space<vmem>>) target(%dma_start3A_160 : memref<10240xf32, #tpu.memory_space<vmem_shared>>) offsets(%dma_start3A_158 : memref<128xi32, #tpu.memory_space<vmem>>) semaphore(%arg9 : memref<!tpu.dma_semaphore, #tpu.memory_space<semaphore_mem>>) {add = true}
      %dma_start3A_161 = arith.constant 2 : i32
      %dma_start3A_162 = arith.constant 0 : i32
      %dma_start3A_163 = tpu.memref_slice %arg5[%rem3A_148, %dma_start3A_161, %dma_start3A_162] : memref<3x4x128xi32, #tpu.memory_space<vmem>> -> memref<1x1x128xi32, #tpu.memory_space<vmem>>
      %dma_start3A_164 = tpu.memref_squeeze %dma_start3A_163 : memref<1x1x128xi32, #tpu.memory_space<vmem>> -> memref<128xi32, #tpu.memory_space<vmem>>
      %dma_start3A_165 = arith.constant 0 : i32
      %dma_start3A_166 = tpu.memref_slice %arg4[%dma_start3A_165] : memref<10240xf32, #tpu.memory_space<vmem_shared>> -> memref<10240xf32, #tpu.memory_space<vmem_shared>>
      tpu.enqueue_indirect_dma source(%arg6 : memref<128xf32, #tpu.memory_space<vmem>>) target(%dma_start3A_166 : memref<10240xf32, #tpu.memory_space<vmem_shared>>) offsets(%dma_start3A_164 : memref<128xi32, #tpu.memory_space<vmem>>) semaphore(%arg9 : memref<!tpu.dma_semaphore, #tpu.memory_space<semaphore_mem>>) {add = true}
      %dma_start3A_167 = arith.constant 3 : i32
      %dma_start3A_168 = arith.constant 0 : i32
      %dma_start3A_169 = tpu.memref_slice %arg5[%rem3A_148, %dma_start3A_167, %dma_start3A_168] : memref<3x4x128xi32, #tpu.memory_space<vmem>> -> memref<1x1x128xi32, #tpu.memory_space<vmem>>
      %dma_start3A_170 = tpu.memref_squeeze %dma_start3A_169 : memref<1x1x128xi32, #tpu.memory_space<vmem>> -> memref<128xi32, #tpu.memory_space<vmem>>
      %dma_start3A_171 = arith.constant 0 : i32
      %dma_start3A_172 = tpu.memref_slice %arg4[%dma_start3A_171] : memref<10240xf32, #tpu.memory_space<vmem_shared>> -> memref<10240xf32, #tpu.memory_space<vmem_shared>>
      tpu.enqueue_indirect_dma source(%arg6 : memref<128xf32, #tpu.memory_space<vmem>>) target(%dma_start3A_172 : memref<10240xf32, #tpu.memory_space<vmem_shared>>) offsets(%dma_start3A_170 : memref<128xi32, #tpu.memory_space<vmem>>) semaphore(%arg9 : memref<!tpu.dma_semaphore, #tpu.memory_space<semaphore_mem>>) {add = true}
      %scan3A_173 = arith.constant 0 : i32
      scf.yield %scan3A_173 : i32
    }
    %scan3A_92 = arith.constant 20 : i32
    %dma_wait3A = arith.constant 0 : i32
    %dma_wait3A_93 = arith.constant 0 : i32
    %dma_wait3A_94 = tpu.memref_slice %arg3[%dma_wait3A, %dma_wait3A_93] : memref<2x10240xf32, #tpu.memory_space<hbm>> -> memref<1x128xf32, #tpu.memory_space<hbm>>
    %dma_wait3A_95 = tpu.memref_squeeze %dma_wait3A_94 : memref<1x128xf32, #tpu.memory_space<hbm>> -> memref<128xf32, #tpu.memory_space<hbm>>
    %dma_wait3A_96 = arith.constant 0 : i32
    %dma_wait3A_97 = tpu.memref_slice %arg3[%dma_wait3A, %dma_wait3A_96] : memref<2x10240xf32, #tpu.memory_space<hbm>> -> memref<1x128xf32, #tpu.memory_space<hbm>>
    %dma_wait3A_98 = tpu.memref_squeeze %dma_wait3A_97 : memref<1x128xf32, #tpu.memory_space<hbm>> -> memref<128xf32, #tpu.memory_space<hbm>>
    tpu.wait_dma2 semaphore(%arg9 : memref<!tpu.dma_semaphore, #tpu.memory_space<semaphore_mem>>) src(%dma_wait3A_98 : memref<128xf32, #tpu.memory_space<hbm>>) dst(%arg6 : memref<128xf32, #tpu.memory_space<vmem>>)
    %dma_wait3A_99 = arith.constant 0 : i32
    %dma_wait3A_100 = arith.constant 0 : i32
    %dma_wait3A_101 = tpu.memref_slice %arg3[%dma_wait3A_99, %dma_wait3A_100] : memref<2x10240xf32, #tpu.memory_space<hbm>> -> memref<1x128xf32, #tpu.memory_space<hbm>>
    %dma_wait3A_102 = tpu.memref_squeeze %dma_wait3A_101 : memref<1x128xf32, #tpu.memory_space<hbm>> -> memref<128xf32, #tpu.memory_space<hbm>>
    %dma_wait3A_103 = arith.constant 0 : i32
    %dma_wait3A_104 = tpu.memref_slice %arg3[%dma_wait3A_99, %dma_wait3A_103] : memref<2x10240xf32, #tpu.memory_space<hbm>> -> memref<1x128xf32, #tpu.memory_space<hbm>>
    %dma_wait3A_105 = tpu.memref_squeeze %dma_wait3A_104 : memref<1x128xf32, #tpu.memory_space<hbm>> -> memref<128xf32, #tpu.memory_space<hbm>>
    tpu.wait_dma2 semaphore(%arg9 : memref<!tpu.dma_semaphore, #tpu.memory_space<semaphore_mem>>) src(%dma_wait3A_105 : memref<128xf32, #tpu.memory_space<hbm>>) dst(%arg6 : memref<128xf32, #tpu.memory_space<vmem>>)
    %dma_wait3A_106 = arith.constant 0 : i32
    %dma_wait3A_107 = arith.constant 0 : i32
    %dma_wait3A_108 = tpu.memref_slice %arg3[%dma_wait3A_106, %dma_wait3A_107] : memref<2x10240xf32, #tpu.memory_space<hbm>> -> memref<1x128xf32, #tpu.memory_space<hbm>>
    %dma_wait3A_109 = tpu.memref_squeeze %dma_wait3A_108 : memref<1x128xf32, #tpu.memory_space<hbm>> -> memref<128xf32, #tpu.memory_space<hbm>>
    %dma_wait3A_110 = arith.constant 0 : i32
    %dma_wait3A_111 = tpu.memref_slice %arg3[%dma_wait3A_106, %dma_wait3A_110] : memref<2x10240xf32, #tpu.memory_space<hbm>> -> memref<1x128xf32, #tpu.memory_space<hbm>>
    %dma_wait3A_112 = tpu.memref_squeeze %dma_wait3A_111 : memref<1x128xf32, #tpu.memory_space<hbm>> -> memref<128xf32, #tpu.memory_space<hbm>>
    tpu.wait_dma2 semaphore(%arg9 : memref<!tpu.dma_semaphore, #tpu.memory_space<semaphore_mem>>) src(%dma_wait3A_112 : memref<128xf32, #tpu.memory_space<hbm>>) dst(%arg6 : memref<128xf32, #tpu.memory_space<vmem>>)
    %dma_wait3A_113 = arith.constant 0 : i32
    %dma_wait3A_114 = arith.constant 0 : i32
    %dma_wait3A_115 = tpu.memref_slice %arg3[%dma_wait3A_113, %dma_wait3A_114] : memref<2x10240xf32, #tpu.memory_space<hbm>> -> memref<1x128xf32, #tpu.memory_space<hbm>>
    %dma_wait3A_116 = tpu.memref_squeeze %dma_wait3A_115 : memref<1x128xf32, #tpu.memory_space<hbm>> -> memref<128xf32, #tpu.memory_space<hbm>>
    %dma_wait3A_117 = arith.constant 0 : i32
    %dma_wait3A_118 = tpu.memref_slice %arg3[%dma_wait3A_113, %dma_wait3A_117] : memref<2x10240xf32, #tpu.memory_space<hbm>> -> memref<1x128xf32, #tpu.memory_space<hbm>>
    %dma_wait3A_119 = tpu.memref_squeeze %dma_wait3A_118 : memref<1x128xf32, #tpu.memory_space<hbm>> -> memref<128xf32, #tpu.memory_space<hbm>>
    tpu.wait_dma2 semaphore(%arg9 : memref<!tpu.dma_semaphore, #tpu.memory_space<semaphore_mem>>) src(%dma_wait3A_119 : memref<128xf32, #tpu.memory_space<hbm>>) dst(%arg6 : memref<128xf32, #tpu.memory_space<vmem>>)
    %barrier3A_120 = arith.constant 0 : index
    tpu.barrier barrier_id(%barrier3A_120)
    %eq3A = arith.constant 0 : i32
    %eq3A_121 = arith.cmpi eq, %arg1, %eq3A : i32
    %convert_element_type3A = arith.extui %eq3A_121 : i1 to i32
    %cond3A = arith.constant 0 : i32
    %cond3A_122 = arith.cmpi ne, %convert_element_type3A, %cond3A : i32
    scf.if %cond3A_122 {
      "tpu.region"() ({
        %run_scoped3A = tpu.sem_alloc : memref<!tpu.dma_semaphore, #tpu.memory_space<semaphore_mem>>
        %dma_start3A_123 = arith.constant 0 : i32
        %dma_start3A_124 = tpu.memref_slice %arg3[%arg0, %dma_start3A_123] : memref<2x10240xf32, #tpu.memory_space<hbm>> -> memref<1x10240xf32, #tpu.memory_space<hbm>>
        %dma_start3A_125 = tpu.memref_squeeze %dma_start3A_124 : memref<1x10240xf32, #tpu.memory_space<hbm>> -> memref<10240xf32, #tpu.memory_space<hbm>>
        tpu.enqueue_dma source(%arg4 : memref<10240xf32, #tpu.memory_space<vmem_shared>>) target(%dma_start3A_125 : memref<10240xf32, #tpu.memory_space<hbm>>) target_semaphore(%run_scoped3A : memref<!tpu.dma_semaphore, #tpu.memory_space<semaphore_mem>>)
        %dma_wait3A_126 = arith.constant 0 : i32
        %dma_wait3A_127 = tpu.memref_slice %arg3[%arg0, %dma_wait3A_126] : memref<2x10240xf32, #tpu.memory_space<hbm>> -> memref<1x10240xf32, #tpu.memory_space<hbm>>
        %dma_wait3A_128 = tpu.memref_squeeze %dma_wait3A_127 : memref<1x10240xf32, #tpu.memory_space<hbm>> -> memref<10240xf32, #tpu.memory_space<hbm>>
        tpu.wait_dma2 semaphore(%run_scoped3A : memref<!tpu.dma_semaphore, #tpu.memory_space<semaphore_mem>>) src(%arg4 : memref<10240xf32, #tpu.memory_space<vmem_shared>>) dst(%dma_wait3A_128 : memref<10240xf32, #tpu.memory_space<hbm>>)
        tpu.yield
      }) : () -> ()
    } else {
    }
    return
  }
}

#map = affine_map<(d0, d1) -> (0, 0)>
module attributes {stable_mosaic.version = 14 : i64} {
  func.func @_agg_body(%arg0: i32, %arg1: i32, %arg2: memref<10240x64xf32, #tpu.memory_space<hbm>>, %arg3: memref<2560x128xi32, #tpu.memory_space<hbm>>, %arg4: memref<2560x128xi32, #tpu.memory_space<hbm>>, %arg5: memref<10240x64xf32, #tpu.memory_space<hbm>>, %arg6: memref<10240x32xf32, #tpu.memory_space<vmem_shared>>, %arg7: memref<10240x32xf32, #tpu.memory_space<vmem_shared>>, %arg8: memref<3x8x128xi32, #tpu.memory_space<vmem>>, %arg9: memref<3x8x128xi32, #tpu.memory_space<vmem>>, %arg10: memref<16x128x32xf32, #tpu.memory_space<vmem>>, %arg11: memref<!tpu.dma_semaphore, #tpu.memory_space<semaphore_mem>>, %arg12: memref<!tpu.dma_semaphore, #tpu.memory_space<semaphore_mem>>, %arg13: memref<!tpu.dma_semaphore, #tpu.memory_space<semaphore_mem>>) attributes {dimension_semantics = [#tpu.dimension_semantics<core_parallel>, #tpu.dimension_semantics<subcore_parallel>], iteration_bounds = array<i64: 2, 16>, scalar_prefetch = 0 : i64, scratch_operands = 8 : i64, tpu.core_type = #tpu.core_type<sc_vector_subcore>, window_params = [{transform_indices = #map}, {transform_indices = #map}, {transform_indices = #map}, {transform_indices = #map}]} {
    %mul3A = arith.constant 160 : i32
    %mul3A_0 = arith.muli %arg1, %mul3A : i32
    %add3A = arith.constant 0 : i32
    %add3A_1 = arith.addi %mul3A_0, %add3A : i32
    %dma_start3A = arith.constant 0 : i32
    %dma_start3A_2 = arith.constant 0 : i32
    %dma_start3A_3 = arith.constant 0 : i32
    %dma_start3A_4 = tpu.memref_slice %arg8[%dma_start3A, %dma_start3A_2, %dma_start3A_3] : memref<3x8x128xi32, #tpu.memory_space<vmem>> -> memref<1x8x128xi32, #tpu.memory_space<vmem>>
    %dma_start3A_5 = tpu.memref_squeeze %dma_start3A_4 : memref<1x8x128xi32, #tpu.memory_space<vmem>> -> memref<8x128xi32, #tpu.memory_space<vmem>>
    %dma_start3A_6 = arith.constant 0 : i32
    %dma_start3A_7 = tpu.memref_slice %arg3[%add3A_1, %dma_start3A_6] : memref<2560x128xi32, #tpu.memory_space<hbm>> -> memref<8x128xi32, #tpu.memory_space<hbm>>
    %dma_start3A_8 = arith.constant 0 : i32
    %dma_start3A_9 = arith.constant 0 : i32
    %dma_start3A_10 = tpu.memref_slice %arg8[%dma_start3A, %dma_start3A_8, %dma_start3A_9] : memref<3x8x128xi32, #tpu.memory_space<vmem>> -> memref<1x8x128xi32, #tpu.memory_space<vmem>>
    %dma_start3A_11 = tpu.memref_squeeze %dma_start3A_10 : memref<1x8x128xi32, #tpu.memory_space<vmem>> -> memref<8x128xi32, #tpu.memory_space<vmem>>
    %dma_start3A_12 = arith.constant 0 : i32
    %dma_start3A_13 = tpu.memref_slice %arg3[%add3A_1, %dma_start3A_12] : memref<2560x128xi32, #tpu.memory_space<hbm>> -> memref<8x128xi32, #tpu.memory_space<hbm>>
    tpu.enqueue_dma source(%dma_start3A_13 : memref<8x128xi32, #tpu.memory_space<hbm>>) target(%dma_start3A_11 : memref<8x128xi32, #tpu.memory_space<vmem>>) target_semaphore(%arg11 : memref<!tpu.dma_semaphore, #tpu.memory_space<semaphore_mem>>)
    %add3A_14 = arith.constant 0 : i32
    %add3A_15 = arith.addi %mul3A_0, %add3A_14 : i32
    %dma_start3A_16 = arith.constant 0 : i32
    %dma_start3A_17 = arith.constant 0 : i32
    %dma_start3A_18 = arith.constant 0 : i32
    %dma_start3A_19 = tpu.memref_slice %arg9[%dma_start3A_16, %dma_start3A_17, %dma_start3A_18] : memref<3x8x128xi32, #tpu.memory_space<vmem>> -> memref<1x8x128xi32, #tpu.memory_space<vmem>>
    %dma_start3A_20 = tpu.memref_squeeze %dma_start3A_19 : memref<1x8x128xi32, #tpu.memory_space<vmem>> -> memref<8x128xi32, #tpu.memory_space<vmem>>
    %dma_start3A_21 = arith.constant 0 : i32
    %dma_start3A_22 = tpu.memref_slice %arg4[%add3A_15, %dma_start3A_21] : memref<2560x128xi32, #tpu.memory_space<hbm>> -> memref<8x128xi32, #tpu.memory_space<hbm>>
    %dma_start3A_23 = arith.constant 0 : i32
    %dma_start3A_24 = arith.constant 0 : i32
    %dma_start3A_25 = tpu.memref_slice %arg9[%dma_start3A_16, %dma_start3A_23, %dma_start3A_24] : memref<3x8x128xi32, #tpu.memory_space<vmem>> -> memref<1x8x128xi32, #tpu.memory_space<vmem>>
    %dma_start3A_26 = tpu.memref_squeeze %dma_start3A_25 : memref<1x8x128xi32, #tpu.memory_space<vmem>> -> memref<8x128xi32, #tpu.memory_space<vmem>>
    %dma_start3A_27 = arith.constant 0 : i32
    %dma_start3A_28 = tpu.memref_slice %arg4[%add3A_15, %dma_start3A_27] : memref<2560x128xi32, #tpu.memory_space<hbm>> -> memref<8x128xi32, #tpu.memory_space<hbm>>
    tpu.enqueue_dma source(%dma_start3A_28 : memref<8x128xi32, #tpu.memory_space<hbm>>) target(%dma_start3A_26 : memref<8x128xi32, #tpu.memory_space<vmem>>) target_semaphore(%arg11 : memref<!tpu.dma_semaphore, #tpu.memory_space<semaphore_mem>>)
    %scan3A = arith.constant 0 : i32
    %scan3A_29 = arith.constant 0 : i32
    %scan3A_30 = arith.constant 8 : i32
    %scan3A_31 = arith.addi %scan3A_29, %scan3A_30 : i32
    %scan3A_32 = arith.constant 1 : i32
    %scan3A_33 = scf.for %scan3A_356 = %scan3A_29 to %scan3A_31 step %scan3A_32 iter_args(%scan3A_357 = %scan3A) -> (i32)  : i32 {
      %broadcast_in_dim3A = arith.constant 0.000000e+00 : f32
      %broadcast_in_dim3A_358 = vector.broadcast %broadcast_in_dim3A : f32 to vector<16x32xf32>
      %mul3A_359 = arith.constant 16 : i32
      %mul3A_360 = arith.muli %scan3A_356, %mul3A_359 : i32
      %swap3A = arith.constant 0 : i32
      %swap3A_361 = arith.index_cast %swap3A : i32 to index
      %swap3A_362 = arith.index_cast %mul3A_360 : i32 to index
      %swap3A_363 = arith.constant 0 : index
      %swap3A_364 = tpu.vector_load %arg10[%swap3A_361, %swap3A_362, %swap3A_363] {strides = array<i32>} : memref<16x128x32xf32, #tpu.memory_space<vmem>>, vector<1x16x32xf32>,
      %swap3A_365 = vector.shape_cast %swap3A_364 : vector<1x16x32xf32> to vector<16x32xf32>
      %swap3A_366 = vector.shape_cast %broadcast_in_dim3A_358 : vector<16x32xf32> to vector<1x16x32xf32>
      tpu.vector_store %arg10[%swap3A_361, %swap3A_362, %swap3A_363], %swap3A_366 {strides = array<i32>} : memref<16x128x32xf32, #tpu.memory_space<vmem>>, vector<1x16x32xf32>,
      %scan3A_367 = arith.constant 0 : i32
      scf.yield %scan3A_367 : i32
    }
    %scan3A_34 = arith.constant 8 : i32
    %mul3A_35 = arith.constant 640 : i32
    %mul3A_36 = arith.muli %arg1, %mul3A_35 : i32
    %add3A_37 = arith.constant 0 : i32
    %add3A_38 = arith.addi %mul3A_36, %add3A_37 : i32
    %run_scoped3A = arith.constant 0 : i32
    "tpu.region"() ({
      %run_scoped3A_356 = tpu.sem_alloc : memref<!tpu.dma_semaphore, #tpu.memory_space<semaphore_mem>>
      %dma_start3A_357 = arith.constant 0 : i32
      %dma_start3A_358 = arith.constant 0 : i32
      %dma_start3A_359 = tpu.memref_slice %arg10[%run_scoped3A, %dma_start3A_357, %dma_start3A_358] : memref<16x128x32xf32, #tpu.memory_space<vmem>> -> memref<1x128x32xf32, #tpu.memory_space<vmem>>
      %dma_start3A_360 = tpu.memref_squeeze %dma_start3A_359 : memref<1x128x32xf32, #tpu.memory_space<vmem>> -> memref<128x32xf32, #tpu.memory_space<vmem>>
      %dma_start3A_361 = arith.constant 0 : i32
      %dma_start3A_362 = tpu.memref_slice %arg6[%add3A_38, %dma_start3A_361] : memref<10240x32xf32, #tpu.memory_space<vmem_shared>> -> memref<128x32xf32, #tpu.memory_space<vmem_shared>>
      %dma_start3A_363 = arith.constant 0 : i32
      %dma_start3A_364 = tpu.memref_slice %arg6[%add3A_38, %dma_start3A_363] : memref<10240x32xf32, #tpu.memory_space<vmem_shared>> -> memref<128x32xf32, #tpu.memory_space<vmem_shared>>
      %dma_start3A_365 = arith.constant 0 : i32
      %dma_start3A_366 = arith.constant 0 : i32
      %dma_start3A_367 = tpu.memref_slice %arg10[%run_scoped3A, %dma_start3A_365, %dma_start3A_366] : memref<16x128x32xf32, #tpu.memory_space<vmem>> -> memref<1x128x32xf32, #tpu.memory_space<vmem>>
      %dma_start3A_368 = tpu.memref_squeeze %dma_start3A_367 : memref<1x128x32xf32, #tpu.memory_space<vmem>> -> memref<128x32xf32, #tpu.memory_space<vmem>>
      tpu.enqueue_dma source(%dma_start3A_368 : memref<128x32xf32, #tpu.memory_space<vmem>>) target(%dma_start3A_364 : memref<128x32xf32, #tpu.memory_space<vmem_shared>>) target_semaphore(%run_scoped3A_356 : memref<!tpu.dma_semaphore, #tpu.memory_space<semaphore_mem>>)
      %dma_wait3A_369 = arith.constant 0 : i32
      %dma_wait3A_370 = arith.constant 0 : i32
      %dma_wait3A_371 = tpu.memref_slice %arg10[%run_scoped3A, %dma_wait3A_369, %dma_wait3A_370] : memref<16x128x32xf32, #tpu.memory_space<vmem>> -> memref<1x128x32xf32, #tpu.memory_space<vmem>>
      %dma_wait3A_372 = tpu.memref_squeeze %dma_wait3A_371 : memref<1x128x32xf32, #tpu.memory_space<vmem>> -> memref<128x32xf32, #tpu.memory_space<vmem>>
      %dma_wait3A_373 = arith.constant 0 : i32
      %dma_wait3A_374 = tpu.memref_slice %arg6[%add3A_38, %dma_wait3A_373] : memref<10240x32xf32, #tpu.memory_space<vmem_shared>> -> memref<128x32xf32, #tpu.memory_space<vmem_shared>>
      %dma_wait3A_375 = arith.constant 0 : i32
      %dma_wait3A_376 = tpu.memref_slice %arg6[%add3A_38, %dma_wait3A_375] : memref<10240x32xf32, #tpu.memory_space<vmem_shared>> -> memref<128x32xf32, #tpu.memory_space<vmem_shared>>
      %dma_wait3A_377 = arith.constant 0 : i32
      %dma_wait3A_378 = arith.constant 0 : i32
      %dma_wait3A_379 = tpu.memref_slice %arg10[%run_scoped3A, %dma_wait3A_377, %dma_wait3A_378] : memref<16x128x32xf32, #tpu.memory_space<vmem>> -> memref<1x128x32xf32, #tpu.memory_space<vmem>>
      %dma_wait3A_380 = tpu.memref_squeeze %dma_wait3A_379 : memref<1x128x32xf32, #tpu.memory_space<vmem>> -> memref<128x32xf32, #tpu.memory_space<vmem>>
      tpu.wait_dma2 semaphore(%run_scoped3A_356 : memref<!tpu.dma_semaphore, #tpu.memory_space<semaphore_mem>>) src(%dma_wait3A_380 : memref<128x32xf32, #tpu.memory_space<vmem>>) dst(%dma_wait3A_376 : memref<128x32xf32, #tpu.memory_space<vmem_shared>>)
      tpu.yield
    }) : () -> ()
    %mul3A_39 = arith.constant 640 : i32
    %mul3A_40 = arith.muli %arg1, %mul3A_39 : i32
    %add3A_41 = arith.constant 128 : i32
    %add3A_42 = arith.addi %mul3A_40, %add3A_41 : i32
    %run_scoped3A_43 = arith.constant 0 : i32
    "tpu.region"() ({
      %run_scoped3A_356 = tpu.sem_alloc : memref<!tpu.dma_semaphore, #tpu.memory_space<semaphore_mem>>
      %dma_start3A_357 = arith.constant 0 : i32
      %dma_start3A_358 = arith.constant 0 : i32
      %dma_start3A_359 = tpu.memref_slice %arg10[%run_scoped3A_43, %dma_start3A_357, %dma_start3A_358] : memref<16x128x32xf32, #tpu.memory_space<vmem>> -> memref<1x128x32xf32, #tpu.memory_space<vmem>>
      %dma_start3A_360 = tpu.memref_squeeze %dma_start3A_359 : memref<1x128x32xf32, #tpu.memory_space<vmem>> -> memref<128x32xf32, #tpu.memory_space<vmem>>
      %dma_start3A_361 = arith.constant 0 : i32
      %dma_start3A_362 = tpu.memref_slice %arg6[%add3A_42, %dma_start3A_361] : memref<10240x32xf32, #tpu.memory_space<vmem_shared>> -> memref<128x32xf32, #tpu.memory_space<vmem_shared>>
      %dma_start3A_363 = arith.constant 0 : i32
      %dma_start3A_364 = tpu.memref_slice %arg6[%add3A_42, %dma_start3A_363] : memref<10240x32xf32, #tpu.memory_space<vmem_shared>> -> memref<128x32xf32, #tpu.memory_space<vmem_shared>>
      %dma_start3A_365 = arith.constant 0 : i32
      %dma_start3A_366 = arith.constant 0 : i32
      %dma_start3A_367 = tpu.memref_slice %arg10[%run_scoped3A_43, %dma_start3A_365, %dma_start3A_366] : memref<16x128x32xf32, #tpu.memory_space<vmem>> -> memref<1x128x32xf32, #tpu.memory_space<vmem>>
      %dma_start3A_368 = tpu.memref_squeeze %dma_start3A_367 : memref<1x128x32xf32, #tpu.memory_space<vmem>> -> memref<128x32xf32, #tpu.memory_space<vmem>>
      tpu.enqueue_dma source(%dma_start3A_368 : memref<128x32xf32, #tpu.memory_space<vmem>>) target(%dma_start3A_364 : memref<128x32xf32, #tpu.memory_space<vmem_shared>>) target_semaphore(%run_scoped3A_356 : memref<!tpu.dma_semaphore, #tpu.memory_space<semaphore_mem>>)
      %dma_wait3A_369 = arith.constant 0 : i32
      %dma_wait3A_370 = arith.constant 0 : i32
      %dma_wait3A_371 = tpu.memref_slice %arg10[%run_scoped3A_43, %dma_wait3A_369, %dma_wait3A_370] : memref<16x128x32xf32, #tpu.memory_space<vmem>> -> memref<1x128x32xf32, #tpu.memory_space<vmem>>
      %dma_wait3A_372 = tpu.memref_squeeze %dma_wait3A_371 : memref<1x128x32xf32, #tpu.memory_space<vmem>> -> memref<128x32xf32, #tpu.memory_space<vmem>>
      %dma_wait3A_373 = arith.constant 0 : i32
      %dma_wait3A_374 = tpu.memref_slice %arg6[%add3A_42, %dma_wait3A_373] : memref<10240x32xf32, #tpu.memory_space<vmem_shared>> -> memref<128x32xf32, #tpu.memory_space<vmem_shared>>
      %dma_wait3A_375 = arith.constant 0 : i32
      %dma_wait3A_376 = tpu.memref_slice %arg6[%add3A_42, %dma_wait3A_375] : memref<10240x32xf32, #tpu.memory_space<vmem_shared>> -> memref<128x32xf32, #tpu.memory_space<vmem_shared>>
      %dma_wait3A_377 = arith.constant 0 : i32
      %dma_wait3A_378 = arith.constant 0 : i32
      %dma_wait3A_379 = tpu.memref_slice %arg10[%run_scoped3A_43, %dma_wait3A_377, %dma_wait3A_378] : memref<16x128x32xf32, #tpu.memory_space<vmem>> -> memref<1x128x32xf32, #tpu.memory_space<vmem>>
      %dma_wait3A_380 = tpu.memref_squeeze %dma_wait3A_379 : memref<1x128x32xf32, #tpu.memory_space<vmem>> -> memref<128x32xf32, #tpu.memory_space<vmem>>
      tpu.wait_dma2 semaphore(%run_scoped3A_356 : memref<!tpu.dma_semaphore, #tpu.memory_space<semaphore_mem>>) src(%dma_wait3A_380 : memref<128x32xf32, #tpu.memory_space<vmem>>) dst(%dma_wait3A_376 : memref<128x32xf32, #tpu.memory_space<vmem_shared>>)
      tpu.yield
    }) : () -> ()
    %mul3A_44 = arith.constant 640 : i32
    %mul3A_45 = arith.muli %arg1, %mul3A_44 : i32
    %add3A_46 = arith.constant 256 : i32
    %add3A_47 = arith.addi %mul3A_45, %add3A_46 : i32
    %run_scoped3A_48 = arith.constant 0 : i32
    "tpu.region"() ({
      %run_scoped3A_356 = tpu.sem_alloc : memref<!tpu.dma_semaphore, #tpu.memory_space<semaphore_mem>>
      %dma_start3A_357 = arith.constant 0 : i32
      %dma_start3A_358 = arith.constant 0 : i32
      %dma_start3A_359 = tpu.memref_slice %arg10[%run_scoped3A_48, %dma_start3A_357, %dma_start3A_358] : memref<16x128x32xf32, #tpu.memory_space<vmem>> -> memref<1x128x32xf32, #tpu.memory_space<vmem>>
      %dma_start3A_360 = tpu.memref_squeeze %dma_start3A_359 : memref<1x128x32xf32, #tpu.memory_space<vmem>> -> memref<128x32xf32, #tpu.memory_space<vmem>>
      %dma_start3A_361 = arith.constant 0 : i32
      %dma_start3A_362 = tpu.memref_slice %arg6[%add3A_47, %dma_start3A_361] : memref<10240x32xf32, #tpu.memory_space<vmem_shared>> -> memref<128x32xf32, #tpu.memory_space<vmem_shared>>
      %dma_start3A_363 = arith.constant 0 : i32
      %dma_start3A_364 = tpu.memref_slice %arg6[%add3A_47, %dma_start3A_363] : memref<10240x32xf32, #tpu.memory_space<vmem_shared>> -> memref<128x32xf32, #tpu.memory_space<vmem_shared>>
      %dma_start3A_365 = arith.constant 0 : i32
      %dma_start3A_366 = arith.constant 0 : i32
      %dma_start3A_367 = tpu.memref_slice %arg10[%run_scoped3A_48, %dma_start3A_365, %dma_start3A_366] : memref<16x128x32xf32, #tpu.memory_space<vmem>> -> memref<1x128x32xf32, #tpu.memory_space<vmem>>
      %dma_start3A_368 = tpu.memref_squeeze %dma_start3A_367 : memref<1x128x32xf32, #tpu.memory_space<vmem>> -> memref<128x32xf32, #tpu.memory_space<vmem>>
      tpu.enqueue_dma source(%dma_start3A_368 : memref<128x32xf32, #tpu.memory_space<vmem>>) target(%dma_start3A_364 : memref<128x32xf32, #tpu.memory_space<vmem_shared>>) target_semaphore(%run_scoped3A_356 : memref<!tpu.dma_semaphore, #tpu.memory_space<semaphore_mem>>)
      %dma_wait3A_369 = arith.constant 0 : i32
      %dma_wait3A_370 = arith.constant 0 : i32
      %dma_wait3A_371 = tpu.memref_slice %arg10[%run_scoped3A_48, %dma_wait3A_369, %dma_wait3A_370] : memref<16x128x32xf32, #tpu.memory_space<vmem>> -> memref<1x128x32xf32, #tpu.memory_space<vmem>>
      %dma_wait3A_372 = tpu.memref_squeeze %dma_wait3A_371 : memref<1x128x32xf32, #tpu.memory_space<vmem>> -> memref<128x32xf32, #tpu.memory_space<vmem>>
      %dma_wait3A_373 = arith.constant 0 : i32
      %dma_wait3A_374 = tpu.memref_slice %arg6[%add3A_47, %dma_wait3A_373] : memref<10240x32xf32, #tpu.memory_space<vmem_shared>> -> memref<128x32xf32, #tpu.memory_space<vmem_shared>>
      %dma_wait3A_375 = arith.constant 0 : i32
      %dma_wait3A_376 = tpu.memref_slice %arg6[%add3A_47, %dma_wait3A_375] : memref<10240x32xf32, #tpu.memory_space<vmem_shared>> -> memref<128x32xf32, #tpu.memory_space<vmem_shared>>
      %dma_wait3A_377 = arith.constant 0 : i32
      %dma_wait3A_378 = arith.constant 0 : i32
      %dma_wait3A_379 = tpu.memref_slice %arg10[%run_scoped3A_48, %dma_wait3A_377, %dma_wait3A_378] : memref<16x128x32xf32, #tpu.memory_space<vmem>> -> memref<1x128x32xf32, #tpu.memory_space<vmem>>
      %dma_wait3A_380 = tpu.memref_squeeze %dma_wait3A_379 : memref<1x128x32xf32, #tpu.memory_space<vmem>> -> memref<128x32xf32, #tpu.memory_space<vmem>>
      tpu.wait_dma2 semaphore(%run_scoped3A_356 : memref<!tpu.dma_semaphore, #tpu.memory_space<semaphore_mem>>) src(%dma_wait3A_380 : memref<128x32xf32, #tpu.memory_space<vmem>>) dst(%dma_wait3A_376 : memref<128x32xf32, #tpu.memory_space<vmem_shared>>)
      tpu.yield
    }) : () -> ()
    %mul3A_49 = arith.constant 640 : i32
    %mul3A_50 = arith.muli %arg1, %mul3A_49 : i32
    %add3A_51 = arith.constant 384 : i32
    %add3A_52 = arith.addi %mul3A_50, %add3A_51 : i32
    %run_scoped3A_53 = arith.constant 0 : i32
    "tpu.region"() ({
      %run_scoped3A_356 = tpu.sem_alloc : memref<!tpu.dma_semaphore, #tpu.memory_space<semaphore_mem>>
      %dma_start3A_357 = arith.constant 0 : i32
      %dma_start3A_358 = arith.constant 0 : i32
      %dma_start3A_359 = tpu.memref_slice %arg10[%run_scoped3A_53, %dma_start3A_357, %dma_start3A_358] : memref<16x128x32xf32, #tpu.memory_space<vmem>> -> memref<1x128x32xf32, #tpu.memory_space<vmem>>
      %dma_start3A_360 = tpu.memref_squeeze %dma_start3A_359 : memref<1x128x32xf32, #tpu.memory_space<vmem>> -> memref<128x32xf32, #tpu.memory_space<vmem>>
      %dma_start3A_361 = arith.constant 0 : i32
      %dma_start3A_362 = tpu.memref_slice %arg6[%add3A_52, %dma_start3A_361] : memref<10240x32xf32, #tpu.memory_space<vmem_shared>> -> memref<128x32xf32, #tpu.memory_space<vmem_shared>>
      %dma_start3A_363 = arith.constant 0 : i32
      %dma_start3A_364 = tpu.memref_slice %arg6[%add3A_52, %dma_start3A_363] : memref<10240x32xf32, #tpu.memory_space<vmem_shared>> -> memref<128x32xf32, #tpu.memory_space<vmem_shared>>
      %dma_start3A_365 = arith.constant 0 : i32
      %dma_start3A_366 = arith.constant 0 : i32
      %dma_start3A_367 = tpu.memref_slice %arg10[%run_scoped3A_53, %dma_start3A_365, %dma_start3A_366] : memref<16x128x32xf32, #tpu.memory_space<vmem>> -> memref<1x128x32xf32, #tpu.memory_space<vmem>>
      %dma_start3A_368 = tpu.memref_squeeze %dma_start3A_367 : memref<1x128x32xf32, #tpu.memory_space<vmem>> -> memref<128x32xf32, #tpu.memory_space<vmem>>
      tpu.enqueue_dma source(%dma_start3A_368 : memref<128x32xf32, #tpu.memory_space<vmem>>) target(%dma_start3A_364 : memref<128x32xf32, #tpu.memory_space<vmem_shared>>) target_semaphore(%run_scoped3A_356 : memref<!tpu.dma_semaphore, #tpu.memory_space<semaphore_mem>>)
      %dma_wait3A_369 = arith.constant 0 : i32
      %dma_wait3A_370 = arith.constant 0 : i32
      %dma_wait3A_371 = tpu.memref_slice %arg10[%run_scoped3A_53, %dma_wait3A_369, %dma_wait3A_370] : memref<16x128x32xf32, #tpu.memory_space<vmem>> -> memref<1x128x32xf32, #tpu.memory_space<vmem>>
      %dma_wait3A_372 = tpu.memref_squeeze %dma_wait3A_371 : memref<1x128x32xf32, #tpu.memory_space<vmem>> -> memref<128x32xf32, #tpu.memory_space<vmem>>
      %dma_wait3A_373 = arith.constant 0 : i32
      %dma_wait3A_374 = tpu.memref_slice %arg6[%add3A_52, %dma_wait3A_373] : memref<10240x32xf32, #tpu.memory_space<vmem_shared>> -> memref<128x32xf32, #tpu.memory_space<vmem_shared>>
      %dma_wait3A_375 = arith.constant 0 : i32
      %dma_wait3A_376 = tpu.memref_slice %arg6[%add3A_52, %dma_wait3A_375] : memref<10240x32xf32, #tpu.memory_space<vmem_shared>> -> memref<128x32xf32, #tpu.memory_space<vmem_shared>>
      %dma_wait3A_377 = arith.constant 0 : i32
      %dma_wait3A_378 = arith.constant 0 : i32
      %dma_wait3A_379 = tpu.memref_slice %arg10[%run_scoped3A_53, %dma_wait3A_377, %dma_wait3A_378] : memref<16x128x32xf32, #tpu.memory_space<vmem>> -> memref<1x128x32xf32, #tpu.memory_space<vmem>>
      %dma_wait3A_380 = tpu.memref_squeeze %dma_wait3A_379 : memref<1x128x32xf32, #tpu.memory_space<vmem>> -> memref<128x32xf32, #tpu.memory_space<vmem>>
      tpu.wait_dma2 semaphore(%run_scoped3A_356 : memref<!tpu.dma_semaphore, #tpu.memory_space<semaphore_mem>>) src(%dma_wait3A_380 : memref<128x32xf32, #tpu.memory_space<vmem>>) dst(%dma_wait3A_376 : memref<128x32xf32, #tpu.memory_space<vmem_shared>>)
      tpu.yield
    }) : () -> ()
    %mul3A_54 = arith.constant 640 : i32
    %mul3A_55 = arith.muli %arg1, %mul3A_54 : i32
    %add3A_56 = arith.constant 512 : i32
    %add3A_57 = arith.addi %mul3A_55, %add3A_56 : i32
    %run_scoped3A_58 = arith.constant 0 : i32
    "tpu.region"() ({
      %run_scoped3A_356 = tpu.sem_alloc : memref<!tpu.dma_semaphore, #tpu.memory_space<semaphore_mem>>
      %dma_start3A_357 = arith.constant 0 : i32
      %dma_start3A_358 = arith.constant 0 : i32
      %dma_start3A_359 = tpu.memref_slice %arg10[%run_scoped3A_58, %dma_start3A_357, %dma_start3A_358] : memref<16x128x32xf32, #tpu.memory_space<vmem>> -> memref<1x128x32xf32, #tpu.memory_space<vmem>>
      %dma_start3A_360 = tpu.memref_squeeze %dma_start3A_359 : memref<1x128x32xf32, #tpu.memory_space<vmem>> -> memref<128x32xf32, #tpu.memory_space<vmem>>
      %dma_start3A_361 = arith.constant 0 : i32
      %dma_start3A_362 = tpu.memref_slice %arg6[%add3A_57, %dma_start3A_361] : memref<10240x32xf32, #tpu.memory_space<vmem_shared>> -> memref<128x32xf32, #tpu.memory_space<vmem_shared>>
      %dma_start3A_363 = arith.constant 0 : i32
      %dma_start3A_364 = tpu.memref_slice %arg6[%add3A_57, %dma_start3A_363] : memref<10240x32xf32, #tpu.memory_space<vmem_shared>> -> memref<128x32xf32, #tpu.memory_space<vmem_shared>>
      %dma_start3A_365 = arith.constant 0 : i32
      %dma_start3A_366 = arith.constant 0 : i32
      %dma_start3A_367 = tpu.memref_slice %arg10[%run_scoped3A_58, %dma_start3A_365, %dma_start3A_366] : memref<16x128x32xf32, #tpu.memory_space<vmem>> -> memref<1x128x32xf32, #tpu.memory_space<vmem>>
      %dma_start3A_368 = tpu.memref_squeeze %dma_start3A_367 : memref<1x128x32xf32, #tpu.memory_space<vmem>> -> memref<128x32xf32, #tpu.memory_space<vmem>>
      tpu.enqueue_dma source(%dma_start3A_368 : memref<128x32xf32, #tpu.memory_space<vmem>>) target(%dma_start3A_364 : memref<128x32xf32, #tpu.memory_space<vmem_shared>>) target_semaphore(%run_scoped3A_356 : memref<!tpu.dma_semaphore, #tpu.memory_space<semaphore_mem>>)
      %dma_wait3A_369 = arith.constant 0 : i32
      %dma_wait3A_370 = arith.constant 0 : i32
      %dma_wait3A_371 = tpu.memref_slice %arg10[%run_scoped3A_58, %dma_wait3A_369, %dma_wait3A_370] : memref<16x128x32xf32, #tpu.memory_space<vmem>> -> memref<1x128x32xf32, #tpu.memory_space<vmem>>
      %dma_wait3A_372 = tpu.memref_squeeze %dma_wait3A_371 : memref<1x128x32xf32, #tpu.memory_space<vmem>> -> memref<128x32xf32, #tpu.memory_space<vmem>>
      %dma_wait3A_373 = arith.constant 0 : i32
      %dma_wait3A_374 = tpu.memref_slice %arg6[%add3A_57, %dma_wait3A_373] : memref<10240x32xf32, #tpu.memory_space<vmem_shared>> -> memref<128x32xf32, #tpu.memory_space<vmem_shared>>
      %dma_wait3A_375 = arith.constant 0 : i32
      %dma_wait3A_376 = tpu.memref_slice %arg6[%add3A_57, %dma_wait3A_375] : memref<10240x32xf32, #tpu.memory_space<vmem_shared>> -> memref<128x32xf32, #tpu.memory_space<vmem_shared>>
      %dma_wait3A_377 = arith.constant 0 : i32
      %dma_wait3A_378 = arith.constant 0 : i32
      %dma_wait3A_379 = tpu.memref_slice %arg10[%run_scoped3A_58, %dma_wait3A_377, %dma_wait3A_378] : memref<16x128x32xf32, #tpu.memory_space<vmem>> -> memref<1x128x32xf32, #tpu.memory_space<vmem>>
      %dma_wait3A_380 = tpu.memref_squeeze %dma_wait3A_379 : memref<1x128x32xf32, #tpu.memory_space<vmem>> -> memref<128x32xf32, #tpu.memory_space<vmem>>
      tpu.wait_dma2 semaphore(%run_scoped3A_356 : memref<!tpu.dma_semaphore, #tpu.memory_space<semaphore_mem>>) src(%dma_wait3A_380 : memref<128x32xf32, #tpu.memory_space<vmem>>) dst(%dma_wait3A_376 : memref<128x32xf32, #tpu.memory_space<vmem_shared>>)
      tpu.yield
    }) : () -> ()
    %mul3A_59 = arith.constant 640 : i32
    %mul3A_60 = arith.muli %arg1, %mul3A_59 : i32
    %mul3A_61 = arith.constant 32 : i32
    %mul3A_62 = arith.muli %arg0, %mul3A_61 : i32
    %mul3A_63 = arith.constant 640 : i32
    %mul3A_64 = arith.muli %arg1, %mul3A_63 : i32
    "tpu.region"() ({
      %run_scoped3A_356 = tpu.sem_alloc : memref<!tpu.dma_semaphore, #tpu.memory_space<semaphore_mem>>
      %dma_start3A_357 = arith.constant 0 : i32
      %dma_start3A_358 = tpu.memref_slice %arg7[%mul3A_64, %dma_start3A_357] : memref<10240x32xf32, #tpu.memory_space<vmem_shared>> -> memref<640x32xf32, #tpu.memory_space<vmem_shared>>
      %dma_start3A_359 = tpu.memref_slice %arg2[%mul3A_60, %mul3A_62] : memref<10240x64xf32, #tpu.memory_space<hbm>> -> memref<640x32xf32, #tpu.memory_space<hbm>>
      tpu.enqueue_dma source(%dma_start3A_359 : memref<640x32xf32, #tpu.memory_space<hbm>>) target(%dma_start3A_358 : memref<640x32xf32, #tpu.memory_space<vmem_shared>>) target_semaphore(%run_scoped3A_356 : memref<!tpu.dma_semaphore, #tpu.memory_space<semaphore_mem>>)
      %dma_wait3A_360 = arith.constant 0 : i32
      %dma_wait3A_361 = tpu.memref_slice %arg7[%mul3A_64, %dma_wait3A_360] : memref<10240x32xf32, #tpu.memory_space<vmem_shared>> -> memref<640x32xf32, #tpu.memory_space<vmem_shared>>
      %dma_wait3A_362 = tpu.memref_slice %arg2[%mul3A_60, %mul3A_62] : memref<10240x64xf32, #tpu.memory_space<hbm>> -> memref<640x32xf32, #tpu.memory_space<hbm>>
      tpu.wait_dma2 semaphore(%run_scoped3A_356 : memref<!tpu.dma_semaphore, #tpu.memory_space<semaphore_mem>>) src(%dma_wait3A_362 : memref<640x32xf32, #tpu.memory_space<hbm>>) dst(%dma_wait3A_361 : memref<640x32xf32, #tpu.memory_space<vmem_shared>>)
      tpu.yield
    }) : () -> ()
    %barrier3A = arith.constant 0 : index
    tpu.barrier barrier_id(%barrier3A)
    %dma_wait3A = arith.constant 0 : i32
    %dma_wait3A_65 = arith.constant 0 : i32
    %dma_wait3A_66 = arith.constant 0 : i32
    %dma_wait3A_67 = tpu.memref_slice %arg8[%dma_wait3A, %dma_wait3A_65, %dma_wait3A_66] : memref<3x8x128xi32, #tpu.memory_space<vmem>> -> memref<1x8x128xi32, #tpu.memory_space<vmem>>
    %dma_wait3A_68 = tpu.memref_squeeze %dma_wait3A_67 : memref<1x8x128xi32, #tpu.memory_space<vmem>> -> memref<8x128xi32, #tpu.memory_space<vmem>>
    %dma_wait3A_69 = arith.constant 0 : i32
    %dma_wait3A_70 = arith.constant 0 : i32
    %dma_wait3A_71 = tpu.memref_slice %arg3[%dma_wait3A_69, %dma_wait3A_70] : memref<2560x128xi32, #tpu.memory_space<hbm>> -> memref<8x128xi32, #tpu.memory_space<hbm>>
    %dma_wait3A_72 = arith.constant 0 : i32
    %dma_wait3A_73 = arith.constant 0 : i32
    %dma_wait3A_74 = tpu.memref_slice %arg8[%dma_wait3A, %dma_wait3A_72, %dma_wait3A_73] : memref<3x8x128xi32, #tpu.memory_space<vmem>> -> memref<1x8x128xi32, #tpu.memory_space<vmem>>
    %dma_wait3A_75 = tpu.memref_squeeze %dma_wait3A_74 : memref<1x8x128xi32, #tpu.memory_space<vmem>> -> memref<8x128xi32, #tpu.memory_space<vmem>>
    %dma_wait3A_76 = arith.constant 0 : i32
    %dma_wait3A_77 = arith.constant 0 : i32
    %dma_wait3A_78 = tpu.memref_slice %arg3[%dma_wait3A_76, %dma_wait3A_77] : memref<2560x128xi32, #tpu.memory_space<hbm>> -> memref<8x128xi32, #tpu.memory_space<hbm>>
    tpu.wait_dma2 semaphore(%arg11 : memref<!tpu.dma_semaphore, #tpu.memory_space<semaphore_mem>>) src(%dma_wait3A_78 : memref<8x128xi32, #tpu.memory_space<hbm>>) dst(%dma_wait3A_75 : memref<8x128xi32, #tpu.memory_space<vmem>>)
    %dma_wait3A_79 = arith.constant 0 : i32
    %dma_wait3A_80 = arith.constant 0 : i32
    %dma_wait3A_81 = arith.constant 0 : i32
    %dma_wait3A_82 = tpu.memref_slice %arg8[%dma_wait3A_79, %dma_wait3A_80, %dma_wait3A_81] : memref<3x8x128xi32, #tpu.memory_space<vmem>> -> memref<1x8x128xi32, #tpu.memory_space<vmem>>
    %dma_wait3A_83 = tpu.memref_squeeze %dma_wait3A_82 : memref<1x8x128xi32, #tpu.memory_space<vmem>> -> memref<8x128xi32, #tpu.memory_space<vmem>>
    %dma_wait3A_84 = arith.constant 0 : i32
    %dma_wait3A_85 = arith.constant 0 : i32
    %dma_wait3A_86 = tpu.memref_slice %arg3[%dma_wait3A_84, %dma_wait3A_85] : memref<2560x128xi32, #tpu.memory_space<hbm>> -> memref<8x128xi32, #tpu.memory_space<hbm>>
    %dma_wait3A_87 = arith.constant 0 : i32
    %dma_wait3A_88 = arith.constant 0 : i32
    %dma_wait3A_89 = tpu.memref_slice %arg8[%dma_wait3A_79, %dma_wait3A_87, %dma_wait3A_88] : memref<3x8x128xi32, #tpu.memory_space<vmem>> -> memref<1x8x128xi32, #tpu.memory_space<vmem>>
    %dma_wait3A_90 = tpu.memref_squeeze %dma_wait3A_89 : memref<1x8x128xi32, #tpu.memory_space<vmem>> -> memref<8x128xi32, #tpu.memory_space<vmem>>
    %dma_wait3A_91 = arith.constant 0 : i32
    %dma_wait3A_92 = arith.constant 0 : i32
    %dma_wait3A_93 = tpu.memref_slice %arg3[%dma_wait3A_91, %dma_wait3A_92] : memref<2560x128xi32, #tpu.memory_space<hbm>> -> memref<8x128xi32, #tpu.memory_space<hbm>>
    tpu.wait_dma2 semaphore(%arg11 : memref<!tpu.dma_semaphore, #tpu.memory_space<semaphore_mem>>) src(%dma_wait3A_93 : memref<8x128xi32, #tpu.memory_space<hbm>>) dst(%dma_wait3A_90 : memref<8x128xi32, #tpu.memory_space<vmem>>)
    %rem3A = arith.constant 0 : i32
    %rem3A_94 = arith.constant 3 : i32
    %rem3A_95 = arith.remsi %rem3A, %rem3A_94 : i32
    %dma_start3A_96 = arith.constant 0 : i32
    %dma_start3A_97 = arith.constant 0 : i32
    %dma_start3A_98 = arith.constant 0 : i32
    %dma_start3A_99 = arith.constant 0 : i32
    %dma_start3A_100 = tpu.memref_slice %arg10[%dma_start3A_97, %dma_start3A_98, %dma_start3A_99] : memref<16x128x32xf32, #tpu.memory_space<vmem>> -> memref<1x128x32xf32, #tpu.memory_space<vmem>>
    %dma_start3A_101 = tpu.memref_squeeze %dma_start3A_100 : memref<1x128x32xf32, #tpu.memory_space<vmem>> -> memref<128x32xf32, #tpu.memory_space<vmem>>
    %dma_start3A_102 = arith.constant 0 : i32
    %dma_start3A_103 = tpu.memref_slice %arg8[%rem3A_95, %dma_start3A_96, %dma_start3A_102] : memref<3x8x128xi32, #tpu.memory_space<vmem>> -> memref<1x1x128xi32, #tpu.memory_space<vmem>>
    %dma_start3A_104 = tpu.memref_squeeze %dma_start3A_103 : memref<1x1x128xi32, #tpu.memory_space<vmem>> -> memref<128xi32, #tpu.memory_space<vmem>>
    %dma_start3A_105 = arith.constant 0 : i32
    %dma_start3A_106 = arith.constant 0 : i32
    %dma_start3A_107 = tpu.memref_slice %arg7[%dma_start3A_105, %dma_start3A_106] : memref<10240x32xf32, #tpu.memory_space<vmem_shared>> -> memref<10240x32xf32, #tpu.memory_space<vmem_shared>>
    tpu.enqueue_indirect_dma source(%dma_start3A_107 : memref<10240x32xf32, #tpu.memory_space<vmem_shared>>) target(%dma_start3A_101 : memref<128x32xf32, #tpu.memory_space<vmem>>) offsets(%dma_start3A_104 : memref<128xi32, #tpu.memory_space<vmem>>) semaphore(%arg12 : memref<!tpu.dma_semaphore, #tpu.memory_space<semaphore_mem>>)
    %dma_start3A_108 = arith.constant 1 : i32
    %dma_start3A_109 = arith.constant 1 : i32
    %dma_start3A_110 = arith.constant 0 : i32
    %dma_start3A_111 = arith.constant 0 : i32
    %dma_start3A_112 = tpu.memref_slice %arg10[%dma_start3A_109, %dma_start3A_110, %dma_start3A_111] : memref<16x128x32xf32, #tpu.memory_space<vmem>> -> memref<1x128x32xf32, #tpu.memory_space<vmem>>
    %dma_start3A_113 = tpu.memref_squeeze %dma_start3A_112 : memref<1x128x32xf32, #tpu.memory_space<vmem>> -> memref<128x32xf32, #tpu.memory_space<vmem>>
    %dma_start3A_114 = arith.constant 0 : i32
    %dma_start3A_115 = tpu.memref_slice %arg8[%rem3A_95, %dma_start3A_108, %dma_start3A_114] : memref<3x8x128xi32, #tpu.memory_space<vmem>> -> memref<1x1x128xi32, #tpu.memory_space<vmem>>
    %dma_start3A_116 = tpu.memref_squeeze %dma_start3A_115 : memref<1x1x128xi32, #tpu.memory_space<vmem>> -> memref<128xi32, #tpu.memory_space<vmem>>
    %dma_start3A_117 = arith.constant 0 : i32
    %dma_start3A_118 = arith.constant 0 : i32
    %dma_start3A_119 = tpu.memref_slice %arg7[%dma_start3A_117, %dma_start3A_118] : memref<10240x32xf32, #tpu.memory_space<vmem_shared>> -> memref<10240x32xf32, #tpu.memory_space<vmem_shared>>
    tpu.enqueue_indirect_dma source(%dma_start3A_119 : memref<10240x32xf32, #tpu.memory_space<vmem_shared>>) target(%dma_start3A_113 : memref<128x32xf32, #tpu.memory_space<vmem>>) offsets(%dma_start3A_116 : memref<128xi32, #tpu.memory_space<vmem>>) semaphore(%arg12 : memref<!tpu.dma_semaphore, #tpu.memory_space<semaphore_mem>>)
    %dma_start3A_120 = arith.constant 2 : i32
    %dma_start3A_121 = arith.constant 2 : i32
    %dma_start3A_122 = arith.constant 0 : i32
    %dma_start3A_123 = arith.constant 0 : i32
    %dma_start3A_124 = tpu.memref_slice %arg10[%dma_start3A_121, %dma_start3A_122, %dma_start3A_123] : memref<16x128x32xf32, #tpu.memory_space<vmem>> -> memref<1x128x32xf32, #tpu.memory_space<vmem>>
    %dma_start3A_125 = tpu.memref_squeeze %dma_start3A_124 : memref<1x128x32xf32, #tpu.memory_space<vmem>> -> memref<128x32xf32, #tpu.memory_space<vmem>>
    %dma_start3A_126 = arith.constant 0 : i32
    %dma_start3A_127 = tpu.memref_slice %arg8[%rem3A_95, %dma_start3A_120, %dma_start3A_126] : memref<3x8x128xi32, #tpu.memory_space<vmem>> -> memref<1x1x128xi32, #tpu.memory_space<vmem>>
    %dma_start3A_128 = tpu.memref_squeeze %dma_start3A_127 : memref<1x1x128xi32, #tpu.memory_space<vmem>> -> memref<128xi32, #tpu.memory_space<vmem>>
    %dma_start3A_129 = arith.constant 0 : i32
    %dma_start3A_130 = arith.constant 0 : i32
    %dma_start3A_131 = tpu.memref_slice %arg7[%dma_start3A_129, %dma_start3A_130] : memref<10240x32xf32, #tpu.memory_space<vmem_shared>> -> memref<10240x32xf32, #tpu.memory_space<vmem_shared>>
    tpu.enqueue_indirect_dma source(%dma_start3A_131 : memref<10240x32xf32, #tpu.memory_space<vmem_shared>>) target(%dma_start3A_125 : memref<128x32xf32, #tpu.memory_space<vmem>>) offsets(%dma_start3A_128 : memref<128xi32, #tpu.memory_space<vmem>>) semaphore(%arg12 : memref<!tpu.dma_semaphore, #tpu.memory_space<semaphore_mem>>)
    %dma_start3A_132 = arith.constant 3 : i32
    %dma_start3A_133 = arith.constant 3 : i32
    %dma_start3A_134 = arith.constant 0 : i32
    %dma_start3A_135 = arith.constant 0 : i32
    %dma_start3A_136 = tpu.memref_slice %arg10[%dma_start3A_133, %dma_start3A_134, %dma_start3A_135] : memref<16x128x32xf32, #tpu.memory_space<vmem>> -> memref<1x128x32xf32, #tpu.memory_space<vmem>>
    %dma_start3A_137 = tpu.memref_squeeze %dma_start3A_136 : memref<1x128x32xf32, #tpu.memory_space<vmem>> -> memref<128x32xf32, #tpu.memory_space<vmem>>
    %dma_start3A_138 = arith.constant 0 : i32
    %dma_start3A_139 = tpu.memref_slice %arg8[%rem3A_95, %dma_start3A_132, %dma_start3A_138] : memref<3x8x128xi32, #tpu.memory_space<vmem>> -> memref<1x1x128xi32, #tpu.memory_space<vmem>>
    %dma_start3A_140 = tpu.memref_squeeze %dma_start3A_139 : memref<1x1x128xi32, #tpu.memory_space<vmem>> -> memref<128xi32, #tpu.memory_space<vmem>>
    %dma_start3A_141 = arith.constant 0 : i32
    %dma_start3A_142 = arith.constant 0 : i32
    %dma_start3A_143 = tpu.memref_slice %arg7[%dma_start3A_141, %dma_start3A_142] : memref<10240x32xf32, #tpu.memory_space<vmem_shared>> -> memref<10240x32xf32, #tpu.memory_space<vmem_shared>>
    tpu.enqueue_indirect_dma source(%dma_start3A_143 : memref<10240x32xf32, #tpu.memory_space<vmem_shared>>) target(%dma_start3A_137 : memref<128x32xf32, #tpu.memory_space<vmem>>) offsets(%dma_start3A_140 : memref<128xi32, #tpu.memory_space<vmem>>) semaphore(%arg12 : memref<!tpu.dma_semaphore, #tpu.memory_space<semaphore_mem>>)
    %dma_start3A_144 = arith.constant 4 : i32
    %dma_start3A_145 = arith.constant 4 : i32
    %dma_start3A_146 = arith.constant 0 : i32
    %dma_start3A_147 = arith.constant 0 : i32
    %dma_start3A_148 = tpu.memref_slice %arg10[%dma_start3A_145, %dma_start3A_146, %dma_start3A_147] : memref<16x128x32xf32, #tpu.memory_space<vmem>> -> memref<1x128x32xf32, #tpu.memory_space<vmem>>
    %dma_start3A_149 = tpu.memref_squeeze %dma_start3A_148 : memref<1x128x32xf32, #tpu.memory_space<vmem>> -> memref<128x32xf32, #tpu.memory_space<vmem>>
    %dma_start3A_150 = arith.constant 0 : i32
    %dma_start3A_151 = tpu.memref_slice %arg8[%rem3A_95, %dma_start3A_144, %dma_start3A_150] : memref<3x8x128xi32, #tpu.memory_space<vmem>> -> memref<1x1x128xi32, #tpu.memory_space<vmem>>
    %dma_start3A_152 = tpu.memref_squeeze %dma_start3A_151 : memref<1x1x128xi32, #tpu.memory_space<vmem>> -> memref<128xi32, #tpu.memory_space<vmem>>
    %dma_start3A_153 = arith.constant 0 : i32
    %dma_start3A_154 = arith.constant 0 : i32
    %dma_start3A_155 = tpu.memref_slice %arg7[%dma_start3A_153, %dma_start3A_154] : memref<10240x32xf32, #tpu.memory_space<vmem_shared>> -> memref<10240x32xf32, #tpu.memory_space<vmem_shared>>
    tpu.enqueue_indirect_dma source(%dma_start3A_155 : memref<10240x32xf32, #tpu.memory_space<vmem_shared>>) target(%dma_start3A_149 : memref<128x32xf32, #tpu.memory_space<vmem>>) offsets(%dma_start3A_152 : memref<128xi32, #tpu.memory_space<vmem>>) semaphore(%arg12 : memref<!tpu.dma_semaphore, #tpu.memory_space<semaphore_mem>>)
    %dma_start3A_156 = arith.constant 5 : i32
    %dma_start3A_157 = arith.constant 5 : i32
    %dma_start3A_158 = arith.constant 0 : i32
    %dma_start3A_159 = arith.constant 0 : i32
    %dma_start3A_160 = tpu.memref_slice %arg10[%dma_start3A_157, %dma_start3A_158, %dma_start3A_159] : memref<16x128x32xf32, #tpu.memory_space<vmem>> -> memref<1x128x32xf32, #tpu.memory_space<vmem>>
    %dma_start3A_161 = tpu.memref_squeeze %dma_start3A_160 : memref<1x128x32xf32, #tpu.memory_space<vmem>> -> memref<128x32xf32, #tpu.memory_space<vmem>>
    %dma_start3A_162 = arith.constant 0 : i32
    %dma_start3A_163 = tpu.memref_slice %arg8[%rem3A_95, %dma_start3A_156, %dma_start3A_162] : memref<3x8x128xi32, #tpu.memory_space<vmem>> -> memref<1x1x128xi32, #tpu.memory_space<vmem>>
    %dma_start3A_164 = tpu.memref_squeeze %dma_start3A_163 : memref<1x1x128xi32, #tpu.memory_space<vmem>> -> memref<128xi32, #tpu.memory_space<vmem>>
    %dma_start3A_165 = arith.constant 0 : i32
    %dma_start3A_166 = arith.constant 0 : i32
    %dma_start3A_167 = tpu.memref_slice %arg7[%dma_start3A_165, %dma_start3A_166] : memref<10240x32xf32, #tpu.memory_space<vmem_shared>> -> memref<10240x32xf32, #tpu.memory_space<vmem_shared>>
    tpu.enqueue_indirect_dma source(%dma_start3A_167 : memref<10240x32xf32, #tpu.memory_space<vmem_shared>>) target(%dma_start3A_161 : memref<128x32xf32, #tpu.memory_space<vmem>>) offsets(%dma_start3A_164 : memref<128xi32, #tpu.memory_space<vmem>>) semaphore(%arg12 : memref<!tpu.dma_semaphore, #tpu.memory_space<semaphore_mem>>)
    %dma_start3A_168 = arith.constant 6 : i32
    %dma_start3A_169 = arith.constant 6 : i32
    %dma_start3A_170 = arith.constant 0 : i32
    %dma_start3A_171 = arith.constant 0 : i32
    %dma_start3A_172 = tpu.memref_slice %arg10[%dma_start3A_169, %dma_start3A_170, %dma_start3A_171] : memref<16x128x32xf32, #tpu.memory_space<vmem>> -> memref<1x128x32xf32, #tpu.memory_space<vmem>>
    %dma_start3A_173 = tpu.memref_squeeze %dma_start3A_172 : memref<1x128x32xf32, #tpu.memory_space<vmem>> -> memref<128x32xf32, #tpu.memory_space<vmem>>
    %dma_start3A_174 = arith.constant 0 : i32
    %dma_start3A_175 = tpu.memref_slice %arg8[%rem3A_95, %dma_start3A_168, %dma_start3A_174] : memref<3x8x128xi32, #tpu.memory_space<vmem>> -> memref<1x1x128xi32, #tpu.memory_space<vmem>>
    %dma_start3A_176 = tpu.memref_squeeze %dma_start3A_175 : memref<1x1x128xi32, #tpu.memory_space<vmem>> -> memref<128xi32, #tpu.memory_space<vmem>>
    %dma_start3A_177 = arith.constant 0 : i32
    %dma_start3A_178 = arith.constant 0 : i32
    %dma_start3A_179 = tpu.memref_slice %arg7[%dma_start3A_177, %dma_start3A_178] : memref<10240x32xf32, #tpu.memory_space<vmem_shared>> -> memref<10240x32xf32, #tpu.memory_space<vmem_shared>>
    tpu.enqueue_indirect_dma source(%dma_start3A_179 : memref<10240x32xf32, #tpu.memory_space<vmem_shared>>) target(%dma_start3A_173 : memref<128x32xf32, #tpu.memory_space<vmem>>) offsets(%dma_start3A_176 : memref<128xi32, #tpu.memory_space<vmem>>) semaphore(%arg12 : memref<!tpu.dma_semaphore, #tpu.memory_space<semaphore_mem>>)
    %dma_start3A_180 = arith.constant 7 : i32
    %dma_start3A_181 = arith.constant 7 : i32
    %dma_start3A_182 = arith.constant 0 : i32
    %dma_start3A_183 = arith.constant 0 : i32
    %dma_start3A_184 = tpu.memref_slice %arg10[%dma_start3A_181, %dma_start3A_182, %dma_start3A_183] : memref<16x128x32xf32, #tpu.memory_space<vmem>> -> memref<1x128x32xf32, #tpu.memory_space<vmem>>
    %dma_start3A_185 = tpu.memref_squeeze %dma_start3A_184 : memref<1x128x32xf32, #tpu.memory_space<vmem>> -> memref<128x32xf32, #tpu.memory_space<vmem>>
    %dma_start3A_186 = arith.constant 0 : i32
    %dma_start3A_187 = tpu.memref_slice %arg8[%rem3A_95, %dma_start3A_180, %dma_start3A_186] : memref<3x8x128xi32, #tpu.memory_space<vmem>> -> memref<1x1x128xi32, #tpu.memory_space<vmem>>
    %dma_start3A_188 = tpu.memref_squeeze %dma_start3A_187 : memref<1x1x128xi32, #tpu.memory_space<vmem>> -> memref<128xi32, #tpu.memory_space<vmem>>
    %dma_start3A_189 = arith.constant 0 : i32
    %dma_start3A_190 = arith.constant 0 : i32
    %dma_start3A_191 = tpu.memref_slice %arg7[%dma_start3A_189, %dma_start3A_190] : memref<10240x32xf32, #tpu.memory_space<vmem_shared>> -> memref<10240x32xf32, #tpu.memory_space<vmem_shared>>
    tpu.enqueue_indirect_dma source(%dma_start3A_191 : memref<10240x32xf32, #tpu.memory_space<vmem_shared>>) target(%dma_start3A_185 : memref<128x32xf32, #tpu.memory_space<vmem>>) offsets(%dma_start3A_188 : memref<128xi32, #tpu.memory_space<vmem>>) semaphore(%arg12 : memref<!tpu.dma_semaphore, #tpu.memory_space<semaphore_mem>>)
    %add3A_192 = arith.constant 8 : i32
    %add3A_193 = arith.addi %mul3A_0, %add3A_192 : i32
    %dma_start3A_194 = arith.constant 1 : i32
    %dma_start3A_195 = arith.constant 0 : i32
    %dma_start3A_196 = arith.constant 0 : i32
    %dma_start3A_197 = tpu.memref_slice %arg8[%dma_start3A_194, %dma_start3A_195, %dma_start3A_196] : memref<3x8x128xi32, #tpu.memory_space<vmem>> -> memref<1x8x128xi32, #tpu.memory_space<vmem>>
    %dma_start3A_198 = tpu.memref_squeeze %dma_start3A_197 : memref<1x8x128xi32, #tpu.memory_space<vmem>> -> memref<8x128xi32, #tpu.memory_space<vmem>>
    %dma_start3A_199 = arith.constant 0 : i32
    %dma_start3A_200 = tpu.memref_slice %arg3[%add3A_193, %dma_start3A_199] : memref<2560x128xi32, #tpu.memory_space<hbm>> -> memref<8x128xi32, #tpu.memory_space<hbm>>
    %dma_start3A_201 = arith.constant 0 : i32
    %dma_start3A_202 = arith.constant 0 : i32
    %dma_start3A_203 = tpu.memref_slice %arg8[%dma_start3A_194, %dma_start3A_201, %dma_start3A_202] : memref<3x8x128xi32, #tpu.memory_space<vmem>> -> memref<1x8x128xi32, #tpu.memory_space<vmem>>
    %dma_start3A_204 = tpu.memref_squeeze %dma_start3A_203 : memref<1x8x128xi32, #tpu.memory_space<vmem>> -> memref<8x128xi32, #tpu.memory_space<vmem>>
    %dma_start3A_205 = arith.constant 0 : i32
    %dma_start3A_206 = tpu.memref_slice %arg3[%add3A_193, %dma_start3A_205] : memref<2560x128xi32, #tpu.memory_space<hbm>> -> memref<8x128xi32, #tpu.memory_space<hbm>>
    tpu.enqueue_dma source(%dma_start3A_206 : memref<8x128xi32, #tpu.memory_space<hbm>>) target(%dma_start3A_204 : memref<8x128xi32, #tpu.memory_space<vmem>>) target_semaphore(%arg11 : memref<!tpu.dma_semaphore, #tpu.memory_space<semaphore_mem>>)
    %add3A_207 = arith.constant 8 : i32
    %add3A_208 = arith.addi %mul3A_0, %add3A_207 : i32
    %dma_start3A_209 = arith.constant 1 : i32
    %dma_start3A_210 = arith.constant 0 : i32
    %dma_start3A_211 = arith.constant 0 : i32
    %dma_start3A_212 = tpu.memref_slice %arg9[%dma_start3A_209, %dma_start3A_210, %dma_start3A_211] : memref<3x8x128xi32, #tpu.memory_space<vmem>> -> memref<1x8x128xi32, #tpu.memory_space<vmem>>
    %dma_start3A_213 = tpu.memref_squeeze %dma_start3A_212 : memref<1x8x128xi32, #tpu.memory_space<vmem>> -> memref<8x128xi32, #tpu.memory_space<vmem>>
    %dma_start3A_214 = arith.constant 0 : i32
    %dma_start3A_215 = tpu.memref_slice %arg4[%add3A_208, %dma_start3A_214] : memref<2560x128xi32, #tpu.memory_space<hbm>> -> memref<8x128xi32, #tpu.memory_space<hbm>>
    %dma_start3A_216 = arith.constant 0 : i32
    %dma_start3A_217 = arith.constant 0 : i32
    %dma_start3A_218 = tpu.memref_slice %arg9[%dma_start3A_209, %dma_start3A_216, %dma_start3A_217] : memref<3x8x128xi32, #tpu.memory_space<vmem>> -> memref<1x8x128xi32, #tpu.memory_space<vmem>>
    %dma_start3A_219 = tpu.memref_squeeze %dma_start3A_218 : memref<1x8x128xi32, #tpu.memory_space<vmem>> -> memref<8x128xi32, #tpu.memory_space<vmem>>
    %dma_start3A_220 = arith.constant 0 : i32
    %dma_start3A_221 = tpu.memref_slice %arg4[%add3A_208, %dma_start3A_220] : memref<2560x128xi32, #tpu.memory_space<hbm>> -> memref<8x128xi32, #tpu.memory_space<hbm>>
    tpu.enqueue_dma source(%dma_start3A_221 : memref<8x128xi32, #tpu.memory_space<hbm>>) target(%dma_start3A_219 : memref<8x128xi32, #tpu.memory_space<vmem>>) target_semaphore(%arg11 : memref<!tpu.dma_semaphore, #tpu.memory_space<semaphore_mem>>)
    %scan3A_222 = arith.constant 0 : i32
    %scan3A_223 = arith.constant 0 : i32
    %scan3A_224 = arith.constant 20 : i32
    %scan3A_225 = arith.addi %scan3A_223, %scan3A_224 : i32
    %scan3A_226 = arith.constant 1 : i32
    %scan3A_227 = scf.for %scan3A_356 = %scan3A_223 to %scan3A_225 step %scan3A_226 iter_args(%scan3A_357 = %scan3A_222) -> (i32)  : i32 {
      %add3A_358 = arith.constant 1 : i32
      %add3A_359 = arith.addi %scan3A_356, %add3A_358 : i32
      %jit3A = arith.constant 2 : i32
      %eq3A = arith.constant 0 : i32
      %eq3A_360 = arith.cmpi eq, %jit3A, %eq3A : i32
      %jit3A_361 = arith.constant 1 : i32
      %select_n3A = arith.select %eq3A_360, %jit3A_361, %jit3A : i32
      %rem3A_362 = arith.remsi %add3A_359, %select_n3A : i32
      %ne3A = arith.constant 0 : i32
      %ne3A_363 = arith.cmpi ne, %rem3A_362, %ne3A : i32
      %lt3A = arith.constant 0 : i32
      %lt3A_364 = arith.cmpi slt, %rem3A_362, %lt3A : i32
      %lt3A_365 = arith.constant 0 : i32
      %lt3A_366 = arith.cmpi slt, %select_n3A, %lt3A_365 : i32
      %ne3A_367 = arith.xori %lt3A_364, %lt3A_366 : i1
      %and3A = arith.andi %ne3A_367, %ne3A_363 : i1
      %add3A_368 = arith.addi %rem3A_362, %select_n3A : i32
      %select_n3A_369 = arith.select %and3A, %add3A_368, %rem3A_362 : i32
      %ge3A = arith.constant 1 : i32
      %ge3A_370 = arith.cmpi sge, %scan3A_356, %ge3A : i32
      %convert_element_type3A = arith.extui %ge3A_370 : i1 to i32
      %cond3A = arith.constant 0 : i32
      %cond3A_371 = arith.cmpi ne, %convert_element_type3A, %cond3A : i32
      scf.if %cond3A_371 {
        %dma_wait3A_640 = arith.constant 0 : i32
        %dma_wait3A_641 = arith.constant 0 : i32
        %dma_wait3A_642 = arith.constant 0 : i32
        %dma_wait3A_643 = tpu.memref_slice %arg10[%dma_wait3A_640, %dma_wait3A_641, %dma_wait3A_642] : memref<16x128x32xf32, #tpu.memory_space<vmem>> -> memref<1x128x32xf32, #tpu.memory_space<vmem>>
        %dma_wait3A_644 = tpu.memref_squeeze %dma_wait3A_643 : memref<1x128x32xf32, #tpu.memory_space<vmem>> -> memref<128x32xf32, #tpu.memory_space<vmem>>
        %dma_wait3A_645 = arith.constant 0 : i32
        %dma_wait3A_646 = arith.constant 0 : i32
        %dma_wait3A_647 = tpu.memref_slice %arg2[%dma_wait3A_645, %dma_wait3A_646] : memref<10240x64xf32, #tpu.memory_space<hbm>> -> memref<128x32xf32, #tpu.memory_space<hbm>>
        %dma_wait3A_648 = arith.constant 0 : i32
        %dma_wait3A_649 = arith.constant 0 : i32
        %dma_wait3A_650 = tpu.memref_slice %arg10[%dma_wait3A_640, %dma_wait3A_648, %dma_wait3A_649] : memref<16x128x32xf32, #tpu.memory_space<vmem>> -> memref<1x128x32xf32, #tpu.memory_space<vmem>>
        %dma_wait3A_651 = tpu.memref_squeeze %dma_wait3A_650 : memref<1x128x32xf32, #tpu.memory_space<vmem>> -> memref<128x32xf32, #tpu.memory_space<vmem>>
        %dma_wait3A_652 = arith.constant 0 : i32
        %dma_wait3A_653 = arith.constant 0 : i32
        %dma_wait3A_654 = tpu.memref_slice %arg2[%dma_wait3A_652, %dma_wait3A_653] : memref<10240x64xf32, #tpu.memory_space<hbm>> -> memref<128x32xf32, #tpu.memory_space<hbm>>
        tpu.wait_dma2 semaphore(%arg13 : memref<!tpu.dma_semaphore, #tpu.memory_space<semaphore_mem>>) src(%dma_wait3A_654 : memref<128x32xf32, #tpu.memory_space<hbm>>) dst(%dma_wait3A_651 : memref<128x32xf32, #tpu.memory_space<vmem>>)
        %dma_wait3A_655 = arith.constant 0 : i32
        %dma_wait3A_656 = arith.constant 0 : i32
        %dma_wait3A_657 = arith.constant 0 : i32
        %dma_wait3A_658 = tpu.memref_slice %arg10[%dma_wait3A_655, %dma_wait3A_656, %dma_wait3A_657] : memref<16x128x32xf32, #tpu.memory_space<vmem>> -> memref<1x128x32xf32, #tpu.memory_space<vmem>>
        %dma_wait3A_659 = tpu.memref_squeeze %dma_wait3A_658 : memref<1x128x32xf32, #tpu.memory_space<vmem>> -> memref<128x32xf32, #tpu.memory_space<vmem>>
        %dma_wait3A_660 = arith.constant 0 : i32
        %dma_wait3A_661 = arith.constant 0 : i32
        %dma_wait3A_662 = tpu.memref_slice %arg2[%dma_wait3A_660, %dma_wait3A_661] : memref<10240x64xf32, #tpu.memory_space<hbm>> -> memref<128x32xf32, #tpu.memory_space<hbm>>
        %dma_wait3A_663 = arith.constant 0 : i32
        %dma_wait3A_664 = arith.constant 0 : i32
        %dma_wait3A_665 = tpu.memref_slice %arg10[%dma_wait3A_655, %dma_wait3A_663, %dma_wait3A_664] : memref<16x128x32xf32, #tpu.memory_space<vmem>> -> memref<1x128x32xf32, #tpu.memory_space<vmem>>
        %dma_wait3A_666 = tpu.memref_squeeze %dma_wait3A_665 : memref<1x128x32xf32, #tpu.memory_space<vmem>> -> memref<128x32xf32, #tpu.memory_space<vmem>>
        %dma_wait3A_667 = arith.constant 0 : i32
        %dma_wait3A_668 = arith.constant 0 : i32
        %dma_wait3A_669 = tpu.memref_slice %arg2[%dma_wait3A_667, %dma_wait3A_668] : memref<10240x64xf32, #tpu.memory_space<hbm>> -> memref<128x32xf32, #tpu.memory_space<hbm>>
        tpu.wait_dma2 semaphore(%arg13 : memref<!tpu.dma_semaphore, #tpu.memory_space<semaphore_mem>>) src(%dma_wait3A_669 : memref<128x32xf32, #tpu.memory_space<hbm>>) dst(%dma_wait3A_666 : memref<128x32xf32, #tpu.memory_space<vmem>>)
        %dma_wait3A_670 = arith.constant 0 : i32
        %dma_wait3A_671 = arith.constant 0 : i32
        %dma_wait3A_672 = arith.constant 0 : i32
        %dma_wait3A_673 = tpu.memref_slice %arg10[%dma_wait3A_670, %dma_wait3A_671, %dma_wait3A_672] : memref<16x128x32xf32, #tpu.memory_space<vmem>> -> memref<1x128x32xf32, #tpu.memory_space<vmem>>
        %dma_wait3A_674 = tpu.memref_squeeze %dma_wait3A_673 : memref<1x128x32xf32, #tpu.memory_space<vmem>> -> memref<128x32xf32, #tpu.memory_space<vmem>>
        %dma_wait3A_675 = arith.constant 0 : i32
        %dma_wait3A_676 = arith.constant 0 : i32
        %dma_wait3A_677 = tpu.memref_slice %arg2[%dma_wait3A_675, %dma_wait3A_676] : memref<10240x64xf32, #tpu.memory_space<hbm>> -> memref<128x32xf32, #tpu.memory_space<hbm>>
        %dma_wait3A_678 = arith.constant 0 : i32
        %dma_wait3A_679 = arith.constant 0 : i32
        %dma_wait3A_680 = tpu.memref_slice %arg10[%dma_wait3A_670, %dma_wait3A_678, %dma_wait3A_679] : memref<16x128x32xf32, #tpu.memory_space<vmem>> -> memref<1x128x32xf32, #tpu.memory_space<vmem>>
        %dma_wait3A_681 = tpu.memref_squeeze %dma_wait3A_680 : memref<1x128x32xf32, #tpu.memory_space<vmem>> -> memref<128x32xf32, #tpu.memory_space<vmem>>
        %dma_wait3A_682 = arith.constant 0 : i32
        %dma_wait3A_683 = arith.constant 0 : i32
        %dma_wait3A_684 = tpu.memref_slice %arg2[%dma_wait3A_682, %dma_wait3A_683] : memref<10240x64xf32, #tpu.memory_space<hbm>> -> memref<128x32xf32, #tpu.memory_space<hbm>>
        tpu.wait_dma2 semaphore(%arg13 : memref<!tpu.dma_semaphore, #tpu.memory_space<semaphore_mem>>) src(%dma_wait3A_684 : memref<128x32xf32, #tpu.memory_space<hbm>>) dst(%dma_wait3A_681 : memref<128x32xf32, #tpu.memory_space<vmem>>)
        %dma_wait3A_685 = arith.constant 0 : i32
        %dma_wait3A_686 = arith.constant 0 : i32
        %dma_wait3A_687 = arith.constant 0 : i32
        %dma_wait3A_688 = tpu.memref_slice %arg10[%dma_wait3A_685, %dma_wait3A_686, %dma_wait3A_687] : memref<16x128x32xf32, #tpu.memory_space<vmem>> -> memref<1x128x32xf32, #tpu.memory_space<vmem>>
        %dma_wait3A_689 = tpu.memref_squeeze %dma_wait3A_688 : memref<1x128x32xf32, #tpu.memory_space<vmem>> -> memref<128x32xf32, #tpu.memory_space<vmem>>
        %dma_wait3A_690 = arith.constant 0 : i32
        %dma_wait3A_691 = arith.constant 0 : i32
        %dma_wait3A_692 = tpu.memref_slice %arg2[%dma_wait3A_690, %dma_wait3A_691] : memref<10240x64xf32, #tpu.memory_space<hbm>> -> memref<128x32xf32, #tpu.memory_space<hbm>>
        %dma_wait3A_693 = arith.constant 0 : i32
        %dma_wait3A_694 = arith.constant 0 : i32
        %dma_wait3A_695 = tpu.memref_slice %arg10[%dma_wait3A_685, %dma_wait3A_693, %dma_wait3A_694] : memref<16x128x32xf32, #tpu.memory_space<vmem>> -> memref<1x128x32xf32, #tpu.memory_space<vmem>>
        %dma_wait3A_696 = tpu.memref_squeeze %dma_wait3A_695 : memref<1x128x32xf32, #tpu.memory_space<vmem>> -> memref<128x32xf32, #tpu.memory_space<vmem>>
        %dma_wait3A_697 = arith.constant 0 : i32
        %dma_wait3A_698 = arith.constant 0 : i32
        %dma_wait3A_699 = tpu.memref_slice %arg2[%dma_wait3A_697, %dma_wait3A_698] : memref<10240x64xf32, #tpu.memory_space<hbm>> -> memref<128x32xf32, #tpu.memory_space<hbm>>
        tpu.wait_dma2 semaphore(%arg13 : memref<!tpu.dma_semaphore, #tpu.memory_space<semaphore_mem>>) src(%dma_wait3A_699 : memref<128x32xf32, #tpu.memory_space<hbm>>) dst(%dma_wait3A_696 : memref<128x32xf32, #tpu.memory_space<vmem>>)
        %dma_wait3A_700 = arith.constant 0 : i32
        %dma_wait3A_701 = arith.constant 0 : i32
        %dma_wait3A_702 = arith.constant 0 : i32
        %dma_wait3A_703 = tpu.memref_slice %arg10[%dma_wait3A_700, %dma_wait3A_701, %dma_wait3A_702] : memref<16x128x32xf32, #tpu.memory_space<vmem>> -> memref<1x128x32xf32, #tpu.memory_space<vmem>>
        %dma_wait3A_704 = tpu.memref_squeeze %dma_wait3A_703 : memref<1x128x32xf32, #tpu.memory_space<vmem>> -> memref<128x32xf32, #tpu.memory_space<vmem>>
        %dma_wait3A_705 = arith.constant 0 : i32
        %dma_wait3A_706 = arith.constant 0 : i32
        %dma_wait3A_707 = tpu.memref_slice %arg2[%dma_wait3A_705, %dma_wait3A_706] : memref<10240x64xf32, #tpu.memory_space<hbm>> -> memref<128x32xf32, #tpu.memory_space<hbm>>
        %dma_wait3A_708 = arith.constant 0 : i32
        %dma_wait3A_709 = arith.constant 0 : i32
        %dma_wait3A_710 = tpu.memref_slice %arg10[%dma_wait3A_700, %dma_wait3A_708, %dma_wait3A_709] : memref<16x128x32xf32, #tpu.memory_space<vmem>> -> memref<1x128x32xf32, #tpu.memory_space<vmem>>
        %dma_wait3A_711 = tpu.memref_squeeze %dma_wait3A_710 : memref<1x128x32xf32, #tpu.memory_space<vmem>> -> memref<128x32xf32, #tpu.memory_space<vmem>>
        %dma_wait3A_712 = arith.constant 0 : i32
        %dma_wait3A_713 = arith.constant 0 : i32
        %dma_wait3A_714 = tpu.memref_slice %arg2[%dma_wait3A_712, %dma_wait3A_713] : memref<10240x64xf32, #tpu.memory_space<hbm>> -> memref<128x32xf32, #tpu.memory_space<hbm>>
        tpu.wait_dma2 semaphore(%arg13 : memref<!tpu.dma_semaphore, #tpu.memory_space<semaphore_mem>>) src(%dma_wait3A_714 : memref<128x32xf32, #tpu.memory_space<hbm>>) dst(%dma_wait3A_711 : memref<128x32xf32, #tpu.memory_space<vmem>>)
        %dma_wait3A_715 = arith.constant 0 : i32
        %dma_wait3A_716 = arith.constant 0 : i32
        %dma_wait3A_717 = arith.constant 0 : i32
        %dma_wait3A_718 = tpu.memref_slice %arg10[%dma_wait3A_715, %dma_wait3A_716, %dma_wait3A_717] : memref<16x128x32xf32, #tpu.memory_space<vmem>> -> memref<1x128x32xf32, #tpu.memory_space<vmem>>
        %dma_wait3A_719 = tpu.memref_squeeze %dma_wait3A_718 : memref<1x128x32xf32, #tpu.memory_space<vmem>> -> memref<128x32xf32, #tpu.memory_space<vmem>>
        %dma_wait3A_720 = arith.constant 0 : i32
        %dma_wait3A_721 = arith.constant 0 : i32
        %dma_wait3A_722 = tpu.memref_slice %arg2[%dma_wait3A_720, %dma_wait3A_721] : memref<10240x64xf32, #tpu.memory_space<hbm>> -> memref<128x32xf32, #tpu.memory_space<hbm>>
        %dma_wait3A_723 = arith.constant 0 : i32
        %dma_wait3A_724 = arith.constant 0 : i32
        %dma_wait3A_725 = tpu.memref_slice %arg10[%dma_wait3A_715, %dma_wait3A_723, %dma_wait3A_724] : memref<16x128x32xf32, #tpu.memory_space<vmem>> -> memref<1x128x32xf32, #tpu.memory_space<vmem>>
        %dma_wait3A_726 = tpu.memref_squeeze %dma_wait3A_725 : memref<1x128x32xf32, #tpu.memory_space<vmem>> -> memref<128x32xf32, #tpu.memory_space<vmem>>
        %dma_wait3A_727 = arith.constant 0 : i32
        %dma_wait3A_728 = arith.constant 0 : i32
        %dma_wait3A_729 = tpu.memref_slice %arg2[%dma_wait3A_727, %dma_wait3A_728] : memref<10240x64xf32, #tpu.memory_space<hbm>> -> memref<128x32xf32, #tpu.memory_space<hbm>>
        tpu.wait_dma2 semaphore(%arg13 : memref<!tpu.dma_semaphore, #tpu.memory_space<semaphore_mem>>) src(%dma_wait3A_729 : memref<128x32xf32, #tpu.memory_space<hbm>>) dst(%dma_wait3A_726 : memref<128x32xf32, #tpu.memory_space<vmem>>)
        %dma_wait3A_730 = arith.constant 0 : i32
        %dma_wait3A_731 = arith.constant 0 : i32
        %dma_wait3A_732 = arith.constant 0 : i32
        %dma_wait3A_733 = tpu.memref_slice %arg10[%dma_wait3A_730, %dma_wait3A_731, %dma_wait3A_732] : memref<16x128x32xf32, #tpu.memory_space<vmem>> -> memref<1x128x32xf32, #tpu.memory_space<vmem>>
        %dma_wait3A_734 = tpu.memref_squeeze %dma_wait3A_733 : memref<1x128x32xf32, #tpu.memory_space<vmem>> -> memref<128x32xf32, #tpu.memory_space<vmem>>
        %dma_wait3A_735 = arith.constant 0 : i32
        %dma_wait3A_736 = arith.constant 0 : i32
        %dma_wait3A_737 = tpu.memref_slice %arg2[%dma_wait3A_735, %dma_wait3A_736] : memref<10240x64xf32, #tpu.memory_space<hbm>> -> memref<128x32xf32, #tpu.memory_space<hbm>>
        %dma_wait3A_738 = arith.constant 0 : i32
        %dma_wait3A_739 = arith.constant 0 : i32
        %dma_wait3A_740 = tpu.memref_slice %arg10[%dma_wait3A_730, %dma_wait3A_738, %dma_wait3A_739] : memref<16x128x32xf32, #tpu.memory_space<vmem>> -> memref<1x128x32xf32, #tpu.memory_space<vmem>>
        %dma_wait3A_741 = tpu.memref_squeeze %dma_wait3A_740 : memref<1x128x32xf32, #tpu.memory_space<vmem>> -> memref<128x32xf32, #tpu.memory_space<vmem>>
        %dma_wait3A_742 = arith.constant 0 : i32
        %dma_wait3A_743 = arith.constant 0 : i32
        %dma_wait3A_744 = tpu.memref_slice %arg2[%dma_wait3A_742, %dma_wait3A_743] : memref<10240x64xf32, #tpu.memory_space<hbm>> -> memref<128x32xf32, #tpu.memory_space<hbm>>
        tpu.wait_dma2 semaphore(%arg13 : memref<!tpu.dma_semaphore, #tpu.memory_space<semaphore_mem>>) src(%dma_wait3A_744 : memref<128x32xf32, #tpu.memory_space<hbm>>) dst(%dma_wait3A_741 : memref<128x32xf32, #tpu.memory_space<vmem>>)
        %dma_wait3A_745 = arith.constant 0 : i32
        %dma_wait3A_746 = arith.constant 0 : i32
        %dma_wait3A_747 = arith.constant 0 : i32
        %dma_wait3A_748 = tpu.memref_slice %arg10[%dma_wait3A_745, %dma_wait3A_746, %dma_wait3A_747] : memref<16x128x32xf32, #tpu.memory_space<vmem>> -> memref<1x128x32xf32, #tpu.memory_space<vmem>>
        %dma_wait3A_749 = tpu.memref_squeeze %dma_wait3A_748 : memref<1x128x32xf32, #tpu.memory_space<vmem>> -> memref<128x32xf32, #tpu.memory_space<vmem>>
        %dma_wait3A_750 = arith.constant 0 : i32
        %dma_wait3A_751 = arith.constant 0 : i32
        %dma_wait3A_752 = tpu.memref_slice %arg2[%dma_wait3A_750, %dma_wait3A_751] : memref<10240x64xf32, #tpu.memory_space<hbm>> -> memref<128x32xf32, #tpu.memory_space<hbm>>
        %dma_wait3A_753 = arith.constant 0 : i32
        %dma_wait3A_754 = arith.constant 0 : i32
        %dma_wait3A_755 = tpu.memref_slice %arg10[%dma_wait3A_745, %dma_wait3A_753, %dma_wait3A_754] : memref<16x128x32xf32, #tpu.memory_space<vmem>> -> memref<1x128x32xf32, #tpu.memory_space<vmem>>
        %dma_wait3A_756 = tpu.memref_squeeze %dma_wait3A_755 : memref<1x128x32xf32, #tpu.memory_space<vmem>> -> memref<128x32xf32, #tpu.memory_space<vmem>>
        %dma_wait3A_757 = arith.constant 0 : i32
        %dma_wait3A_758 = arith.constant 0 : i32
        %dma_wait3A_759 = tpu.memref_slice %arg2[%dma_wait3A_757, %dma_wait3A_758] : memref<10240x64xf32, #tpu.memory_space<hbm>> -> memref<128x32xf32, #tpu.memory_space<hbm>>
        tpu.wait_dma2 semaphore(%arg13 : memref<!tpu.dma_semaphore, #tpu.memory_space<semaphore_mem>>) src(%dma_wait3A_759 : memref<128x32xf32, #tpu.memory_space<hbm>>) dst(%dma_wait3A_756 : memref<128x32xf32, #tpu.memory_space<vmem>>)
      } else {
      }
      %le3A = arith.constant 18 : i32
      %le3A_372 = arith.cmpi sle, %scan3A_356, %le3A : i32
      %convert_element_type3A_373 = arith.extui %le3A_372 : i1 to i32
      %cond3A_374 = arith.constant 0 : i32
      %cond3A_375 = arith.cmpi ne, %convert_element_type3A_373, %cond3A_374 : i32
      scf.if %cond3A_375 {
        %dma_wait3A_640 = arith.constant 0 : i32
        %dma_wait3A_641 = arith.constant 0 : i32
        %dma_wait3A_642 = arith.constant 0 : i32
        %dma_wait3A_643 = tpu.memref_slice %arg8[%dma_wait3A_640, %dma_wait3A_641, %dma_wait3A_642] : memref<3x8x128xi32, #tpu.memory_space<vmem>> -> memref<1x8x128xi32, #tpu.memory_space<vmem>>
        %dma_wait3A_644 = tpu.memref_squeeze %dma_wait3A_643 : memref<1x8x128xi32, #tpu.memory_space<vmem>> -> memref<8x128xi32, #tpu.memory_space<vmem>>
        %dma_wait3A_645 = arith.constant 0 : i32
        %dma_wait3A_646 = arith.constant 0 : i32
        %dma_wait3A_647 = tpu.memref_slice %arg3[%dma_wait3A_645, %dma_wait3A_646] : memref<2560x128xi32, #tpu.memory_space<hbm>> -> memref<8x128xi32, #tpu.memory_space<hbm>>
        %dma_wait3A_648 = arith.constant 0 : i32
        %dma_wait3A_649 = arith.constant 0 : i32
        %dma_wait3A_650 = tpu.memref_slice %arg8[%dma_wait3A_640, %dma_wait3A_648, %dma_wait3A_649] : memref<3x8x128xi32, #tpu.memory_space<vmem>> -> memref<1x8x128xi32, #tpu.memory_space<vmem>>
        %dma_wait3A_651 = tpu.memref_squeeze %dma_wait3A_650 : memref<1x8x128xi32, #tpu.memory_space<vmem>> -> memref<8x128xi32, #tpu.memory_space<vmem>>
        %dma_wait3A_652 = arith.constant 0 : i32
        %dma_wait3A_653 = arith.constant 0 : i32
        %dma_wait3A_654 = tpu.memref_slice %arg3[%dma_wait3A_652, %dma_wait3A_653] : memref<2560x128xi32, #tpu.memory_space<hbm>> -> memref<8x128xi32, #tpu.memory_space<hbm>>
        tpu.wait_dma2 semaphore(%arg11 : memref<!tpu.dma_semaphore, #tpu.memory_space<semaphore_mem>>) src(%dma_wait3A_654 : memref<8x128xi32, #tpu.memory_space<hbm>>) dst(%dma_wait3A_651 : memref<8x128xi32, #tpu.memory_space<vmem>>)
        %dma_wait3A_655 = arith.constant 0 : i32
        %dma_wait3A_656 = arith.constant 0 : i32
        %dma_wait3A_657 = arith.constant 0 : i32
        %dma_wait3A_658 = tpu.memref_slice %arg8[%dma_wait3A_655, %dma_wait3A_656, %dma_wait3A_657] : memref<3x8x128xi32, #tpu.memory_space<vmem>> -> memref<1x8x128xi32, #tpu.memory_space<vmem>>
        %dma_wait3A_659 = tpu.memref_squeeze %dma_wait3A_658 : memref<1x8x128xi32, #tpu.memory_space<vmem>> -> memref<8x128xi32, #tpu.memory_space<vmem>>
        %dma_wait3A_660 = arith.constant 0 : i32
        %dma_wait3A_661 = arith.constant 0 : i32
        %dma_wait3A_662 = tpu.memref_slice %arg3[%dma_wait3A_660, %dma_wait3A_661] : memref<2560x128xi32, #tpu.memory_space<hbm>> -> memref<8x128xi32, #tpu.memory_space<hbm>>
        %dma_wait3A_663 = arith.constant 0 : i32
        %dma_wait3A_664 = arith.constant 0 : i32
        %dma_wait3A_665 = tpu.memref_slice %arg8[%dma_wait3A_655, %dma_wait3A_663, %dma_wait3A_664] : memref<3x8x128xi32, #tpu.memory_space<vmem>> -> memref<1x8x128xi32, #tpu.memory_space<vmem>>
        %dma_wait3A_666 = tpu.memref_squeeze %dma_wait3A_665 : memref<1x8x128xi32, #tpu.memory_space<vmem>> -> memref<8x128xi32, #tpu.memory_space<vmem>>
        %dma_wait3A_667 = arith.constant 0 : i32
        %dma_wait3A_668 = arith.constant 0 : i32
        %dma_wait3A_669 = tpu.memref_slice %arg3[%dma_wait3A_667, %dma_wait3A_668] : memref<2560x128xi32, #tpu.memory_space<hbm>> -> memref<8x128xi32, #tpu.memory_space<hbm>>
        tpu.wait_dma2 semaphore(%arg11 : memref<!tpu.dma_semaphore, #tpu.memory_space<semaphore_mem>>) src(%dma_wait3A_669 : memref<8x128xi32, #tpu.memory_space<hbm>>) dst(%dma_wait3A_666 : memref<8x128xi32, #tpu.memory_space<vmem>>)
        %add3A_670 = arith.constant 1 : i32
        %add3A_671 = arith.addi %scan3A_356, %add3A_670 : i32
        %rem3A_672 = arith.constant 3 : i32
        %rem3A_673 = arith.remsi %add3A_671, %rem3A_672 : i32
        %mul3A_674 = arith.constant 8 : i32
        %mul3A_675 = arith.muli %select_n3A_369, %mul3A_674 : i32
        %add3A_676 = arith.constant 0 : i32
        %add3A_677 = arith.addi %mul3A_675, %add3A_676 : i32
        %dma_start3A_678 = arith.constant 0 : i32
        %dma_start3A_679 = arith.constant 0 : i32
        %dma_start3A_680 = arith.constant 0 : i32
        %dma_start3A_681 = tpu.memref_slice %arg10[%add3A_677, %dma_start3A_679, %dma_start3A_680] : memref<16x128x32xf32, #tpu.memory_space<vmem>> -> memref<1x128x32xf32, #tpu.memory_space<vmem>>
        %dma_start3A_682 = tpu.memref_squeeze %dma_start3A_681 : memref<1x128x32xf32, #tpu.memory_space<vmem>> -> memref<128x32xf32, #tpu.memory_space<vmem>>
        %dma_start3A_683 = arith.constant 0 : i32
        %dma_start3A_684 = tpu.memref_slice %arg8[%rem3A_673, %dma_start3A_678, %dma_start3A_683] : memref<3x8x128xi32, #tpu.memory_space<vmem>> -> memref<1x1x128xi32, #tpu.memory_space<vmem>>
        %dma_start3A_685 = tpu.memref_squeeze %dma_start3A_684 : memref<1x1x128xi32, #tpu.memory_space<vmem>> -> memref<128xi32, #tpu.memory_space<vmem>>
        %dma_start3A_686 = arith.constant 0 : i32
        %dma_start3A_687 = arith.constant 0 : i32
        %dma_start3A_688 = tpu.memref_slice %arg7[%dma_start3A_686, %dma_start3A_687] : memref<10240x32xf32, #tpu.memory_space<vmem_shared>> -> memref<10240x32xf32, #tpu.memory_space<vmem_shared>>
        tpu.enqueue_indirect_dma source(%dma_start3A_688 : memref<10240x32xf32, #tpu.memory_space<vmem_shared>>) target(%dma_start3A_682 : memref<128x32xf32, #tpu.memory_space<vmem>>) offsets(%dma_start3A_685 : memref<128xi32, #tpu.memory_space<vmem>>) semaphore(%arg12 : memref<!tpu.dma_semaphore, #tpu.memory_space<semaphore_mem>>)
        %mul3A_689 = arith.constant 8 : i32
        %mul3A_690 = arith.muli %select_n3A_369, %mul3A_689 : i32
        %add3A_691 = arith.constant 1 : i32
        %add3A_692 = arith.addi %mul3A_690, %add3A_691 : i32
        %dma_start3A_693 = arith.constant 1 : i32
        %dma_start3A_694 = arith.constant 0 : i32
        %dma_start3A_695 = arith.constant 0 : i32
        %dma_start3A_696 = tpu.memref_slice %arg10[%add3A_692, %dma_start3A_694, %dma_start3A_695] : memref<16x128x32xf32, #tpu.memory_space<vmem>> -> memref<1x128x32xf32, #tpu.memory_space<vmem>>
        %dma_start3A_697 = tpu.memref_squeeze %dma_start3A_696 : memref<1x128x32xf32, #tpu.memory_space<vmem>> -> memref<128x32xf32, #tpu.memory_space<vmem>>
        %dma_start3A_698 = arith.constant 0 : i32
        %dma_start3A_699 = tpu.memref_slice %arg8[%rem3A_673, %dma_start3A_693, %dma_start3A_698] : memref<3x8x128xi32, #tpu.memory_space<vmem>> -> memref<1x1x128xi32, #tpu.memory_space<vmem>>
        %dma_start3A_700 = tpu.memref_squeeze %dma_start3A_699 : memref<1x1x128xi32, #tpu.memory_space<vmem>> -> memref<128xi32, #tpu.memory_space<vmem>>
        %dma_start3A_701 = arith.constant 0 : i32
        %dma_start3A_702 = arith.constant 0 : i32
        %dma_start3A_703 = tpu.memref_slice %arg7[%dma_start3A_701, %dma_start3A_702] : memref<10240x32xf32, #tpu.memory_space<vmem_shared>> -> memref<10240x32xf32, #tpu.memory_space<vmem_shared>>
        tpu.enqueue_indirect_dma source(%dma_start3A_703 : memref<10240x32xf32, #tpu.memory_space<vmem_shared>>) target(%dma_start3A_697 : memref<128x32xf32, #tpu.memory_space<vmem>>) offsets(%dma_start3A_700 : memref<128xi32, #tpu.memory_space<vmem>>) semaphore(%arg12 : memref<!tpu.dma_semaphore, #tpu.memory_space<semaphore_mem>>)
        %mul3A_704 = arith.constant 8 : i32
        %mul3A_705 = arith.muli %select_n3A_369, %mul3A_704 : i32
        %add3A_706 = arith.constant 2 : i32
        %add3A_707 = arith.addi %mul3A_705, %add3A_706 : i32
        %dma_start3A_708 = arith.constant 2 : i32
        %dma_start3A_709 = arith.constant 0 : i32
        %dma_start3A_710 = arith.constant 0 : i32
        %dma_start3A_711 = tpu.memref_slice %arg10[%add3A_707, %dma_start3A_709, %dma_start3A_710] : memref<16x128x32xf32, #tpu.memory_space<vmem>> -> memref<1x128x32xf32, #tpu.memory_space<vmem>>
        %dma_start3A_712 = tpu.memref_squeeze %dma_start3A_711 : memref<1x128x32xf32, #tpu.memory_space<vmem>> -> memref<128x32xf32, #tpu.memory_space<vmem>>
        %dma_start3A_713 = arith.constant 0 : i32
        %dma_start3A_714 = tpu.memref_slice %arg8[%rem3A_673, %dma_start3A_708, %dma_start3A_713] : memref<3x8x128xi32, #tpu.memory_space<vmem>> -> memref<1x1x128xi32, #tpu.memory_space<vmem>>
        %dma_start3A_715 = tpu.memref_squeeze %dma_start3A_714 : memref<1x1x128xi32, #tpu.memory_space<vmem>> -> memref<128xi32, #tpu.memory_space<vmem>>
        %dma_start3A_716 = arith.constant 0 : i32
        %dma_start3A_717 = arith.constant 0 : i32
        %dma_start3A_718 = tpu.memref_slice %arg7[%dma_start3A_716, %dma_start3A_717] : memref<10240x32xf32, #tpu.memory_space<vmem_shared>> -> memref<10240x32xf32, #tpu.memory_space<vmem_shared>>
        tpu.enqueue_indirect_dma source(%dma_start3A_718 : memref<10240x32xf32, #tpu.memory_space<vmem_shared>>) target(%dma_start3A_712 : memref<128x32xf32, #tpu.memory_space<vmem>>) offsets(%dma_start3A_715 : memref<128xi32, #tpu.memory_space<vmem>>) semaphore(%arg12 : memref<!tpu.dma_semaphore, #tpu.memory_space<semaphore_mem>>)
        %mul3A_719 = arith.constant 8 : i32
        %mul3A_720 = arith.muli %select_n3A_369, %mul3A_719 : i32
        %add3A_721 = arith.constant 3 : i32
        %add3A_722 = arith.addi %mul3A_720, %add3A_721 : i32
        %dma_start3A_723 = arith.constant 3 : i32
        %dma_start3A_724 = arith.constant 0 : i32
        %dma_start3A_725 = arith.constant 0 : i32
        %dma_start3A_726 = tpu.memref_slice %arg10[%add3A_722, %dma_start3A_724, %dma_start3A_725] : memref<16x128x32xf32, #tpu.memory_space<vmem>> -> memref<1x128x32xf32, #tpu.memory_space<vmem>>
        %dma_start3A_727 = tpu.memref_squeeze %dma_start3A_726 : memref<1x128x32xf32, #tpu.memory_space<vmem>> -> memref<128x32xf32, #tpu.memory_space<vmem>>
        %dma_start3A_728 = arith.constant 0 : i32
        %dma_start3A_729 = tpu.memref_slice %arg8[%rem3A_673, %dma_start3A_723, %dma_start3A_728] : memref<3x8x128xi32, #tpu.memory_space<vmem>> -> memref<1x1x128xi32, #tpu.memory_space<vmem>>
        %dma_start3A_730 = tpu.memref_squeeze %dma_start3A_729 : memref<1x1x128xi32, #tpu.memory_space<vmem>> -> memref<128xi32, #tpu.memory_space<vmem>>
        %dma_start3A_731 = arith.constant 0 : i32
        %dma_start3A_732 = arith.constant 0 : i32
        %dma_start3A_733 = tpu.memref_slice %arg7[%dma_start3A_731, %dma_start3A_732] : memref<10240x32xf32, #tpu.memory_space<vmem_shared>> -> memref<10240x32xf32, #tpu.memory_space<vmem_shared>>
        tpu.enqueue_indirect_dma source(%dma_start3A_733 : memref<10240x32xf32, #tpu.memory_space<vmem_shared>>) target(%dma_start3A_727 : memref<128x32xf32, #tpu.memory_space<vmem>>) offsets(%dma_start3A_730 : memref<128xi32, #tpu.memory_space<vmem>>) semaphore(%arg12 : memref<!tpu.dma_semaphore, #tpu.memory_space<semaphore_mem>>)
        %mul3A_734 = arith.constant 8 : i32
        %mul3A_735 = arith.muli %select_n3A_369, %mul3A_734 : i32
        %add3A_736 = arith.constant 4 : i32
        %add3A_737 = arith.addi %mul3A_735, %add3A_736 : i32
        %dma_start3A_738 = arith.constant 4 : i32
        %dma_start3A_739 = arith.constant 0 : i32
        %dma_start3A_740 = arith.constant 0 : i32
        %dma_start3A_741 = tpu.memref_slice %arg10[%add3A_737, %dma_start3A_739, %dma_start3A_740] : memref<16x128x32xf32, #tpu.memory_space<vmem>> -> memref<1x128x32xf32, #tpu.memory_space<vmem>>
        %dma_start3A_742 = tpu.memref_squeeze %dma_start3A_741 : memref<1x128x32xf32, #tpu.memory_space<vmem>> -> memref<128x32xf32, #tpu.memory_space<vmem>>
        %dma_start3A_743 = arith.constant 0 : i32
        %dma_start3A_744 = tpu.memref_slice %arg8[%rem3A_673, %dma_start3A_738, %dma_start3A_743] : memref<3x8x128xi32, #tpu.memory_space<vmem>> -> memref<1x1x128xi32, #tpu.memory_space<vmem>>
        %dma_start3A_745 = tpu.memref_squeeze %dma_start3A_744 : memref<1x1x128xi32, #tpu.memory_space<vmem>> -> memref<128xi32, #tpu.memory_space<vmem>>
        %dma_start3A_746 = arith.constant 0 : i32
        %dma_start3A_747 = arith.constant 0 : i32
        %dma_start3A_748 = tpu.memref_slice %arg7[%dma_start3A_746, %dma_start3A_747] : memref<10240x32xf32, #tpu.memory_space<vmem_shared>> -> memref<10240x32xf32, #tpu.memory_space<vmem_shared>>
        tpu.enqueue_indirect_dma source(%dma_start3A_748 : memref<10240x32xf32, #tpu.memory_space<vmem_shared>>) target(%dma_start3A_742 : memref<128x32xf32, #tpu.memory_space<vmem>>) offsets(%dma_start3A_745 : memref<128xi32, #tpu.memory_space<vmem>>) semaphore(%arg12 : memref<!tpu.dma_semaphore, #tpu.memory_space<semaphore_mem>>)
        %mul3A_749 = arith.constant 8 : i32
        %mul3A_750 = arith.muli %select_n3A_369, %mul3A_749 : i32
        %add3A_751 = arith.constant 5 : i32
        %add3A_752 = arith.addi %mul3A_750, %add3A_751 : i32
        %dma_start3A_753 = arith.constant 5 : i32
        %dma_start3A_754 = arith.constant 0 : i32
        %dma_start3A_755 = arith.constant 0 : i32
        %dma_start3A_756 = tpu.memref_slice %arg10[%add3A_752, %dma_start3A_754, %dma_start3A_755] : memref<16x128x32xf32, #tpu.memory_space<vmem>> -> memref<1x128x32xf32, #tpu.memory_space<vmem>>
        %dma_start3A_757 = tpu.memref_squeeze %dma_start3A_756 : memref<1x128x32xf32, #tpu.memory_space<vmem>> -> memref<128x32xf32, #tpu.memory_space<vmem>>
        %dma_start3A_758 = arith.constant 0 : i32
        %dma_start3A_759 = tpu.memref_slice %arg8[%rem3A_673, %dma_start3A_753, %dma_start3A_758] : memref<3x8x128xi32, #tpu.memory_space<vmem>> -> memref<1x1x128xi32, #tpu.memory_space<vmem>>
        %dma_start3A_760 = tpu.memref_squeeze %dma_start3A_759 : memref<1x1x128xi32, #tpu.memory_space<vmem>> -> memref<128xi32, #tpu.memory_space<vmem>>
        %dma_start3A_761 = arith.constant 0 : i32
        %dma_start3A_762 = arith.constant 0 : i32
        %dma_start3A_763 = tpu.memref_slice %arg7[%dma_start3A_761, %dma_start3A_762] : memref<10240x32xf32, #tpu.memory_space<vmem_shared>> -> memref<10240x32xf32, #tpu.memory_space<vmem_shared>>
        tpu.enqueue_indirect_dma source(%dma_start3A_763 : memref<10240x32xf32, #tpu.memory_space<vmem_shared>>) target(%dma_start3A_757 : memref<128x32xf32, #tpu.memory_space<vmem>>) offsets(%dma_start3A_760 : memref<128xi32, #tpu.memory_space<vmem>>) semaphore(%arg12 : memref<!tpu.dma_semaphore, #tpu.memory_space<semaphore_mem>>)
        %mul3A_764 = arith.constant 8 : i32
        %mul3A_765 = arith.muli %select_n3A_369, %mul3A_764 : i32
        %add3A_766 = arith.constant 6 : i32
        %add3A_767 = arith.addi %mul3A_765, %add3A_766 : i32
        %dma_start3A_768 = arith.constant 6 : i32
        %dma_start3A_769 = arith.constant 0 : i32
        %dma_start3A_770 = arith.constant 0 : i32
        %dma_start3A_771 = tpu.memref_slice %arg10[%add3A_767, %dma_start3A_769, %dma_start3A_770] : memref<16x128x32xf32, #tpu.memory_space<vmem>> -> memref<1x128x32xf32, #tpu.memory_space<vmem>>
        %dma_start3A_772 = tpu.memref_squeeze %dma_start3A_771 : memref<1x128x32xf32, #tpu.memory_space<vmem>> -> memref<128x32xf32, #tpu.memory_space<vmem>>
        %dma_start3A_773 = arith.constant 0 : i32
        %dma_start3A_774 = tpu.memref_slice %arg8[%rem3A_673, %dma_start3A_768, %dma_start3A_773] : memref<3x8x128xi32, #tpu.memory_space<vmem>> -> memref<1x1x128xi32, #tpu.memory_space<vmem>>
        %dma_start3A_775 = tpu.memref_squeeze %dma_start3A_774 : memref<1x1x128xi32, #tpu.memory_space<vmem>> -> memref<128xi32, #tpu.memory_space<vmem>>
        %dma_start3A_776 = arith.constant 0 : i32
        %dma_start3A_777 = arith.constant 0 : i32
        %dma_start3A_778 = tpu.memref_slice %arg7[%dma_start3A_776, %dma_start3A_777] : memref<10240x32xf32, #tpu.memory_space<vmem_shared>> -> memref<10240x32xf32, #tpu.memory_space<vmem_shared>>
        tpu.enqueue_indirect_dma source(%dma_start3A_778 : memref<10240x32xf32, #tpu.memory_space<vmem_shared>>) target(%dma_start3A_772 : memref<128x32xf32, #tpu.memory_space<vmem>>) offsets(%dma_start3A_775 : memref<128xi32, #tpu.memory_space<vmem>>) semaphore(%arg12 : memref<!tpu.dma_semaphore, #tpu.memory_space<semaphore_mem>>)
        %mul3A_779 = arith.constant 8 : i32
        %mul3A_780 = arith.muli %select_n3A_369, %mul3A_779 : i32
        %add3A_781 = arith.constant 7 : i32
        %add3A_782 = arith.addi %mul3A_780, %add3A_781 : i32
        %dma_start3A_783 = arith.constant 7 : i32
        %dma_start3A_784 = arith.constant 0 : i32
        %dma_start3A_785 = arith.constant 0 : i32
        %dma_start3A_786 = tpu.memref_slice %arg10[%add3A_782, %dma_start3A_784, %dma_start3A_785] : memref<16x128x32xf32, #tpu.memory_space<vmem>> -> memref<1x128x32xf32, #tpu.memory_space<vmem>>
        %dma_start3A_787 = tpu.memref_squeeze %dma_start3A_786 : memref<1x128x32xf32, #tpu.memory_space<vmem>> -> memref<128x32xf32, #tpu.memory_space<vmem>>
        %dma_start3A_788 = arith.constant 0 : i32
        %dma_start3A_789 = tpu.memref_slice %arg8[%rem3A_673, %dma_start3A_783, %dma_start3A_788] : memref<3x8x128xi32, #tpu.memory_space<vmem>> -> memref<1x1x128xi32, #tpu.memory_space<vmem>>
        %dma_start3A_790 = tpu.memref_squeeze %dma_start3A_789 : memref<1x1x128xi32, #tpu.memory_space<vmem>> -> memref<128xi32, #tpu.memory_space<vmem>>
        %dma_start3A_791 = arith.constant 0 : i32
        %dma_start3A_792 = arith.constant 0 : i32
        %dma_start3A_793 = tpu.memref_slice %arg7[%dma_start3A_791, %dma_start3A_792] : memref<10240x32xf32, #tpu.memory_space<vmem_shared>> -> memref<10240x32xf32, #tpu.memory_space<vmem_shared>>
        tpu.enqueue_indirect_dma source(%dma_start3A_793 : memref<10240x32xf32, #tpu.memory_space<vmem_shared>>) target(%dma_start3A_787 : memref<128x32xf32, #tpu.memory_space<vmem>>) offsets(%dma_start3A_790 : memref<128xi32, #tpu.memory_space<vmem>>) semaphore(%arg12 : memref<!tpu.dma_semaphore, #tpu.memory_space<semaphore_mem>>)
      } else {
      }
      %le3A_376 = arith.constant 17 : i32
      %le3A_377 = arith.cmpi sle, %scan3A_356, %le3A_376 : i32
      %convert_element_type3A_378 = arith.extui %le3A_377 : i1 to i32
      %cond3A_379 = arith.constant 0 : i32
      %cond3A_380 = arith.cmpi ne, %convert_element_type3A_378, %cond3A_379 : i32
      scf.if %cond3A_380 {
        %add3A_640 = arith.constant 2 : i32
        %add3A_641 = arith.addi %scan3A_356, %add3A_640 : i32
        %add3A_642 = arith.constant 2 : i32
        %add3A_643 = arith.addi %scan3A_356, %add3A_642 : i32
        %rem3A_644 = arith.constant 3 : i32
        %rem3A_645 = arith.remsi %add3A_643, %rem3A_644 : i32
        %mul3A_646 = arith.constant 8 : i32
        %mul3A_647 = arith.muli %add3A_641, %mul3A_646 : i32
        %add3A_648 = arith.addi %mul3A_0, %mul3A_647 : i32
        %dma_start3A_649 = arith.constant 0 : i32
        %dma_start3A_650 = arith.constant 0 : i32
        %dma_start3A_651 = tpu.memref_slice %arg8[%rem3A_645, %dma_start3A_649, %dma_start3A_650] : memref<3x8x128xi32, #tpu.memory_space<vmem>> -> memref<1x8x128xi32, #tpu.memory_space<vmem>>
        %dma_start3A_652 = tpu.memref_squeeze %dma_start3A_651 : memref<1x8x128xi32, #tpu.memory_space<vmem>> -> memref<8x128xi32, #tpu.memory_space<vmem>>
        %dma_start3A_653 = arith.constant 0 : i32
        %dma_start3A_654 = tpu.memref_slice %arg3[%add3A_648, %dma_start3A_653] : memref<2560x128xi32, #tpu.memory_space<hbm>> -> memref<8x128xi32, #tpu.memory_space<hbm>>
        %dma_start3A_655 = arith.constant 0 : i32
        %dma_start3A_656 = arith.constant 0 : i32
        %dma_start3A_657 = tpu.memref_slice %arg8[%rem3A_645, %dma_start3A_655, %dma_start3A_656] : memref<3x8x128xi32, #tpu.memory_space<vmem>> -> memref<1x8x128xi32, #tpu.memory_space<vmem>>
        %dma_start3A_658 = tpu.memref_squeeze %dma_start3A_657 : memref<1x8x128xi32, #tpu.memory_space<vmem>> -> memref<8x128xi32, #tpu.memory_space<vmem>>
        %dma_start3A_659 = arith.constant 0 : i32
        %dma_start3A_660 = tpu.memref_slice %arg3[%add3A_648, %dma_start3A_659] : memref<2560x128xi32, #tpu.memory_space<hbm>> -> memref<8x128xi32, #tpu.memory_space<hbm>>
        tpu.enqueue_dma source(%dma_start3A_660 : memref<8x128xi32, #tpu.memory_space<hbm>>) target(%dma_start3A_658 : memref<8x128xi32, #tpu.memory_space<vmem>>) target_semaphore(%arg11 : memref<!tpu.dma_semaphore, #tpu.memory_space<semaphore_mem>>)
        %mul3A_661 = arith.constant 8 : i32
        %mul3A_662 = arith.muli %add3A_641, %mul3A_661 : i32
        %add3A_663 = arith.addi %mul3A_0, %mul3A_662 : i32
        %dma_start3A_664 = arith.constant 0 : i32
        %dma_start3A_665 = arith.constant 0 : i32
        %dma_start3A_666 = tpu.memref_slice %arg9[%rem3A_645, %dma_start3A_664, %dma_start3A_665] : memref<3x8x128xi32, #tpu.memory_space<vmem>> -> memref<1x8x128xi32, #tpu.memory_space<vmem>>
        %dma_start3A_667 = tpu.memref_squeeze %dma_start3A_666 : memref<1x8x128xi32, #tpu.memory_space<vmem>> -> memref<8x128xi32, #tpu.memory_space<vmem>>
        %dma_start3A_668 = arith.constant 0 : i32
        %dma_start3A_669 = tpu.memref_slice %arg4[%add3A_663, %dma_start3A_668] : memref<2560x128xi32, #tpu.memory_space<hbm>> -> memref<8x128xi32, #tpu.memory_space<hbm>>
        %dma_start3A_670 = arith.constant 0 : i32
        %dma_start3A_671 = arith.constant 0 : i32
        %dma_start3A_672 = tpu.memref_slice %arg9[%rem3A_645, %dma_start3A_670, %dma_start3A_671] : memref<3x8x128xi32, #tpu.memory_space<vmem>> -> memref<1x8x128xi32, #tpu.memory_space<vmem>>
        %dma_start3A_673 = tpu.memref_squeeze %dma_start3A_672 : memref<1x8x128xi32, #tpu.memory_space<vmem>> -> memref<8x128xi32, #tpu.memory_space<vmem>>
        %dma_start3A_674 = arith.constant 0 : i32
        %dma_start3A_675 = tpu.memref_slice %arg4[%add3A_663, %dma_start3A_674] : memref<2560x128xi32, #tpu.memory_space<hbm>> -> memref<8x128xi32, #tpu.memory_space<hbm>>
        tpu.enqueue_dma source(%dma_start3A_675 : memref<8x128xi32, #tpu.memory_space<hbm>>) target(%dma_start3A_673 : memref<8x128xi32, #tpu.memory_space<vmem>>) target_semaphore(%arg11 : memref<!tpu.dma_semaphore, #tpu.memory_space<semaphore_mem>>)
      } else {
      }
      %dma_wait3A_381 = arith.constant 0 : i32
      %dma_wait3A_382 = arith.constant 0 : i32
      %dma_wait3A_383 = arith.constant 0 : i32
      %dma_wait3A_384 = tpu.memref_slice %arg10[%dma_wait3A_381, %dma_wait3A_382, %dma_wait3A_383] : memref<16x128x32xf32, #tpu.memory_space<vmem>> -> memref<1x128x32xf32, #tpu.memory_space<vmem>>
      %dma_wait3A_385 = tpu.memref_squeeze %dma_wait3A_384 : memref<1x128x32xf32, #tpu.memory_space<vmem>> -> memref<128x32xf32, #tpu.memory_space<vmem>>
      %dma_wait3A_386 = arith.constant 0 : i32
      %dma_wait3A_387 = arith.constant 0 : i32
      %dma_wait3A_388 = tpu.memref_slice %arg2[%dma_wait3A_386, %dma_wait3A_387] : memref<10240x64xf32, #tpu.memory_space<hbm>> -> memref<128x32xf32, #tpu.memory_space<hbm>>
      %dma_wait3A_389 = arith.constant 0 : i32
      %dma_wait3A_390 = arith.constant 0 : i32
      %dma_wait3A_391 = tpu.memref_slice %arg10[%dma_wait3A_381, %dma_wait3A_389, %dma_wait3A_390] : memref<16x128x32xf32, #tpu.memory_space<vmem>> -> memref<1x128x32xf32, #tpu.memory_space<vmem>>
      %dma_wait3A_392 = tpu.memref_squeeze %dma_wait3A_391 : memref<1x128x32xf32, #tpu.memory_space<vmem>> -> memref<128x32xf32, #tpu.memory_space<vmem>>
      %dma_wait3A_393 = arith.constant 0 : i32
      %dma_wait3A_394 = arith.constant 0 : i32
      %dma_wait3A_395 = tpu.memref_slice %arg2[%dma_wait3A_393, %dma_wait3A_394] : memref<10240x64xf32, #tpu.memory_space<hbm>> -> memref<128x32xf32, #tpu.memory_space<hbm>>
      tpu.wait_dma2 semaphore(%arg12 : memref<!tpu.dma_semaphore, #tpu.memory_space<semaphore_mem>>) src(%dma_wait3A_395 : memref<128x32xf32, #tpu.memory_space<hbm>>) dst(%dma_wait3A_392 : memref<128x32xf32, #tpu.memory_space<vmem>>)
      %dma_wait3A_396 = arith.constant 0 : i32
      %dma_wait3A_397 = arith.constant 0 : i32
      %dma_wait3A_398 = arith.constant 0 : i32
      %dma_wait3A_399 = tpu.memref_slice %arg10[%dma_wait3A_396, %dma_wait3A_397, %dma_wait3A_398] : memref<16x128x32xf32, #tpu.memory_space<vmem>> -> memref<1x128x32xf32, #tpu.memory_space<vmem>>
      %dma_wait3A_400 = tpu.memref_squeeze %dma_wait3A_399 : memref<1x128x32xf32, #tpu.memory_space<vmem>> -> memref<128x32xf32, #tpu.memory_space<vmem>>
      %dma_wait3A_401 = arith.constant 0 : i32
      %dma_wait3A_402 = arith.constant 0 : i32
      %dma_wait3A_403 = tpu.memref_slice %arg2[%dma_wait3A_401, %dma_wait3A_402] : memref<10240x64xf32, #tpu.memory_space<hbm>> -> memref<128x32xf32, #tpu.memory_space<hbm>>
      %dma_wait3A_404 = arith.constant 0 : i32
      %dma_wait3A_405 = arith.constant 0 : i32
      %dma_wait3A_406 = tpu.memref_slice %arg10[%dma_wait3A_396, %dma_wait3A_404, %dma_wait3A_405] : memref<16x128x32xf32, #tpu.memory_space<vmem>> -> memref<1x128x32xf32, #tpu.memory_space<vmem>>
      %dma_wait3A_407 = tpu.memref_squeeze %dma_wait3A_406 : memref<1x128x32xf32, #tpu.memory_space<vmem>> -> memref<128x32xf32, #tpu.memory_space<vmem>>
      %dma_wait3A_408 = arith.constant 0 : i32
      %dma_wait3A_409 = arith.constant 0 : i32
      %dma_wait3A_410 = tpu.memref_slice %arg2[%dma_wait3A_408, %dma_wait3A_409] : memref<10240x64xf32, #tpu.memory_space<hbm>> -> memref<128x32xf32, #tpu.memory_space<hbm>>
      tpu.wait_dma2 semaphore(%arg12 : memref<!tpu.dma_semaphore, #tpu.memory_space<semaphore_mem>>) src(%dma_wait3A_410 : memref<128x32xf32, #tpu.memory_space<hbm>>) dst(%dma_wait3A_407 : memref<128x32xf32, #tpu.memory_space<vmem>>)
      %dma_wait3A_411 = arith.constant 0 : i32
      %dma_wait3A_412 = arith.constant 0 : i32
      %dma_wait3A_413 = arith.constant 0 : i32
      %dma_wait3A_414 = tpu.memref_slice %arg10[%dma_wait3A_411, %dma_wait3A_412, %dma_wait3A_413] : memref<16x128x32xf32, #tpu.memory_space<vmem>> -> memref<1x128x32xf32, #tpu.memory_space<vmem>>
      %dma_wait3A_415 = tpu.memref_squeeze %dma_wait3A_414 : memref<1x128x32xf32, #tpu.memory_space<vmem>> -> memref<128x32xf32, #tpu.memory_space<vmem>>
      %dma_wait3A_416 = arith.constant 0 : i32
      %dma_wait3A_417 = arith.constant 0 : i32
      %dma_wait3A_418 = tpu.memref_slice %arg2[%dma_wait3A_416, %dma_wait3A_417] : memref<10240x64xf32, #tpu.memory_space<hbm>> -> memref<128x32xf32, #tpu.memory_space<hbm>>
      %dma_wait3A_419 = arith.constant 0 : i32
      %dma_wait3A_420 = arith.constant 0 : i32
      %dma_wait3A_421 = tpu.memref_slice %arg10[%dma_wait3A_411, %dma_wait3A_419, %dma_wait3A_420] : memref<16x128x32xf32, #tpu.memory_space<vmem>> -> memref<1x128x32xf32, #tpu.memory_space<vmem>>
      %dma_wait3A_422 = tpu.memref_squeeze %dma_wait3A_421 : memref<1x128x32xf32, #tpu.memory_space<vmem>> -> memref<128x32xf32, #tpu.memory_space<vmem>>
      %dma_wait3A_423 = arith.constant 0 : i32
      %dma_wait3A_424 = arith.constant 0 : i32
      %dma_wait3A_425 = tpu.memref_slice %arg2[%dma_wait3A_423, %dma_wait3A_424] : memref<10240x64xf32, #tpu.memory_space<hbm>> -> memref<128x32xf32, #tpu.memory_space<hbm>>
      tpu.wait_dma2 semaphore(%arg12 : memref<!tpu.dma_semaphore, #tpu.memory_space<semaphore_mem>>) src(%dma_wait3A_425 : memref<128x32xf32, #tpu.memory_space<hbm>>) dst(%dma_wait3A_422 : memref<128x32xf32, #tpu.memory_space<vmem>>)
      %dma_wait3A_426 = arith.constant 0 : i32
      %dma_wait3A_427 = arith.constant 0 : i32
      %dma_wait3A_428 = arith.constant 0 : i32
      %dma_wait3A_429 = tpu.memref_slice %arg10[%dma_wait3A_426, %dma_wait3A_427, %dma_wait3A_428] : memref<16x128x32xf32, #tpu.memory_space<vmem>> -> memref<1x128x32xf32, #tpu.memory_space<vmem>>
      %dma_wait3A_430 = tpu.memref_squeeze %dma_wait3A_429 : memref<1x128x32xf32, #tpu.memory_space<vmem>> -> memref<128x32xf32, #tpu.memory_space<vmem>>
      %dma_wait3A_431 = arith.constant 0 : i32
      %dma_wait3A_432 = arith.constant 0 : i32
      %dma_wait3A_433 = tpu.memref_slice %arg2[%dma_wait3A_431, %dma_wait3A_432] : memref<10240x64xf32, #tpu.memory_space<hbm>> -> memref<128x32xf32, #tpu.memory_space<hbm>>
      %dma_wait3A_434 = arith.constant 0 : i32
      %dma_wait3A_435 = arith.constant 0 : i32
      %dma_wait3A_436 = tpu.memref_slice %arg10[%dma_wait3A_426, %dma_wait3A_434, %dma_wait3A_435] : memref<16x128x32xf32, #tpu.memory_space<vmem>> -> memref<1x128x32xf32, #tpu.memory_space<vmem>>
      %dma_wait3A_437 = tpu.memref_squeeze %dma_wait3A_436 : memref<1x128x32xf32, #tpu.memory_space<vmem>> -> memref<128x32xf32, #tpu.memory_space<vmem>>
      %dma_wait3A_438 = arith.constant 0 : i32
      %dma_wait3A_439 = arith.constant 0 : i32
      %dma_wait3A_440 = tpu.memref_slice %arg2[%dma_wait3A_438, %dma_wait3A_439] : memref<10240x64xf32, #tpu.memory_space<hbm>> -> memref<128x32xf32, #tpu.memory_space<hbm>>
      tpu.wait_dma2 semaphore(%arg12 : memref<!tpu.dma_semaphore, #tpu.memory_space<semaphore_mem>>) src(%dma_wait3A_440 : memref<128x32xf32, #tpu.memory_space<hbm>>) dst(%dma_wait3A_437 : memref<128x32xf32, #tpu.memory_space<vmem>>)
      %dma_wait3A_441 = arith.constant 0 : i32
      %dma_wait3A_442 = arith.constant 0 : i32
      %dma_wait3A_443 = arith.constant 0 : i32
      %dma_wait3A_444 = tpu.memref_slice %arg10[%dma_wait3A_441, %dma_wait3A_442, %dma_wait3A_443] : memref<16x128x32xf32, #tpu.memory_space<vmem>> -> memref<1x128x32xf32, #tpu.memory_space<vmem>>
      %dma_wait3A_445 = tpu.memref_squeeze %dma_wait3A_444 : memref<1x128x32xf32, #tpu.memory_space<vmem>> -> memref<128x32xf32, #tpu.memory_space<vmem>>
      %dma_wait3A_446 = arith.constant 0 : i32
      %dma_wait3A_447 = arith.constant 0 : i32
      %dma_wait3A_448 = tpu.memref_slice %arg2[%dma_wait3A_446, %dma_wait3A_447] : memref<10240x64xf32, #tpu.memory_space<hbm>> -> memref<128x32xf32, #tpu.memory_space<hbm>>
      %dma_wait3A_449 = arith.constant 0 : i32
      %dma_wait3A_450 = arith.constant 0 : i32
      %dma_wait3A_451 = tpu.memref_slice %arg10[%dma_wait3A_441, %dma_wait3A_449, %dma_wait3A_450] : memref<16x128x32xf32, #tpu.memory_space<vmem>> -> memref<1x128x32xf32, #tpu.memory_space<vmem>>
      %dma_wait3A_452 = tpu.memref_squeeze %dma_wait3A_451 : memref<1x128x32xf32, #tpu.memory_space<vmem>> -> memref<128x32xf32, #tpu.memory_space<vmem>>
      %dma_wait3A_453 = arith.constant 0 : i32
      %dma_wait3A_454 = arith.constant 0 : i32
      %dma_wait3A_455 = tpu.memref_slice %arg2[%dma_wait3A_453, %dma_wait3A_454] : memref<10240x64xf32, #tpu.memory_space<hbm>> -> memref<128x32xf32, #tpu.memory_space<hbm>>
      tpu.wait_dma2 semaphore(%arg12 : memref<!tpu.dma_semaphore, #tpu.memory_space<semaphore_mem>>) src(%dma_wait3A_455 : memref<128x32xf32, #tpu.memory_space<hbm>>) dst(%dma_wait3A_452 : memref<128x32xf32, #tpu.memory_space<vmem>>)
      %dma_wait3A_456 = arith.constant 0 : i32
      %dma_wait3A_457 = arith.constant 0 : i32
      %dma_wait3A_458 = arith.constant 0 : i32
      %dma_wait3A_459 = tpu.memref_slice %arg10[%dma_wait3A_456, %dma_wait3A_457, %dma_wait3A_458] : memref<16x128x32xf32, #tpu.memory_space<vmem>> -> memref<1x128x32xf32, #tpu.memory_space<vmem>>
      %dma_wait3A_460 = tpu.memref_squeeze %dma_wait3A_459 : memref<1x128x32xf32, #tpu.memory_space<vmem>> -> memref<128x32xf32, #tpu.memory_space<vmem>>
      %dma_wait3A_461 = arith.constant 0 : i32
      %dma_wait3A_462 = arith.constant 0 : i32
      %dma_wait3A_463 = tpu.memref_slice %arg2[%dma_wait3A_461, %dma_wait3A_462] : memref<10240x64xf32, #tpu.memory_space<hbm>> -> memref<128x32xf32, #tpu.memory_space<hbm>>
      %dma_wait3A_464 = arith.constant 0 : i32
      %dma_wait3A_465 = arith.constant 0 : i32
      %dma_wait3A_466 = tpu.memref_slice %arg10[%dma_wait3A_456, %dma_wait3A_464, %dma_wait3A_465] : memref<16x128x32xf32, #tpu.memory_space<vmem>> -> memref<1x128x32xf32, #tpu.memory_space<vmem>>
      %dma_wait3A_467 = tpu.memref_squeeze %dma_wait3A_466 : memref<1x128x32xf32, #tpu.memory_space<vmem>> -> memref<128x32xf32, #tpu.memory_space<vmem>>
      %dma_wait3A_468 = arith.constant 0 : i32
      %dma_wait3A_469 = arith.constant 0 : i32
      %dma_wait3A_470 = tpu.memref_slice %arg2[%dma_wait3A_468, %dma_wait3A_469] : memref<10240x64xf32, #tpu.memory_space<hbm>> -> memref<128x32xf32, #tpu.memory_space<hbm>>
      tpu.wait_dma2 semaphore(%arg12 : memref<!tpu.dma_semaphore, #tpu.memory_space<semaphore_mem>>) src(%dma_wait3A_470 : memref<128x32xf32, #tpu.memory_space<hbm>>) dst(%dma_wait3A_467 : memref<128x32xf32, #tpu.memory_space<vmem>>)
      %dma_wait3A_471 = arith.constant 0 : i32
      %dma_wait3A_472 = arith.constant 0 : i32
      %dma_wait3A_473 = arith.constant 0 : i32
      %dma_wait3A_474 = tpu.memref_slice %arg10[%dma_wait3A_471, %dma_wait3A_472, %dma_wait3A_473] : memref<16x128x32xf32, #tpu.memory_space<vmem>> -> memref<1x128x32xf32, #tpu.memory_space<vmem>>
      %dma_wait3A_475 = tpu.memref_squeeze %dma_wait3A_474 : memref<1x128x32xf32, #tpu.memory_space<vmem>> -> memref<128x32xf32, #tpu.memory_space<vmem>>
      %dma_wait3A_476 = arith.constant 0 : i32
      %dma_wait3A_477 = arith.constant 0 : i32
      %dma_wait3A_478 = tpu.memref_slice %arg2[%dma_wait3A_476, %dma_wait3A_477] : memref<10240x64xf32, #tpu.memory_space<hbm>> -> memref<128x32xf32, #tpu.memory_space<hbm>>
      %dma_wait3A_479 = arith.constant 0 : i32
      %dma_wait3A_480 = arith.constant 0 : i32
      %dma_wait3A_481 = tpu.memref_slice %arg10[%dma_wait3A_471, %dma_wait3A_479, %dma_wait3A_480] : memref<16x128x32xf32, #tpu.memory_space<vmem>> -> memref<1x128x32xf32, #tpu.memory_space<vmem>>
      %dma_wait3A_482 = tpu.memref_squeeze %dma_wait3A_481 : memref<1x128x32xf32, #tpu.memory_space<vmem>> -> memref<128x32xf32, #tpu.memory_space<vmem>>
      %dma_wait3A_483 = arith.constant 0 : i32
      %dma_wait3A_484 = arith.constant 0 : i32
      %dma_wait3A_485 = tpu.memref_slice %arg2[%dma_wait3A_483, %dma_wait3A_484] : memref<10240x64xf32, #tpu.memory_space<hbm>> -> memref<128x32xf32, #tpu.memory_space<hbm>>
      tpu.wait_dma2 semaphore(%arg12 : memref<!tpu.dma_semaphore, #tpu.memory_space<semaphore_mem>>) src(%dma_wait3A_485 : memref<128x32xf32, #tpu.memory_space<hbm>>) dst(%dma_wait3A_482 : memref<128x32xf32, #tpu.memory_space<vmem>>)
      %dma_wait3A_486 = arith.constant 0 : i32
      %dma_wait3A_487 = arith.constant 0 : i32
      %dma_wait3A_488 = arith.constant 0 : i32
      %dma_wait3A_489 = tpu.memref_slice %arg10[%dma_wait3A_486, %dma_wait3A_487, %dma_wait3A_488] : memref<16x128x32xf32, #tpu.memory_space<vmem>> -> memref<1x128x32xf32, #tpu.memory_space<vmem>>
      %dma_wait3A_490 = tpu.memref_squeeze %dma_wait3A_489 : memref<1x128x32xf32, #tpu.memory_space<vmem>> -> memref<128x32xf32, #tpu.memory_space<vmem>>
      %dma_wait3A_491 = arith.constant 0 : i32
      %dma_wait3A_492 = arith.constant 0 : i32
      %dma_wait3A_493 = tpu.memref_slice %arg2[%dma_wait3A_491, %dma_wait3A_492] : memref<10240x64xf32, #tpu.memory_space<hbm>> -> memref<128x32xf32, #tpu.memory_space<hbm>>
      %dma_wait3A_494 = arith.constant 0 : i32
      %dma_wait3A_495 = arith.constant 0 : i32
      %dma_wait3A_496 = tpu.memref_slice %arg10[%dma_wait3A_486, %dma_wait3A_494, %dma_wait3A_495] : memref<16x128x32xf32, #tpu.memory_space<vmem>> -> memref<1x128x32xf32, #tpu.memory_space<vmem>>
      %dma_wait3A_497 = tpu.memref_squeeze %dma_wait3A_496 : memref<1x128x32xf32, #tpu.memory_space<vmem>> -> memref<128x32xf32, #tpu.memory_space<vmem>>
      %dma_wait3A_498 = arith.constant 0 : i32
      %dma_wait3A_499 = arith.constant 0 : i32
      %dma_wait3A_500 = tpu.memref_slice %arg2[%dma_wait3A_498, %dma_wait3A_499] : memref<10240x64xf32, #tpu.memory_space<hbm>> -> memref<128x32xf32, #tpu.memory_space<hbm>>
      tpu.wait_dma2 semaphore(%arg12 : memref<!tpu.dma_semaphore, #tpu.memory_space<semaphore_mem>>) src(%dma_wait3A_500 : memref<128x32xf32, #tpu.memory_space<hbm>>) dst(%dma_wait3A_497 : memref<128x32xf32, #tpu.memory_space<vmem>>)
      %jit3A_501 = arith.constant 2 : i32
      %eq3A_502 = arith.constant 0 : i32
      %eq3A_503 = arith.cmpi eq, %jit3A_501, %eq3A_502 : i32
      %jit3A_504 = arith.constant 1 : i32
      %select_n3A_505 = arith.select %eq3A_503, %jit3A_504, %jit3A_501 : i32
      %rem3A_506 = arith.remsi %scan3A_356, %select_n3A_505 : i32
      %ne3A_507 = arith.constant 0 : i32
      %ne3A_508 = arith.cmpi ne, %rem3A_506, %ne3A_507 : i32
      %lt3A_509 = arith.constant 0 : i32
      %lt3A_510 = arith.cmpi slt, %rem3A_506, %lt3A_509 : i32
      %lt3A_511 = arith.constant 0 : i32
      %lt3A_512 = arith.cmpi slt, %select_n3A_505, %lt3A_511 : i32
      %ne3A_513 = arith.xori %lt3A_510, %lt3A_512 : i1
      %and3A_514 = arith.andi %ne3A_513, %ne3A_508 : i1
      %add3A_515 = arith.addi %rem3A_506, %select_n3A_505 : i32
      %select_n3A_516 = arith.select %and3A_514, %add3A_515, %rem3A_506 : i32
      %rem3A_517 = arith.constant 3 : i32
      %rem3A_518 = arith.remsi %scan3A_356, %rem3A_517 : i32
      %mul3A_519 = arith.constant 8 : i32
      %mul3A_520 = arith.muli %select_n3A_516, %mul3A_519 : i32
      %add3A_521 = arith.constant 0 : i32
      %add3A_522 = arith.addi %mul3A_520, %add3A_521 : i32
      %dma_start3A_523 = arith.constant 0 : i32
      %dma_start3A_524 = arith.constant 0 : i32
      %dma_start3A_525 = arith.constant 0 : i32
      %dma_start3A_526 = tpu.memref_slice %arg10[%add3A_522, %dma_start3A_524, %dma_start3A_525] : memref<16x128x32xf32, #tpu.memory_space<vmem>> -> memref<1x128x32xf32, #tpu.memory_space<vmem>>
      %dma_start3A_527 = tpu.memref_squeeze %dma_start3A_526 : memref<1x128x32xf32, #tpu.memory_space<vmem>> -> memref<128x32xf32, #tpu.memory_space<vmem>>
      %dma_start3A_528 = arith.constant 0 : i32
      %dma_start3A_529 = tpu.memref_slice %arg9[%rem3A_518, %dma_start3A_523, %dma_start3A_528] : memref<3x8x128xi32, #tpu.memory_space<vmem>> -> memref<1x1x128xi32, #tpu.memory_space<vmem>>
      %dma_start3A_530 = tpu.memref_squeeze %dma_start3A_529 : memref<1x1x128xi32, #tpu.memory_space<vmem>> -> memref<128xi32, #tpu.memory_space<vmem>>
      %dma_start3A_531 = arith.constant 0 : i32
      %dma_start3A_532 = arith.constant 0 : i32
      %dma_start3A_533 = tpu.memref_slice %arg6[%dma_start3A_531, %dma_start3A_532] : memref<10240x32xf32, #tpu.memory_space<vmem_shared>> -> memref<10240x32xf32, #tpu.memory_space<vmem_shared>>
      tpu.enqueue_indirect_dma source(%dma_start3A_527 : memref<128x32xf32, #tpu.memory_space<vmem>>) target(%dma_start3A_533 : memref<10240x32xf32, #tpu.memory_space<vmem_shared>>) offsets(%dma_start3A_530 : memref<128xi32, #tpu.memory_space<vmem>>) semaphore(%arg13 : memref<!tpu.dma_semaphore, #tpu.memory_space<semaphore_mem>>) {add = true}
      %mul3A_534 = arith.constant 8 : i32
      %mul3A_535 = arith.muli %select_n3A_516, %mul3A_534 : i32
      %add3A_536 = arith.constant 1 : i32
      %add3A_537 = arith.addi %mul3A_535, %add3A_536 : i32
      %dma_start3A_538 = arith.constant 1 : i32
      %dma_start3A_539 = arith.constant 0 : i32
      %dma_start3A_540 = arith.constant 0 : i32
      %dma_start3A_541 = tpu.memref_slice %arg10[%add3A_537, %dma_start3A_539, %dma_start3A_540] : memref<16x128x32xf32, #tpu.memory_space<vmem>> -> memref<1x128x32xf32, #tpu.memory_space<vmem>>
      %dma_start3A_542 = tpu.memref_squeeze %dma_start3A_541 : memref<1x128x32xf32, #tpu.memory_space<vmem>> -> memref<128x32xf32, #tpu.memory_space<vmem>>
      %dma_start3A_543 = arith.constant 0 : i32
      %dma_start3A_544 = tpu.memref_slice %arg9[%rem3A_518, %dma_start3A_538, %dma_start3A_543] : memref<3x8x128xi32, #tpu.memory_space<vmem>> -> memref<1x1x128xi32, #tpu.memory_space<vmem>>
      %dma_start3A_545 = tpu.memref_squeeze %dma_start3A_544 : memref<1x1x128xi32, #tpu.memory_space<vmem>> -> memref<128xi32, #tpu.memory_space<vmem>>
      %dma_start3A_546 = arith.constant 0 : i32
      %dma_start3A_547 = arith.constant 0 : i32
      %dma_start3A_548 = tpu.memref_slice %arg6[%dma_start3A_546, %dma_start3A_547] : memref<10240x32xf32, #tpu.memory_space<vmem_shared>> -> memref<10240x32xf32, #tpu.memory_space<vmem_shared>>
      tpu.enqueue_indirect_dma source(%dma_start3A_542 : memref<128x32xf32, #tpu.memory_space<vmem>>) target(%dma_start3A_548 : memref<10240x32xf32, #tpu.memory_space<vmem_shared>>) offsets(%dma_start3A_545 : memref<128xi32, #tpu.memory_space<vmem>>) semaphore(%arg13 : memref<!tpu.dma_semaphore, #tpu.memory_space<semaphore_mem>>) {add = true}
      %mul3A_549 = arith.constant 8 : i32
      %mul3A_550 = arith.muli %select_n3A_516, %mul3A_549 : i32
      %add3A_551 = arith.constant 2 : i32
      %add3A_552 = arith.addi %mul3A_550, %add3A_551 : i32
      %dma_start3A_553 = arith.constant 2 : i32
      %dma_start3A_554 = arith.constant 0 : i32
      %dma_start3A_555 = arith.constant 0 : i32
      %dma_start3A_556 = tpu.memref_slice %arg10[%add3A_552, %dma_start3A_554, %dma_start3A_555] : memref<16x128x32xf32, #tpu.memory_space<vmem>> -> memref<1x128x32xf32, #tpu.memory_space<vmem>>
      %dma_start3A_557 = tpu.memref_squeeze %dma_start3A_556 : memref<1x128x32xf32, #tpu.memory_space<vmem>> -> memref<128x32xf32, #tpu.memory_space<vmem>>
      %dma_start3A_558 = arith.constant 0 : i32
      %dma_start3A_559 = tpu.memref_slice %arg9[%rem3A_518, %dma_start3A_553, %dma_start3A_558] : memref<3x8x128xi32, #tpu.memory_space<vmem>> -> memref<1x1x128xi32, #tpu.memory_space<vmem>>
      %dma_start3A_560 = tpu.memref_squeeze %dma_start3A_559 : memref<1x1x128xi32, #tpu.memory_space<vmem>> -> memref<128xi32, #tpu.memory_space<vmem>>
      %dma_start3A_561 = arith.constant 0 : i32
      %dma_start3A_562 = arith.constant 0 : i32
      %dma_start3A_563 = tpu.memref_slice %arg6[%dma_start3A_561, %dma_start3A_562] : memref<10240x32xf32, #tpu.memory_space<vmem_shared>> -> memref<10240x32xf32, #tpu.memory_space<vmem_shared>>
      tpu.enqueue_indirect_dma source(%dma_start3A_557 : memref<128x32xf32, #tpu.memory_space<vmem>>) target(%dma_start3A_563 : memref<10240x32xf32, #tpu.memory_space<vmem_shared>>) offsets(%dma_start3A_560 : memref<128xi32, #tpu.memory_space<vmem>>) semaphore(%arg13 : memref<!tpu.dma_semaphore, #tpu.memory_space<semaphore_mem>>) {add = true}
      %mul3A_564 = arith.constant 8 : i32
      %mul3A_565 = arith.muli %select_n3A_516, %mul3A_564 : i32
      %add3A_566 = arith.constant 3 : i32
      %add3A_567 = arith.addi %mul3A_565, %add3A_566 : i32
      %dma_start3A_568 = arith.constant 3 : i32
      %dma_start3A_569 = arith.constant 0 : i32
      %dma_start3A_570 = arith.constant 0 : i32
      %dma_start3A_571 = tpu.memref_slice %arg10[%add3A_567, %dma_start3A_569, %dma_start3A_570] : memref<16x128x32xf32, #tpu.memory_space<vmem>> -> memref<1x128x32xf32, #tpu.memory_space<vmem>>
      %dma_start3A_572 = tpu.memref_squeeze %dma_start3A_571 : memref<1x128x32xf32, #tpu.memory_space<vmem>> -> memref<128x32xf32, #tpu.memory_space<vmem>>
      %dma_start3A_573 = arith.constant 0 : i32
      %dma_start3A_574 = tpu.memref_slice %arg9[%rem3A_518, %dma_start3A_568, %dma_start3A_573] : memref<3x8x128xi32, #tpu.memory_space<vmem>> -> memref<1x1x128xi32, #tpu.memory_space<vmem>>
      %dma_start3A_575 = tpu.memref_squeeze %dma_start3A_574 : memref<1x1x128xi32, #tpu.memory_space<vmem>> -> memref<128xi32, #tpu.memory_space<vmem>>
      %dma_start3A_576 = arith.constant 0 : i32
      %dma_start3A_577 = arith.constant 0 : i32
      %dma_start3A_578 = tpu.memref_slice %arg6[%dma_start3A_576, %dma_start3A_577] : memref<10240x32xf32, #tpu.memory_space<vmem_shared>> -> memref<10240x32xf32, #tpu.memory_space<vmem_shared>>
      tpu.enqueue_indirect_dma source(%dma_start3A_572 : memref<128x32xf32, #tpu.memory_space<vmem>>) target(%dma_start3A_578 : memref<10240x32xf32, #tpu.memory_space<vmem_shared>>) offsets(%dma_start3A_575 : memref<128xi32, #tpu.memory_space<vmem>>) semaphore(%arg13 : memref<!tpu.dma_semaphore, #tpu.memory_space<semaphore_mem>>) {add = true}
      %mul3A_579 = arith.constant 8 : i32
      %mul3A_580 = arith.muli %select_n3A_516, %mul3A_579 : i32
      %add3A_581 = arith.constant 4 : i32
      %add3A_582 = arith.addi %mul3A_580, %add3A_581 : i32
      %dma_start3A_583 = arith.constant 4 : i32
      %dma_start3A_584 = arith.constant 0 : i32
      %dma_start3A_585 = arith.constant 0 : i32
      %dma_start3A_586 = tpu.memref_slice %arg10[%add3A_582, %dma_start3A_584, %dma_start3A_585] : memref<16x128x32xf32, #tpu.memory_space<vmem>> -> memref<1x128x32xf32, #tpu.memory_space<vmem>>
      %dma_start3A_587 = tpu.memref_squeeze %dma_start3A_586 : memref<1x128x32xf32, #tpu.memory_space<vmem>> -> memref<128x32xf32, #tpu.memory_space<vmem>>
      %dma_start3A_588 = arith.constant 0 : i32
      %dma_start3A_589 = tpu.memref_slice %arg9[%rem3A_518, %dma_start3A_583, %dma_start3A_588] : memref<3x8x128xi32, #tpu.memory_space<vmem>> -> memref<1x1x128xi32, #tpu.memory_space<vmem>>
      %dma_start3A_590 = tpu.memref_squeeze %dma_start3A_589 : memref<1x1x128xi32, #tpu.memory_space<vmem>> -> memref<128xi32, #tpu.memory_space<vmem>>
      %dma_start3A_591 = arith.constant 0 : i32
      %dma_start3A_592 = arith.constant 0 : i32
      %dma_start3A_593 = tpu.memref_slice %arg6[%dma_start3A_591, %dma_start3A_592] : memref<10240x32xf32, #tpu.memory_space<vmem_shared>> -> memref<10240x32xf32, #tpu.memory_space<vmem_shared>>
      tpu.enqueue_indirect_dma source(%dma_start3A_587 : memref<128x32xf32, #tpu.memory_space<vmem>>) target(%dma_start3A_593 : memref<10240x32xf32, #tpu.memory_space<vmem_shared>>) offsets(%dma_start3A_590 : memref<128xi32, #tpu.memory_space<vmem>>) semaphore(%arg13 : memref<!tpu.dma_semaphore, #tpu.memory_space<semaphore_mem>>) {add = true}
      %mul3A_594 = arith.constant 8 : i32
      %mul3A_595 = arith.muli %select_n3A_516, %mul3A_594 : i32
      %add3A_596 = arith.constant 5 : i32
      %add3A_597 = arith.addi %mul3A_595, %add3A_596 : i32
      %dma_start3A_598 = arith.constant 5 : i32
      %dma_start3A_599 = arith.constant 0 : i32
      %dma_start3A_600 = arith.constant 0 : i32
      %dma_start3A_601 = tpu.memref_slice %arg10[%add3A_597, %dma_start3A_599, %dma_start3A_600] : memref<16x128x32xf32, #tpu.memory_space<vmem>> -> memref<1x128x32xf32, #tpu.memory_space<vmem>>
      %dma_start3A_602 = tpu.memref_squeeze %dma_start3A_601 : memref<1x128x32xf32, #tpu.memory_space<vmem>> -> memref<128x32xf32, #tpu.memory_space<vmem>>
      %dma_start3A_603 = arith.constant 0 : i32
      %dma_start3A_604 = tpu.memref_slice %arg9[%rem3A_518, %dma_start3A_598, %dma_start3A_603] : memref<3x8x128xi32, #tpu.memory_space<vmem>> -> memref<1x1x128xi32, #tpu.memory_space<vmem>>
      %dma_start3A_605 = tpu.memref_squeeze %dma_start3A_604 : memref<1x1x128xi32, #tpu.memory_space<vmem>> -> memref<128xi32, #tpu.memory_space<vmem>>
      %dma_start3A_606 = arith.constant 0 : i32
      %dma_start3A_607 = arith.constant 0 : i32
      %dma_start3A_608 = tpu.memref_slice %arg6[%dma_start3A_606, %dma_start3A_607] : memref<10240x32xf32, #tpu.memory_space<vmem_shared>> -> memref<10240x32xf32, #tpu.memory_space<vmem_shared>>
      tpu.enqueue_indirect_dma source(%dma_start3A_602 : memref<128x32xf32, #tpu.memory_space<vmem>>) target(%dma_start3A_608 : memref<10240x32xf32, #tpu.memory_space<vmem_shared>>) offsets(%dma_start3A_605 : memref<128xi32, #tpu.memory_space<vmem>>) semaphore(%arg13 : memref<!tpu.dma_semaphore, #tpu.memory_space<semaphore_mem>>) {add = true}
      %mul3A_609 = arith.constant 8 : i32
      %mul3A_610 = arith.muli %select_n3A_516, %mul3A_609 : i32
      %add3A_611 = arith.constant 6 : i32
      %add3A_612 = arith.addi %mul3A_610, %add3A_611 : i32
      %dma_start3A_613 = arith.constant 6 : i32
      %dma_start3A_614 = arith.constant 0 : i32
      %dma_start3A_615 = arith.constant 0 : i32
      %dma_start3A_616 = tpu.memref_slice %arg10[%add3A_612, %dma_start3A_614, %dma_start3A_615] : memref<16x128x32xf32, #tpu.memory_space<vmem>> -> memref<1x128x32xf32, #tpu.memory_space<vmem>>
      %dma_start3A_617 = tpu.memref_squeeze %dma_start3A_616 : memref<1x128x32xf32, #tpu.memory_space<vmem>> -> memref<128x32xf32, #tpu.memory_space<vmem>>
      %dma_start3A_618 = arith.constant 0 : i32
      %dma_start3A_619 = tpu.memref_slice %arg9[%rem3A_518, %dma_start3A_613, %dma_start3A_618] : memref<3x8x128xi32, #tpu.memory_space<vmem>> -> memref<1x1x128xi32, #tpu.memory_space<vmem>>
      %dma_start3A_620 = tpu.memref_squeeze %dma_start3A_619 : memref<1x1x128xi32, #tpu.memory_space<vmem>> -> memref<128xi32, #tpu.memory_space<vmem>>
      %dma_start3A_621 = arith.constant 0 : i32
      %dma_start3A_622 = arith.constant 0 : i32
      %dma_start3A_623 = tpu.memref_slice %arg6[%dma_start3A_621, %dma_start3A_622] : memref<10240x32xf32, #tpu.memory_space<vmem_shared>> -> memref<10240x32xf32, #tpu.memory_space<vmem_shared>>
      tpu.enqueue_indirect_dma source(%dma_start3A_617 : memref<128x32xf32, #tpu.memory_space<vmem>>) target(%dma_start3A_623 : memref<10240x32xf32, #tpu.memory_space<vmem_shared>>) offsets(%dma_start3A_620 : memref<128xi32, #tpu.memory_space<vmem>>) semaphore(%arg13 : memref<!tpu.dma_semaphore, #tpu.memory_space<semaphore_mem>>) {add = true}
      %mul3A_624 = arith.constant 8 : i32
      %mul3A_625 = arith.muli %select_n3A_516, %mul3A_624 : i32
      %add3A_626 = arith.constant 7 : i32
      %add3A_627 = arith.addi %mul3A_625, %add3A_626 : i32
      %dma_start3A_628 = arith.constant 7 : i32
      %dma_start3A_629 = arith.constant 0 : i32
      %dma_start3A_630 = arith.constant 0 : i32
      %dma_start3A_631 = tpu.memref_slice %arg10[%add3A_627, %dma_start3A_629, %dma_start3A_630] : memref<16x128x32xf32, #tpu.memory_space<vmem>> -> memref<1x128x32xf32, #tpu.memory_space<vmem>>
      %dma_start3A_632 = tpu.memref_squeeze %dma_start3A_631 : memref<1x128x32xf32, #tpu.memory_space<vmem>> -> memref<128x32xf32, #tpu.memory_space<vmem>>
      %dma_start3A_633 = arith.constant 0 : i32
      %dma_start3A_634 = tpu.memref_slice %arg9[%rem3A_518, %dma_start3A_628, %dma_start3A_633] : memref<3x8x128xi32, #tpu.memory_space<vmem>> -> memref<1x1x128xi32, #tpu.memory_space<vmem>>
      %dma_start3A_635 = tpu.memref_squeeze %dma_start3A_634 : memref<1x1x128xi32, #tpu.memory_space<vmem>> -> memref<128xi32, #tpu.memory_space<vmem>>
      %dma_start3A_636 = arith.constant 0 : i32
      %dma_start3A_637 = arith.constant 0 : i32
      %dma_start3A_638 = tpu.memref_slice %arg6[%dma_start3A_636, %dma_start3A_637] : memref<10240x32xf32, #tpu.memory_space<vmem_shared>> -> memref<10240x32xf32, #tpu.memory_space<vmem_shared>>
      tpu.enqueue_indirect_dma source(%dma_start3A_632 : memref<128x32xf32, #tpu.memory_space<vmem>>) target(%dma_start3A_638 : memref<10240x32xf32, #tpu.memory_space<vmem_shared>>) offsets(%dma_start3A_635 : memref<128xi32, #tpu.memory_space<vmem>>) semaphore(%arg13 : memref<!tpu.dma_semaphore, #tpu.memory_space<semaphore_mem>>) {add = true}
      %scan3A_639 = arith.constant 0 : i32
      scf.yield %scan3A_639 : i32
    }
    %scan3A_228 = arith.constant 20 : i32
    %dma_wait3A_229 = arith.constant 0 : i32
    %dma_wait3A_230 = arith.constant 0 : i32
    %dma_wait3A_231 = arith.constant 0 : i32
    %dma_wait3A_232 = tpu.memref_slice %arg10[%dma_wait3A_229, %dma_wait3A_230, %dma_wait3A_231] : memref<16x128x32xf32, #tpu.memory_space<vmem>> -> memref<1x128x32xf32, #tpu.memory_space<vmem>>
    %dma_wait3A_233 = tpu.memref_squeeze %dma_wait3A_232 : memref<1x128x32xf32, #tpu.memory_space<vmem>> -> memref<128x32xf32, #tpu.memory_space<vmem>>
    %dma_wait3A_234 = arith.constant 0 : i32
    %dma_wait3A_235 = arith.constant 0 : i32
    %dma_wait3A_236 = tpu.memref_slice %arg2[%dma_wait3A_234, %dma_wait3A_235] : memref<10240x64xf32, #tpu.memory_space<hbm>> -> memref<128x32xf32, #tpu.memory_space<hbm>>
    %dma_wait3A_237 = arith.constant 0 : i32
    %dma_wait3A_238 = arith.constant 0 : i32
    %dma_wait3A_239 = tpu.memref_slice %arg10[%dma_wait3A_229, %dma_wait3A_237, %dma_wait3A_238] : memref<16x128x32xf32, #tpu.memory_space<vmem>> -> memref<1x128x32xf32, #tpu.memory_space<vmem>>
    %dma_wait3A_240 = tpu.memref_squeeze %dma_wait3A_239 : memref<1x128x32xf32, #tpu.memory_space<vmem>> -> memref<128x32xf32, #tpu.memory_space<vmem>>
    %dma_wait3A_241 = arith.constant 0 : i32
    %dma_wait3A_242 = arith.constant 0 : i32
    %dma_wait3A_243 = tpu.memref_slice %arg2[%dma_wait3A_241, %dma_wait3A_242] : memref<10240x64xf32, #tpu.memory_space<hbm>> -> memref<128x32xf32, #tpu.memory_space<hbm>>
    tpu.wait_dma2 semaphore(%arg13 : memref<!tpu.dma_semaphore, #tpu.memory_space<semaphore_mem>>) src(%dma_wait3A_243 : memref<128x32xf32, #tpu.memory_space<hbm>>) dst(%dma_wait3A_240 : memref<128x32xf32, #tpu.memory_space<vmem>>)
    %dma_wait3A_244 = arith.constant 0 : i32
    %dma_wait3A_245 = arith.constant 0 : i32
    %dma_wait3A_246 = arith.constant 0 : i32
    %dma_wait3A_247 = tpu.memref_slice %arg10[%dma_wait3A_244, %dma_wait3A_245, %dma_wait3A_246] : memref<16x128x32xf32, #tpu.memory_space<vmem>> -> memref<1x128x32xf32, #tpu.memory_space<vmem>>
    %dma_wait3A_248 = tpu.memref_squeeze %dma_wait3A_247 : memref<1x128x32xf32, #tpu.memory_space<vmem>> -> memref<128x32xf32, #tpu.memory_space<vmem>>
    %dma_wait3A_249 = arith.constant 0 : i32
    %dma_wait3A_250 = arith.constant 0 : i32
    %dma_wait3A_251 = tpu.memref_slice %arg2[%dma_wait3A_249, %dma_wait3A_250] : memref<10240x64xf32, #tpu.memory_space<hbm>> -> memref<128x32xf32, #tpu.memory_space<hbm>>
    %dma_wait3A_252 = arith.constant 0 : i32
    %dma_wait3A_253 = arith.constant 0 : i32
    %dma_wait3A_254 = tpu.memref_slice %arg10[%dma_wait3A_244, %dma_wait3A_252, %dma_wait3A_253] : memref<16x128x32xf32, #tpu.memory_space<vmem>> -> memref<1x128x32xf32, #tpu.memory_space<vmem>>
    %dma_wait3A_255 = tpu.memref_squeeze %dma_wait3A_254 : memref<1x128x32xf32, #tpu.memory_space<vmem>> -> memref<128x32xf32, #tpu.memory_space<vmem>>
    %dma_wait3A_256 = arith.constant 0 : i32
    %dma_wait3A_257 = arith.constant 0 : i32
    %dma_wait3A_258 = tpu.memref_slice %arg2[%dma_wait3A_256, %dma_wait3A_257] : memref<10240x64xf32, #tpu.memory_space<hbm>> -> memref<128x32xf32, #tpu.memory_space<hbm>>
    tpu.wait_dma2 semaphore(%arg13 : memref<!tpu.dma_semaphore, #tpu.memory_space<semaphore_mem>>) src(%dma_wait3A_258 : memref<128x32xf32, #tpu.memory_space<hbm>>) dst(%dma_wait3A_255 : memref<128x32xf32, #tpu.memory_space<vmem>>)
    %dma_wait3A_259 = arith.constant 0 : i32
    %dma_wait3A_260 = arith.constant 0 : i32
    %dma_wait3A_261 = arith.constant 0 : i32
    %dma_wait3A_262 = tpu.memref_slice %arg10[%dma_wait3A_259, %dma_wait3A_260, %dma_wait3A_261] : memref<16x128x32xf32, #tpu.memory_space<vmem>> -> memref<1x128x32xf32, #tpu.memory_space<vmem>>
    %dma_wait3A_263 = tpu.memref_squeeze %dma_wait3A_262 : memref<1x128x32xf32, #tpu.memory_space<vmem>> -> memref<128x32xf32, #tpu.memory_space<vmem>>
    %dma_wait3A_264 = arith.constant 0 : i32
    %dma_wait3A_265 = arith.constant 0 : i32
    %dma_wait3A_266 = tpu.memref_slice %arg2[%dma_wait3A_264, %dma_wait3A_265] : memref<10240x64xf32, #tpu.memory_space<hbm>> -> memref<128x32xf32, #tpu.memory_space<hbm>>
    %dma_wait3A_267 = arith.constant 0 : i32
    %dma_wait3A_268 = arith.constant 0 : i32
    %dma_wait3A_269 = tpu.memref_slice %arg10[%dma_wait3A_259, %dma_wait3A_267, %dma_wait3A_268] : memref<16x128x32xf32, #tpu.memory_space<vmem>> -> memref<1x128x32xf32, #tpu.memory_space<vmem>>
    %dma_wait3A_270 = tpu.memref_squeeze %dma_wait3A_269 : memref<1x128x32xf32, #tpu.memory_space<vmem>> -> memref<128x32xf32, #tpu.memory_space<vmem>>
    %dma_wait3A_271 = arith.constant 0 : i32
    %dma_wait3A_272 = arith.constant 0 : i32
    %dma_wait3A_273 = tpu.memref_slice %arg2[%dma_wait3A_271, %dma_wait3A_272] : memref<10240x64xf32, #tpu.memory_space<hbm>> -> memref<128x32xf32, #tpu.memory_space<hbm>>
    tpu.wait_dma2 semaphore(%arg13 : memref<!tpu.dma_semaphore, #tpu.memory_space<semaphore_mem>>) src(%dma_wait3A_273 : memref<128x32xf32, #tpu.memory_space<hbm>>) dst(%dma_wait3A_270 : memref<128x32xf32, #tpu.memory_space<vmem>>)
    %dma_wait3A_274 = arith.constant 0 : i32
    %dma_wait3A_275 = arith.constant 0 : i32
    %dma_wait3A_276 = arith.constant 0 : i32
    %dma_wait3A_277 = tpu.memref_slice %arg10[%dma_wait3A_274, %dma_wait3A_275, %dma_wait3A_276] : memref<16x128x32xf32, #tpu.memory_space<vmem>> -> memref<1x128x32xf32, #tpu.memory_space<vmem>>
    %dma_wait3A_278 = tpu.memref_squeeze %dma_wait3A_277 : memref<1x128x32xf32, #tpu.memory_space<vmem>> -> memref<128x32xf32, #tpu.memory_space<vmem>>
    %dma_wait3A_279 = arith.constant 0 : i32
    %dma_wait3A_280 = arith.constant 0 : i32
    %dma_wait3A_281 = tpu.memref_slice %arg2[%dma_wait3A_279, %dma_wait3A_280] : memref<10240x64xf32, #tpu.memory_space<hbm>> -> memref<128x32xf32, #tpu.memory_space<hbm>>
    %dma_wait3A_282 = arith.constant 0 : i32
    %dma_wait3A_283 = arith.constant 0 : i32
    %dma_wait3A_284 = tpu.memref_slice %arg10[%dma_wait3A_274, %dma_wait3A_282, %dma_wait3A_283] : memref<16x128x32xf32, #tpu.memory_space<vmem>> -> memref<1x128x32xf32, #tpu.memory_space<vmem>>
    %dma_wait3A_285 = tpu.memref_squeeze %dma_wait3A_284 : memref<1x128x32xf32, #tpu.memory_space<vmem>> -> memref<128x32xf32, #tpu.memory_space<vmem>>
    %dma_wait3A_286 = arith.constant 0 : i32
    %dma_wait3A_287 = arith.constant 0 : i32
    %dma_wait3A_288 = tpu.memref_slice %arg2[%dma_wait3A_286, %dma_wait3A_287] : memref<10240x64xf32, #tpu.memory_space<hbm>> -> memref<128x32xf32, #tpu.memory_space<hbm>>
    tpu.wait_dma2 semaphore(%arg13 : memref<!tpu.dma_semaphore, #tpu.memory_space<semaphore_mem>>) src(%dma_wait3A_288 : memref<128x32xf32, #tpu.memory_space<hbm>>) dst(%dma_wait3A_285 : memref<128x32xf32, #tpu.memory_space<vmem>>)
    %dma_wait3A_289 = arith.constant 0 : i32
    %dma_wait3A_290 = arith.constant 0 : i32
    %dma_wait3A_291 = arith.constant 0 : i32
    %dma_wait3A_292 = tpu.memref_slice %arg10[%dma_wait3A_289, %dma_wait3A_290, %dma_wait3A_291] : memref<16x128x32xf32, #tpu.memory_space<vmem>> -> memref<1x128x32xf32, #tpu.memory_space<vmem>>
    %dma_wait3A_293 = tpu.memref_squeeze %dma_wait3A_292 : memref<1x128x32xf32, #tpu.memory_space<vmem>> -> memref<128x32xf32, #tpu.memory_space<vmem>>
    %dma_wait3A_294 = arith.constant 0 : i32
    %dma_wait3A_295 = arith.constant 0 : i32
    %dma_wait3A_296 = tpu.memref_slice %arg2[%dma_wait3A_294, %dma_wait3A_295] : memref<10240x64xf32, #tpu.memory_space<hbm>> -> memref<128x32xf32, #tpu.memory_space<hbm>>
    %dma_wait3A_297 = arith.constant 0 : i32
    %dma_wait3A_298 = arith.constant 0 : i32
    %dma_wait3A_299 = tpu.memref_slice %arg10[%dma_wait3A_289, %dma_wait3A_297, %dma_wait3A_298] : memref<16x128x32xf32, #tpu.memory_space<vmem>> -> memref<1x128x32xf32, #tpu.memory_space<vmem>>
    %dma_wait3A_300 = tpu.memref_squeeze %dma_wait3A_299 : memref<1x128x32xf32, #tpu.memory_space<vmem>> -> memref<128x32xf32, #tpu.memory_space<vmem>>
    %dma_wait3A_301 = arith.constant 0 : i32
    %dma_wait3A_302 = arith.constant 0 : i32
    %dma_wait3A_303 = tpu.memref_slice %arg2[%dma_wait3A_301, %dma_wait3A_302] : memref<10240x64xf32, #tpu.memory_space<hbm>> -> memref<128x32xf32, #tpu.memory_space<hbm>>
    tpu.wait_dma2 semaphore(%arg13 : memref<!tpu.dma_semaphore, #tpu.memory_space<semaphore_mem>>) src(%dma_wait3A_303 : memref<128x32xf32, #tpu.memory_space<hbm>>) dst(%dma_wait3A_300 : memref<128x32xf32, #tpu.memory_space<vmem>>)
    %dma_wait3A_304 = arith.constant 0 : i32
    %dma_wait3A_305 = arith.constant 0 : i32
    %dma_wait3A_306 = arith.constant 0 : i32
    %dma_wait3A_307 = tpu.memref_slice %arg10[%dma_wait3A_304, %dma_wait3A_305, %dma_wait3A_306] : memref<16x128x32xf32, #tpu.memory_space<vmem>> -> memref<1x128x32xf32, #tpu.memory_space<vmem>>
    %dma_wait3A_308 = tpu.memref_squeeze %dma_wait3A_307 : memref<1x128x32xf32, #tpu.memory_space<vmem>> -> memref<128x32xf32, #tpu.memory_space<vmem>>
    %dma_wait3A_309 = arith.constant 0 : i32
    %dma_wait3A_310 = arith.constant 0 : i32
    %dma_wait3A_311 = tpu.memref_slice %arg2[%dma_wait3A_309, %dma_wait3A_310] : memref<10240x64xf32, #tpu.memory_space<hbm>> -> memref<128x32xf32, #tpu.memory_space<hbm>>
    %dma_wait3A_312 = arith.constant 0 : i32
    %dma_wait3A_313 = arith.constant 0 : i32
    %dma_wait3A_314 = tpu.memref_slice %arg10[%dma_wait3A_304, %dma_wait3A_312, %dma_wait3A_313] : memref<16x128x32xf32, #tpu.memory_space<vmem>> -> memref<1x128x32xf32, #tpu.memory_space<vmem>>
    %dma_wait3A_315 = tpu.memref_squeeze %dma_wait3A_314 : memref<1x128x32xf32, #tpu.memory_space<vmem>> -> memref<128x32xf32, #tpu.memory_space<vmem>>
    %dma_wait3A_316 = arith.constant 0 : i32
    %dma_wait3A_317 = arith.constant 0 : i32
    %dma_wait3A_318 = tpu.memref_slice %arg2[%dma_wait3A_316, %dma_wait3A_317] : memref<10240x64xf32, #tpu.memory_space<hbm>> -> memref<128x32xf32, #tpu.memory_space<hbm>>
    tpu.wait_dma2 semaphore(%arg13 : memref<!tpu.dma_semaphore, #tpu.memory_space<semaphore_mem>>) src(%dma_wait3A_318 : memref<128x32xf32, #tpu.memory_space<hbm>>) dst(%dma_wait3A_315 : memref<128x32xf32, #tpu.memory_space<vmem>>)
    %dma_wait3A_319 = arith.constant 0 : i32
    %dma_wait3A_320 = arith.constant 0 : i32
    %dma_wait3A_321 = arith.constant 0 : i32
    %dma_wait3A_322 = tpu.memref_slice %arg10[%dma_wait3A_319, %dma_wait3A_320, %dma_wait3A_321] : memref<16x128x32xf32, #tpu.memory_space<vmem>> -> memref<1x128x32xf32, #tpu.memory_space<vmem>>
    %dma_wait3A_323 = tpu.memref_squeeze %dma_wait3A_322 : memref<1x128x32xf32, #tpu.memory_space<vmem>> -> memref<128x32xf32, #tpu.memory_space<vmem>>
    %dma_wait3A_324 = arith.constant 0 : i32
    %dma_wait3A_325 = arith.constant 0 : i32
    %dma_wait3A_326 = tpu.memref_slice %arg2[%dma_wait3A_324, %dma_wait3A_325] : memref<10240x64xf32, #tpu.memory_space<hbm>> -> memref<128x32xf32, #tpu.memory_space<hbm>>
    %dma_wait3A_327 = arith.constant 0 : i32
    %dma_wait3A_328 = arith.constant 0 : i32
    %dma_wait3A_329 = tpu.memref_slice %arg10[%dma_wait3A_319, %dma_wait3A_327, %dma_wait3A_328] : memref<16x128x32xf32, #tpu.memory_space<vmem>> -> memref<1x128x32xf32, #tpu.memory_space<vmem>>
    %dma_wait3A_330 = tpu.memref_squeeze %dma_wait3A_329 : memref<1x128x32xf32, #tpu.memory_space<vmem>> -> memref<128x32xf32, #tpu.memory_space<vmem>>
    %dma_wait3A_331 = arith.constant 0 : i32
    %dma_wait3A_332 = arith.constant 0 : i32
    %dma_wait3A_333 = tpu.memref_slice %arg2[%dma_wait3A_331, %dma_wait3A_332] : memref<10240x64xf32, #tpu.memory_space<hbm>> -> memref<128x32xf32, #tpu.memory_space<hbm>>
    tpu.wait_dma2 semaphore(%arg13 : memref<!tpu.dma_semaphore, #tpu.memory_space<semaphore_mem>>) src(%dma_wait3A_333 : memref<128x32xf32, #tpu.memory_space<hbm>>) dst(%dma_wait3A_330 : memref<128x32xf32, #tpu.memory_space<vmem>>)
    %dma_wait3A_334 = arith.constant 0 : i32
    %dma_wait3A_335 = arith.constant 0 : i32
    %dma_wait3A_336 = arith.constant 0 : i32
    %dma_wait3A_337 = tpu.memref_slice %arg10[%dma_wait3A_334, %dma_wait3A_335, %dma_wait3A_336] : memref<16x128x32xf32, #tpu.memory_space<vmem>> -> memref<1x128x32xf32, #tpu.memory_space<vmem>>
    %dma_wait3A_338 = tpu.memref_squeeze %dma_wait3A_337 : memref<1x128x32xf32, #tpu.memory_space<vmem>> -> memref<128x32xf32, #tpu.memory_space<vmem>>
    %dma_wait3A_339 = arith.constant 0 : i32
    %dma_wait3A_340 = arith.constant 0 : i32
    %dma_wait3A_341 = tpu.memref_slice %arg2[%dma_wait3A_339, %dma_wait3A_340] : memref<10240x64xf32, #tpu.memory_space<hbm>> -> memref<128x32xf32, #tpu.memory_space<hbm>>
    %dma_wait3A_342 = arith.constant 0 : i32
    %dma_wait3A_343 = arith.constant 0 : i32
    %dma_wait3A_344 = tpu.memref_slice %arg10[%dma_wait3A_334, %dma_wait3A_342, %dma_wait3A_343] : memref<16x128x32xf32, #tpu.memory_space<vmem>> -> memref<1x128x32xf32, #tpu.memory_space<vmem>>
    %dma_wait3A_345 = tpu.memref_squeeze %dma_wait3A_344 : memref<1x128x32xf32, #tpu.memory_space<vmem>> -> memref<128x32xf32, #tpu.memory_space<vmem>>
    %dma_wait3A_346 = arith.constant 0 : i32
    %dma_wait3A_347 = arith.constant 0 : i32
    %dma_wait3A_348 = tpu.memref_slice %arg2[%dma_wait3A_346, %dma_wait3A_347] : memref<10240x64xf32, #tpu.memory_space<hbm>> -> memref<128x32xf32, #tpu.memory_space<hbm>>
    tpu.wait_dma2 semaphore(%arg13 : memref<!tpu.dma_semaphore, #tpu.memory_space<semaphore_mem>>) src(%dma_wait3A_348 : memref<128x32xf32, #tpu.memory_space<hbm>>) dst(%dma_wait3A_345 : memref<128x32xf32, #tpu.memory_space<vmem>>)
    %barrier3A_349 = arith.constant 0 : index
    tpu.barrier barrier_id(%barrier3A_349)
    %mul3A_350 = arith.constant 640 : i32
    %mul3A_351 = arith.muli %arg1, %mul3A_350 : i32
    %mul3A_352 = arith.constant 640 : i32
    %mul3A_353 = arith.muli %arg1, %mul3A_352 : i32
    %mul3A_354 = arith.constant 32 : i32
    %mul3A_355 = arith.muli %arg0, %mul3A_354 : i32
    "tpu.region"() ({
      %run_scoped3A_356 = tpu.sem_alloc : memref<!tpu.dma_semaphore, #tpu.memory_space<semaphore_mem>>
      %dma_start3A_357 = tpu.memref_slice %arg5[%mul3A_353, %mul3A_355] : memref<10240x64xf32, #tpu.memory_space<hbm>> -> memref<640x32xf32, #tpu.memory_space<hbm>>
      %dma_start3A_358 = arith.constant 0 : i32
      %dma_start3A_359 = tpu.memref_slice %arg6[%mul3A_351, %dma_start3A_358] : memref<10240x32xf32, #tpu.memory_space<vmem_shared>> -> memref<640x32xf32, #tpu.memory_space<vmem_shared>>
      tpu.enqueue_dma source(%dma_start3A_359 : memref<640x32xf32, #tpu.memory_space<vmem_shared>>) target(%dma_start3A_357 : memref<640x32xf32, #tpu.memory_space<hbm>>) target_semaphore(%run_scoped3A_356 : memref<!tpu.dma_semaphore, #tpu.memory_space<semaphore_mem>>)
      %dma_wait3A_360 = tpu.memref_slice %arg5[%mul3A_353, %mul3A_355] : memref<10240x64xf32, #tpu.memory_space<hbm>> -> memref<640x32xf32, #tpu.memory_space<hbm>>
      %dma_wait3A_361 = arith.constant 0 : i32
      %dma_wait3A_362 = tpu.memref_slice %arg6[%mul3A_351, %dma_wait3A_361] : memref<10240x32xf32, #tpu.memory_space<vmem_shared>> -> memref<640x32xf32, #tpu.memory_space<vmem_shared>>
      tpu.wait_dma2 semaphore(%run_scoped3A_356 : memref<!tpu.dma_semaphore, #tpu.memory_space<semaphore_mem>>) src(%dma_wait3A_362 : memref<640x32xf32, #tpu.memory_space<vmem_shared>>) dst(%dma_wait3A_360 : memref<640x32xf32, #tpu.memory_space<hbm>>)
      tpu.yield
    }) : () -> ()
    return
  }
}

module attributes {stable_mosaic.version = 14 : i64} {
  func.func @_prep_body(%arg0: memref<5000x256xf32, #tpu.memory_space<vmem>>, %arg1: memref<128x64xf32, #tpu.memory_space<vmem>>, %arg2: memref<2x10240xf32, #tpu.memory_space<vmem>>, %arg3: memref<5120x128xf32, #tpu.memory_space<vmem>>) attributes {dimension_semantics = [], scalar_prefetch = 0 : i64, scratch_operands = 0 : i64, tpu.core_type = #tpu.core_type<tc>} {
    %get3A = arith.constant 0 : index
    %get3A_0 = arith.constant 0 : index
    %get3A_1 = vector.load %arg2[%get3A, %get3A_0] : memref<2x10240xf32, #tpu.memory_space<vmem>>, vector<2x10240xf32>
    %broadcast_in_dim3A = arith.constant 1.000000e+00 : f32
    %broadcast_in_dim3A_2 = vector.broadcast %broadcast_in_dim3A : f32 to vector<2x1xf32>
    %dot_general3A = arith.constant dense<0.000000e+00> : vector<10240x1xf32>
    %dot_general3A_3 = tpu.matmul %get3A_1, %broadcast_in_dim3A_2, %dot_general3A {dimension_numbers = #tpu.dot_dimension_numbers<[0], [0], [1], [1], [0, 1, 1, 1], [], []>, transpose_lhs_hint = false} : vector<2x10240xf32>, vector<2x1xf32>, vector<10240x1xf32> -> vector<10240x1xf32>
    %add3A = arith.constant 1.000000e+00 : f32
    %add3A_4 = vector.broadcast %add3A : f32 to vector<10240x1xf32>
    %add3A_5 = arith.addf %dot_general3A_3, %add3A_4 : vector<10240x1xf32>
    %rsqrt3A = math.rsqrt %add3A_5 : vector<10240x1xf32>
    %reshape3A = vector.shape_cast %rsqrt3A : vector<10240x1xf32> to vector<5120x2xf32>
    %iota3A = tpu.iota {dimensions = array<i32: 1>} : vector<2x128xi32>
    %iota3A_6 = tpu.iota {dimensions = array<i32: 0>} : vector<2x128xi32>
    %jit3A = arith.constant 64 : i32
    %div3A = vector.broadcast %jit3A : i32 to vector<2x128xi32>
    %div3A_7 = arith.divsi %iota3A, %div3A : vector<2x128xi32>
    %sign3A = arith.constant 0 : i32
    %sign3A_8 = vector.broadcast %sign3A : i32 to vector<2x128xi32>
    %sign3A_9 = arith.cmpi sgt, %iota3A, %sign3A_8 : vector<2x128xi32>
    %sign3A_10 = arith.extui %sign3A_9 : vector<2x128xi1> to vector<2x128xi32>
    %sign3A_11 = arith.constant 0 : i32
    %sign3A_12 = vector.broadcast %sign3A_11 : i32 to vector<2x128xi32>
    %sign3A_13 = arith.cmpi slt, %iota3A, %sign3A_12 : vector<2x128xi32>
    %sign3A_14 = arith.extui %sign3A_13 : vector<2x128xi1> to vector<2x128xi32>
    %sign3A_15 = arith.subi %sign3A_10, %sign3A_14 : vector<2x128xi32>
    %sign3A_16 = arith.constant 0 : i32
    %sign3A_17 = arith.cmpi sgt, %jit3A, %sign3A_16 : i32
    %sign3A_18 = arith.extui %sign3A_17 : i1 to i32
    %sign3A_19 = arith.constant 0 : i32
    %sign3A_20 = arith.cmpi slt, %jit3A, %sign3A_19 : i32
    %sign3A_21 = arith.extui %sign3A_20 : i1 to i32
    %sign3A_22 = arith.subi %sign3A_18, %sign3A_21 : i32
    %ne3A = vector.broadcast %sign3A_22 : i32 to vector<2x128xi32>
    %ne3A_23 = arith.cmpi ne, %sign3A_15, %ne3A : vector<2x128xi32>
    %rem3A = vector.broadcast %jit3A : i32 to vector<2x128xi32>
    %rem3A_24 = arith.remsi %iota3A, %rem3A : vector<2x128xi32>
    %ne3A_25 = arith.constant 0 : i32
    %ne3A_26 = vector.broadcast %ne3A_25 : i32 to vector<2x128xi32>
    %ne3A_27 = arith.cmpi ne, %rem3A_24, %ne3A_26 : vector<2x128xi32>
    %and3A = arith.andi %ne3A_23, %ne3A_27 : vector<2x128xi1>
    %sub3A = arith.constant 1 : i32
    %sub3A_28 = vector.broadcast %sub3A : i32 to vector<2x128xi32>
    %sub3A_29 = arith.subi %div3A_7, %sub3A_28 : vector<2x128xi32>
    %select_n3A = arith.select %and3A, %sub3A_29, %div3A_7 : vector<2x128xi1>, vector<2x128xi32>
    %eq3A = arith.cmpi eq, %select_n3A, %iota3A_6 : vector<2x128xi32>
    %jit3A_30 = arith.constant 1.000000e+00 : f32
    %jit3A_31 = arith.constant 0.000000e+00 : f32
    %broadcast_in_dim3A_32 = vector.broadcast %jit3A_30 : f32 to vector<2x128xf32>
    %broadcast_in_dim3A_33 = vector.broadcast %jit3A_31 : f32 to vector<2x128xf32>
    %select_n3A_34 = arith.select %eq3A, %broadcast_in_dim3A_32, %broadcast_in_dim3A_33 : vector<2x128xi1>, vector<2x128xf32>
    %dot_general3A_35 = arith.constant dense<0.000000e+00> : vector<5120x128xf32>
    %dot_general3A_36 = tpu.matmul %reshape3A, %select_n3A_34, %dot_general3A_35 {dimension_numbers = #tpu.dot_dimension_numbers<[1], [0], [0], [1], [0, 0, 1, 1], [], []>, transpose_lhs_hint = false} : vector<5120x2xf32>, vector<2x128xf32>, vector<5120x128xf32> -> vector<5120x128xf32>
    %get3A_37 = arith.constant 0 : index
    %get3A_38 = arith.constant 0 : index
    %get3A_39 = vector.load %arg0[%get3A_37, %get3A_38] : memref<5000x256xf32, #tpu.memory_space<vmem>>, vector<5000x256xf32>
    %get3A_40 = arith.constant 0 : index
    %get3A_41 = arith.constant 0 : index
    %get3A_42 = vector.load %arg1[%get3A_40, %get3A_41] : memref<128x64xf32, #tpu.memory_space<vmem>>, vector<128x64xf32>
    %broadcast_in_dim3A_43 = arith.constant 0.000000e+00 : f32
    %broadcast_in_dim3A_44 = vector.broadcast %broadcast_in_dim3A_43 : f32 to vector<128x64xf32>
    %concatenate3A = tpu.concatenate %get3A_42, %broadcast_in_dim3A_44 in 1 : vector<128x64xf32>, vector<128x64xf32> -> vector<128x128xf32>
    %concatenate3A_45 = tpu.concatenate %broadcast_in_dim3A_44, %get3A_42 in 1 : vector<128x64xf32>, vector<128x64xf32> -> vector<128x128xf32>
    %concatenate3A_46 = tpu.concatenate %concatenate3A, %concatenate3A_45 in 0 : vector<128x128xf32>, vector<128x128xf32> -> vector<256x128xf32>
    %dot_general3A_47 = arith.constant dense<0.000000e+00> : vector<5000x128xf32>
    %dot_general3A_48 = tpu.matmul %get3A_39, %concatenate3A_46, %dot_general3A_47 {dimension_numbers = #tpu.dot_dimension_numbers<[1], [0], [0], [1], [0, 0, 1, 1], [], []>, transpose_lhs_hint = false} : vector<5000x256xf32>, vector<256x128xf32>, vector<5000x128xf32> -> vector<5000x128xf32>
    %slice3A = vector.extract_strided_slice %dot_general3A_36 {offsets = [0, 0], sizes = [5000, 128], strides = [1, 1]} : vector<5120x128xf32> to vector<5000x128xf32>
    %mul3A = arith.mulf %dot_general3A_48, %slice3A : vector<5000x128xf32>
    %swap3A = arith.constant 0 : index
    %swap3A_49 = arith.constant 0 : index
    %swap3A_50 = vector.load %arg3[%swap3A, %swap3A_49] : memref<5120x128xf32, #tpu.memory_space<vmem>>, vector<5000x128xf32>
    tpu.vector_store %arg3[%swap3A, %swap3A_49], %mul3A {strides = array<i32>} : memref<5120x128xf32, #tpu.memory_space<vmem>>, vector<5000x128xf32>,
    %broadcast_in_dim3A_51 = arith.constant 0.000000e+00 : f32
    %broadcast_in_dim3A_52 = vector.broadcast %broadcast_in_dim3A_51 : f32 to vector<120x128xf32>
    %swap3A_53 = arith.constant 5000 : index
    %swap3A_54 = arith.constant 0 : index
    %swap3A_55 = vector.load %arg3[%swap3A_53, %swap3A_54] : memref<5120x128xf32, #tpu.memory_space<vmem>>, vector<120x128xf32>
    tpu.vector_store %arg3[%swap3A_53, %swap3A_54], %broadcast_in_dim3A_52 {strides = array<i32>} : memref<5120x128xf32, #tpu.memory_space<vmem>>, vector<120x128xf32>,
    return
  }
}

module attributes {stable_mosaic.version = 14 : i64} {
  func.func @_mid_body(%arg0: memref<5120x128xf32, #tpu.memory_space<vmem>>, %arg1: memref<5120x128xf32, #tpu.memory_space<vmem>>, %arg2: memref<2x10240xf32, #tpu.memory_space<vmem>>, %arg3: memref<1x128xf32, #tpu.memory_space<vmem>>, %arg4: memref<64x64xf32, #tpu.memory_space<vmem>>, %arg5: memref<5120x128xf32, #tpu.memory_space<vmem>>) attributes {dimension_semantics = [], scalar_prefetch = 0 : i64, scratch_operands = 0 : i64, tpu.core_type = #tpu.core_type<tc>} {
    %get3A = arith.constant 0 : index
    %get3A_0 = arith.constant 0 : index
    %get3A_1 = vector.load %arg2[%get3A, %get3A_0] : memref<2x10240xf32, #tpu.memory_space<vmem>>, vector<2x10240xf32>
    %broadcast_in_dim3A = arith.constant 1.000000e+00 : f32
    %broadcast_in_dim3A_2 = vector.broadcast %broadcast_in_dim3A : f32 to vector<2x1xf32>
    %dot_general3A = arith.constant dense<0.000000e+00> : vector<10240x1xf32>
    %dot_general3A_3 = tpu.matmul %get3A_1, %broadcast_in_dim3A_2, %dot_general3A {dimension_numbers = #tpu.dot_dimension_numbers<[0], [0], [1], [1], [0, 1, 1, 1], [], []>, transpose_lhs_hint = false} : vector<2x10240xf32>, vector<2x1xf32>, vector<10240x1xf32> -> vector<10240x1xf32>
    %add3A = arith.constant 1.000000e+00 : f32
    %add3A_4 = vector.broadcast %add3A : f32 to vector<10240x1xf32>
    %add3A_5 = arith.addf %dot_general3A_3, %add3A_4 : vector<10240x1xf32>
    %rsqrt3A = math.rsqrt %add3A_5 : vector<10240x1xf32>
    %reshape3A = vector.shape_cast %rsqrt3A : vector<10240x1xf32> to vector<5120x2xf32>
    %iota3A = tpu.iota {dimensions = array<i32: 1>} : vector<2x128xi32>
    %iota3A_6 = tpu.iota {dimensions = array<i32: 0>} : vector<2x128xi32>
    %jit3A = arith.constant 64 : i32
    %div3A = vector.broadcast %jit3A : i32 to vector<2x128xi32>
    %div3A_7 = arith.divsi %iota3A, %div3A : vector<2x128xi32>
    %sign3A = arith.constant 0 : i32
    %sign3A_8 = vector.broadcast %sign3A : i32 to vector<2x128xi32>
    %sign3A_9 = arith.cmpi sgt, %iota3A, %sign3A_8 : vector<2x128xi32>
    %sign3A_10 = arith.extui %sign3A_9 : vector<2x128xi1> to vector<2x128xi32>
    %sign3A_11 = arith.constant 0 : i32
    %sign3A_12 = vector.broadcast %sign3A_11 : i32 to vector<2x128xi32>
    %sign3A_13 = arith.cmpi slt, %iota3A, %sign3A_12 : vector<2x128xi32>
    %sign3A_14 = arith.extui %sign3A_13 : vector<2x128xi1> to vector<2x128xi32>
    %sign3A_15 = arith.subi %sign3A_10, %sign3A_14 : vector<2x128xi32>
    %sign3A_16 = arith.constant 0 : i32
    %sign3A_17 = arith.cmpi sgt, %jit3A, %sign3A_16 : i32
    %sign3A_18 = arith.extui %sign3A_17 : i1 to i32
    %sign3A_19 = arith.constant 0 : i32
    %sign3A_20 = arith.cmpi slt, %jit3A, %sign3A_19 : i32
    %sign3A_21 = arith.extui %sign3A_20 : i1 to i32
    %sign3A_22 = arith.subi %sign3A_18, %sign3A_21 : i32
    %ne3A = vector.broadcast %sign3A_22 : i32 to vector<2x128xi32>
    %ne3A_23 = arith.cmpi ne, %sign3A_15, %ne3A : vector<2x128xi32>
    %rem3A = vector.broadcast %jit3A : i32 to vector<2x128xi32>
    %rem3A_24 = arith.remsi %iota3A, %rem3A : vector<2x128xi32>
    %ne3A_25 = arith.constant 0 : i32
    %ne3A_26 = vector.broadcast %ne3A_25 : i32 to vector<2x128xi32>
    %ne3A_27 = arith.cmpi ne, %rem3A_24, %ne3A_26 : vector<2x128xi32>
    %and3A = arith.andi %ne3A_23, %ne3A_27 : vector<2x128xi1>
    %sub3A = arith.constant 1 : i32
    %sub3A_28 = vector.broadcast %sub3A : i32 to vector<2x128xi32>
    %sub3A_29 = arith.subi %div3A_7, %sub3A_28 : vector<2x128xi32>
    %select_n3A = arith.select %and3A, %sub3A_29, %div3A_7 : vector<2x128xi1>, vector<2x128xi32>
    %eq3A = arith.cmpi eq, %select_n3A, %iota3A_6 : vector<2x128xi32>
    %jit3A_30 = arith.constant 1.000000e+00 : f32
    %jit3A_31 = arith.constant 0.000000e+00 : f32
    %broadcast_in_dim3A_32 = vector.broadcast %jit3A_30 : f32 to vector<2x128xf32>
    %broadcast_in_dim3A_33 = vector.broadcast %jit3A_31 : f32 to vector<2x128xf32>
    %select_n3A_34 = arith.select %eq3A, %broadcast_in_dim3A_32, %broadcast_in_dim3A_33 : vector<2x128xi1>, vector<2x128xf32>
    %dot_general3A_35 = arith.constant dense<0.000000e+00> : vector<5120x128xf32>
    %dot_general3A_36 = tpu.matmul %reshape3A, %select_n3A_34, %dot_general3A_35 {dimension_numbers = #tpu.dot_dimension_numbers<[1], [0], [0], [1], [0, 0, 1, 1], [], []>, transpose_lhs_hint = false} : vector<5120x2xf32>, vector<2x128xf32>, vector<5120x128xf32> -> vector<5120x128xf32>
    %get3A_37 = arith.constant 0 : index
    %get3A_38 = arith.constant 0 : index
    %get3A_39 = vector.load %arg0[%get3A_37, %get3A_38] : memref<5120x128xf32, #tpu.memory_space<vmem>>, vector<5120x128xf32>
    %get3A_40 = arith.constant 0 : index
    %get3A_41 = arith.constant 0 : index
    %get3A_42 = vector.load %arg1[%get3A_40, %get3A_41] : memref<5120x128xf32, #tpu.memory_space<vmem>>, vector<5120x128xf32>
    %add3A_43 = arith.addf %get3A_39, %get3A_42 : vector<5120x128xf32>
    %mul3A = arith.mulf %add3A_43, %dot_general3A_36 : vector<5120x128xf32>
    %get3A_44 = arith.constant 0 : index
    %get3A_45 = arith.constant 0 : index
    %get3A_46 = vector.load %arg3[%get3A_44, %get3A_45] : memref<1x128xf32, #tpu.memory_space<vmem>>, vector<1x128xf32>
    %add3A_47 = vector.broadcast %get3A_46 : vector<1x128xf32> to vector<5120x128xf32>
    %add3A_48 = arith.addf %mul3A, %add3A_47 : vector<5120x128xf32>
    %max3A = arith.constant 0.000000e+00 : f32
    %max3A_49 = vector.broadcast %max3A : f32 to vector<5120x128xf32>
    %max3A_50 = arith.maximumf %add3A_48, %max3A_49 : vector<5120x128xf32>
    %get3A_51 = arith.constant 0 : index
    %get3A_52 = arith.constant 0 : index
    %get3A_53 = vector.load %arg4[%get3A_51, %get3A_52] : memref<64x64xf32, #tpu.memory_space<vmem>>, vector<64x64xf32>
    %broadcast_in_dim3A_54 = arith.constant 0.000000e+00 : f32
    %broadcast_in_dim3A_55 = vector.broadcast %broadcast_in_dim3A_54 : f32 to vector<64x64xf32>
    %concatenate3A = tpu.concatenate %get3A_53, %broadcast_in_dim3A_55 in 1 : vector<64x64xf32>, vector<64x64xf32> -> vector<64x128xf32>
    %concatenate3A_56 = tpu.concatenate %broadcast_in_dim3A_55, %get3A_53 in 1 : vector<64x64xf32>, vector<64x64xf32> -> vector<64x128xf32>
    %concatenate3A_57 = tpu.concatenate %concatenate3A, %concatenate3A_56 in 0 : vector<64x128xf32>, vector<64x128xf32> -> vector<128x128xf32>
    %dot_general3A_58 = arith.constant dense<0.000000e+00> : vector<5120x128xf32>
    %dot_general3A_59 = tpu.matmul %max3A_50, %concatenate3A_57, %dot_general3A_58 {dimension_numbers = #tpu.dot_dimension_numbers<[1], [0], [0], [1], [0, 0, 1, 1], [], []>, transpose_lhs_hint = false} : vector<5120x128xf32>, vector<128x128xf32>, vector<5120x128xf32> -> vector<5120x128xf32>
    %mul3A_60 = arith.mulf %dot_general3A_59, %dot_general3A_36 : vector<5120x128xf32>
    %swap3A = arith.constant 0 : index
    %swap3A_61 = arith.constant 0 : index
    %swap3A_62 = vector.load %arg5[%swap3A, %swap3A_61] : memref<5120x128xf32, #tpu.memory_space<vmem>>, vector<5120x128xf32>
    tpu.vector_store %arg5[%swap3A, %swap3A_61], %mul3A_60 {strides = array<i32>} : memref<5120x128xf32, #tpu.memory_space<vmem>>, vector<5120x128xf32>,
    return
  }
}

module attributes {stable_mosaic.version = 14 : i64} {
  func.func @_head_body(%arg0: memref<5120x128xf32, #tpu.memory_space<vmem>>, %arg1: memref<5120x128xf32, #tpu.memory_space<vmem>>, %arg2: memref<2x10240xf32, #tpu.memory_space<vmem>>, %arg3: memref<1x128xf32, #tpu.memory_space<vmem>>, %arg4: memref<5000x1xi32, #tpu.memory_space<vmem>>, %arg5: memref<5000x1xi32, #tpu.memory_space<vmem>>, %arg6: memref<64x64xf32, #tpu.memory_space<vmem>>, %arg7: memref<1x64xf32, #tpu.memory_space<vmem>>, %arg8: memref<64x1xf32, #tpu.memory_space<vmem>>, %arg9: memref<1x1xf32, #tpu.memory_space<vmem>>, %arg10: memref<64x1xf32, #tpu.memory_space<vmem>>) attributes {dimension_semantics = [], scalar_prefetch = 0 : i64, scratch_operands = 0 : i64, tpu.core_type = #tpu.core_type<tc>} {
    %get3A = arith.constant 0 : index
    %get3A_0 = arith.constant 0 : index
    %get3A_1 = vector.load %arg2[%get3A, %get3A_0] : memref<2x10240xf32, #tpu.memory_space<vmem>>, vector<2x10240xf32>
    %broadcast_in_dim3A = arith.constant 1.000000e+00 : f32
    %broadcast_in_dim3A_2 = vector.broadcast %broadcast_in_dim3A : f32 to vector<2x1xf32>
    %dot_general3A = arith.constant dense<0.000000e+00> : vector<10240x1xf32>
    %dot_general3A_3 = tpu.matmul %get3A_1, %broadcast_in_dim3A_2, %dot_general3A {dimension_numbers = #tpu.dot_dimension_numbers<[0], [0], [1], [1], [0, 1, 1, 1], [], []>, transpose_lhs_hint = false} : vector<2x10240xf32>, vector<2x1xf32>, vector<10240x1xf32> -> vector<10240x1xf32>
    %add3A = arith.constant 1.000000e+00 : f32
    %add3A_4 = vector.broadcast %add3A : f32 to vector<10240x1xf32>
    %add3A_5 = arith.addf %dot_general3A_3, %add3A_4 : vector<10240x1xf32>
    %rsqrt3A = math.rsqrt %add3A_5 : vector<10240x1xf32>
    %reshape3A = vector.shape_cast %rsqrt3A : vector<10240x1xf32> to vector<5120x2xf32>
    %iota3A = tpu.iota {dimensions = array<i32: 1>} : vector<2x128xi32>
    %iota3A_6 = tpu.iota {dimensions = array<i32: 0>} : vector<2x128xi32>
    %jit3A = arith.constant 64 : i32
    %div3A = vector.broadcast %jit3A : i32 to vector<2x128xi32>
    %div3A_7 = arith.divsi %iota3A, %div3A : vector<2x128xi32>
    %sign3A = arith.constant 0 : i32
    %sign3A_8 = vector.broadcast %sign3A : i32 to vector<2x128xi32>
    %sign3A_9 = arith.cmpi sgt, %iota3A, %sign3A_8 : vector<2x128xi32>
    %sign3A_10 = arith.extui %sign3A_9 : vector<2x128xi1> to vector<2x128xi32>
    %sign3A_11 = arith.constant 0 : i32
    %sign3A_12 = vector.broadcast %sign3A_11 : i32 to vector<2x128xi32>
    %sign3A_13 = arith.cmpi slt, %iota3A, %sign3A_12 : vector<2x128xi32>
    %sign3A_14 = arith.extui %sign3A_13 : vector<2x128xi1> to vector<2x128xi32>
    %sign3A_15 = arith.subi %sign3A_10, %sign3A_14 : vector<2x128xi32>
    %sign3A_16 = arith.constant 0 : i32
    %sign3A_17 = arith.cmpi sgt, %jit3A, %sign3A_16 : i32
    %sign3A_18 = arith.extui %sign3A_17 : i1 to i32
    %sign3A_19 = arith.constant 0 : i32
    %sign3A_20 = arith.cmpi slt, %jit3A, %sign3A_19 : i32
    %sign3A_21 = arith.extui %sign3A_20 : i1 to i32
    %sign3A_22 = arith.subi %sign3A_18, %sign3A_21 : i32
    %ne3A = vector.broadcast %sign3A_22 : i32 to vector<2x128xi32>
    %ne3A_23 = arith.cmpi ne, %sign3A_15, %ne3A : vector<2x128xi32>
    %rem3A = vector.broadcast %jit3A : i32 to vector<2x128xi32>
    %rem3A_24 = arith.remsi %iota3A, %rem3A : vector<2x128xi32>
    %ne3A_25 = arith.constant 0 : i32
    %ne3A_26 = vector.broadcast %ne3A_25 : i32 to vector<2x128xi32>
    %ne3A_27 = arith.cmpi ne, %rem3A_24, %ne3A_26 : vector<2x128xi32>
    %and3A = arith.andi %ne3A_23, %ne3A_27 : vector<2x128xi1>
    %sub3A = arith.constant 1 : i32
    %sub3A_28 = vector.broadcast %sub3A : i32 to vector<2x128xi32>
    %sub3A_29 = arith.subi %div3A_7, %sub3A_28 : vector<2x128xi32>
    %select_n3A = arith.select %and3A, %sub3A_29, %div3A_7 : vector<2x128xi1>, vector<2x128xi32>
    %eq3A = arith.cmpi eq, %select_n3A, %iota3A_6 : vector<2x128xi32>
    %jit3A_30 = arith.constant 1.000000e+00 : f32
    %jit3A_31 = arith.constant 0.000000e+00 : f32
    %broadcast_in_dim3A_32 = vector.broadcast %jit3A_30 : f32 to vector<2x128xf32>
    %broadcast_in_dim3A_33 = vector.broadcast %jit3A_31 : f32 to vector<2x128xf32>
    %select_n3A_34 = arith.select %eq3A, %broadcast_in_dim3A_32, %broadcast_in_dim3A_33 : vector<2x128xi1>, vector<2x128xf32>
    %dot_general3A_35 = arith.constant dense<0.000000e+00> : vector<5120x128xf32>
    %dot_general3A_36 = tpu.matmul %reshape3A, %select_n3A_34, %dot_general3A_35 {dimension_numbers = #tpu.dot_dimension_numbers<[1], [0], [0], [1], [0, 0, 1, 1], [], []>, transpose_lhs_hint = false} : vector<5120x2xf32>, vector<2x128xf32>, vector<5120x128xf32> -> vector<5120x128xf32>
    %get3A_37 = arith.constant 0 : index
    %get3A_38 = arith.constant 0 : index
    %get3A_39 = vector.load %arg0[%get3A_37, %get3A_38] : memref<5120x128xf32, #tpu.memory_space<vmem>>, vector<5000x128xf32>
    %get3A_40 = arith.constant 0 : index
    %get3A_41 = arith.constant 0 : index
    %get3A_42 = vector.load %arg1[%get3A_40, %get3A_41] : memref<5120x128xf32, #tpu.memory_space<vmem>>, vector<5000x128xf32>
    %add3A_43 = arith.addf %get3A_39, %get3A_42 : vector<5000x128xf32>
    %slice3A = vector.extract_strided_slice %dot_general3A_36 {offsets = [0, 0], sizes = [5000, 128], strides = [1, 1]} : vector<5120x128xf32> to vector<5000x128xf32>
    %mul3A = arith.mulf %add3A_43, %slice3A : vector<5000x128xf32>
    %get3A_44 = arith.constant 0 : index
    %get3A_45 = arith.constant 0 : index
    %get3A_46 = vector.load %arg3[%get3A_44, %get3A_45] : memref<1x128xf32, #tpu.memory_space<vmem>>, vector<1x128xf32>
    %add3A_47 = vector.broadcast %get3A_46 : vector<1x128xf32> to vector<5000x128xf32>
    %add3A_48 = arith.addf %mul3A, %add3A_47 : vector<5000x128xf32>
    %max3A = arith.constant 0.000000e+00 : f32
    %max3A_49 = vector.broadcast %max3A : f32 to vector<5000x128xf32>
    %max3A_50 = arith.maximumf %add3A_48, %max3A_49 : vector<5000x128xf32>
    %iota3A_51 = tpu.iota {dimensions = array<i32: 1>} : vector<5000x64xi32>
    %get3A_52 = arith.constant 0 : index
    %get3A_53 = arith.constant 0 : index
    %get3A_54 = vector.load %arg4[%get3A_52, %get3A_53] : memref<5000x1xi32, #tpu.memory_space<vmem>>, vector<5000x1xi32>
    %eq3A_55 = vector.broadcast %get3A_54 : vector<5000x1xi32> to vector<5000x64xi32>
    %eq3A_56 = arith.cmpi eq, %eq3A_55, %iota3A_51 : vector<5000x64xi32>
    %convert_element_type3A = arith.extui %eq3A_56 : vector<5000x64xi1> to vector<5000x64xi32>
    %convert_element_type3A_57 = arith.sitofp %convert_element_type3A : vector<5000x64xi32> to vector<5000x64xf32>
    %get3A_58 = arith.constant 0 : index
    %get3A_59 = arith.constant 0 : index
    %get3A_60 = vector.load %arg5[%get3A_58, %get3A_59] : memref<5000x1xi32, #tpu.memory_space<vmem>>, vector<5000x1xi32>
    %eq3A_61 = vector.broadcast %get3A_60 : vector<5000x1xi32> to vector<5000x64xi32>
    %eq3A_62 = arith.cmpi eq, %eq3A_61, %iota3A_51 : vector<5000x64xi32>
    %convert_element_type3A_63 = arith.extui %eq3A_62 : vector<5000x64xi1> to vector<5000x64xi32>
    %convert_element_type3A_64 = arith.sitofp %convert_element_type3A_63 : vector<5000x64xi32> to vector<5000x64xf32>
    %slice3A_65 = vector.extract_strided_slice %max3A_50 {offsets = [0, 0], sizes = [5000, 64], strides = [1, 1]} : vector<5000x128xf32> to vector<5000x64xf32>
    %dot_general3A_66 = arith.constant dense<0.000000e+00> : vector<64x64xf32>
    %dot_general3A_67 = tpu.matmul %convert_element_type3A_57, %slice3A_65, %dot_general3A_66 {dimension_numbers = #tpu.dot_dimension_numbers<[0], [0], [1], [1], [0, 1, 1, 1], [], []>, transpose_lhs_hint = false} : vector<5000x64xf32>, vector<5000x64xf32>, vector<64x64xf32> -> vector<64x64xf32>
    %slice3A_68 = vector.extract_strided_slice %max3A_50 {offsets = [0, 64], sizes = [5000, 64], strides = [1, 1]} : vector<5000x128xf32> to vector<5000x64xf32>
    %dot_general3A_69 = arith.constant dense<0.000000e+00> : vector<64x64xf32>
    %dot_general3A_70 = tpu.matmul %convert_element_type3A_64, %slice3A_68, %dot_general3A_69 {dimension_numbers = #tpu.dot_dimension_numbers<[0], [0], [1], [1], [0, 1, 1, 1], [], []>, transpose_lhs_hint = false} : vector<5000x64xf32>, vector<5000x64xf32>, vector<64x64xf32> -> vector<64x64xf32>
    %add3A_71 = arith.addf %dot_general3A_67, %dot_general3A_70 : vector<64x64xf32>
    %add3A_72 = arith.addf %convert_element_type3A_57, %convert_element_type3A_64 : vector<5000x64xf32>
    %broadcast_in_dim3A_73 = arith.constant 1.000000e+00 : f32
    %broadcast_in_dim3A_74 = vector.broadcast %broadcast_in_dim3A_73 : f32 to vector<5000x1xf32>
    %dot_general3A_75 = arith.constant dense<0.000000e+00> : vector<64x1xf32>
    %dot_general3A_76 = tpu.matmul %add3A_72, %broadcast_in_dim3A_74, %dot_general3A_75 {dimension_numbers = #tpu.dot_dimension_numbers<[0], [0], [1], [1], [0, 1, 1, 1], [], []>, transpose_lhs_hint = false} : vector<5000x64xf32>, vector<5000x1xf32>, vector<64x1xf32> -> vector<64x1xf32>
    %max3A_77 = arith.constant 1.000000e+00 : f32
    %max3A_78 = vector.broadcast %max3A_77 : f32 to vector<64x1xf32>
    %max3A_79 = arith.maximumf %dot_general3A_76, %max3A_78 : vector<64x1xf32>
    %div3A_80 = vector.broadcast %max3A_79 : vector<64x1xf32> to vector<64x64xf32>
    %div3A_81 = arith.divf %add3A_71, %div3A_80 : vector<64x64xf32>
    %get3A_82 = arith.constant 0 : index
    %get3A_83 = arith.constant 0 : index
    %get3A_84 = vector.load %arg6[%get3A_82, %get3A_83] : memref<64x64xf32, #tpu.memory_space<vmem>>, vector<64x64xf32>
    %dot_general3A_85 = arith.constant dense<0.000000e+00> : vector<64x64xf32>
    %dot_general3A_86 = tpu.matmul %div3A_81, %get3A_84, %dot_general3A_85 {dimension_numbers = #tpu.dot_dimension_numbers<[1], [0], [0], [1], [0, 0, 1, 1], [], []>, transpose_lhs_hint = false} : vector<64x64xf32>, vector<64x64xf32>, vector<64x64xf32> -> vector<64x64xf32>
    %get3A_87 = arith.constant 0 : index
    %get3A_88 = arith.constant 0 : index
    %get3A_89 = vector.load %arg7[%get3A_87, %get3A_88] : memref<1x64xf32, #tpu.memory_space<vmem>>, vector<1x64xf32>
    %add3A_90 = vector.broadcast %get3A_89 : vector<1x64xf32> to vector<64x64xf32>
    %add3A_91 = arith.addf %dot_general3A_86, %add3A_90 : vector<64x64xf32>
    %max3A_92 = arith.constant 0.000000e+00 : f32
    %max3A_93 = vector.broadcast %max3A_92 : f32 to vector<64x64xf32>
    %max3A_94 = arith.maximumf %add3A_91, %max3A_93 : vector<64x64xf32>
    %get3A_95 = arith.constant 0 : index
    %get3A_96 = arith.constant 0 : index
    %get3A_97 = vector.load %arg8[%get3A_95, %get3A_96] : memref<64x1xf32, #tpu.memory_space<vmem>>, vector<64x1xf32>
    %dot_general3A_98 = arith.constant dense<0.000000e+00> : vector<64x1xf32>
    %dot_general3A_99 = tpu.matmul %max3A_94, %get3A_97, %dot_general3A_98 {dimension_numbers = #tpu.dot_dimension_numbers<[1], [0], [0], [1], [0, 0, 1, 1], [], []>, transpose_lhs_hint = false} : vector<64x64xf32>, vector<64x1xf32>, vector<64x1xf32> -> vector<64x1xf32>
    %get3A_100 = arith.constant 0 : index
    %get3A_101 = arith.constant 0 : index
    %get3A_102 = vector.load %arg9[%get3A_100, %get3A_101] : memref<1x1xf32, #tpu.memory_space<vmem>>, vector<1x1xf32>
    %add3A_103 = vector.broadcast %get3A_102 : vector<1x1xf32> to vector<64x1xf32>
    %add3A_104 = arith.addf %dot_general3A_99, %add3A_103 : vector<64x1xf32>
    %neg3A = arith.constant 0.000000e+00 : f32
    %neg3A_105 = vector.broadcast %neg3A : f32 to vector<64x1xf32>
    %neg3A_106 = arith.subf %neg3A_105, %add3A_104 : vector<64x1xf32>
    %exp3A = math.exp %neg3A_106 : vector<64x1xf32>
    %add3A_107 = arith.constant 1.000000e+00 : f32
    %add3A_108 = vector.broadcast %add3A_107 : f32 to vector<64x1xf32>
    %add3A_109 = arith.addf %add3A_108, %exp3A : vector<64x1xf32>
    %div3A_110 = arith.constant 1.000000e+00 : f32
    %div3A_111 = vector.broadcast %div3A_110 : f32 to vector<64x1xf32>
    %div3A_112 = arith.divf %div3A_111, %add3A_109 : vector<64x1xf32>
    %swap3A = arith.constant 0 : index
    %swap3A_113 = arith.constant 0 : index
    %swap3A_114 = vector.load %arg10[%swap3A, %swap3A_113] : memref<64x1xf32, #tpu.memory_space<vmem>>, vector<64x1xf32>
    tpu.vector_store %arg10[%swap3A, %swap3A_113], %div3A_112 {strides = array<i32>} : memref<64x1xf32, #tpu.memory_space<vmem>>, vector<64x1xf32>,
    return
  }
}

</mosaic_0001>

<sc_bundles>
// kernel: kernel.11.cloned.1.call-start
scs
__scs_entry_jumppad:
0x0: {  	(pc) =	sbr.rel $0x88, $3  }
0x1: {  	(tag) =	ssettag $0x0;
	lr =	simm.s32 $0x1  }
0x2: {  	[smem:$0x3F96] =	sst lr;
	_ =	strace $0xD0000000  }
0x3: {  	_ = 	snop  }
0x4: {  	_ = 	snop  }
0x5: {  	_ = 	snop  }
0x6: {  	_ = 	snop  }
0x7: {  	_ = 	snop  }
__scs_overlays_trampoline_lowered:
0x8: {  	[smem:$0x3FA5] =	sst s0  }
0x9: {  	[smem:$0x3FA6] =	sst s1  }
0xa: {  	[smem:$0x3FA7] =	sst s2  }
0xb: {  	[smem:$0x3FA8] =	sst s3  }
0xc: {  	[smem:$0x3FA9] =	sst s4  }
0xd: {  	[smem:$0x3FAA] =	sst s5  }
0xe: {  	[smem:$0x3FAB] =	sst s6  }
0xf: {  	[smem:$0x3FAC] =	sst s7  }
0x10: {  	[smem:$0x3FAD] =	sst s8  }
0x11: {  	[smem:$0x3FAE] =	sst s9;
	s0 =	simm.s32 @!p0 $0x0  }
0x12: {  	s1 =	sld [smem:$0x3F94];
	s0 =	simm.s32 @p0 $0x1  }
0x13: {  	[smem:$0x3FAF] =	sst s0;
	s0 =	simm.s32 @!p1 $0x0  }
0x14: {  	s2 =	sld [smem:$0x3F93];
	s0 =	simm.s32 @p1 $0x1  }
0x15: {  	[smem:$0x3FB0] =	sst s0;
	s0 =	simm.s32 @!p2 $0x0  }
0x16: {  	s3 =	sld [smem:$0x3FDB];
	s0 =	simm.s32 @p2 $0x1  }
0x17: {  	s4 =	simm.s32 $0x1BF5;
	[smem:$0x3FB2] =	sst s0  }
0x18: {  	s0 =	sld [smem:$0x3F95];
	_ =	swait.ge [sflag:s4], $0x0  }
0x19: {  	s7 =	sld [smem:$0x3F96]  }
0x1a: {  	s8 =	sadd.s32 $0xFFFFE003, lr  }
0x1b: {  	s9 =	sadd.s32 $0xFFFFFEF7, lr;
	s5 =	simm.s32 $0xFFFFFFFF;
	p2 =	slt.u32 s8, $0xFFFFF086  }
0x1c: {  	p1 =	slt.u32 s9, $0xF7A;
	s5 =	simm.s32 @!p2 $0x0  }
0x1d: {  	s5 =	simm.s32 @p1 $0x1;
	p0 =	seq.s32 s7, s2  }
0x1e: {  	s7 =	smul.u32 @!p0 $0xF7A, s2;
	p2 =	seq.s32 @!p0 s5, $0x0  }
0x1f: {  	s9 =	smul.u32 $0xF7A, s1;
	s8 =	simm.s32 @!p0 $0x1BF5;
	p2 =	por !p2, p0  }
0x20: {  	[sflag:s8] =	ssyncset.s32 @!p0 $0xFFFFF086;
	s6 =	sadd.s32 @!p0 s3, s7;
	s7 =	simm.s32 @!p0 $0x108  }
0x21: {  	s3 =	sadd.s32 s3, s9;
	s6 =	sadd.s32 @!p0 $0x88, s6;
	s7 =	simm.s32 @p2 $0x1082  }
0x22: {  	[simem:s7], [sflag:s8] =	dma.local @!p0 [hbm:s6], $0xF7A  }
0x23: {  	s9 =	sor.u32 $0xD0000000, s2;
	s6 =	simm.s32 $0x108;
	_ =	swait.ge @!p0 [sflag:s8], $0x0  }
0x24: {  	s3 =	sadd.s32 $0x88, s3;
	s6 =	simm.s32 @!p1 $0x1082;
	[sflag:s4] =	ssyncset.s32 $0xFFFFF086  }
0x25: {  	[simem:s6], [sflag:s4] =	dma.local [hbm:s3], $0xF7A  }
0x26: {  	[smem:$0x3F96] =	sst s1;
	(tag) =	ssettag s2;
	_ =	strace s9  }
0x27: {  	s1 =	sld [smem:$0x3FA6]  }
0x28: {  	s2 =	sld [smem:$0x3FA7]  }
0x29: {  	s4 =	sld [smem:$0x3FA9]  }
0x2a: {  	p0 =	seq.s32 s5, $0x0;
	s5 =	sld [smem:$0x3FAA]  }
0x2b: {  	s6 =	sld [smem:$0x3FAB]  }
0x2c: {  	s7 =	sld [smem:$0x3FAC]  }
0x2d: {  	s3 =	simm.s32 $0x108;
	s8 =	sld [smem:$0x3FAD]  }
0x2e: {  	s3 =	simm.s32 @!p0 $0x1082;
	s9 =	sld [smem:$0x3FAE]  }
0x2f: {  	lr =	sadd.s32 s0, s3;
	s0 =	sld [smem:$0x3FA5]  }
0x30: {  	s3 =	sld [smem:$0x3FA8]  }
0x31: {  	[smem:$0x3FB1] =	sst s10  }
0x32: {  	s10 =	sld [smem:$0x3FAF];
	_ =	sdelay $0x3  }
0x33: {  	p0 =	seq.s32 s10, $0x1;
	s10 =	sld [smem:$0x3FB1];
	_ =	sdelay $0x3  }
0x34: {  	[smem:$0x3FB1] =	sst s10  }
0x35: {  	s10 =	sld [smem:$0x3FB0];
	_ =	sdelay $0x3  }
0x36: {  	p1 =	seq.s32 s10, $0x1;
	s10 =	sld [smem:$0x3FB1];
	_ =	sdelay $0x3  }
0x37: {  	[smem:$0x3FB1] =	sst s10  }
0x38: {  	s10 =	sld [smem:$0x3FB2]  }
0x39: {  	_ = 	snop;
	(pc) =	sbr.ind lr, $3  }
0x3a: {  	_ = 	snop  }
0x3b: {  	_ = 	snop  }
0x3c: {  	p2 =	seq.s32 s10, $0x1;
	s10 =	sld [smem:$0x3FB1]  }
0x3d: {  	_ =	shalt  }
0x3e: {  	_ =	shalt  }
0x3f: {  	_ =	shalt  }
0x40: {  	_ =	shalt  }
0x41: {  	_ =	shalt  }
0x42: {  	_ =	shalt  }
0x43: {  	_ =	shalt  }
0x44: {  	_ =	shalt  }
0x45: {  	_ =	shalt  }
0x46: {  	_ =	shalt  }
0x47: {  	_ =	shalt  }
0x48: {  	_ =	shalt  }
0x49: {  	_ =	shalt  }
0x4a: {  	_ =	shalt  }
0x4b: {  	_ =	shalt  }
0x4c: {  	_ =	shalt  }
0x4d: {  	_ =	shalt  }
0x4e: {  	_ =	shalt  }
0x4f: {  	_ =	shalt  }
0x50: {  	_ =	shalt  }
0x51: {  	_ =	shalt  }
0x52: {  	_ =	shalt  }
0x53: {  	_ =	shalt  }
0x54: {  	_ =	shalt  }
0x55: {  	_ =	shalt  }
0x56: {  	_ =	shalt  }
0x57: {  	_ =	shalt  }
0x58: {  	_ =	shalt  }
0x59: {  	_ =	shalt  }
0x5a: {  	_ =	shalt  }
0x5b: {  	_ =	shalt  }
0x5c: {  	_ =	shalt  }
0x5d: {  	_ =	shalt  }
0x5e: {  	_ =	shalt  }
0x5f: {  	_ =	shalt  }
0x60: {  	_ =	shalt  }
0x61: {  	_ =	shalt  }
0x62: {  	_ =	shalt  }
0x63: {  	_ =	shalt  }
0x64: {  	_ =	shalt  }
0x65: {  	_ =	shalt  }
0x66: {  	_ =	shalt  }
0x67: {  	_ =	shalt  }
0x68: {  	_ =	shalt  }
0x69: {  	_ =	shalt  }
0x6a: {  	_ =	shalt  }
0x6b: {  	_ =	shalt  }
0x6c: {  	_ =	shalt  }
0x6d: {  	_ =	shalt  }
0x6e: {  	_ =	shalt  }
0x6f: {  	_ =	shalt  }
0x70: {  	_ =	shalt  }
0x71: {  	_ =	shalt  }
0x72: {  	_ =	shalt  }
0x73: {  	_ =	shalt  }
0x74: {  	_ =	shalt  }
0x75: {  	_ =	shalt  }
0x76: {  	_ =	shalt  }
0x77: {  	_ =	shalt  }
0x78: {  	_ =	shalt  }
0x79: {  	_ =	shalt  }
0x7a: {  	_ =	shalt  }
0x7b: {  	_ =	shalt  }
0x7c: {  	_ =	shalt  }
0x7d: {  	_ =	shalt  }
0x7e: {  	_ =	shalt  }
0x7f: {  	_ =	shalt  }
0x80: {  	_ =	shalt  }
0x81: {  	_ =	shalt  }
0x82: {  	_ =	shalt  }
0x83: {  	_ =	shalt  }
0x84: {  	_ =	shalt  }
0x85: {  	_ =	shalt  }
0x86: {  	_ =	shalt  }
0x87: {  	_ =	shalt  }
.Lfunc_end0:
.L_simem_size_0:
called_computation.1_lowered:
.L_overlay_start_0:
0x88: {  	s2 =	sld [smem:$0x3FD9]  }
0x89: {  	s3 =	sld [smem:$0x3FFE];
	_ =	sdelay $0x1  }
0x8a: {  	s1 =	srdreg.scid  }
0x8b: {  	s0 =	sand.u32 $0x1, s1  }
0x8c: {  	s16 =	sshll.u32 s0, $0xA;
	s2 =	sadd.s32 s3, s2  }
0x8d: {  	s2 =	sadd.s32 s2, s16  }
0x8e: {  	[smem:$0x3FBD] =	sst s2  }
0x8f: {  	_ = 	snop  }
0x90: {  	(tm) =	ssettm $0x1  }
0x91: {  	s17 =	sld [smem:$0x3FFB];
	_ =	sdelay $0x3  }
0x92: {  	_ =	strace s17  }
0x93: {  	s2 =	sld [smem:$0x3FFC];
	_ =	sdelay $0x3  }
0x94: {  	_ =	strace s2  }
0x95: {  	s2 =	sld [smem:$0x3FFD];
	_ =	sdelay $0x3  }
0x96: {  	_ =	strace s2  }
0x97: {  	_ =	strace $0x8FFFFFFF  }
0x98: {  	s18 =	sld [smem:$0x3FDB];
	_ =	sdelay $0x1  }
0x99: {  	s19 =	simm.s32 $_scs_section_size  }
0x9a: {  	s4 =	simm.s32 $_size__tile_overlayer_lowered;
	s5 =	simm.s32 $_tile_overlayer_lowered  }
0x9b: {  	s22 =	simm.s32 $0x1BFF;
	s21 =	sshll.u32 s5, $0x1;
	s2 =	sadd.s32 s19, s18  }
0x9c: {  	s6 =	simm.s32 $0x0;
	s20 =	sshll.u32 s4, $0x1;
	s4 =	sadd.s32 s21, s2  }
0x9d: {  	[timem:s6], [sflag:s22] =	dma.local [hbm:s4], s20  }
0x9e: {  	_ =	swait.ge [sflag:s22], s20  }
0x9f: {  	s3 =	ssub.s32 $0x0, s20;
	[sflag:s22] =	ssyncset.done $0x0  }
0xa0: {  	[sflag:s22] =	ssyncadd.s32 s3;
	_ =	sdelay $0x1  }
0xa1: {  	s23 =	simm.s32 $0x1B8B  }
0xa2: {  	_ =	swait.ge [sflag:s23], $0x1  }
0xa3: {  	[sflag:s23] =	ssyncset.done $0x0  }
0xa4: {  	s25 =	simm.s32 $0x1B8E;
	s24 =	sld [smem:$0x3FFE];
	[sflag:s23] =	ssyncadd.s32 $0xFFFFFFFF  }
0xa5: {  	s26 =	simm.s32 $execute0_lowered;
	[smem:$0x3FD2] =	sst s25  }
0xa6: {  	s4 =	sshll.u32 s26, $0x1;
	_ =	strace $0x80000049;
	[dreg:$0x1] =	wrdreg $0xFFFFFFFF  }
0xa7: {  	s28 =	simm.s32 $_size_execute0_lowered;
	s2 =	sadd.s32 s2, s4;
	[dreg:$0x0] =	wrdreg $0x0  }
0xa8: {  	s4 =	sshll.u32 s28, $0x1;
	[dreg:$0x2] =	wrdreg s2  }
0xa9: {  	[dreg:$0x3] =	wrdreg s4  }
0xaa: {  	[dreg:$0x4] =	wrdreg $0xC0  }
0xab: {  	_ =	task [dreg:s6], $0x5FFFF  }
0xac: {  	[dreg:$0x1] =	wrdreg $0xFFFFFFFF  }
0xad: {  	[dreg:$0x0] =	wrdreg $0x60  }
0xae: {  	[dreg:$0x2] =	wrdreg s24  }
0xaf: {  	[dreg:$0x3] =	wrdreg $0x0  }
0xb0: {  	[dreg:$0x4] =	wrdreg $0x50000  }
0xb1: {  	[dreg:$0x5] =	wrdreg $0x9  }
0xb2: {  	_ =	task.clear_ibuf [dreg:s6], $0x6FFFF;
	_ =	strace $0x90000049  }
0xb3: {  	s29 =	simm.s32 $0x9;
	_ =	strace $0x8000004B  }
0xb4: {  	_ =	swait.ge [sflag:s29], $0x1  }
0xb5: {  	[sflag:s29] =	ssyncadd.s32 $0xFFFFFFFF  }
0xb6: {  	_ =	strace $0x9000004B  }
0xb7: {  	_ =	sfence  }
0xb8: {  	s30 =	sld [smem:$0x0];
	_ =	sdelay $0x2  }
0xb9: {  	s31 =	sshll.u32 s1, $0xD;
	s1 =	sshrl.u32 s1, $0x2  }
0xba: {  	s3 =	sand.u32 $0x4000, s31;
	s1 =	sadd.s32 s1, s30  }
0xbb: {  	s0 =	sor.u32 s3, s0;
	s1 =	sshll.u32 s1, $0x11  }
0xbc: {  	s0 =	sor.u32 s1, s0  }
0xbd: {  	s0 =	sadd.s32 $0x8F2B, s0  }
0xbe: {  	[sflag:s0] =	ssyncadd.remote.s32 $0x1  }
0xbf: {  	_ =	sfence.sel $0xFFFF  }
0xc0: {  	[dreg:$0x0] =	wrdreg $0xFFFFFFFF;
	(pc) =	sbr.abs _section_cstart, $3  }
0xc1: {  	[dreg:$0x1] =	wrdreg $0xFFFFFFFF  }
0xc2: {  	_ =	task.clear_ibuf [dreg:s6], $0x2FFFF;
	_ =	strace $0x9FFFFFFF  }
0xc3: {  	(tm) =	ssettm $0x7FFFFFFF  }
tec
execute0_lowered:
.L_overlay_start_1:
0x0: {  	(tag) =	ssettag $0x1  }
0x1: {  	s0 =	rddreg [dreg:$0x0]  }
0x2: {  	s2 =	rddreg [dreg:$0x1]  }
0x3: {  	s3 =	rddreg [dreg:$0x2]  }
0x4: {  	s1 =	srdreg.scid;
	s7 =	stileid.u32  }
0x5: {  	s5 =	simm.s32 $0x0;
	s21 =	simm.s32 $0xB800;
	s4 =	smul.u32 $0xA000, s7  }
0x6: {  	s20 =	simm.s32 $0x0;
	s1 =	sand.u32 $0x1, s1;
	s23 =	smul.u32 $0x14000, s7  }
0x7: {  	[smem:$0x7FF] =	sst s5;
	s8 =	sadd.s32 $0x17E00, s0;
	s24 =	smul.u32 $0xA00, s7  }
0x8: {  	s14 =	sadd.s32 $0xD400, s0;
	s12 =	smul.u32 $0x5000, s7;
	s22 =	sshll.u32 s1, $0x5  }
0x9: {  	_ =	strace $0x8000004A;
	s1 =	ssub.s32 $0x2, s1;
	s4 =	sor.u32 s22, s4  }
0xa: {  	s6 =	sshrl.u32 s1, $0x1;
	s25 =	sshrl.u32 s23, $0x2;
	s5 =	sadd.s32 s8, s24  }
0xb: {  	s7 =	sadd.s32 s12, s2;
	s17 =	sadd.s32 s12, s3;
	s22 =	simm.s32 $0x4  }
0xc: {  	s4 =	sshrl.u32 s4, $0x3;
	s1 =	ssub.s32 s1, s6;
	s11 =	sadd.s32 s25, s2  }
0xd: {  	s6 =	sadd.s32 s14, s24;
	s31 =	sadd.s32 $0x100, s5;
	s23 =	sshrl.u32 s17, $0x3  }
0xe: {  	s25 =	simm.s32 $0x8;
	s0 =	sadd.s32 s4, s0;
	s9 =	sadd.s32 $0x1000, s11  }
0xf: {  	s26 =	sadd.s32 $0x2000, s11;
	s28 =	sadd.s32 $0x3000, s11;
	[dreg:$0x4] =	wrdreg s9  }
0x10: {  	s29 =	sadd.s32 $0x4000, s11;
	s4 =	sor.u32 $0x80, s24;
	[dreg:$0x5] =	wrdreg s26  }
.Ltmp0:
0x11: {  	s16 =	smax.u32 s1, $0x1;
	[dreg:$0x6] =	wrdreg s28;
	(pc) =	sbr.rel .LBB2_1-.Ltmp0, $4  }
0x12: {  	s24 =	simm.s32 $0x1;
	s1 =	simm.s32 $0x2;
	[dreg:$0x7] =	wrdreg s29  }
0x13: {  	s30 =	sadd.s32 $0x21E00, s0;
	s13 =	sadd.s32 s8, s4;
	s14 =	sadd.s32 s14, s4  }
0x14: {  	s15 =	sadd.s32 $0x35E00, s0;
	s4 =	sadd.s32 $0x100, s6;
	s9 =	simm.s32 $0xA000  }
0x15: {  	v0 =	vimm.f32 $0.0e+00;
	s26 =	simm.s32 $0x80;
	s0 =	simm.s32 $0x3;
	[dreg:$0x8] =	wrdreg s30  }
.LBB2_7:
0x16: {  	_ =	swait.ge [sflag:s0], $0x1000  }
0x17: {  	[sflag:s0] =	ssyncset.done $0x0  }
0x18: {  	[sflag:s0] =	ssyncadd.s32 $0xFFFFF000  }
0x19: {  	_ =	swait.ge [sflag:s0], $0x1000  }
0x1a: {  	[sflag:s0] =	ssyncset.done $0x0  }
0x1b: {  	[sflag:s0] =	ssyncadd.s32 $0xFFFFF000  }
0x1c: {  	_ =	swait.ge [sflag:s0], $0x1000  }
0x1d: {  	[sflag:s0] =	ssyncset.done $0x0  }
0x1e: {  	[sflag:s0] =	ssyncadd.s32 $0xFFFFF000  }
0x1f: {  	_ =	swait.ge [sflag:s0], $0x1000  }
0x20: {  	[sflag:s0] =	ssyncset.done $0x0  }
0x21: {  	[sflag:s0] =	ssyncadd.s32 $0xFFFFF000  }
0x22: {  	_ =	swait.ge [sflag:s0], $0x1000  }
0x23: {  	[sflag:s0] =	ssyncset.done $0x0  }
0x24: {  	[sflag:s0] =	ssyncadd.s32 $0xFFFFF000  }
0x25: {  	_ =	swait.ge [sflag:s0], $0x1000  }
0x26: {  	[sflag:s0] =	ssyncset.done $0x0  }
0x27: {  	[sflag:s0] =	ssyncadd.s32 $0xFFFFF000  }
0x28: {  	_ =	swait.ge [sflag:s0], $0x1000  }
0x29: {  	[sflag:s0] =	ssyncset.done $0x0  }
0x2a: {  	[sflag:s0] =	ssyncadd.s32 $0xFFFFF000  }
0x2b: {  	_ =	swait.ge [sflag:s0], $0x1000  }
0x2c: {  	s20 =	sadd.s32 $0x1, s20;
	[sflag:s0] =	ssyncset.done $0x0  }
0x2d: {  	p0 =	sne.s32 s20, s16;
	[sflag:s0] =	ssyncadd.s32 $0xFFFFF000  }
.Ltmp1:
0x2e: {  	s8 =	sshrl.u32 s7, $0x3;
	[bflag:$0x0] =	sbarrier.arrive $0xFFFF;
	(pc) =	sbr.rel @!p0 .LBB2_8-.Ltmp1, $4  }
0x2f: {  	[hbm:s15@s25], [sflag:s28] =	dma.strided [spmem:s8@s22], $0xA00, s24, $0x4   }
0x30: {  	_ =	swait.ge [sflag:s22], $0xA00  }
0x31: {  	[sflag:s22] =	ssyncset.done $0x0  }
0x32: {  	s9 =	simm.s32 $0xA000;
	[sflag:s22] =	ssyncadd.s32 $0xFFFFF600  }
.LBB2_1:
0x33: {  	s8 =	simm.s32 $0x0  }
0x34: {  	[tilespmem:s9], [sflag:$0x1] =	stream.linear.gather [hbm4b:s5+s8], $0x400, $0x38;
	[tilespmem:$0x1B800] =	vst v63  }
0x35: {  	s10 =	simm.s32 $0xAC00  }
0x36: {  	[tilespmem:s10], [sflag:$0x1] =	stream.linear.gather [hbm4b:s6+s8], $0x400, $0x38;
	[tilespmem:$0x1B800] =	vst v63  }
0x37: {  	s17 =	simm.s32 $0x0;
	s8 =	simm.s32 $0x800  }
.LBB2_2:
0x38: {  	p0 =	sne.s32 s8, $0x3800;
	[tilespmem:s17+$0xB9F0] =	vst v0  }
0x39: {  	[tilespmem:s17+$0xB800] =	vst v0  }
0x3a: {  	[tilespmem:s17+$0xB810] =	vst v0  }
0x3b: {  	[tilespmem:s17+$0xB820] =	vst v0  }
0x3c: {  	[tilespmem:s17+$0xB830] =	vst v0  }
0x3d: {  	[tilespmem:s17+$0xB840] =	vst v0  }
0x3e: {  	[tilespmem:s17+$0xB850] =	vst v0  }
0x3f: {  	[tilespmem:s17+$0xB860] =	vst v0  }
0x40: {  	[tilespmem:s17+$0xB870] =	vst v0  }
0x41: {  	[tilespmem:s17+$0xB880] =	vst v0  }
0x42: {  	[tilespmem:s17+$0xB890] =	vst v0  }
0x43: {  	[tilespmem:s17+$0xB8A0] =	vst v0  }
0x44: {  	[tilespmem:s17+$0xB8B0] =	vst v0  }
0x45: {  	[tilespmem:s17+$0xB8C0] =	vst v0  }
0x46: {  	[tilespmem:s17+$0xB8D0] =	vst v0  }
0x47: {  	[tilespmem:s17+$0xB8E0] =	vst v0  }
0x48: {  	[tilespmem:s17+$0xB8F0] =	vst v0  }
0x49: {  	[tilespmem:s17+$0xB900] =	vst v0  }
0x4a: {  	[tilespmem:s17+$0xB910] =	vst v0  }
0x4b: {  	[tilespmem:s17+$0xB920] =	vst v0  }
0x4c: {  	[tilespmem:s17+$0xB930] =	vst v0  }
0x4d: {  	[tilespmem:s17+$0xB940] =	vst v0  }
0x4e: {  	[tilespmem:s17+$0xB950] =	vst v0  }
0x4f: {  	[tilespmem:s17+$0xB960] =	vst v0  }
0x50: {  	[tilespmem:s17+$0xB970] =	vst v0  }
0x51: {  	[tilespmem:s17+$0xB980] =	vst v0  }
0x52: {  	[tilespmem:s17+$0xB990] =	vst v0  }
.Ltmp2:
0x53: {  	[tilespmem:s17+$0xB9A0] =	vst v0;
	(pc) =	sbr.rel @p0 .LBB2_2-.Ltmp2, $4  }
0x54: {  	[tilespmem:s17+$0xB9B0] =	vst v0  }
0x55: {  	[tilespmem:s17+$0xB9C0] =	vst v0  }
0x56: {  	[tilespmem:s17+$0xB9D0] =	vst v0  }
0x57: {  	[tilespmem:s17+$0xB9E0] =	vst v0;
	s17 =	sshra.s32 s8, $0x2;
	s8 =	sadd.s32 $0x800, s8  }
0x58: {  	[tilespmem:s17+$0xB9F0] =	vst v0  }
0x59: {  	[tilespmem:s17+$0xB800] =	vst v0  }
0x5a: {  	[tilespmem:s17+$0xB810] =	vst v0  }
0x5b: {  	[tilespmem:s17+$0xB820] =	vst v0  }
0x5c: {  	[tilespmem:s17+$0xB830] =	vst v0  }
0x5d: {  	[tilespmem:s17+$0xB840] =	vst v0  }
0x5e: {  	[tilespmem:s17+$0xB850] =	vst v0  }
0x5f: {  	[tilespmem:s17+$0xB860] =	vst v0  }
0x60: {  	[tilespmem:s17+$0xB870] =	vst v0  }
0x61: {  	[tilespmem:s17+$0xB880] =	vst v0  }
0x62: {  	[tilespmem:s17+$0xB890] =	vst v0  }
0x63: {  	[tilespmem:s17+$0xB8A0] =	vst v0  }
0x64: {  	[tilespmem:s17+$0xB8B0] =	vst v0  }
0x65: {  	[tilespmem:s17+$0xB8C0] =	vst v0  }
0x66: {  	[tilespmem:s17+$0xB8D0] =	vst v0  }
0x67: {  	[tilespmem:s17+$0xB8E0] =	vst v0  }
0x68: {  	[tilespmem:s17+$0xB8F0] =	vst v0  }
0x69: {  	[tilespmem:s17+$0xB900] =	vst v0  }
0x6a: {  	[tilespmem:s17+$0xB910] =	vst v0  }
0x6b: {  	[tilespmem:s17+$0xB920] =	vst v0  }
0x6c: {  	[tilespmem:s17+$0xB930] =	vst v0  }
0x6d: {  	[tilespmem:s17+$0xB940] =	vst v0  }
0x6e: {  	[tilespmem:s17+$0xB950] =	vst v0  }
0x6f: {  	[tilespmem:s17+$0xB960] =	vst v0  }
0x70: {  	[tilespmem:s17+$0xB970] =	vst v0  }
0x71: {  	[tilespmem:s17+$0xB980] =	vst v0  }
0x72: {  	[tilespmem:s17+$0xB990] =	vst v0  }
0x73: {  	[tilespmem:s17+$0xB9A0] =	vst v0  }
0x74: {  	[tilespmem:s17+$0xB9B0] =	vst v0  }
0x75: {  	[tilespmem:s17+$0xB9C0] =	vst v0  }
0x76: {  	[tilespmem:s17+$0xB9D0] =	vst v0  }
0x77: {  	[tilespmem:s17+$0xB9E0] =	vst v0  }
0x78: {  	[spmem:s7] =	stream.linear.scatter [tilespmem:s21], [sflag:$0x4], $0x1000, $0x38;
	[tilespmem:$0x1B800] =	vst v63  }
0x79: {  	_ =	swait.ge [sflag:s22], $0x1000  }
0x7a: {  	[sflag:s22] =	ssyncset.done $0x0  }
0x7b: {  	s8 =	rddreg [dreg:$0x4];
	[sflag:s22] =	ssyncadd.s32 $0xFFFFF000  }
0x7c: {  	[spmem:s8] =	stream.linear.scatter [tilespmem:s21], [sflag:$0x4], $0x1000, $0x38;
	[tilespmem:$0x1B800] =	vst v63  }
0x7d: {  	_ =	swait.ge [sflag:s22], $0x1000  }
0x7e: {  	[sflag:s22] =	ssyncset.done $0x0  }
0x7f: {  	s17 =	rddreg [dreg:$0x5];
	[sflag:s22] =	ssyncadd.s32 $0xFFFFF000  }
0x80: {  	[spmem:s17] =	stream.linear.scatter [tilespmem:s21], [sflag:$0x4], $0x1000, $0x38;
	[tilespmem:$0x1B800] =	vst v63  }
0x81: {  	_ =	swait.ge [sflag:s22], $0x1000  }
0x82: {  	[sflag:s22] =	ssyncset.done $0x0  }
0x83: {  	s18 =	rddreg [dreg:$0x6];
	[sflag:s22] =	ssyncadd.s32 $0xFFFFF000  }
0x84: {  	[spmem:s18] =	stream.linear.scatter [tilespmem:s21], [sflag:$0x4], $0x1000, $0x38;
	[tilespmem:$0x1B800] =	vst v63  }
0x85: {  	_ =	swait.ge [sflag:s22], $0x1000  }
0x86: {  	[sflag:s22] =	ssyncset.done $0x0  }
0x87: {  	s19 =	rddreg [dreg:$0x7];
	[sflag:s22] =	ssyncadd.s32 $0xFFFFF000  }
0x88: {  	[spmem:s19] =	stream.linear.scatter [tilespmem:s21], [sflag:$0x4], $0x1000, $0x38;
	[tilespmem:$0x1B800] =	vst v63  }
0x89: {  	s10 =	stileid.u32;
	_ =	swait.ge [sflag:s22], $0x1000  }
0x8a: {  	s8 =	sshll.u32 s10, $0x6;
	[sflag:s22] =	ssyncset.done $0x0  }
0x8b: {  	s28 =	sor.u32 $0x1C04, s8;
	s11 =	rddreg [dreg:$0x8];
	[sflag:s22] =	ssyncadd.s32 $0xFFFFF000  }
0x8c: {  	[spmem:s23@s22], [sflag:s28] =	dma.strided [hbm:s11@s25], $0xA00, s24, $0x4   }
0x8d: {  	_ =	swait.ge [sflag:s22], $0xA00  }
0x8e: {  	[sflag:s22] =	ssyncset.done $0x0  }
0x8f: {  	[sflag:s22] =	ssyncadd.s32 $0xFFFFF600  }
0x90: {  	[bflag:$0x0] =	sbarrier.arrive $0xFFFF  }
0x91: {  	_ =	swait.ge [sflag:s24], $0x400  }
0x92: {  	[sflag:s24] =	ssyncset.done $0x0  }
0x93: {  	[sflag:s24] =	ssyncadd.s32 $0xFFFFFC00  }
0x94: {  	_ =	swait.ge [sflag:s24], $0x400  }
0x95: {  	[sflag:s24] =	ssyncset.done $0x0  }
0x96: {  	[sflag:s24] =	ssyncadd.s32 $0xFFFFFC00  }
0x97: {  	[tilespmem:s21], [sflag:$0x2] =	stream.indirect.gather [spmem:s3], $0x20, s9, s26, $0xb8;
	[tilespmem:$0x1B800] =	vst v63  }
0x98: {  	s12 =	simm.s32 $0xA080;
	s17 =	simm.s32 $0xC800  }
0x99: {  	[tilespmem:s17], [sflag:$0x2] =	stream.indirect.gather [spmem:s3], $0x20, s12, s26, $0xb8;
	[tilespmem:$0x1B800] =	vst v63  }
0x9a: {  	s18 =	simm.s32 $0xA100;
	s19 =	simm.s32 $0xD800  }
0x9b: {  	[tilespmem:s19], [sflag:$0x2] =	stream.indirect.gather [spmem:s3], $0x20, s18, s26, $0xb8;
	[tilespmem:$0x1B800] =	vst v63  }
0x9c: {  	s10 =	simm.s32 $0xA180;
	s11 =	simm.s32 $0xE800  }
0x9d: {  	[tilespmem:s11], [sflag:$0x2] =	stream.indirect.gather [spmem:s3], $0x20, s10, s26, $0xb8;
	[tilespmem:$0x1B800] =	vst v63  }
0x9e: {  	s12 =	simm.s32 $0xA200;
	s17 =	simm.s32 $0xF800  }
0x9f: {  	[tilespmem:s17], [sflag:$0x2] =	stream.indirect.gather [spmem:s3], $0x20, s12, s26, $0xb8;
	[tilespmem:$0x1B800] =	vst v63  }
0xa0: {  	s18 =	simm.s32 $0xA280;
	s19 =	simm.s32 $0x10800  }
0xa1: {  	[tilespmem:s19], [sflag:$0x2] =	stream.indirect.gather [spmem:s3], $0x20, s18, s26, $0xb8;
	[tilespmem:$0x1B800] =	vst v63  }
0xa2: {  	s10 =	simm.s32 $0xA300;
	s11 =	simm.s32 $0x11800  }
0xa3: {  	[tilespmem:s11], [sflag:$0x2] =	stream.indirect.gather [spmem:s3], $0x20, s10, s26, $0xb8;
	[tilespmem:$0x1B800] =	vst v63  }
0xa4: {  	s12 =	simm.s32 $0xA380;
	s17 =	simm.s32 $0x12800  }
0xa5: {  	[tilespmem:s17], [sflag:$0x2] =	stream.indirect.gather [spmem:s3], $0x20, s12, s26, $0xb8;
	[tilespmem:$0x1B800] =	vst v63  }
.Ltmp3:
0xa6: {  	_ = 	snop;
	(pc) =	sbr.rel .LBB2_4-.Ltmp3, $4  }
0xa7: {  	s29 =	simm.s32 $0x0;
	s30 =	simm.s32 $0x2;
	s18 =	simm.s32 $0xA400  }
0xa8: {  	[tilespmem:s18], [sflag:$0x1] =	stream.linear.gather [hbm4b:s13+s29], $0x400, $0x38;
	[tilespmem:$0x1B800] =	vst v63  }
0xa9: {  	s19 =	simm.s32 $0xB000;
	s17 =	smov.u32 s4;
	s18 =	smov.u32 s31  }
0xaa: {  	[tilespmem:s19], [sflag:$0x1] =	stream.linear.gather [hbm4b:s14+s29], $0x400, $0x38;
	[tilespmem:$0x1B800] =	vst v63  }
.LBB2_6:
0xab: {  	_ =	swait.ge [sflag:s1], $0x1000  }
0xac: {  	[sflag:s1] =	ssyncset.done $0x0  }
0xad: {  	[sflag:s1] =	ssyncadd.s32 $0xFFFFF000  }
0xae: {  	_ =	swait.ge [sflag:s1], $0x1000  }
0xaf: {  	[sflag:s1] =	ssyncset.done $0x0  }
0xb0: {  	[sflag:s1] =	ssyncadd.s32 $0xFFFFF000  }
0xb1: {  	_ =	swait.ge [sflag:s1], $0x1000  }
0xb2: {  	[sflag:s1] =	ssyncset.done $0x0  }
0xb3: {  	[sflag:s1] =	ssyncadd.s32 $0xFFFFF000  }
0xb4: {  	_ =	swait.ge [sflag:s1], $0x1000  }
0xb5: {  	[sflag:s1] =	ssyncset.done $0x0  }
0xb6: {  	[sflag:s1] =	ssyncadd.s32 $0xFFFFF000  }
0xb7: {  	_ =	swait.ge [sflag:s1], $0x1000  }
0xb8: {  	[sflag:s1] =	ssyncset.done $0x0  }
0xb9: {  	s9 =	smul.u32 $0xAB, s8;
	[sflag:s1] =	ssyncadd.s32 $0xFFFFF000  }
0xba: {  	_ =	swait.ge [sflag:s1], $0x1000  }
0xbb: {  	s9 =	sshrl.u32 s9, $0x9;
	[sflag:s1] =	ssyncset.done $0x0  }
0xbc: {  	s9 =	sand.u32 $0x7F, s9;
	[sflag:s1] =	ssyncadd.s32 $0xFFFFF000  }
0xbd: {  	s9 =	smul.u32 $0x3, s9;
	_ =	swait.ge [sflag:s1], $0x1000  }
0xbe: {  	[sflag:s1] =	ssyncset.done $0x0  }
0xbf: {  	s10 =	ssub.s32 s8, s9;
	[sflag:s1] =	ssyncadd.s32 $0xFFFFF000  }
0xc0: {  	s11 =	sshrl.u32 s29, $0x2;
	s8 =	sand.u32 $0xFF, s10;
	_ =	swait.ge [sflag:s1], $0x1000  }
0xc1: {  	s9 =	sand.u32 $0x8000, s11;
	s8 =	sshll.u32 s8, $0xA;
	[sflag:s1] =	ssyncset.done $0x0  }
0xc2: {  	s10 =	sadd.s32 $0xB800, s9;
	s11 =	sadd.s32 $0xAC00, s8;
	[sflag:s1] =	ssyncadd.s32 $0xFFFFF000  }
0xc3: {  	[spmem:s2] =	stream.indirect.scatter.add.f32 [tilespmem:s10], [sflag:$0x3], $0x20, s11, s26, $0xb8;
	[tilespmem:$0x1B800] =	vst v63  }
0xc4: {  	s12 =	sadd.s32 $0xC800, s9;
	s19 =	sadd.s32 $0xAC80, s8  }
0xc5: {  	[spmem:s2] =	stream.indirect.scatter.add.f32 [tilespmem:s12], [sflag:$0x3], $0x20, s19, s26, $0xb8;
	[tilespmem:$0x1B800] =	vst v63  }
0xc6: {  	s12 =	sadd.s32 $0xD800, s9;
	s19 =	sadd.s32 $0xAD00, s8  }
0xc7: {  	[spmem:s2] =	stream.indirect.scatter.add.f32 [tilespmem:s12], [sflag:$0x3], $0x20, s19, s26, $0xb8;
	[tilespmem:$0x1B800] =	vst v63  }
0xc8: {  	s12 =	sadd.s32 $0xE800, s9;
	s19 =	sadd.s32 $0xAD80, s8  }
0xc9: {  	[spmem:s2] =	stream.indirect.scatter.add.f32 [tilespmem:s12], [sflag:$0x3], $0x20, s19, s26, $0xb8;
	[tilespmem:$0x1B800] =	vst v63  }
0xca: {  	s30 =	sadd.s32 $0x1, s30;
	s12 =	sadd.s32 $0xF800, s9;
	s19 =	sadd.s32 $0xAE00, s8  }
0xcb: {  	[spmem:s2] =	stream.indirect.scatter.add.f32 [tilespmem:s12], [sflag:$0x3], $0x20, s19, s26, $0xb8;
	[tilespmem:$0x1B800] =	vst v63  }
0xcc: {  	p0 =	sne.s32 s30, $0x16;
	s12 =	sor.u32 $0x10800, s9;
	s19 =	sadd.s32 $0xAE80, s8  }
0xcd: {  	[spmem:s2] =	stream.indirect.scatter.add.f32 [tilespmem:s12], [sflag:$0x3], $0x20, s19, s26, $0xb8;
	[tilespmem:$0x1B800] =	vst v63  }
.Ltmp4:
0xce: {  	s17 =	sadd.s32 $0x80, s17;
	(pc) =	sbr.rel @!p0 .LBB2_7-.Ltmp4, $4  }
0xcf: {  	s18 =	sadd.s32 $0x80, s18;
	s12 =	sor.u32 $0x11800, s9;
	s19 =	sadd.s32 $0xAF00, s8  }
0xd0: {  	[spmem:s2] =	stream.indirect.scatter.add.f32 [tilespmem:s12], [sflag:$0x3], $0x20, s19, s26, $0xb8;
	[tilespmem:$0x1B800] =	vst v63  }
0xd1: {  	s29 =	sadd.s32 $0x20000, s29;
	s9 =	sor.u32 $0x12800, s9;
	s8 =	sadd.s32 $0xAF80, s8  }
0xd2: {  	[spmem:s2] =	stream.indirect.scatter.add.f32 [tilespmem:s9], [sflag:$0x3], $0x20, s8, s26, $0xb8;
	[tilespmem:$0x1B800] =	vst v63  }
.LBB2_4:
0xd3: {  	p0 =	seq.s32 s30, $0x2  }
0xd4: {  	s9 =	simm.s32 @!p0 $0x3  }
0xd5: {  	_ =	swait.ge @!p0 [sflag:s9], $0x1000  }
0xd6: {  	[sflag:s9] =	ssyncset.done @!p0 $0x0  }
0xd7: {  	[sflag:s9] =	ssyncadd.s32 @!p0 $0xFFFFF000  }
0xd8: {  	_ =	swait.ge @!p0 [sflag:s9], $0x1000  }
0xd9: {  	[sflag:s9] =	ssyncset.done @!p0 $0x0  }
0xda: {  	[sflag:s9] =	ssyncadd.s32 @!p0 $0xFFFFF000  }
0xdb: {  	_ =	swait.ge @!p0 [sflag:s9], $0x1000  }
0xdc: {  	[sflag:s9] =	ssyncset.done @!p0 $0x0  }
0xdd: {  	[sflag:s9] =	ssyncadd.s32 @!p0 $0xFFFFF000  }
0xde: {  	_ =	swait.ge @!p0 [sflag:s9], $0x1000  }
0xdf: {  	[sflag:s9] =	ssyncset.done @!p0 $0x0  }
0xe0: {  	[sflag:s9] =	ssyncadd.s32 @!p0 $0xFFFFF000  }
0xe1: {  	_ =	swait.ge @!p0 [sflag:s9], $0x1000  }
0xe2: {  	[sflag:s9] =	ssyncset.done @!p0 $0x0  }
0xe3: {  	[sflag:s9] =	ssyncadd.s32 @!p0 $0xFFFFF000  }
0xe4: {  	_ =	swait.ge @!p0 [sflag:s9], $0x1000  }
0xe5: {  	[sflag:s9] =	ssyncset.done @!p0 $0x0  }
0xe6: {  	p1 =	seq.s32 @!p0 s30, $0x15;
	[sflag:s9] =	ssyncadd.s32 @!p0 $0xFFFFF000  }
0xe7: {  	p1 =	por p0, !p1;
	_ =	swait.ge @!p0 [sflag:s9], $0x1000  }
.Ltmp5:
0xe8: {  	[sflag:s9] =	ssyncset.done @!p0 $0x0;
	(pc) =	sbr.rel @!p1 .LBB2_6-.Ltmp5, $4  }
0xe9: {  	[sflag:s9] =	ssyncadd.s32 @!p0 $0xFFFFF000  }
0xea: {  	_ =	swait.ge @!p0 [sflag:s9], $0x1000  }
0xeb: {  	[sflag:s9] =	ssyncset.done @!p0 $0x0  }
0xec: {  	s8 =	sadd.s32 $0xFFFFFFFE, s30;
	[sflag:s9] =	ssyncadd.s32 @!p0 $0xFFFFF000  }
0xed: {  	s9 =	sadd.s32 $0xFFFFFFFF, s30  }
0xee: {  	s10 =	smul.u32 $0xAB, s9;
	_ =	sdelay $0x1  }
0xef: {  	s10 =	sshrl.u32 s10, $0x9  }
0xf0: {  	s10 =	sand.u32 $0x7F, s10  }
0xf1: {  	_ =	swait.ge [sflag:s24], $0x400;
	s10 =	smul.u32 $0x3, s10  }
0xf2: {  	[sflag:s24] =	ssyncset.done $0x0  }
0xf3: {  	s11 =	sxor.u32 $0xFFFFFFFF, s29;
	[sflag:s24] =	ssyncadd.s32 $0xFFFFFC00;
	s9 =	ssub.s32 s9, s10  }
0xf4: {  	_ =	swait.ge [sflag:s24], $0x400;
	s10 =	sand.u32 $0x20000, s11;
	s9 =	sand.u32 $0xFF, s9  }
0xf5: {  	[sflag:s24] =	ssyncset.done $0x0;
	s10 =	sshrl.u32 s10, $0x2;
	s9 =	sshll.u32 s9, $0xA  }
0xf6: {  	[sflag:s24] =	ssyncadd.s32 $0xFFFFFC00;
	s11 =	sadd.s32 $0xB800, s10;
	s12 =	sor.u32 $0xA000, s9  }
0xf7: {  	[tilespmem:s11], [sflag:$0x2] =	stream.indirect.gather [spmem:s3], $0x20, s12, s26, $0xb8;
	[tilespmem:$0x1B800] =	vst v63  }
0xf8: {  	s19 =	sor.u32 $0xA080, s9;
	s12 =	sadd.s32 $0xC800, s10  }
0xf9: {  	[tilespmem:s12], [sflag:$0x2] =	stream.indirect.gather [spmem:s3], $0x20, s19, s26, $0xb8;
	[tilespmem:$0x1B800] =	vst v63  }
0xfa: {  	s12 =	sadd.s32 $0xD800, s10;
	s19 =	sor.u32 $0xA100, s9  }
0xfb: {  	[tilespmem:s12], [sflag:$0x2] =	stream.indirect.gather [spmem:s3], $0x20, s19, s26, $0xb8;
	[tilespmem:$0x1B800] =	vst v63  }
0xfc: {  	s12 =	sadd.s32 $0xE800, s10;
	s19 =	sor.u32 $0xA180, s9  }
0xfd: {  	[tilespmem:s12], [sflag:$0x2] =	stream.indirect.gather [spmem:s3], $0x20, s19, s26, $0xb8;
	[tilespmem:$0x1B800] =	vst v63  }
0xfe: {  	s12 =	sadd.s32 $0xF800, s10;
	s19 =	sor.u32 $0xA200, s9  }
0xff: {  	[tilespmem:s12], [sflag:$0x2] =	stream.indirect.gather [spmem:s3], $0x20, s19, s26, $0xb8;
	[tilespmem:$0x1B800] =	vst v63  }
0x100: {  	p0 =	sgt.u32 s8, $0x11;
	s12 =	sor.u32 $0x10800, s10;
	s19 =	sor.u32 $0xA280, s9  }
0x101: {  	[tilespmem:s12], [sflag:$0x2] =	stream.indirect.gather [spmem:s3], $0x20, s19, s26, $0xb8;
	[tilespmem:$0x1B800] =	vst v63  }
0x102: {  	s11 =	sor.u32 $0x11800, s10;
	s12 =	sor.u32 $0xA300, s9;
	s19 =	smul.u32 @!p0 $0xAB, s30  }
0x103: {  	[tilespmem:s11], [sflag:$0x2] =	stream.indirect.gather [spmem:s3], $0x20, s12, s26, $0xb8;
	[tilespmem:$0x1B800] =	vst v63  }
0x104: {  	s11 =	sshrl.u32 @!p0 s19, $0x9  }
0x105: {  	s11 =	sand.u32 @!p0 $0x7F, s11  }
0x106: {  	s10 =	sor.u32 $0x12800, s10;
	s9 =	sor.u32 $0xA380, s9;
	s11 =	smul.u32 @!p0 $0x3, s11  }
0x107: {  	[tilespmem:s10], [sflag:$0x2] =	stream.indirect.gather [spmem:s3], $0x20, s9, s26, $0xb8;
	[tilespmem:$0x1B800] =	vst v63  }
0x108: {  	s9 =	ssub.s32 @!p0 s30, s11  }
0x109: {  	s9 =	sand.u32 @!p0 $0xFF, s9  }
.Ltmp6:
0x10a: {  	s9 =	sshll.u32 @!p0 s9, $0xA;
	(pc) =	sbr.rel .LBB2_6-.Ltmp6, $4  }
0x10b: {  	s11 =	simm.s32 @!p0 $0x0;
	s10 =	sor.u32 @!p0 $0xA000, s9  }
0x10c: {  	[tilespmem:s10], [sflag:$0x1] =	stream.linear.gather @!p0 [hbm4b:s18+s11], $0x400, $0x38;
	[tilespmem:$0x1B800] =	vst v63  }
0x10d: {  	s9 =	sadd.s32 @!p0 $0xAC00, s9  }
0x10e: {  	[tilespmem:s9], [sflag:$0x1] =	stream.linear.gather @!p0 [hbm4b:s17+s11], $0x400, $0x38;
	[tilespmem:$0x1B800] =	vst v63  }
.LBB2_8:
0x10f: {  	_ =	sfence.sel $0x180000  }
0x110: {  	[bflag:$0x0] =	sbarrier.arrive $0xFFFF  }
0x111: {  	_ =	strace $0x9000004A  }
0x112: {  	s0 =	stileid.u32;
	[bflag:$0x2] =	sbarrier.arrive $0xFFFF  }
0x113: {  	p0 =	sne.s32 s0, $0x0;
	s0 =	rddreg [dreg:$0x3]  }
0x114: {  	s0 =	sadd.s32 @!p0 $0x100000, s0  }
0x115: {  	[sflag:s0] =	ssyncadd.tile.s32 @!p0 $0x1;
	_ =	shalt  }
.Lfunc_end2:
_tile_overlayer_lowered:
.L_overlay_start_2:
0x116: {  	(tag) =	ssettag $0x2  }
0x117: {  	s0 =	rddreg [dreg:$0x0];
	s2 =	stileid.u32  }
0x118: {  	s1 =	rddreg [dreg:$0x1];
	p0 =	sne.s32 s2, $0x0  }
0x119: {  	s3 =	rddreg [dreg:$0x2];
	[bflag:$0x3] =	sbarrier.arrive $0xFFFF;
	s2 =	simm.s32 @!p0 $0x1C04  }
0x11a: {  	[timem:s3], [sflag:s2] =	dma.local @!p0 [hbm:s0], s1  }
0x11b: {  	s0 =	simm.s32 @!p0 $0x4  }
0x11c: {  	_ =	swait.ge @!p0 [sflag:s0], s1  }
0x11d: {  	s1 =	ssub.s32 @!p0 $0x0, s1;
	[sflag:s0] =	ssyncset.done @!p0 $0x0  }
0x11e: {  	[sflag:s0] =	ssyncadd.s32 @!p0 s1  }
0x11f: {  	[bflag:$0x3] =	sbarrier.arrive $0xFFFF  }
0x120: {  	_ =	shalt  }

// kernel: kernel.14.cloned.1.call-start
scs
__scs_entry_jumppad:
0x0: {  	(pc) =	sbr.rel $0x88, $3  }
0x1: {  	(tag) =	ssettag $0x0;
	lr =	simm.s32 $0x1  }
0x2: {  	[smem:$0x3F96] =	sst lr;
	_ =	strace $0xD0000000  }
0x3: {  	_ = 	snop  }
0x4: {  	_ = 	snop  }
0x5: {  	_ = 	snop  }
0x6: {  	_ = 	snop  }
0x7: {  	_ = 	snop  }
__scs_overlays_trampoline_lowered:
0x8: {  	[smem:$0x3FA5] =	sst s0  }
0x9: {  	[smem:$0x3FA6] =	sst s1  }
0xa: {  	[smem:$0x3FA7] =	sst s2  }
0xb: {  	[smem:$0x3FA8] =	sst s3  }
0xc: {  	[smem:$0x3FA9] =	sst s4  }
0xd: {  	[smem:$0x3FAA] =	sst s5  }
0xe: {  	[smem:$0x3FAB] =	sst s6  }
0xf: {  	[smem:$0x3FAC] =	sst s7  }
0x10: {  	[smem:$0x3FAD] =	sst s8  }
0x11: {  	[smem:$0x3FAE] =	sst s9;
	s0 =	simm.s32 @!p0 $0x0  }
0x12: {  	s1 =	sld [smem:$0x3F94];
	s0 =	simm.s32 @p0 $0x1  }
0x13: {  	[smem:$0x3FAF] =	sst s0;
	s0 =	simm.s32 @!p1 $0x0  }
0x14: {  	s2 =	sld [smem:$0x3F93];
	s0 =	simm.s32 @p1 $0x1  }
0x15: {  	[smem:$0x3FB0] =	sst s0;
	s0 =	simm.s32 @!p2 $0x0  }
0x16: {  	s3 =	sld [smem:$0x3FDB];
	s0 =	simm.s32 @p2 $0x1  }
0x17: {  	s4 =	simm.s32 $0x1BF5;
	[smem:$0x3FB2] =	sst s0  }
0x18: {  	s0 =	sld [smem:$0x3F95];
	_ =	swait.ge [sflag:s4], $0x0  }
0x19: {  	s7 =	sld [smem:$0x3F96]  }
0x1a: {  	s8 =	sadd.s32 $0xFFFFE003, lr  }
0x1b: {  	s9 =	sadd.s32 $0xFFFFFEF7, lr;
	s5 =	simm.s32 $0xFFFFFFFF;
	p2 =	slt.u32 s8, $0xFFFFF086  }
0x1c: {  	p1 =	slt.u32 s9, $0xF7A;
	s5 =	simm.s32 @!p2 $0x0  }
0x1d: {  	s5 =	simm.s32 @p1 $0x1;
	p0 =	seq.s32 s7, s2  }
0x1e: {  	s7 =	smul.u32 @!p0 $0xF7A, s2;
	p2 =	seq.s32 @!p0 s5, $0x0  }
0x1f: {  	s9 =	smul.u32 $0xF7A, s1;
	s8 =	simm.s32 @!p0 $0x1BF5;
	p2 =	por !p2, p0  }
0x20: {  	[sflag:s8] =	ssyncset.s32 @!p0 $0xFFFFF086;
	s6 =	sadd.s32 @!p0 s3, s7;
	s7 =	simm.s32 @!p0 $0x108  }
0x21: {  	s3 =	sadd.s32 s3, s9;
	s6 =	sadd.s32 @!p0 $0x88, s6;
	s7 =	simm.s32 @p2 $0x1082  }
0x22: {  	[simem:s7], [sflag:s8] =	dma.local @!p0 [hbm:s6], $0xF7A  }
0x23: {  	s9 =	sor.u32 $0xD0000000, s2;
	s6 =	simm.s32 $0x108;
	_ =	swait.ge @!p0 [sflag:s8], $0x0  }
0x24: {  	s3 =	sadd.s32 $0x88, s3;
	s6 =	simm.s32 @!p1 $0x1082;
	[sflag:s4] =	ssyncset.s32 $0xFFFFF086  }
0x25: {  	[simem:s6], [sflag:s4] =	dma.local [hbm:s3], $0xF7A  }
0x26: {  	[smem:$0x3F96] =	sst s1;
	(tag) =	ssettag s2;
	_ =	strace s9  }
0x27: {  	s1 =	sld [smem:$0x3FA6]  }
0x28: {  	s2 =	sld [smem:$0x3FA7]  }
0x29: {  	s4 =	sld [smem:$0x3FA9]  }
0x2a: {  	p0 =	seq.s32 s5, $0x0;
	s5 =	sld [smem:$0x3FAA]  }
0x2b: {  	s6 =	sld [smem:$0x3FAB]  }
0x2c: {  	s7 =	sld [smem:$0x3FAC]  }
0x2d: {  	s3 =	simm.s32 $0x108;
	s8 =	sld [smem:$0x3FAD]  }
0x2e: {  	s3 =	simm.s32 @!p0 $0x1082;
	s9 =	sld [smem:$0x3FAE]  }
0x2f: {  	lr =	sadd.s32 s0, s3;
	s0 =	sld [smem:$0x3FA5]  }
0x30: {  	s3 =	sld [smem:$0x3FA8]  }
0x31: {  	[smem:$0x3FB1] =	sst s10  }
0x32: {  	s10 =	sld [smem:$0x3FAF];
	_ =	sdelay $0x3  }
0x33: {  	p0 =	seq.s32 s10, $0x1;
	s10 =	sld [smem:$0x3FB1];
	_ =	sdelay $0x3  }
0x34: {  	[smem:$0x3FB1] =	sst s10  }
0x35: {  	s10 =	sld [smem:$0x3FB0];
	_ =	sdelay $0x3  }
0x36: {  	p1 =	seq.s32 s10, $0x1;
	s10 =	sld [smem:$0x3FB1];
	_ =	sdelay $0x3  }
0x37: {  	[smem:$0x3FB1] =	sst s10  }
0x38: {  	s10 =	sld [smem:$0x3FB2]  }
0x39: {  	_ = 	snop;
	(pc) =	sbr.ind lr, $3  }
0x3a: {  	_ = 	snop  }
0x3b: {  	_ = 	snop  }
0x3c: {  	p2 =	seq.s32 s10, $0x1;
	s10 =	sld [smem:$0x3FB1]  }
0x3d: {  	_ =	shalt  }
0x3e: {  	_ =	shalt  }
0x3f: {  	_ =	shalt  }
0x40: {  	_ =	shalt  }
0x41: {  	_ =	shalt  }
0x42: {  	_ =	shalt  }
0x43: {  	_ =	shalt  }
0x44: {  	_ =	shalt  }
0x45: {  	_ =	shalt  }
0x46: {  	_ =	shalt  }
0x47: {  	_ =	shalt  }
0x48: {  	_ =	shalt  }
0x49: {  	_ =	shalt  }
0x4a: {  	_ =	shalt  }
0x4b: {  	_ =	shalt  }
0x4c: {  	_ =	shalt  }
0x4d: {  	_ =	shalt  }
0x4e: {  	_ =	shalt  }
0x4f: {  	_ =	shalt  }
0x50: {  	_ =	shalt  }
0x51: {  	_ =	shalt  }
0x52: {  	_ =	shalt  }
0x53: {  	_ =	shalt  }
0x54: {  	_ =	shalt  }
0x55: {  	_ =	shalt  }
0x56: {  	_ =	shalt  }
0x57: {  	_ =	shalt  }
0x58: {  	_ =	shalt  }
0x59: {  	_ =	shalt  }
0x5a: {  	_ =	shalt  }
0x5b: {  	_ =	shalt  }
0x5c: {  	_ =	shalt  }
0x5d: {  	_ =	shalt  }
0x5e: {  	_ =	shalt  }
0x5f: {  	_ =	shalt  }
0x60: {  	_ =	shalt  }
0x61: {  	_ =	shalt  }
0x62: {  	_ =	shalt  }
0x63: {  	_ =	shalt  }
0x64: {  	_ =	shalt  }
0x65: {  	_ =	shalt  }
0x66: {  	_ =	shalt  }
0x67: {  	_ =	shalt  }
0x68: {  	_ =	shalt  }
0x69: {  	_ =	shalt  }
0x6a: {  	_ =	shalt  }
0x6b: {  	_ =	shalt  }
0x6c: {  	_ =	shalt  }
0x6d: {  	_ =	shalt  }
0x6e: {  	_ =	shalt  }
0x6f: {  	_ =	shalt  }
0x70: {  	_ =	shalt  }
0x71: {  	_ =	shalt  }
0x72: {  	_ =	shalt  }
0x73: {  	_ =	shalt  }
0x74: {  	_ =	shalt  }
0x75: {  	_ =	shalt  }
0x76: {  	_ =	shalt  }
0x77: {  	_ =	shalt  }
0x78: {  	_ =	shalt  }
0x79: {  	_ =	shalt  }
0x7a: {  	_ =	shalt  }
0x7b: {  	_ =	shalt  }
0x7c: {  	_ =	shalt  }
0x7d: {  	_ =	shalt  }
0x7e: {  	_ =	shalt  }
0x7f: {  	_ =	shalt  }
0x80: {  	_ =	shalt  }
0x81: {  	_ =	shalt  }
0x82: {  	_ =	shalt  }
0x83: {  	_ =	shalt  }
0x84: {  	_ =	shalt  }
0x85: {  	_ =	shalt  }
0x86: {  	_ =	shalt  }
0x87: {  	_ =	shalt  }
.Lfunc_end0:
.L_simem_size_0:
called_computation.2_lowered:
.L_overlay_start_0:
0x88: {  	s2 =	sld [smem:$0x3FD9]  }
0x89: {  	s3 =	sld [smem:$0x3FFE];
	_ =	sdelay $0x1  }
0x8a: {  	s1 =	srdreg.scid  }
0x8b: {  	s0 =	sand.u32 $0x1, s1  }
0x8c: {  	s16 =	sshll.u32 s0, $0xA;
	s2 =	sadd.s32 s3, s2  }
0x8d: {  	s2 =	sadd.s32 s2, s16  }
0x8e: {  	[smem:$0x3FBD] =	sst s2  }
0x8f: {  	_ = 	snop  }
0x90: {  	(tm) =	ssettm $0x1  }
0x91: {  	s17 =	sld [smem:$0x3FFB];
	_ =	sdelay $0x3  }
0x92: {  	_ =	strace s17  }
0x93: {  	s2 =	sld [smem:$0x3FFC];
	_ =	sdelay $0x3  }
0x94: {  	_ =	strace s2  }
0x95: {  	s2 =	sld [smem:$0x3FFD];
	_ =	sdelay $0x3  }
0x96: {  	_ =	strace s2  }
0x97: {  	_ =	strace $0x8FFFFFFF  }
0x98: {  	s18 =	sld [smem:$0x3FDB];
	_ =	sdelay $0x1  }
0x99: {  	s19 =	simm.s32 $_scs_section_size  }
0x9a: {  	s4 =	simm.s32 $_size__tile_overlayer_lowered;
	s5 =	simm.s32 $_tile_overlayer_lowered  }
0x9b: {  	s22 =	simm.s32 $0x1BFF;
	s21 =	sshll.u32 s5, $0x1;
	s2 =	sadd.s32 s19, s18  }
0x9c: {  	s6 =	simm.s32 $0x0;
	s20 =	sshll.u32 s4, $0x1;
	s4 =	sadd.s32 s21, s2  }
0x9d: {  	[timem:s6], [sflag:s22] =	dma.local [hbm:s4], s20  }
0x9e: {  	_ =	swait.ge [sflag:s22], s20  }
0x9f: {  	s3 =	ssub.s32 $0x0, s20;
	[sflag:s22] =	ssyncset.done $0x0  }
0xa0: {  	[sflag:s22] =	ssyncadd.s32 s3;
	_ =	sdelay $0x1  }
0xa1: {  	s23 =	simm.s32 $0x1B8B  }
0xa2: {  	_ =	swait.ge [sflag:s23], $0x1  }
0xa3: {  	[sflag:s23] =	ssyncset.done $0x0  }
0xa4: {  	s25 =	simm.s32 $0x1B8E;
	s24 =	sld [smem:$0x3FFE];
	[sflag:s23] =	ssyncadd.s32 $0xFFFFFFFF  }
0xa5: {  	s26 =	simm.s32 $execute0_lowered;
	[smem:$0x3FD2] =	sst s25  }
0xa6: {  	s4 =	sshll.u32 s26, $0x1;
	_ =	strace $0x8000004C;
	[dreg:$0x1] =	wrdreg $0xFFFFFFFF  }
0xa7: {  	s28 =	simm.s32 $_size_execute0_lowered;
	s2 =	sadd.s32 s2, s4;
	[dreg:$0x0] =	wrdreg $0x0  }
0xa8: {  	s4 =	sshll.u32 s28, $0x1;
	[dreg:$0x2] =	wrdreg s2  }
0xa9: {  	[dreg:$0x3] =	wrdreg s4  }
0xaa: {  	[dreg:$0x4] =	wrdreg $0xC0  }
0xab: {  	_ =	task [dreg:s6], $0x5FFFF  }
0xac: {  	[dreg:$0x1] =	wrdreg $0xFFFFFFFF  }
0xad: {  	[dreg:$0x0] =	wrdreg $0x60  }
0xae: {  	[dreg:$0x2] =	wrdreg s24  }
0xaf: {  	[dreg:$0x3] =	wrdreg $0x0  }
0xb0: {  	[dreg:$0x4] =	wrdreg $0x50000  }
0xb1: {  	[dreg:$0x5] =	wrdreg $0x9  }
0xb2: {  	_ =	task.clear_ibuf [dreg:s6], $0x6FFFF;
	_ =	strace $0x9000004C  }
0xb3: {  	s29 =	simm.s32 $0x9;
	_ =	strace $0x8000004E  }
0xb4: {  	_ =	swait.ge [sflag:s29], $0x1  }
0xb5: {  	[sflag:s29] =	ssyncadd.s32 $0xFFFFFFFF  }
0xb6: {  	_ =	strace $0x9000004E  }
0xb7: {  	_ =	sfence  }
0xb8: {  	s30 =	sld [smem:$0x0];
	_ =	sdelay $0x2  }
0xb9: {  	s31 =	sshll.u32 s1, $0xD;
	s1 =	sshrl.u32 s1, $0x2  }
0xba: {  	s3 =	sand.u32 $0x4000, s31;
	s1 =	sadd.s32 s1, s30  }
0xbb: {  	s0 =	sor.u32 s3, s0;
	s1 =	sshll.u32 s1, $0x11  }
0xbc: {  	s0 =	sor.u32 s1, s0  }
0xbd: {  	s0 =	sadd.s32 $0x8F2B, s0  }
0xbe: {  	[sflag:s0] =	ssyncadd.remote.s32 $0x1  }
0xbf: {  	_ =	sfence.sel $0xFFFF  }
0xc0: {  	[dreg:$0x0] =	wrdreg $0xFFFFFFFF;
	(pc) =	sbr.abs _section_cstart, $3  }
0xc1: {  	[dreg:$0x1] =	wrdreg $0xFFFFFFFF  }
0xc2: {  	_ =	task.clear_ibuf [dreg:s6], $0x2FFFF;
	_ =	strace $0x9FFFFFFF  }
0xc3: {  	(tm) =	ssettm $0x7FFFFFFF  }
tec
execute0_lowered:
.L_overlay_start_1:
0x0: {  	(tag) =	ssettag $0x1  }
0x1: {  	s0 =	rddreg [dreg:$0x0]  }
0x2: {  	s2 =	rddreg [dreg:$0x1]  }
0x3: {  	s3 =	rddreg [dreg:$0x2]  }
0x4: {  	s1 =	srdreg.scid;
	s7 =	stileid.u32  }
0x5: {  	s5 =	simm.s32 $0x0;
	s21 =	simm.s32 $0xB800;
	s4 =	smul.u32 $0xA000, s7  }
0x6: {  	s20 =	simm.s32 $0x0;
	s1 =	sand.u32 $0x1, s1;
	s23 =	smul.u32 $0x14000, s7  }
0x7: {  	[smem:$0x7FF] =	sst s5;
	s8 =	sadd.s32 $0x17E00, s0;
	s24 =	smul.u32 $0xA00, s7  }
0x8: {  	s14 =	sadd.s32 $0xD400, s0;
	s12 =	smul.u32 $0x5000, s7;
	s22 =	sshll.u32 s1, $0x5  }
0x9: {  	_ =	strace $0x8000004D;
	s1 =	ssub.s32 $0x2, s1;
	s4 =	sor.u32 s22, s4  }
0xa: {  	s6 =	sshrl.u32 s1, $0x1;
	s25 =	sshrl.u32 s23, $0x2;
	s5 =	sadd.s32 s8, s24  }
0xb: {  	s7 =	sadd.s32 s12, s2;
	s17 =	sadd.s32 s12, s3;
	s22 =	simm.s32 $0x4  }
0xc: {  	s4 =	sshrl.u32 s4, $0x3;
	s1 =	ssub.s32 s1, s6;
	s11 =	sadd.s32 s25, s2  }
0xd: {  	s6 =	sadd.s32 s14, s24;
	s31 =	sadd.s32 $0x100, s5;
	s23 =	sshrl.u32 s17, $0x3  }
0xe: {  	s25 =	simm.s32 $0x8;
	s0 =	sadd.s32 s4, s0;
	s9 =	sadd.s32 $0x1000, s11  }
0xf: {  	s26 =	sadd.s32 $0x2000, s11;
	s28 =	sadd.s32 $0x3000, s11;
	[dreg:$0x4] =	wrdreg s9  }
0x10: {  	s29 =	sadd.s32 $0x4000, s11;
	s4 =	sor.u32 $0x80, s24;
	[dreg:$0x5] =	wrdreg s26  }
.Ltmp0:
0x11: {  	s16 =	smax.u32 s1, $0x1;
	[dreg:$0x6] =	wrdreg s28;
	(pc) =	sbr.rel .LBB2_1-.Ltmp0, $4  }
0x12: {  	s24 =	simm.s32 $0x1;
	s1 =	simm.s32 $0x2;
	[dreg:$0x7] =	wrdreg s29  }
0x13: {  	s30 =	sadd.s32 $0x21E00, s0;
	s13 =	sadd.s32 s8, s4;
	s14 =	sadd.s32 s14, s4  }
0x14: {  	s15 =	sadd.s32 $0x35E00, s0;
	s4 =	sadd.s32 $0x100, s6;
	s9 =	simm.s32 $0xA000  }
0x15: {  	v0 =	vimm.f32 $0.0e+00;
	s26 =	simm.s32 $0x80;
	s0 =	simm.s32 $0x3;
	[dreg:$0x8] =	wrdreg s30  }
.LBB2_7:
0x16: {  	_ =	swait.ge [sflag:s0], $0x1000  }
0x17: {  	[sflag:s0] =	ssyncset.done $0x0  }
0x18: {  	[sflag:s0] =	ssyncadd.s32 $0xFFFFF000  }
0x19: {  	_ =	swait.ge [sflag:s0], $0x1000  }
0x1a: {  	[sflag:s0] =	ssyncset.done $0x0  }
0x1b: {  	[sflag:s0] =	ssyncadd.s32 $0xFFFFF000  }
0x1c: {  	_ =	swait.ge [sflag:s0], $0x1000  }
0x1d: {  	[sflag:s0] =	ssyncset.done $0x0  }
0x1e: {  	[sflag:s0] =	ssyncadd.s32 $0xFFFFF000  }
0x1f: {  	_ =	swait.ge [sflag:s0], $0x1000  }
0x20: {  	[sflag:s0] =	ssyncset.done $0x0  }
0x21: {  	[sflag:s0] =	ssyncadd.s32 $0xFFFFF000  }
0x22: {  	_ =	swait.ge [sflag:s0], $0x1000  }
0x23: {  	[sflag:s0] =	ssyncset.done $0x0  }
0x24: {  	[sflag:s0] =	ssyncadd.s32 $0xFFFFF000  }
0x25: {  	_ =	swait.ge [sflag:s0], $0x1000  }
0x26: {  	[sflag:s0] =	ssyncset.done $0x0  }
0x27: {  	[sflag:s0] =	ssyncadd.s32 $0xFFFFF000  }
0x28: {  	_ =	swait.ge [sflag:s0], $0x1000  }
0x29: {  	[sflag:s0] =	ssyncset.done $0x0  }
0x2a: {  	[sflag:s0] =	ssyncadd.s32 $0xFFFFF000  }
0x2b: {  	_ =	swait.ge [sflag:s0], $0x1000  }
0x2c: {  	s20 =	sadd.s32 $0x1, s20;
	[sflag:s0] =	ssyncset.done $0x0  }
0x2d: {  	p0 =	sne.s32 s20, s16;
	[sflag:s0] =	ssyncadd.s32 $0xFFFFF000  }
.Ltmp1:
0x2e: {  	s8 =	sshrl.u32 s7, $0x3;
	[bflag:$0x0] =	sbarrier.arrive $0xFFFF;
	(pc) =	sbr.rel @!p0 .LBB2_8-.Ltmp1, $4  }
0x2f: {  	[hbm:s15@s25], [sflag:s28] =	dma.strided [spmem:s8@s22], $0xA00, s24, $0x4   }
0x30: {  	_ =	swait.ge [sflag:s22], $0xA00  }
0x31: {  	[sflag:s22] =	ssyncset.done $0x0  }
0x32: {  	s9 =	simm.s32 $0xA000;
	[sflag:s22] =	ssyncadd.s32 $0xFFFFF600  }
.LBB2_1:
0x33: {  	s8 =	simm.s32 $0x0  }
0x34: {  	[tilespmem:s9], [sflag:$0x1] =	stream.linear.gather [hbm4b:s5+s8], $0x400, $0x38;
	[tilespmem:$0x1B800] =	vst v63  }
0x35: {  	s10 =	simm.s32 $0xAC00  }
0x36: {  	[tilespmem:s10], [sflag:$0x1] =	stream.linear.gather [hbm4b:s6+s8], $0x400, $0x38;
	[tilespmem:$0x1B800] =	vst v63  }
0x37: {  	s17 =	simm.s32 $0x0;
	s8 =	simm.s32 $0x800  }
.LBB2_2:
0x38: {  	p0 =	sne.s32 s8, $0x3800;
	[tilespmem:s17+$0xB9F0] =	vst v0  }
0x39: {  	[tilespmem:s17+$0xB800] =	vst v0  }
0x3a: {  	[tilespmem:s17+$0xB810] =	vst v0  }
0x3b: {  	[tilespmem:s17+$0xB820] =	vst v0  }
0x3c: {  	[tilespmem:s17+$0xB830] =	vst v0  }
0x3d: {  	[tilespmem:s17+$0xB840] =	vst v0  }
0x3e: {  	[tilespmem:s17+$0xB850] =	vst v0  }
0x3f: {  	[tilespmem:s17+$0xB860] =	vst v0  }
0x40: {  	[tilespmem:s17+$0xB870] =	vst v0  }
0x41: {  	[tilespmem:s17+$0xB880] =	vst v0  }
0x42: {  	[tilespmem:s17+$0xB890] =	vst v0  }
0x43: {  	[tilespmem:s17+$0xB8A0] =	vst v0  }
0x44: {  	[tilespmem:s17+$0xB8B0] =	vst v0  }
0x45: {  	[tilespmem:s17+$0xB8C0] =	vst v0  }
0x46: {  	[tilespmem:s17+$0xB8D0] =	vst v0  }
0x47: {  	[tilespmem:s17+$0xB8E0] =	vst v0  }
0x48: {  	[tilespmem:s17+$0xB8F0] =	vst v0  }
0x49: {  	[tilespmem:s17+$0xB900] =	vst v0  }
0x4a: {  	[tilespmem:s17+$0xB910] =	vst v0  }
0x4b: {  	[tilespmem:s17+$0xB920] =	vst v0  }
0x4c: {  	[tilespmem:s17+$0xB930] =	vst v0  }
0x4d: {  	[tilespmem:s17+$0xB940] =	vst v0  }
0x4e: {  	[tilespmem:s17+$0xB950] =	vst v0  }
0x4f: {  	[tilespmem:s17+$0xB960] =	vst v0  }
0x50: {  	[tilespmem:s17+$0xB970] =	vst v0  }
0x51: {  	[tilespmem:s17+$0xB980] =	vst v0  }
0x52: {  	[tilespmem:s17+$0xB990] =	vst v0  }
.Ltmp2:
0x53: {  	[tilespmem:s17+$0xB9A0] =	vst v0;
	(pc) =	sbr.rel @p0 .LBB2_2-.Ltmp2, $4  }
0x54: {  	[tilespmem:s17+$0xB9B0] =	vst v0  }
0x55: {  	[tilespmem:s17+$0xB9C0] =	vst v0  }
0x56: {  	[tilespmem:s17+$0xB9D0] =	vst v0  }
0x57: {  	[tilespmem:s17+$0xB9E0] =	vst v0;
	s17 =	sshra.s32 s8, $0x2;
	s8 =	sadd.s32 $0x800, s8  }
0x58: {  	[tilespmem:s17+$0xB9F0] =	vst v0  }
0x59: {  	[tilespmem:s17+$0xB800] =	vst v0  }
0x5a: {  	[tilespmem:s17+$0xB810] =	vst v0  }
0x5b: {  	[tilespmem:s17+$0xB820] =	vst v0  }
0x5c: {  	[tilespmem:s17+$0xB830] =	vst v0  }
0x5d: {  	[tilespmem:s17+$0xB840] =	vst v0  }
0x5e: {  	[tilespmem:s17+$0xB850] =	vst v0  }
0x5f: {  	[tilespmem:s17+$0xB860] =	vst v0  }
0x60: {  	[tilespmem:s17+$0xB870] =	vst v0  }
0x61: {  	[tilespmem:s17+$0xB880] =	vst v0  }
0x62: {  	[tilespmem:s17+$0xB890] =	vst v0  }
0x63: {  	[tilespmem:s17+$0xB8A0] =	vst v0  }
0x64: {  	[tilespmem:s17+$0xB8B0] =	vst v0  }
0x65: {  	[tilespmem:s17+$0xB8C0] =	vst v0  }
0x66: {  	[tilespmem:s17+$0xB8D0] =	vst v0  }
0x67: {  	[tilespmem:s17+$0xB8E0] =	vst v0  }
0x68: {  	[tilespmem:s17+$0xB8F0] =	vst v0  }
0x69: {  	[tilespmem:s17+$0xB900] =	vst v0  }
0x6a: {  	[tilespmem:s17+$0xB910] =	vst v0  }
0x6b: {  	[tilespmem:s17+$0xB920] =	vst v0  }
0x6c: {  	[tilespmem:s17+$0xB930] =	vst v0  }
0x6d: {  	[tilespmem:s17+$0xB940] =	vst v0  }
0x6e: {  	[tilespmem:s17+$0xB950] =	vst v0  }
0x6f: {  	[tilespmem:s17+$0xB960] =	vst v0  }
0x70: {  	[tilespmem:s17+$0xB970] =	vst v0  }
0x71: {  	[tilespmem:s17+$0xB980] =	vst v0  }
0x72: {  	[tilespmem:s17+$0xB990] =	vst v0  }
0x73: {  	[tilespmem:s17+$0xB9A0] =	vst v0  }
0x74: {  	[tilespmem:s17+$0xB9B0] =	vst v0  }
0x75: {  	[tilespmem:s17+$0xB9C0] =	vst v0  }
0x76: {  	[tilespmem:s17+$0xB9D0] =	vst v0  }
0x77: {  	[tilespmem:s17+$0xB9E0] =	vst v0  }
0x78: {  	[spmem:s7] =	stream.linear.scatter [tilespmem:s21], [sflag:$0x4], $0x1000, $0x38;
	[tilespmem:$0x1B800] =	vst v63  }
0x79: {  	_ =	swait.ge [sflag:s22], $0x1000  }
0x7a: {  	[sflag:s22] =	ssyncset.done $0x0  }
0x7b: {  	s8 =	rddreg [dreg:$0x4];
	[sflag:s22] =	ssyncadd.s32 $0xFFFFF000  }
0x7c: {  	[spmem:s8] =	stream.linear.scatter [tilespmem:s21], [sflag:$0x4], $0x1000, $0x38;
	[tilespmem:$0x1B800] =	vst v63  }
0x7d: {  	_ =	swait.ge [sflag:s22], $0x1000  }
0x7e: {  	[sflag:s22] =	ssyncset.done $0x0  }
0x7f: {  	s17 =	rddreg [dreg:$0x5];
	[sflag:s22] =	ssyncadd.s32 $0xFFFFF000  }
0x80: {  	[spmem:s17] =	stream.linear.scatter [tilespmem:s21], [sflag:$0x4], $0x1000, $0x38;
	[tilespmem:$0x1B800] =	vst v63  }
0x81: {  	_ =	swait.ge [sflag:s22], $0x1000  }
0x82: {  	[sflag:s22] =	ssyncset.done $0x0  }
0x83: {  	s18 =	rddreg [dreg:$0x6];
	[sflag:s22] =	ssyncadd.s32 $0xFFFFF000  }
0x84: {  	[spmem:s18] =	stream.linear.scatter [tilespmem:s21], [sflag:$0x4], $0x1000, $0x38;
	[tilespmem:$0x1B800] =	vst v63  }
0x85: {  	_ =	swait.ge [sflag:s22], $0x1000  }
0x86: {  	[sflag:s22] =	ssyncset.done $0x0  }
0x87: {  	s19 =	rddreg [dreg:$0x7];
	[sflag:s22] =	ssyncadd.s32 $0xFFFFF000  }
0x88: {  	[spmem:s19] =	stream.linear.scatter [tilespmem:s21], [sflag:$0x4], $0x1000, $0x38;
	[tilespmem:$0x1B800] =	vst v63  }
0x89: {  	s10 =	stileid.u32;
	_ =	swait.ge [sflag:s22], $0x1000  }
0x8a: {  	s8 =	sshll.u32 s10, $0x6;
	[sflag:s22] =	ssyncset.done $0x0  }
0x8b: {  	s28 =	sor.u32 $0x1C04, s8;
	s11 =	rddreg [dreg:$0x8];
	[sflag:s22] =	ssyncadd.s32 $0xFFFFF000  }
0x8c: {  	[spmem:s23@s22], [sflag:s28] =	dma.strided [hbm:s11@s25], $0xA00, s24, $0x4   }
0x8d: {  	_ =	swait.ge [sflag:s22], $0xA00  }
0x8e: {  	[sflag:s22] =	ssyncset.done $0x0  }
0x8f: {  	[sflag:s22] =	ssyncadd.s32 $0xFFFFF600  }
0x90: {  	[bflag:$0x0] =	sbarrier.arrive $0xFFFF  }
0x91: {  	_ =	swait.ge [sflag:s24], $0x400  }
0x92: {  	[sflag:s24] =	ssyncset.done $0x0  }
0x93: {  	[sflag:s24] =	ssyncadd.s32 $0xFFFFFC00  }
0x94: {  	_ =	swait.ge [sflag:s24], $0x400  }
0x95: {  	[sflag:s24] =	ssyncset.done $0x0  }
0x96: {  	[sflag:s24] =	ssyncadd.s32 $0xFFFFFC00  }
0x97: {  	[tilespmem:s21], [sflag:$0x2] =	stream.indirect.gather [spmem:s3], $0x20, s9, s26, $0xb8;
	[tilespmem:$0x1B800] =	vst v63  }
0x98: {  	s12 =	simm.s32 $0xA080;
	s17 =	simm.s32 $0xC800  }
0x99: {  	[tilespmem:s17], [sflag:$0x2] =	stream.indirect.gather [spmem:s3], $0x20, s12, s26, $0xb8;
	[tilespmem:$0x1B800] =	vst v63  }
0x9a: {  	s18 =	simm.s32 $0xA100;
	s19 =	simm.s32 $0xD800  }
0x9b: {  	[tilespmem:s19], [sflag:$0x2] =	stream.indirect.gather [spmem:s3], $0x20, s18, s26, $0xb8;
	[tilespmem:$0x1B800] =	vst v63  }
0x9c: {  	s10 =	simm.s32 $0xA180;
	s11 =	simm.s32 $0xE800  }
0x9d: {  	[tilespmem:s11], [sflag:$0x2] =	stream.indirect.gather [spmem:s3], $0x20, s10, s26, $0xb8;
	[tilespmem:$0x1B800] =	vst v63  }
0x9e: {  	s12 =	simm.s32 $0xA200;
	s17 =	simm.s32 $0xF800  }
0x9f: {  	[tilespmem:s17], [sflag:$0x2] =	stream.indirect.gather [spmem:s3], $0x20, s12, s26, $0xb8;
	[tilespmem:$0x1B800] =	vst v63  }
0xa0: {  	s18 =	simm.s32 $0xA280;
	s19 =	simm.s32 $0x10800  }
0xa1: {  	[tilespmem:s19], [sflag:$0x2] =	stream.indirect.gather [spmem:s3], $0x20, s18, s26, $0xb8;
	[tilespmem:$0x1B800] =	vst v63  }
0xa2: {  	s10 =	simm.s32 $0xA300;
	s11 =	simm.s32 $0x11800  }
0xa3: {  	[tilespmem:s11], [sflag:$0x2] =	stream.indirect.gather [spmem:s3], $0x20, s10, s26, $0xb8;
	[tilespmem:$0x1B800] =	vst v63  }
0xa4: {  	s12 =	simm.s32 $0xA380;
	s17 =	simm.s32 $0x12800  }
0xa5: {  	[tilespmem:s17], [sflag:$0x2] =	stream.indirect.gather [spmem:s3], $0x20, s12, s26, $0xb8;
	[tilespmem:$0x1B800] =	vst v63  }
.Ltmp3:
0xa6: {  	_ = 	snop;
	(pc) =	sbr.rel .LBB2_4-.Ltmp3, $4  }
0xa7: {  	s29 =	simm.s32 $0x0;
	s30 =	simm.s32 $0x2;
	s18 =	simm.s32 $0xA400  }
0xa8: {  	[tilespmem:s18], [sflag:$0x1] =	stream.linear.gather [hbm4b:s13+s29], $0x400, $0x38;
	[tilespmem:$0x1B800] =	vst v63  }
0xa9: {  	s19 =	simm.s32 $0xB000;
	s17 =	smov.u32 s4;
	s18 =	smov.u32 s31  }
0xaa: {  	[tilespmem:s19], [sflag:$0x1] =	stream.linear.gather [hbm4b:s14+s29], $0x400, $0x38;
	[tilespmem:$0x1B800] =	vst v63  }
.LBB2_6:
0xab: {  	_ =	swait.ge [sflag:s1], $0x1000  }
0xac: {  	[sflag:s1] =	ssyncset.done $0x0  }
0xad: {  	[sflag:s1] =	ssyncadd.s32 $0xFFFFF000  }
0xae: {  	_ =	swait.ge [sflag:s1], $0x1000  }
0xaf: {  	[sflag:s1] =	ssyncset.done $0x0  }
0xb0: {  	[sflag:s1] =	ssyncadd.s32 $0xFFFFF000  }
0xb1: {  	_ =	swait.ge [sflag:s1], $0x1000  }
0xb2: {  	[sflag:s1] =	ssyncset.done $0x0  }
0xb3: {  	[sflag:s1] =	ssyncadd.s32 $0xFFFFF000  }
0xb4: {  	_ =	swait.ge [sflag:s1], $0x1000  }
0xb5: {  	[sflag:s1] =	ssyncset.done $0x0  }
0xb6: {  	[sflag:s1] =	ssyncadd.s32 $0xFFFFF000  }
0xb7: {  	_ =	swait.ge [sflag:s1], $0x1000  }
0xb8: {  	[sflag:s1] =	ssyncset.done $0x0  }
0xb9: {  	s9 =	smul.u32 $0xAB, s8;
	[sflag:s1] =	ssyncadd.s32 $0xFFFFF000  }
0xba: {  	_ =	swait.ge [sflag:s1], $0x1000  }
0xbb: {  	s9 =	sshrl.u32 s9, $0x9;
	[sflag:s1] =	ssyncset.done $0x0  }
0xbc: {  	s9 =	sand.u32 $0x7F, s9;
	[sflag:s1] =	ssyncadd.s32 $0xFFFFF000  }
0xbd: {  	s9 =	smul.u32 $0x3, s9;
	_ =	swait.ge [sflag:s1], $0x1000  }
0xbe: {  	[sflag:s1] =	ssyncset.done $0x0  }
0xbf: {  	s10 =	ssub.s32 s8, s9;
	[sflag:s1] =	ssyncadd.s32 $0xFFFFF000  }
0xc0: {  	s11 =	sshrl.u32 s29, $0x2;
	s8 =	sand.u32 $0xFF, s10;
	_ =	swait.ge [sflag:s1], $0x1000  }
0xc1: {  	s9 =	sand.u32 $0x8000, s11;
	s8 =	sshll.u32 s8, $0xA;
	[sflag:s1] =	ssyncset.done $0x0  }
0xc2: {  	s10 =	sadd.s32 $0xB800, s9;
	s11 =	sadd.s32 $0xAC00, s8;
	[sflag:s1] =	ssyncadd.s32 $0xFFFFF000  }
0xc3: {  	[spmem:s2] =	stream.indirect.scatter.add.f32 [tilespmem:s10], [sflag:$0x3], $0x20, s11, s26, $0xb8;
	[tilespmem:$0x1B800] =	vst v63  }
0xc4: {  	s12 =	sadd.s32 $0xC800, s9;
	s19 =	sadd.s32 $0xAC80, s8  }
0xc5: {  	[spmem:s2] =	stream.indirect.scatter.add.f32 [tilespmem:s12], [sflag:$0x3], $0x20, s19, s26, $0xb8;
	[tilespmem:$0x1B800] =	vst v63  }
0xc6: {  	s12 =	sadd.s32 $0xD800, s9;
	s19 =	sadd.s32 $0xAD00, s8  }
0xc7: {  	[spmem:s2] =	stream.indirect.scatter.add.f32 [tilespmem:s12], [sflag:$0x3], $0x20, s19, s26, $0xb8;
	[tilespmem:$0x1B800] =	vst v63  }
0xc8: {  	s12 =	sadd.s32 $0xE800, s9;
	s19 =	sadd.s32 $0xAD80, s8  }
0xc9: {  	[spmem:s2] =	stream.indirect.scatter.add.f32 [tilespmem:s12], [sflag:$0x3], $0x20, s19, s26, $0xb8;
	[tilespmem:$0x1B800] =	vst v63  }
0xca: {  	s30 =	sadd.s32 $0x1, s30;
	s12 =	sadd.s32 $0xF800, s9;
	s19 =	sadd.s32 $0xAE00, s8  }
0xcb: {  	[spmem:s2] =	stream.indirect.scatter.add.f32 [tilespmem:s12], [sflag:$0x3], $0x20, s19, s26, $0xb8;
	[tilespmem:$0x1B800] =	vst v63  }
0xcc: {  	p0 =	sne.s32 s30, $0x16;
	s12 =	sor.u32 $0x10800, s9;
	s19 =	sadd.s32 $0xAE80, s8  }
0xcd: {  	[spmem:s2] =	stream.indirect.scatter.add.f32 [tilespmem:s12], [sflag:$0x3], $0x20, s19, s26, $0xb8;
	[tilespmem:$0x1B800] =	vst v63  }
.Ltmp4:
0xce: {  	s17 =	sadd.s32 $0x80, s17;
	(pc) =	sbr.rel @!p0 .LBB2_7-.Ltmp4, $4  }
0xcf: {  	s18 =	sadd.s32 $0x80, s18;
	s12 =	sor.u32 $0x11800, s9;
	s19 =	sadd.s32 $0xAF00, s8  }
0xd0: {  	[spmem:s2] =	stream.indirect.scatter.add.f32 [tilespmem:s12], [sflag:$0x3], $0x20, s19, s26, $0xb8;
	[tilespmem:$0x1B800] =	vst v63  }
0xd1: {  	s29 =	sadd.s32 $0x20000, s29;
	s9 =	sor.u32 $0x12800, s9;
	s8 =	sadd.s32 $0xAF80, s8  }
0xd2: {  	[spmem:s2] =	stream.indirect.scatter.add.f32 [tilespmem:s9], [sflag:$0x3], $0x20, s8, s26, $0xb8;
	[tilespmem:$0x1B800] =	vst v63  }
.LBB2_4:
0xd3: {  	p0 =	seq.s32 s30, $0x2  }
0xd4: {  	s9 =	simm.s32 @!p0 $0x3  }
0xd5: {  	_ =	swait.ge @!p0 [sflag:s9], $0x1000  }
0xd6: {  	[sflag:s9] =	ssyncset.done @!p0 $0x0  }
0xd7: {  	[sflag:s9] =	ssyncadd.s32 @!p0 $0xFFFFF000  }
0xd8: {  	_ =	swait.ge @!p0 [sflag:s9], $0x1000  }
0xd9: {  	[sflag:s9] =	ssyncset.done @!p0 $0x0  }
0xda: {  	[sflag:s9] =	ssyncadd.s32 @!p0 $0xFFFFF000  }
0xdb: {  	_ =	swait.ge @!p0 [sflag:s9], $0x1000  }
0xdc: {  	[sflag:s9] =	ssyncset.done @!p0 $0x0  }
0xdd: {  	[sflag:s9] =	ssyncadd.s32 @!p0 $0xFFFFF000  }
0xde: {  	_ =	swait.ge @!p0 [sflag:s9], $0x1000  }
0xdf: {  	[sflag:s9] =	ssyncset.done @!p0 $0x0  }
0xe0: {  	[sflag:s9] =	ssyncadd.s32 @!p0 $0xFFFFF000  }
0xe1: {  	_ =	swait.ge @!p0 [sflag:s9], $0x1000  }
0xe2: {  	[sflag:s9] =	ssyncset.done @!p0 $0x0  }
0xe3: {  	[sflag:s9] =	ssyncadd.s32 @!p0 $0xFFFFF000  }
0xe4: {  	_ =	swait.ge @!p0 [sflag:s9], $0x1000  }
0xe5: {  	[sflag:s9] =	ssyncset.done @!p0 $0x0  }
0xe6: {  	p1 =	seq.s32 @!p0 s30, $0x15;
	[sflag:s9] =	ssyncadd.s32 @!p0 $0xFFFFF000  }
0xe7: {  	p1 =	por p0, !p1;
	_ =	swait.ge @!p0 [sflag:s9], $0x1000  }
.Ltmp5:
0xe8: {  	[sflag:s9] =	ssyncset.done @!p0 $0x0;
	(pc) =	sbr.rel @!p1 .LBB2_6-.Ltmp5, $4  }
0xe9: {  	[sflag:s9] =	ssyncadd.s32 @!p0 $0xFFFFF000  }
0xea: {  	_ =	swait.ge @!p0 [sflag:s9], $0x1000  }
0xeb: {  	[sflag:s9] =	ssyncset.done @!p0 $0x0  }
0xec: {  	s8 =	sadd.s32 $0xFFFFFFFE, s30;
	[sflag:s9] =	ssyncadd.s32 @!p0 $0xFFFFF000  }
0xed: {  	s9 =	sadd.s32 $0xFFFFFFFF, s30  }
0xee: {  	s10 =	smul.u32 $0xAB, s9;
	_ =	sdelay $0x1  }
0xef: {  	s10 =	sshrl.u32 s10, $0x9  }
0xf0: {  	s10 =	sand.u32 $0x7F, s10  }
0xf1: {  	_ =	swait.ge [sflag:s24], $0x400;
	s10 =	smul.u32 $0x3, s10  }
0xf2: {  	[sflag:s24] =	ssyncset.done $0x0  }
0xf3: {  	s11 =	sxor.u32 $0xFFFFFFFF, s29;
	[sflag:s24] =	ssyncadd.s32 $0xFFFFFC00;
	s9 =	ssub.s32 s9, s10  }
0xf4: {  	_ =	swait.ge [sflag:s24], $0x400;
	s10 =	sand.u32 $0x20000, s11;
	s9 =	sand.u32 $0xFF, s9  }
0xf5: {  	[sflag:s24] =	ssyncset.done $0x0;
	s10 =	sshrl.u32 s10, $0x2;
	s9 =	sshll.u32 s9, $0xA  }
0xf6: {  	[sflag:s24] =	ssyncadd.s32 $0xFFFFFC00;
	s11 =	sadd.s32 $0xB800, s10;
	s12 =	sor.u32 $0xA000, s9  }
0xf7: {  	[tilespmem:s11], [sflag:$0x2] =	stream.indirect.gather [spmem:s3], $0x20, s12, s26, $0xb8;
	[tilespmem:$0x1B800] =	vst v63  }
0xf8: {  	s19 =	sor.u32 $0xA080, s9;
	s12 =	sadd.s32 $0xC800, s10  }
0xf9: {  	[tilespmem:s12], [sflag:$0x2] =	stream.indirect.gather [spmem:s3], $0x20, s19, s26, $0xb8;
	[tilespmem:$0x1B800] =	vst v63  }
0xfa: {  	s12 =	sadd.s32 $0xD800, s10;
	s19 =	sor.u32 $0xA100, s9  }
0xfb: {  	[tilespmem:s12], [sflag:$0x2] =	stream.indirect.gather [spmem:s3], $0x20, s19, s26, $0xb8;
	[tilespmem:$0x1B800] =	vst v63  }
0xfc: {  	s12 =	sadd.s32 $0xE800, s10;
	s19 =	sor.u32 $0xA180, s9  }
0xfd: {  	[tilespmem:s12], [sflag:$0x2] =	stream.indirect.gather [spmem:s3], $0x20, s19, s26, $0xb8;
	[tilespmem:$0x1B800] =	vst v63  }
0xfe: {  	s12 =	sadd.s32 $0xF800, s10;
	s19 =	sor.u32 $0xA200, s9  }
0xff: {  	[tilespmem:s12], [sflag:$0x2] =	stream.indirect.gather [spmem:s3], $0x20, s19, s26, $0xb8;
	[tilespmem:$0x1B800] =	vst v63  }
0x100: {  	p0 =	sgt.u32 s8, $0x11;
	s12 =	sor.u32 $0x10800, s10;
	s19 =	sor.u32 $0xA280, s9  }
0x101: {  	[tilespmem:s12], [sflag:$0x2] =	stream.indirect.gather [spmem:s3], $0x20, s19, s26, $0xb8;
	[tilespmem:$0x1B800] =	vst v63  }
0x102: {  	s11 =	sor.u32 $0x11800, s10;
	s12 =	sor.u32 $0xA300, s9;
	s19 =	smul.u32 @!p0 $0xAB, s30  }
0x103: {  	[tilespmem:s11], [sflag:$0x2] =	stream.indirect.gather [spmem:s3], $0x20, s12, s26, $0xb8;
	[tilespmem:$0x1B800] =	vst v63  }
0x104: {  	s11 =	sshrl.u32 @!p0 s19, $0x9  }
0x105: {  	s11 =	sand.u32 @!p0 $0x7F, s11  }
0x106: {  	s10 =	sor.u32 $0x12800, s10;
	s9 =	sor.u32 $0xA380, s9;
	s11 =	smul.u32 @!p0 $0x3, s11  }
0x107: {  	[tilespmem:s10], [sflag:$0x2] =	stream.indirect.gather [spmem:s3], $0x20, s9, s26, $0xb8;
	[tilespmem:$0x1B800] =	vst v63  }
0x108: {  	s9 =	ssub.s32 @!p0 s30, s11  }
0x109: {  	s9 =	sand.u32 @!p0 $0xFF, s9  }
.Ltmp6:
0x10a: {  	s9 =	sshll.u32 @!p0 s9, $0xA;
	(pc) =	sbr.rel .LBB2_6-.Ltmp6, $4  }
0x10b: {  	s11 =	simm.s32 @!p0 $0x0;
	s10 =	sor.u32 @!p0 $0xA000, s9  }
0x10c: {  	[tilespmem:s10], [sflag:$0x1] =	stream.linear.gather @!p0 [hbm4b:s18+s11], $0x400, $0x38;
	[tilespmem:$0x1B800] =	vst v63  }
0x10d: {  	s9 =	sadd.s32 @!p0 $0xAC00, s9  }
0x10e: {  	[tilespmem:s9], [sflag:$0x1] =	stream.linear.gather @!p0 [hbm4b:s17+s11], $0x400, $0x38;
	[tilespmem:$0x1B800] =	vst v63  }
.LBB2_8:
0x10f: {  	_ =	sfence.sel $0x180000  }
0x110: {  	[bflag:$0x0] =	sbarrier.arrive $0xFFFF  }
0x111: {  	_ =	strace $0x9000004D  }
0x112: {  	s0 =	stileid.u32;
	[bflag:$0x2] =	sbarrier.arrive $0xFFFF  }
0x113: {  	p0 =	sne.s32 s0, $0x0;
	s0 =	rddreg [dreg:$0x3]  }
0x114: {  	s0 =	sadd.s32 @!p0 $0x100000, s0  }
0x115: {  	[sflag:s0] =	ssyncadd.tile.s32 @!p0 $0x1;
	_ =	shalt  }
.Lfunc_end2:
_tile_overlayer_lowered:
.L_overlay_start_2:
0x116: {  	(tag) =	ssettag $0x2  }
0x117: {  	s0 =	rddreg [dreg:$0x0];
	s2 =	stileid.u32  }
0x118: {  	s1 =	rddreg [dreg:$0x1];
	p0 =	sne.s32 s2, $0x0  }
0x119: {  	s3 =	rddreg [dreg:$0x2];
	[bflag:$0x3] =	sbarrier.arrive $0xFFFF;
	s2 =	simm.s32 @!p0 $0x1C04  }
0x11a: {  	[timem:s3], [sflag:s2] =	dma.local @!p0 [hbm:s0], s1  }
0x11b: {  	s0 =	simm.s32 @!p0 $0x4  }
0x11c: {  	_ =	swait.ge @!p0 [sflag:s0], s1  }
0x11d: {  	s1 =	ssub.s32 @!p0 $0x0, s1;
	[sflag:s0] =	ssyncset.done @!p0 $0x0  }
0x11e: {  	[sflag:s0] =	ssyncadd.s32 @!p0 s1  }
0x11f: {  	[bflag:$0x3] =	sbarrier.arrive $0xFFFF  }
0x120: {  	_ =	shalt  }

// kernel: kernel.8.cloned.1.call-start
scs
__scs_entry_jumppad:
0x0: {  	(pc) =	sbr.rel $0x88, $3  }
0x1: {  	(tag) =	ssettag $0x0;
	lr =	simm.s32 $0x1  }
0x2: {  	[smem:$0x3F96] =	sst lr;
	_ =	strace $0xD0000000  }
0x3: {  	_ = 	snop  }
0x4: {  	_ = 	snop  }
0x5: {  	_ = 	snop  }
0x6: {  	_ = 	snop  }
0x7: {  	_ = 	snop  }
__scs_overlays_trampoline_lowered:
0x8: {  	[smem:$0x3FA5] =	sst s0  }
0x9: {  	[smem:$0x3FA6] =	sst s1  }
0xa: {  	[smem:$0x3FA7] =	sst s2  }
0xb: {  	[smem:$0x3FA8] =	sst s3  }
0xc: {  	[smem:$0x3FA9] =	sst s4  }
0xd: {  	[smem:$0x3FAA] =	sst s5  }
0xe: {  	[smem:$0x3FAB] =	sst s6  }
0xf: {  	[smem:$0x3FAC] =	sst s7  }
0x10: {  	[smem:$0x3FAD] =	sst s8  }
0x11: {  	[smem:$0x3FAE] =	sst s9;
	s0 =	simm.s32 @!p0 $0x0  }
0x12: {  	s1 =	sld [smem:$0x3F94];
	s0 =	simm.s32 @p0 $0x1  }
0x13: {  	[smem:$0x3FAF] =	sst s0;
	s0 =	simm.s32 @!p1 $0x0  }
0x14: {  	s2 =	sld [smem:$0x3F93];
	s0 =	simm.s32 @p1 $0x1  }
0x15: {  	[smem:$0x3FB0] =	sst s0;
	s0 =	simm.s32 @!p2 $0x0  }
0x16: {  	s3 =	sld [smem:$0x3FDB];
	s0 =	simm.s32 @p2 $0x1  }
0x17: {  	s4 =	simm.s32 $0x1BF5;
	[smem:$0x3FB2] =	sst s0  }
0x18: {  	s0 =	sld [smem:$0x3F95];
	_ =	swait.ge [sflag:s4], $0x0  }
0x19: {  	s7 =	sld [smem:$0x3F96]  }
0x1a: {  	s8 =	sadd.s32 $0xFFFFE003, lr  }
0x1b: {  	s9 =	sadd.s32 $0xFFFFFEF7, lr;
	s5 =	simm.s32 $0xFFFFFFFF;
	p2 =	slt.u32 s8, $0xFFFFF086  }
0x1c: {  	p1 =	slt.u32 s9, $0xF7A;
	s5 =	simm.s32 @!p2 $0x0  }
0x1d: {  	s5 =	simm.s32 @p1 $0x1;
	p0 =	seq.s32 s7, s2  }
0x1e: {  	s7 =	smul.u32 @!p0 $0xF7A, s2;
	p2 =	seq.s32 @!p0 s5, $0x0  }
0x1f: {  	s9 =	smul.u32 $0xF7A, s1;
	s8 =	simm.s32 @!p0 $0x1BF5;
	p2 =	por !p2, p0  }
0x20: {  	[sflag:s8] =	ssyncset.s32 @!p0 $0xFFFFF086;
	s6 =	sadd.s32 @!p0 s3, s7;
	s7 =	simm.s32 @!p0 $0x108  }
0x21: {  	s3 =	sadd.s32 s3, s9;
	s6 =	sadd.s32 @!p0 $0x88, s6;
	s7 =	simm.s32 @p2 $0x1082  }
0x22: {  	[simem:s7], [sflag:s8] =	dma.local @!p0 [hbm:s6], $0xF7A  }
0x23: {  	s9 =	sor.u32 $0xD0000000, s2;
	s6 =	simm.s32 $0x108;
	_ =	swait.ge @!p0 [sflag:s8], $0x0  }
0x24: {  	s3 =	sadd.s32 $0x88, s3;
	s6 =	simm.s32 @!p1 $0x1082;
	[sflag:s4] =	ssyncset.s32 $0xFFFFF086  }
0x25: {  	[simem:s6], [sflag:s4] =	dma.local [hbm:s3], $0xF7A  }
0x26: {  	[smem:$0x3F96] =	sst s1;
	(tag) =	ssettag s2;
	_ =	strace s9  }
0x27: {  	s1 =	sld [smem:$0x3FA6]  }
0x28: {  	s2 =	sld [smem:$0x3FA7]  }
0x29: {  	s4 =	sld [smem:$0x3FA9]  }
0x2a: {  	p0 =	seq.s32 s5, $0x0;
	s5 =	sld [smem:$0x3FAA]  }
0x2b: {  	s6 =	sld [smem:$0x3FAB]  }
0x2c: {  	s7 =	sld [smem:$0x3FAC]  }
0x2d: {  	s3 =	simm.s32 $0x108;
	s8 =	sld [smem:$0x3FAD]  }
0x2e: {  	s3 =	simm.s32 @!p0 $0x1082;
	s9 =	sld [smem:$0x3FAE]  }
0x2f: {  	lr =	sadd.s32 s0, s3;
	s0 =	sld [smem:$0x3FA5]  }
0x30: {  	s3 =	sld [smem:$0x3FA8]  }
0x31: {  	[smem:$0x3FB1] =	sst s10  }
0x32: {  	s10 =	sld [smem:$0x3FAF];
	_ =	sdelay $0x3  }
0x33: {  	p0 =	seq.s32 s10, $0x1;
	s10 =	sld [smem:$0x3FB1];
	_ =	sdelay $0x3  }
0x34: {  	[smem:$0x3FB1] =	sst s10  }
0x35: {  	s10 =	sld [smem:$0x3FB0];
	_ =	sdelay $0x3  }
0x36: {  	p1 =	seq.s32 s10, $0x1;
	s10 =	sld [smem:$0x3FB1];
	_ =	sdelay $0x3  }
0x37: {  	[smem:$0x3FB1] =	sst s10  }
0x38: {  	s10 =	sld [smem:$0x3FB2]  }
0x39: {  	_ = 	snop;
	(pc) =	sbr.ind lr, $3  }
0x3a: {  	_ = 	snop  }
0x3b: {  	_ = 	snop  }
0x3c: {  	p2 =	seq.s32 s10, $0x1;
	s10 =	sld [smem:$0x3FB1]  }
0x3d: {  	_ =	shalt  }
0x3e: {  	_ =	shalt  }
0x3f: {  	_ =	shalt  }
0x40: {  	_ =	shalt  }
0x41: {  	_ =	shalt  }
0x42: {  	_ =	shalt  }
0x43: {  	_ =	shalt  }
0x44: {  	_ =	shalt  }
0x45: {  	_ =	shalt  }
0x46: {  	_ =	shalt  }
0x47: {  	_ =	shalt  }
0x48: {  	_ =	shalt  }
0x49: {  	_ =	shalt  }
0x4a: {  	_ =	shalt  }
0x4b: {  	_ =	shalt  }
0x4c: {  	_ =	shalt  }
0x4d: {  	_ =	shalt  }
0x4e: {  	_ =	shalt  }
0x4f: {  	_ =	shalt  }
0x50: {  	_ =	shalt  }
0x51: {  	_ =	shalt  }
0x52: {  	_ =	shalt  }
0x53: {  	_ =	shalt  }
0x54: {  	_ =	shalt  }
0x55: {  	_ =	shalt  }
0x56: {  	_ =	shalt  }
0x57: {  	_ =	shalt  }
0x58: {  	_ =	shalt  }
0x59: {  	_ =	shalt  }
0x5a: {  	_ =	shalt  }
0x5b: {  	_ =	shalt  }
0x5c: {  	_ =	shalt  }
0x5d: {  	_ =	shalt  }
0x5e: {  	_ =	shalt  }
0x5f: {  	_ =	shalt  }
0x60: {  	_ =	shalt  }
0x61: {  	_ =	shalt  }
0x62: {  	_ =	shalt  }
0x63: {  	_ =	shalt  }
0x64: {  	_ =	shalt  }
0x65: {  	_ =	shalt  }
0x66: {  	_ =	shalt  }
0x67: {  	_ =	shalt  }
0x68: {  	_ =	shalt  }
0x69: {  	_ =	shalt  }
0x6a: {  	_ =	shalt  }
0x6b: {  	_ =	shalt  }
0x6c: {  	_ =	shalt  }
0x6d: {  	_ =	shalt  }
0x6e: {  	_ =	shalt  }
0x6f: {  	_ =	shalt  }
0x70: {  	_ =	shalt  }
0x71: {  	_ =	shalt  }
0x72: {  	_ =	shalt  }
0x73: {  	_ =	shalt  }
0x74: {  	_ =	shalt  }
0x75: {  	_ =	shalt  }
0x76: {  	_ =	shalt  }
0x77: {  	_ =	shalt  }
0x78: {  	_ =	shalt  }
0x79: {  	_ =	shalt  }
0x7a: {  	_ =	shalt  }
0x7b: {  	_ =	shalt  }
0x7c: {  	_ =	shalt  }
0x7d: {  	_ =	shalt  }
0x7e: {  	_ =	shalt  }
0x7f: {  	_ =	shalt  }
0x80: {  	_ =	shalt  }
0x81: {  	_ =	shalt  }
0x82: {  	_ =	shalt  }
0x83: {  	_ =	shalt  }
0x84: {  	_ =	shalt  }
0x85: {  	_ =	shalt  }
0x86: {  	_ =	shalt  }
0x87: {  	_ =	shalt  }
.Lfunc_end0:
.L_simem_size_0:
called_computation_lowered:
.L_overlay_start_0:
0x88: {  	s2 =	sld [smem:$0x3FD9]  }
0x89: {  	s3 =	sld [smem:$0x3FFE];
	_ =	sdelay $0x1  }
0x8a: {  	s1 =	srdreg.scid  }
0x8b: {  	s0 =	sand.u32 $0x1, s1  }
0x8c: {  	s16 =	sshll.u32 s0, $0xA;
	s2 =	sadd.s32 s3, s2  }
0x8d: {  	s2 =	sadd.s32 s2, s16  }
0x8e: {  	[smem:$0x3FBD] =	sst s2  }
0x8f: {  	_ = 	snop  }
0x90: {  	(tm) =	ssettm $0x1  }
0x91: {  	s17 =	sld [smem:$0x3FFB];
	_ =	sdelay $0x3  }
0x92: {  	_ =	strace s17  }
0x93: {  	s2 =	sld [smem:$0x3FFC];
	_ =	sdelay $0x3  }
0x94: {  	_ =	strace s2  }
0x95: {  	s2 =	sld [smem:$0x3FFD];
	_ =	sdelay $0x3  }
0x96: {  	_ =	strace s2  }
0x97: {  	_ =	strace $0x8FFFFFFF  }
0x98: {  	s18 =	sld [smem:$0x3FDB];
	_ =	sdelay $0x1  }
0x99: {  	s19 =	simm.s32 $_scs_section_size  }
0x9a: {  	s4 =	simm.s32 $_size__tile_overlayer_lowered;
	s5 =	simm.s32 $_tile_overlayer_lowered  }
0x9b: {  	s22 =	simm.s32 $0x1BFF;
	s21 =	sshll.u32 s5, $0x1;
	s2 =	sadd.s32 s19, s18  }
0x9c: {  	s6 =	simm.s32 $0x0;
	s20 =	sshll.u32 s4, $0x1;
	s4 =	sadd.s32 s21, s2  }
0x9d: {  	[timem:s6], [sflag:s22] =	dma.local [hbm:s4], s20  }
0x9e: {  	_ =	swait.ge [sflag:s22], s20  }
0x9f: {  	s3 =	ssub.s32 $0x0, s20;
	[sflag:s22] =	ssyncset.done $0x0  }
0xa0: {  	[sflag:s22] =	ssyncadd.s32 s3;
	_ =	sdelay $0x1  }
0xa1: {  	s23 =	simm.s32 $0x1B8B  }
0xa2: {  	_ =	swait.ge [sflag:s23], $0x1  }
0xa3: {  	[sflag:s23] =	ssyncset.done $0x0  }
0xa4: {  	s25 =	simm.s32 $0x1B8E;
	s24 =	sld [smem:$0x3FFE];
	[sflag:s23] =	ssyncadd.s32 $0xFFFFFFFF  }
0xa5: {  	s26 =	simm.s32 $execute0_lowered;
	[smem:$0x3FD2] =	sst s25  }
0xa6: {  	s4 =	sshll.u32 s26, $0x1;
	_ =	strace $0x80000046;
	[dreg:$0x1] =	wrdreg $0xFFFFFFFF  }
0xa7: {  	s28 =	simm.s32 $_size_execute0_lowered;
	s2 =	sadd.s32 s2, s4;
	[dreg:$0x0] =	wrdreg $0x0  }
0xa8: {  	s4 =	sshll.u32 s28, $0x1;
	[dreg:$0x2] =	wrdreg s2  }
0xa9: {  	[dreg:$0x3] =	wrdreg s4  }
0xaa: {  	[dreg:$0x4] =	wrdreg $0xC0  }
0xab: {  	_ =	task [dreg:s6], $0x5FFFF  }
0xac: {  	[dreg:$0x1] =	wrdreg $0xFFFFFFFF  }
0xad: {  	[dreg:$0x0] =	wrdreg $0x60  }
0xae: {  	[dreg:$0x2] =	wrdreg s24  }
0xaf: {  	[dreg:$0x3] =	wrdreg $0x0  }
0xb0: {  	[dreg:$0x4] =	wrdreg $0x9  }
0xb1: {  	_ =	task.clear_ibuf [dreg:s6], $0x5FFFF;
	_ =	strace $0x90000046  }
0xb2: {  	s29 =	simm.s32 $0x9;
	_ =	strace $0x80000048  }
0xb3: {  	_ =	swait.ge [sflag:s29], $0x1  }
0xb4: {  	[sflag:s29] =	ssyncadd.s32 $0xFFFFFFFF  }
0xb5: {  	_ =	strace $0x90000048  }
0xb6: {  	_ =	sfence  }
0xb7: {  	s30 =	sld [smem:$0x0];
	_ =	sdelay $0x2  }
0xb8: {  	s31 =	sshll.u32 s1, $0xD;
	s1 =	sshrl.u32 s1, $0x2  }
0xb9: {  	s3 =	sand.u32 $0x4000, s31;
	s1 =	sadd.s32 s1, s30  }
0xba: {  	s0 =	sor.u32 s3, s0;
	s1 =	sshll.u32 s1, $0x11  }
0xbb: {  	s0 =	sor.u32 s1, s0  }
0xbc: {  	s0 =	sadd.s32 $0x8F2B, s0  }
0xbd: {  	[sflag:s0] =	ssyncadd.remote.s32 $0x1  }
0xbe: {  	_ =	sfence.sel $0xFFFF  }
0xbf: {  	[dreg:$0x0] =	wrdreg $0xFFFFFFFF;
	(pc) =	sbr.abs _section_cstart, $3  }
0xc0: {  	[dreg:$0x1] =	wrdreg $0xFFFFFFFF  }
0xc1: {  	_ =	task.clear_ibuf [dreg:s6], $0x2FFFF;
	_ =	strace $0x9FFFFFFF  }
0xc2: {  	(tm) =	ssettm $0x7FFFFFFF  }
0xc3: {  	_ =	shalt  }
tec
execute0_lowered:
.L_overlay_start_1:
0x0: {  	(tag) =	ssettag $0x1  }
0x1: {  	s4 =	rddreg [dreg:$0x0];
	s0 =	srdreg.scid  }
0x2: {  	s16 =	stileid.u32;
	s1 =	rddreg [dreg:$0x1];
	s2 =	simm.s32 $0x0  }
0x3: {  	s12 =	simm.s32 $0x480;
	s13 =	simm.s32 $0x1;
	s14 =	simm.s32 $0x80  }
0x4: {  	s15 =	simm.s32 $0x880;
	s18 =	simm.s32 $0x0;
	s5 =	sand.u32 $0x1, s0  }
0x5: {  	s3 =	sshll.u32 s16, $0x1;
	s0 =	rddreg [dreg:$0x2];
	s7 =	smul.u32 $0xA00, s16  }
0x6: {  	[smem:$0x7FF] =	sst s2;
	s10 =	smul.u32 $0x5000, s16;
	p0 =	sne.s32 s16, $0x0  }
0x7: {  	s16 =	simm.s32 $0x2;
	s3 =	sor.u32 s5, s3;
	_ =	strace $0x80000047  }
0x8: {  	s8 =	sshll.u32 s5, $0x4;
	s9 =	ssub.s32 $0x2, s5;
	s11 =	smul.u32 $0x2800, s5  }
0x9: {  	s17 =	sshrl.u32 @!p0 s1, $0x3;
	s6 =	smul.u32 $0x500, s3;
	s3 =	sadd.s32 $0x3400, s4  }
0xa: {  	s8 =	sadd.s32 s8, s4;
	s29 =	sshrl.u32 s9, $0x1;
	s30 =	sshrl.u32 s7, $0x2  }
0xb: {  	s9 =	ssub.s32 s9, s29;
	s5 =	sadd.s32 s30, s1;
	s10 =	sadd.s32 s11, s10  }
0xc: {  	s7 =	sadd.s32 $0x17400, s8;
	s11 =	simm.s32 $0x3;
	s4 =	sadd.s32 s3, s6  }
0xd: {  	s8 =	smax.u32 s9, $0x1;
	s31 =	sor.u32 $0x400, s10;
	s9 =	simm.s32 $0x280  }
0xe: {  	v0 =	vimm.f32 $0.0e+00;
	v1 =	vimm.f32 $1.000000000e+00;
	s10 =	simm.s32 $0x900;
	s6 =	sadd.s32 $0x40, s4;
	[dreg:$0x3] =	wrdreg s31  }
.LBB2_1:
0xf: {  	[tilespmem:s9], [sflag:$0x1] =	stream.linear.gather [hbm4b:s4+s2], $0x200, $0x38;
	[tilespmem:$0xB80] =	vst v63  }
0x10: {  	[tilespmem:$0x900] =	vst v0  }
0x11: {  	[tilespmem:$0x910] =	vst v0  }
0x12: {  	[tilespmem:$0x920] =	vst v0  }
0x13: {  	[tilespmem:$0x930] =	vst v0  }
0x14: {  	[tilespmem:$0x940] =	vst v0  }
0x15: {  	[tilespmem:$0x950] =	vst v0  }
0x16: {  	[tilespmem:$0x960] =	vst v0  }
0x17: {  	[tilespmem:$0x970] =	vst v0  }
0x18: {  	[tilespmem:$0x980] =	vst v0  }
0x19: {  	[tilespmem:$0x990] =	vst v0  }
0x1a: {  	[tilespmem:$0x9A0] =	vst v0  }
0x1b: {  	[tilespmem:$0x9B0] =	vst v0  }
0x1c: {  	[tilespmem:$0x9C0] =	vst v0  }
0x1d: {  	[tilespmem:$0x9D0] =	vst v0  }
0x1e: {  	[tilespmem:$0x9E0] =	vst v0  }
0x1f: {  	[tilespmem:$0x9F0] =	vst v0  }
0x20: {  	[tilespmem:$0xA00] =	vst v0  }
0x21: {  	[tilespmem:$0xA10] =	vst v0  }
0x22: {  	[tilespmem:$0xA20] =	vst v0  }
0x23: {  	[tilespmem:$0xA30] =	vst v0  }
0x24: {  	[tilespmem:$0xA40] =	vst v0  }
0x25: {  	[tilespmem:$0xA50] =	vst v0  }
0x26: {  	[tilespmem:$0xA60] =	vst v0  }
0x27: {  	[tilespmem:$0xA70] =	vst v0  }
0x28: {  	[tilespmem:$0xA80] =	vst v0  }
0x29: {  	[tilespmem:$0xA90] =	vst v0  }
0x2a: {  	[tilespmem:$0xAA0] =	vst v0  }
0x2b: {  	[tilespmem:$0xAB0] =	vst v0  }
0x2c: {  	[tilespmem:$0xAC0] =	vst v0  }
0x2d: {  	[tilespmem:$0xAD0] =	vst v0  }
0x2e: {  	[tilespmem:$0xAE0] =	vst v0  }
0x2f: {  	[tilespmem:$0xAF0] =	vst v0  }
0x30: {  	[tilespmem:$0xB00] =	vst v0  }
0x31: {  	[tilespmem:$0xB10] =	vst v0  }
0x32: {  	[tilespmem:$0xB20] =	vst v0  }
0x33: {  	[tilespmem:$0xB30] =	vst v0  }
0x34: {  	[tilespmem:$0xB40] =	vst v0  }
0x35: {  	[tilespmem:$0xB50] =	vst v0  }
0x36: {  	[tilespmem:$0xB60] =	vst v0  }
0x37: {  	[tilespmem:$0xB70] =	vst v0  }
0x38: {  	[tilespmem:$0x880] =	vst v1  }
0x39: {  	[tilespmem:$0x890] =	vst v1  }
0x3a: {  	[tilespmem:$0x8A0] =	vst v1  }
0x3b: {  	[tilespmem:$0x8B0] =	vst v1  }
0x3c: {  	[tilespmem:$0x8C0] =	vst v1  }
0x3d: {  	[tilespmem:$0x8D0] =	vst v1  }
0x3e: {  	[tilespmem:$0x8E0] =	vst v1  }
0x3f: {  	[tilespmem:$0x8F0] =	vst v1  }
0x40: {  	[spmem:s5] =	stream.linear.scatter [tilespmem:s10], [sflag:$0x3], $0x280, $0x38;
	[tilespmem:$0xB80] =	vst v63  }
0x41: {  	_ =	swait.ge [sflag:s11], $0x280  }
0x42: {  	p1 =	por $0x1, $0x1;
	[sflag:s11] =	ssyncset.done $0x0  }
0x43: {  	p2 =	por p1, p1;
	[sflag:s11] =	ssyncadd.s32 $0xFFFFFD80  }
0x44: {  	s19 =	simm.s32 @!p2 $0x2;
	[bflag:$0x0] =	sbarrier.arrive $0xFFFF  }
0x45: {  	[tilespmem:s12], [sflag:$0x1] =	stream.linear.gather [hbm4b:s6+s2], $0x200, $0x38;
	[tilespmem:$0xB80] =	vst v63  }
0x46: {  	_ =	swait.ge @!p2 [sflag:s19], $0x80  }
0x47: {  	[sflag:s19] =	ssyncset.done @!p2 $0x0  }
0x48: {  	[sflag:s19] =	ssyncadd.s32 @!p2 $0xFFFFFF80  }
0x49: {  	_ =	swait.ge @!p2 [sflag:s19], $0x80  }
0x4a: {  	[sflag:s19] =	ssyncset.done @!p2 $0x0  }
0x4b: {  	[sflag:s19] =	ssyncadd.s32 @!p2 $0xFFFFFF80  }
0x4c: {  	_ =	swait.ge @!p2 [sflag:s19], $0x80  }
0x4d: {  	[sflag:s19] =	ssyncset.done @!p2 $0x0  }
0x4e: {  	[sflag:s19] =	ssyncadd.s32 @!p2 $0xFFFFFF80  }
0x4f: {  	s20 =	simm.s32 $0x0;
	_ =	swait.ge @!p2 [sflag:s19], $0x80  }
0x50: {  	p1 =	por $0x0, $0x0;
	s20 =	smul.u32 $0xAB, s20;
	[sflag:s19] =	ssyncset.done @!p2 $0x0  }
0x51: {  	[sflag:s19] =	ssyncadd.s32 @!p2 $0xFFFFFF80;
	s19 =	smul.u32 @!p1 $0xAB, s16  }
0x52: {  	s20 =	sshrl.u32 s20, $0x9  }
0x53: {  	p6 =	por $0x0, $0x0;
	s20 =	sand.u32 $0x7F, s20;
	s19 =	sshrl.u32 @!p1 s19, $0x9  }
0x54: {  	s20 =	smul.u32 $0x3, s20;
	_ =	swait.ge [sflag:s13], $0x200;
	s19 =	sand.u32 @!p1 $0x7F, s19  }
0x55: {  	s22 =	simm.s32 @!p1 $0x0;
	s21 =	rddreg [dreg:$0x3];
	s19 =	smul.u32 @!p1 $0x3, s19  }
0x56: {  	s23 =	sand.u32 @!p1 $0x200, s2;
	s20 =	ssub.s32 $0x0, s20;
	s21 =	sadd.s32 @!p1 $0x0, s21  }
0x57: {  	s20 =	sand.u32 $0xFF, s20;
	s21 =	sand.u32 @!p1 $0xFFC00, s21;
	s19 =	ssub.s32 @!p1 $0x2, s19  }
0x58: {  	s28 =	sshll.u32 s20, $0x9;
	s21 =	sor.u32 @!p1 s23, s21;
	s19 =	sand.u32 @!p1 $0xFF, s19  }
0x59: {  	[sflag:s13] =	ssyncset.done $0x0;
	s20 =	sshrl.u32 @!p1 s21, $0x3;
	s19 =	sshll.u32 @!p1 s19, $0x9  }
0x5a: {  	[sflag:s13] =	ssyncadd.s32 $0xFFFFFE00;
	s20 =	sadd.s32 @!p1 s3, s20;
	s19 =	sadd.s32 @!p1 $0x280, s19  }
0x5b: {  	[tilespmem:s19], [sflag:$0x1] =	stream.linear.gather @!p1 [hbm4b:s20+s22], $0x200, $0x38;
	[tilespmem:$0xB80] =	vst v63  }
0x5c: {  	s29 =	sadd.s32 $0x280, s28;
	s30 =	sadd.s32 $0x300, s28;
	s31 =	sadd.s32 $0x380, s28  }
0x5d: {  	[spmem:s1] =	stream.indirect.scatter.add.f32 [tilespmem:s15], [sflag:$0x2], $0x1, s29, s14, $0xb8;
	[tilespmem:$0xB80] =	vst v63  }
0x5e: {  	s23 =	sadd.s32 $0x400, s28;
	s21 =	simm.s32 $0x4;
	s19 =	simm.s32 $0x3  }
0x5f: {  	[spmem:s1] =	stream.indirect.scatter.add.f32 [tilespmem:s15], [sflag:$0x2], $0x1, s30, s14, $0xb8;
	[tilespmem:$0xB80] =	vst v63  }
0x60: {  	s20 =	simm.s32 $0x200;
	p1 =	por p6, p6;
	s22 =	simm.s32 $0x400  }
0x61: {  	[spmem:s1] =	stream.indirect.scatter.add.f32 [tilespmem:s15], [sflag:$0x2], $0x1, s31, s14, $0xb8;
	[tilespmem:$0xB80] =	vst v63  }
.LBB2_2:
0x62: {  	[spmem:s1] =	stream.indirect.scatter.add.f32 [tilespmem:s15], [sflag:$0x2], $0x1, s23, s14, $0xb8;
	[tilespmem:$0xB80] =	vst v63  }
0x63: {  	s24 =	simm.s32 @!p1 $0x2  }
0x64: {  	_ =	swait.ge @!p1 [sflag:s24], $0x80  }
0x65: {  	[sflag:s24] =	ssyncset.done @!p1 $0x0  }
0x66: {  	[sflag:s24] =	ssyncadd.s32 @!p1 $0xFFFFFF80  }
0x67: {  	_ =	swait.ge @!p1 [sflag:s24], $0x80  }
0x68: {  	[sflag:s24] =	ssyncset.done @!p1 $0x0  }
0x69: {  	[sflag:s24] =	ssyncadd.s32 @!p1 $0xFFFFFF80  }
0x6a: {  	_ =	swait.ge @!p1 [sflag:s24], $0x80  }
0x6b: {  	[sflag:s24] =	ssyncset.done @!p1 $0x0  }
0x6c: {  	[sflag:s24] =	ssyncadd.s32 @!p1 $0xFFFFFF80  }
0x6d: {  	s25 =	sadd.s32 $0xFFFFFFFE, s19;
	_ =	swait.ge @!p1 [sflag:s24], $0x80  }
0x6e: {  	p3 =	sgt.u32 s25, $0x11;
	s26 =	smul.u32 $0xAB, s25;
	[sflag:s24] =	ssyncset.done @!p1 $0x0  }
0x6f: {  	[sflag:s24] =	ssyncadd.s32 @!p1 $0xFFFFFF80;
	s24 =	smul.u32 @!p3 $0xAB, s19  }
0x70: {  	s31 =	smov.u32 s21;
	s26 =	sshrl.u32 s26, $0x9  }
0x71: {  	s21 =	sadd.s32 $0x1, s21;
	s26 =	sand.u32 $0x7F, s26;
	s24 =	sshrl.u32 @!p3 s24, $0x9  }
0x72: {  	s26 =	smul.u32 $0x3, s26;
	_ =	swait.ge [sflag:s13], $0x200;
	s24 =	sand.u32 @!p3 $0x7F, s24  }
0x73: {  	s29 =	simm.s32 @!p3 $0x0;
	s28 =	rddreg [dreg:$0x3];
	s24 =	smul.u32 @!p3 $0x3, s24  }
0x74: {  	s25 =	ssub.s32 s25, s26;
	[sflag:s13] =	ssyncset.done $0x0;
	s28 =	sadd.s32 @!p3 s20, s28  }
0x75: {  	s20 =	sand.u32 @!p3 $0x200, s20;
	s26 =	sand.u32 @!p3 $0xFFC00, s28;
	s19 =	ssub.s32 @!p3 s19, s24  }
0x76: {  	[sflag:s13] =	ssyncadd.s32 $0xFFFFFE00;
	s20 =	sor.u32 @!p3 s20, s26;
	s19 =	sand.u32 @!p3 $0xFF, s19  }
0x77: {  	s28 =	sand.u32 $0xFF, s25;
	s20 =	sshrl.u32 @!p3 s20, $0x3;
	s19 =	sshll.u32 @!p3 s19, $0x9  }
0x78: {  	s24 =	sshll.u32 s28, $0x9;
	s20 =	sadd.s32 @!p3 s3, s20;
	s19 =	sadd.s32 @!p3 $0x280, s19  }
0x79: {  	[tilespmem:s19], [sflag:$0x1] =	stream.linear.gather @!p3 [hbm4b:s20+s29], $0x200, $0x38;
	[tilespmem:$0xB80] =	vst v63  }
0x7a: {  	p4 =	seq.s32 s22, $0x0;
	p2 =	sne.s32 s21, $0x16;
	s29 =	sadd.s32 $0x280, s24  }
0x7b: {  	[spmem:s1] =	stream.indirect.scatter.add.f32 [tilespmem:s15], [sflag:$0x2], $0x1, s29, s14, $0xb8;
	[tilespmem:$0xB80] =	vst v63  }
.Ltmp0:
0x7c: {  	p1 =	por p4, p4;
	(pc) =	sbr.rel @p2 .LBB2_2-.Ltmp0, $4  }
0x7d: {  	s30 =	sadd.s32 $0x300, s24;
	s23 =	sadd.s32 $0x400, s24;
	s19 =	smov.u32 s31  }
0x7e: {  	[spmem:s1] =	stream.indirect.scatter.add.f32 [tilespmem:s15], [sflag:$0x2], $0x1, s30, s14, $0xb8;
	[tilespmem:$0xB80] =	vst v63  }
0x7f: {  	s20 =	smov.u32 s22;
	s31 =	sadd.s32 $0x380, s24;
	s22 =	sadd.s32 $0x200, s22  }
0x80: {  	[spmem:s1] =	stream.indirect.scatter.add.f32 [tilespmem:s15], [sflag:$0x2], $0x1, s31, s14, $0xb8;
	[tilespmem:$0xB80] =	vst v63  }
0x81: {  	[spmem:s1] =	stream.indirect.scatter.add.f32 [tilespmem:s15], [sflag:$0x2], $0x1, s23, s14, $0xb8;
	[tilespmem:$0xB80] =	vst v63  }
0x82: {  	s21 =	simm.s32 @!p1 $0x2  }
0x83: {  	_ =	swait.ge @!p1 [sflag:s21], $0x80  }
0x84: {  	[sflag:s21] =	ssyncset.done @!p1 $0x0  }
0x85: {  	[sflag:s21] =	ssyncadd.s32 @!p1 $0xFFFFFF80  }
0x86: {  	_ =	swait.ge @!p1 [sflag:s21], $0x80  }
0x87: {  	[sflag:s21] =	ssyncset.done @!p1 $0x0  }
0x88: {  	[sflag:s21] =	ssyncadd.s32 @!p1 $0xFFFFFF80  }
0x89: {  	_ =	swait.ge @!p1 [sflag:s21], $0x80  }
0x8a: {  	[sflag:s21] =	ssyncset.done @!p1 $0x0  }
0x8b: {  	s22 =	sadd.s32 $0xFFFFFFFE, s19;
	[sflag:s21] =	ssyncadd.s32 @!p1 $0xFFFFFF80  }
0x8c: {  	s25 =	smul.u32 $0xAB, s22;
	_ =	swait.ge @!p1 [sflag:s21], $0x80  }
0x8d: {  	p2 =	sgt.u32 s22, $0x11;
	[sflag:s21] =	ssyncset.done @!p1 $0x0  }
0x8e: {  	s23 =	sshrl.u32 s25, $0x9;
	[sflag:s21] =	ssyncadd.s32 @!p1 $0xFFFFFF80;
	s21 =	smul.u32 @!p2 $0xAB, s19  }
0x8f: {  	s23 =	sand.u32 $0x7F, s23  }
0x90: {  	s23 =	smul.u32 $0x3, s23;
	s21 =	sshrl.u32 @!p2 s21, $0x9  }
0x91: {  	_ =	swait.ge [sflag:s13], $0x200;
	s21 =	sand.u32 @!p2 $0x7F, s21  }
0x92: {  	s22 =	ssub.s32 s22, s23;
	s24 =	rddreg [dreg:$0x3];
	s21 =	smul.u32 @!p2 $0x3, s21  }
0x93: {  	s25 =	simm.s32 @!p2 $0x0;
	s26 =	sand.u32 $0xFF, s22;
	s24 =	sadd.s32 @!p2 s20, s24  }
0x94: {  	s20 =	sand.u32 @!p2 $0x200, s20;
	s23 =	sand.u32 @!p2 $0xFFC00, s24;
	s19 =	ssub.s32 @!p2 s19, s21  }
0x95: {  	[sflag:s13] =	ssyncset.done $0x0;
	s20 =	sor.u32 @!p2 s20, s23;
	s19 =	sand.u32 @!p2 $0xFF, s19  }
0x96: {  	[sflag:s13] =	ssyncadd.s32 $0xFFFFFE00;
	s20 =	sshrl.u32 @!p2 s20, $0x3;
	s19 =	sshll.u32 @!p2 s19, $0x9  }
0x97: {  	s21 =	sshll.u32 s26, $0x9;
	s20 =	sadd.s32 @!p2 s3, s20;
	s19 =	sadd.s32 @!p2 $0x280, s19  }
0x98: {  	[tilespmem:s19], [sflag:$0x1] =	stream.linear.gather @!p2 [hbm4b:s20+s25], $0x200, $0x38;
	[tilespmem:$0xB80] =	vst v63  }
0x99: {  	s28 =	sadd.s32 $0x280, s21  }
0x9a: {  	[spmem:s1] =	stream.indirect.scatter.add.f32 [tilespmem:s15], [sflag:$0x2], $0x1, s28, s14, $0xb8;
	[tilespmem:$0xB80] =	vst v63  }
0x9b: {  	s29 =	sadd.s32 $0x300, s21  }
0x9c: {  	[spmem:s1] =	stream.indirect.scatter.add.f32 [tilespmem:s15], [sflag:$0x2], $0x1, s29, s14, $0xb8;
	[tilespmem:$0xB80] =	vst v63  }
0x9d: {  	s30 =	sadd.s32 $0x380, s21  }
0x9e: {  	[spmem:s1] =	stream.indirect.scatter.add.f32 [tilespmem:s15], [sflag:$0x2], $0x1, s30, s14, $0xb8;
	[tilespmem:$0xB80] =	vst v63  }
0x9f: {  	s31 =	sadd.s32 $0x400, s21  }
0xa0: {  	[spmem:s1] =	stream.indirect.scatter.add.f32 [tilespmem:s15], [sflag:$0x2], $0x1, s31, s14, $0xb8;
	[tilespmem:$0xB80] =	vst v63  }
0xa1: {  	_ =	swait.ge [sflag:s16], $0x80  }
0xa2: {  	[sflag:s16] =	ssyncset.done $0x0  }
0xa3: {  	[sflag:s16] =	ssyncadd.s32 $0xFFFFFF80  }
0xa4: {  	_ =	swait.ge [sflag:s16], $0x80  }
0xa5: {  	[sflag:s16] =	ssyncset.done $0x0  }
0xa6: {  	[sflag:s16] =	ssyncadd.s32 $0xFFFFFF80  }
0xa7: {  	_ =	swait.ge [sflag:s16], $0x80  }
0xa8: {  	[sflag:s16] =	ssyncset.done $0x0  }
0xa9: {  	[sflag:s16] =	ssyncadd.s32 $0xFFFFFF80  }
0xaa: {  	_ =	swait.ge [sflag:s16], $0x80  }
0xab: {  	s18 =	sadd.s32 $0x1, s18;
	s22 =	simm.s32 @!p0 $0x1C03;
	[sflag:s16] =	ssyncset.done $0x0  }
0xac: {  	p1 =	sne.s32 s18, s8;
	s21 =	simm.s32 @!p0 $0x10;
	[sflag:s16] =	ssyncadd.s32 $0xFFFFFF80  }
0xad: {  	s19 =	simm.s32 @!p0 $0x1;
	s20 =	simm.s32 @!p0 $0x20;
	[bflag:$0x0] =	sbarrier.arrive $0xFFFF  }
0xae: {  	[hbm:s7@s20], [sflag:s22] =	dma.strided @!p0 [spmem:s17@s21], $0x500, s19, $0x10   }
.Ltmp1:
0xaf: {  	_ = 	snop;
	(pc) =	sbr.rel @p1 .LBB2_1-.Ltmp1, $4  }
0xb0: {  	s19 =	simm.s32 @!p0 $0x3  }
0xb1: {  	_ =	swait.ge @!p0 [sflag:s19], $0x500  }
0xb2: {  	[sflag:s19] =	ssyncset.done @!p0 $0x0  }
0xb3: {  	[sflag:s19] =	ssyncadd.s32 @!p0 $0xFFFFFB00  }
0xb4: {  	_ =	sfence.sel $0x180000  }
0xb5: {  	[bflag:$0x0] =	sbarrier.arrive $0xFFFF  }
0xb6: {  	_ =	strace $0x90000047  }
0xb7: {  	s0 =	sadd.s32 @!p0 $0x100000, s0;
	[bflag:$0x2] =	sbarrier.arrive $0xFFFF  }
0xb8: {  	[sflag:s0] =	ssyncadd.tile.s32 @!p0 $0x1;
	_ =	shalt  }
.Lfunc_end2:
_tile_overlayer_lowered:
.L_overlay_start_2:
0xb9: {  	(tag) =	ssettag $0x2  }
0xba: {  	s0 =	rddreg [dreg:$0x0];
	s2 =	stileid.u32  }
0xbb: {  	s1 =	rddreg [dreg:$0x1];
	p0 =	sne.s32 s2, $0x0  }
0xbc: {  	s3 =	rddreg [dreg:$0x2];
	[bflag:$0x3] =	sbarrier.arrive $0xFFFF;
	s2 =	simm.s32 @!p0 $0x1C03  }
0xbd: {  	[timem:s3], [sflag:s2] =	dma.local @!p0 [hbm:s0], s1  }
0xbe: {  	s0 =	simm.s32 @!p0 $0x3  }
0xbf: {  	_ =	swait.ge @!p0 [sflag:s0], s1  }
0xc0: {  	s1 =	ssub.s32 @!p0 $0x0, s1;
	[sflag:s0] =	ssyncset.done @!p0 $0x0  }
0xc1: {  	[sflag:s0] =	ssyncadd.s32 @!p0 s1  }
0xc2: {  	[bflag:$0x3] =	sbarrier.arrive $0xFFFF  }
0xc3: {  	_ =	shalt  }

</sc_bundles>
